<compile_context>
chip_gen: v7x
topology: tpu7x:2x2x1
jax: 0.10.2.dev20260603
libtpu: 0.0.44.dev20260713+nightly
codegen_flags: <defaults>
</compile_context>

<pallas_src>
import functools

import jax
import jax.numpy as jnp
from jax import lax
from jax.experimental import pallas as pl
from jax.experimental.pallas import tpu as pltpu
from jax.experimental.pallas import tpu_sc as plsc

_SCALE = 1.8
_L = 16
_NC = 2
_NS = 16
_NW = _NC * _NS
_K = 128
_BLK = 2000


def _sc_mesh():
    return plsc.VectorSubcoreMesh(
        core_axis_name="c", subcore_axis_name="s",
        num_cores=_NC, num_subcores=_NS)


def _worker_span(w, e, ch):
    base = w * ch * _K
    jhi = jnp.minimum(ch, (e - base) // _K)
    return base, jhi


@functools.lru_cache(maxsize=None)
def _make_degree_fn(n_pad, ch, e):
    zrows = n_pad // _NS

    @functools.partial(
        pl.kernel,
        out_type=jax.ShapeDtypeStruct((_NC * n_pad,), jnp.float32),
        mesh=_sc_mesh(),
        scratch_types=[
            [pltpu.VMEM((2, _K), jnp.int32) for _ in range(4)],
            pltpu.VMEM((_K,), jnp.float32),
            pltpu.VMEM((zrows,), jnp.float32),
            pltpu.VMEM_SHARED((n_pad,), jnp.float32),
            [pltpu.SemaphoreType.DMA for _ in range(4)],
            [pltpu.SemaphoreType.DMA for _ in range(4)],
        ],
    )
    def deg_fn(ei_hbm, out_hbm, eiv, ones_v, zero_v, hist_sp, sis, sss):
        c = lax.axis_index("c")
        s = lax.axis_index("s")
        w = s * _NC + c
        base, jhi = _worker_span(w, e, ch)

        def ei_src(j):
            return ei_hbm.at[pl.ds(0, 2), pl.ds(base + j * _K, _K)]

        zero16 = jnp.zeros((_L,), jnp.float32)
        one16 = jnp.ones((_L,), jnp.float32)
        for i in range(zrows // _L):
            zero_v[pl.ds(i * _L, _L)] = zero16
        for i in range(_K // _L):
            ones_v[pl.ds(i * _L, _L)] = one16
        pltpu.sync_copy(zero_v, hist_sp.at[pl.ds(s * zrows, zrows)])
        plsc.subcore_barrier()

        for t in range(4):
            pltpu.async_copy(ei_src(t), eiv[t], sis[t])

        def body(i, carry):
            j = 4 * i
            for t in range(4):

                @pl.when(j + t < jhi)
                def _():
                    pltpu.make_async_copy(ei_src(j + t), eiv[t], sis[t]).wait()

                    @pl.when(j + t >= 4)
                    def _():
                        pltpu.make_async_copy(
                            ones_v, hist_sp.at[eiv[t].at[1]], sss[t]).wait()

                    pltpu.async_copy(
                        ones_v, hist_sp.at[eiv[t].at[1]], sss[t], add=True)

                    @pl.when(j + t + 4 < jhi)
                    def _():
                        pltpu.async_copy(ei_src(j + t + 4), eiv[t], sis[t])
            return carry

        lax.fori_loop(0, (jhi + 3) // 4, body, 0)
        for t in range(4):

            @pl.when(t < jhi)
            def _():
                pltpu.make_async_copy(
                    ones_v, hist_sp.at[eiv[t].at[1]], sss[t]).wait()

        plsc.subcore_barrier()
        pltpu.sync_copy(hist_sp.at[pl.ds(s * zrows, zrows)],
                        out_hbm.at[pl.ds(c * n_pad + s * zrows, zrows)])

    return deg_fn


@functools.lru_cache(maxsize=None)
def _make_scatter_fn(n_pad, ch, e, d):
    zrows = n_pad // _NS
    zr = 16

    @functools.partial(
        pl.kernel,
        out_type=jax.ShapeDtypeStruct((_NC, n_pad, d), jnp.float32),
        mesh=_sc_mesh(),
        scratch_types=[
            [pltpu.VMEM((2, _K), jnp.int32) for _ in range(4)],
            pltpu.VMEM((_K, d), jnp.float32),
            pltpu.VMEM((_K, d), jnp.float32),
            pltpu.VMEM((zr, d), jnp.float32),
            pltpu.VMEM_SHARED((n_pad, d), jnp.float32),
            [pltpu.SemaphoreType.DMA for _ in range(4)],
            pltpu.SemaphoreType.DMA,
            pltpu.SemaphoreType.DMA,
        ],
    )
    def scat_fn(g_hbm, ei_hbm, out_hbm,
                eiv, buf0, buf1, zbuf, acc_sp, sis, sg0, sg1):
        c = lax.axis_index("c")
        s = lax.axis_index("s")
        w = s * _NC + c
        base, jhi = _worker_span(w, e, ch)
        bufs = (buf0, sg0), (buf1, sg1)

        def ei_src(j):
            return ei_hbm.at[pl.ds(0, 2), pl.ds(base + j * _K, _K)]

        zero16 = jnp.zeros((_L,), jnp.float32)
        for i in range(zr):
            for j in range(d // _L):
                zbuf[i, pl.ds(j * _L, _L)] = zero16
        for r in range(zrows // zr):
            pltpu.async_copy(zbuf, acc_sp.at[pl.ds(s * zrows + r * zr, zr)],
                             sg0 if r % 2 == 0 else sg1)
        for r in range(zrows // zr):
            pltpu.make_async_copy(
                zbuf, acc_sp.at[pl.ds(s * zrows + r * zr, zr)],
                sg0 if r % 2 == 0 else sg1).wait()
        plsc.subcore_barrier()

        for t in range(4):
            pltpu.async_copy(ei_src(t), eiv[t], sis[t])
        pltpu.make_async_copy(ei_src(0), eiv[0], sis[0]).wait()
        pltpu.async_copy(g_hbm.at[eiv[0].at[0]], buf0, sg0)

        def body(i, carry):
            j = 4 * i
            for t in range(4):
                jn = j + t + 1
                cur, csem = bufs[t % 2]
                nxt, nsem = bufs[(t + 1) % 2]
                en, esn = eiv[(t + 1) % 4], sis[(t + 1) % 4]

                @pl.when(jn < jhi)
                def _():
                    pltpu.make_async_copy(ei_src(jn), en, esn).wait()
                    pltpu.async_copy(g_hbm.at[en.at[0]], nxt, nsem)

                @pl.when(j + t < jhi)
                def _():
                    pltpu.make_async_copy(
                        g_hbm.at[eiv[t].at[0]], cur, csem).wait()
                    pltpu.sync_copy(cur, acc_sp.at[eiv[t].at[1]], add=True)

                    @pl.when(j + t + 4 < jhi)
                    def _():
                        pltpu.async_copy(ei_src(j + t + 4), eiv[t], sis[t])
            return carry

        lax.fori_loop(0, (jhi + 3) // 4, body, 0)
        plsc.subcore_barrier()
        pltpu.sync_copy(acc_sp.at[pl.ds(s * zrows, zrows)],
                        out_hbm.at[c, pl.ds(s * zrows, zrows)])

    return scat_fn


def _matnorm_body(x_ref, w_ref, b_ref, hn_ref):
    h = jnp.dot(x_ref[...], w_ref[...], preferred_element_type=jnp.float32)
    h = h + b_ref[...]
    nrm = jnp.sqrt(jnp.sum(h * h, axis=1, keepdims=True))
    hn_ref[...] = h * (_SCALE / jnp.maximum(nrm, 1e-12))


def _scale_body(hn_ref, deg_ref, g_ref):
    g_ref[...] = hn_ref[...] * lax.rsqrt(deg_ref[...])


def _combine_body(tmp_ref, g_ref, deg_ref, o_ref):
    t = tmp_ref[0] + tmp_ref[1] + g_ref[...]
    o_ref[...] = t * lax.rsqrt(deg_ref[...])


def kernel(x, edge_index, W1, b1):
    n, d = x.shape
    e = edge_index.shape[1]
    ch = -(-e // (_NW * _K))
    assert e % _K == 0 and e - (_NW - 1) * ch * _K >= _K
    n_pad = ((n + 255) // 256) * 256

    hist = _make_degree_fn(n_pad, ch, e)(edge_index)
    deg_col = (hist[:n_pad] + hist[n_pad:] + 1.0).reshape(n_pad, 1)

    grid = n // _BLK
    row_spec = pl.BlockSpec((_BLK, d), lambda i: (i, 0))
    hn = pl.pallas_call(
        _matnorm_body,
        grid=(grid,),
        in_specs=[
            row_spec,
            pl.BlockSpec((d, d), lambda i: (0, 0)),
            pl.BlockSpec((1, d), lambda i: (0, 0)),
        ],
        out_specs=row_spec,
        out_shape=jax.ShapeDtypeStruct((n, d), jnp.float32),
    )(x, W1, b1.reshape(1, d))

    g = pl.pallas_call(
        _scale_body,
        grid=(grid,),
        in_specs=[row_spec, pl.BlockSpec((_BLK, 1), lambda i: (i, 0))],
        out_specs=row_spec,
        out_shape=jax.ShapeDtypeStruct((n, d), jnp.float32),
    )(hn, deg_col)

    tmp = _make_scatter_fn(n_pad, ch, e, d)(g, edge_index)

    out = pl.pallas_call(
        _combine_body,
        grid=(grid,),
        in_specs=[
            pl.BlockSpec((_NC, _BLK, d), lambda i: (0, i, 0)),
            row_spec,
            pl.BlockSpec((_BLK, 1), lambda i: (i, 0)),
        ],
        out_specs=row_spec,
        out_shape=jax.ShapeDtypeStruct((n, d), jnp.float32),
    )(tmp, g, deg_col)
    return out

# --- scband reference (transcript-rebuilt; emitter-appended) ---
"""Pipeline reference for scband-encoder-73031623901823 (READ-ONLY COPY).

The authoritative reference and input builder live on the scoring server;
editing this copy changes nothing except your own understanding.
"""

import jax, jax.numpy as jnp
import numpy as np

SCALING_FACTOR = 1.8  # args.scaling_factor (GNAE branch: args.model == 'GNAE')
N_NODES, N_EDGES, D = 10000, 320000, 128


def setup_inputs(seed: int = 0) -> dict:
    key = jax.random.key(seed)
    k1, k2, k3 = jax.random.split(key, 3)
    x = jax.random.normal(k1, (N_NODES, D), dtype=jnp.float32)
    edge_index = jax.random.randint(k2, (2, N_EDGES), 0, N_NODES, dtype=jnp.int32)
    # nn.Linear(in_channels=128, out_channels=128) params
    W1 = jax.random.normal(k3, (D, D), dtype=jnp.float32) * (1.0 / np.sqrt(D))
    b1 = jnp.zeros((D,), dtype=jnp.float32)
    return {"x": x, "edge_index": edge_index, "W1": W1, "b1": b1}


def appnp_prop(x, edge_index, num_nodes):
    # APPNP(K=1, alpha=0) == one GCN-normalized propagation with self-loops
    src = edge_index[0]
    dst = edge_index[1]
    loop = jnp.arange(num_nodes, dtype=edge_index.dtype)
    src = jnp.concatenate([src, loop])
    dst = jnp.concatenate([dst, loop])
    deg = jax.ops.segment_sum(jnp.ones_like(src, dtype=x.dtype), dst, num_segments=num_nodes)
    dinv = jnp.where(deg > 0, 1.0 / jnp.sqrt(deg), 0.0)
    w = dinv[src] * dinv[dst]
    msgs = x[src] * w[:, None]
    return jax.ops.segment_sum(msgs, dst, num_segments=num_nodes)


def reference(x, edge_index, W1, b1):
    # GNAE branch of Encoder.forward
    h = x @ W1 + b1
    norm = jnp.linalg.norm(h, axis=1, keepdims=True)
    h = h / jnp.maximum(norm, 1e-12) * SCALING_FACTOR  # F.normalize(p=2, dim=1) * scaling_factor
    out = appnp_prop(h, edge_index, x.shape[0])
    return out

if __name__ == "__main__":
    import jax
    _d = setup_inputs()
    print(jax.jit(kernel)(*tuple(_d.values())))

</pallas_src>

<mosaic_0001>
#map = affine_map<(d0, d1) -> (0, 0)>
#map1 = affine_map<(d0, d1) -> (0)>
module attributes {stable_mosaic.version = 14 : i64} {
  func.func @deg_fn(%arg0: i32, %arg1: i32, %arg2: memref<2x320000xi32, #tpu.memory_space<hbm>>, %arg3: memref<20480xf32, #tpu.memory_space<hbm>>, %arg4: memref<2x128xi32, #tpu.memory_space<vmem>>, %arg5: memref<2x128xi32, #tpu.memory_space<vmem>>, %arg6: memref<2x128xi32, #tpu.memory_space<vmem>>, %arg7: memref<2x128xi32, #tpu.memory_space<vmem>>, %arg8: memref<128xf32, #tpu.memory_space<vmem>>, %arg9: memref<640xf32, #tpu.memory_space<vmem>>, %arg10: memref<10240xf32, #tpu.memory_space<vmem_shared>>, %arg11: memref<!tpu.dma_semaphore, #tpu.memory_space<semaphore_mem>>, %arg12: memref<!tpu.dma_semaphore, #tpu.memory_space<semaphore_mem>>, %arg13: memref<!tpu.dma_semaphore, #tpu.memory_space<semaphore_mem>>, %arg14: memref<!tpu.dma_semaphore, #tpu.memory_space<semaphore_mem>>, %arg15: memref<!tpu.dma_semaphore, #tpu.memory_space<semaphore_mem>>, %arg16: memref<!tpu.dma_semaphore, #tpu.memory_space<semaphore_mem>>, %arg17: memref<!tpu.dma_semaphore, #tpu.memory_space<semaphore_mem>>, %arg18: memref<!tpu.dma_semaphore, #tpu.memory_space<semaphore_mem>>) attributes {dimension_semantics = [#tpu.dimension_semantics<core_parallel>, #tpu.dimension_semantics<subcore_parallel>], iteration_bounds = array<i64: 2, 16>, scalar_prefetch = 0 : i64, scratch_operands = 15 : i64, tpu.core_type = #tpu.core_type<sc_vector_subcore>, window_params = [{transform_indices = #map}, {transform_indices = #map1}]} {
    %mul3A = arith.constant 2 : i32
    %mul3A_0 = arith.muli %arg1, %mul3A : i32
    %add3A = arith.addi %mul3A_0, %arg0 : i32
    %mul3A_1 = arith.constant 79 : i32
    %mul3A_2 = arith.muli %add3A, %mul3A_1 : i32
    %mul3A_3 = arith.constant 128 : i32
    %mul3A_4 = arith.muli %mul3A_2, %mul3A_3 : i32
    %sub3A = arith.constant 320000 : i32
    %sub3A_5 = arith.subi %sub3A, %mul3A_4 : i32
    %jit3A = arith.constant 128 : i32
    %div3A = arith.divsi %sub3A_5, %jit3A : i32
    %sign3A = arith.constant 0 : i32
    %sign3A_6 = arith.cmpi sgt, %sub3A_5, %sign3A : i32
    %sign3A_7 = arith.extui %sign3A_6 : i1 to i32
    %sign3A_8 = arith.constant 0 : i32
    %sign3A_9 = arith.cmpi slt, %sub3A_5, %sign3A_8 : i32
    %sign3A_10 = arith.extui %sign3A_9 : i1 to i32
    %sign3A_11 = arith.subi %sign3A_7, %sign3A_10 : i32
    %sign3A_12 = arith.constant 0 : i32
    %sign3A_13 = arith.cmpi sgt, %jit3A, %sign3A_12 : i32
    %sign3A_14 = arith.extui %sign3A_13 : i1 to i32
    %sign3A_15 = arith.constant 0 : i32
    %sign3A_16 = arith.cmpi slt, %jit3A, %sign3A_15 : i32
    %sign3A_17 = arith.extui %sign3A_16 : i1 to i32
    %sign3A_18 = arith.subi %sign3A_14, %sign3A_17 : i32
    %ne3A = arith.cmpi ne, %sign3A_11, %sign3A_18 : i32
    %rem3A = arith.remsi %sub3A_5, %jit3A : i32
    %ne3A_19 = arith.constant 0 : i32
    %ne3A_20 = arith.cmpi ne, %rem3A, %ne3A_19 : i32
    %and3A = arith.andi %ne3A, %ne3A_20 : i1
    %sub3A_21 = arith.constant 1 : i32
    %sub3A_22 = arith.subi %div3A, %sub3A_21 : i32
    %select_n3A = arith.select %and3A, %sub3A_22, %div3A : i32
    %min3A = arith.constant 79 : i32
    %min3A_23 = arith.minsi %min3A, %select_n3A : i32
    %broadcast_in_dim3A = arith.constant 0.000000e+00 : f32
    %broadcast_in_dim3A_24 = vector.broadcast %broadcast_in_dim3A : f32 to vector<16xf32>
    %broadcast_in_dim3A_25 = arith.constant 1.000000e+00 : f32
    %broadcast_in_dim3A_26 = vector.broadcast %broadcast_in_dim3A_25 : f32 to vector<16xf32>
    %swap3A = arith.constant 0 : index
    %swap3A_27 = tpu.vector_load %arg9[%swap3A] {strides = array<i32>} : memref<640xf32, #tpu.memory_space<vmem>>, vector<16xf32>,
    %swap3A_28 = vector.shape_cast %swap3A_27 : vector<16xf32> to vector<16xf32>
    %swap3A_29 = vector.shape_cast %broadcast_in_dim3A_24 : vector<16xf32> to vector<16xf32>
    tpu.vector_store %arg9[%swap3A], %swap3A_29 {strides = array<i32>} : memref<640xf32, #tpu.memory_space<vmem>>, vector<16xf32>,
    %swap3A_30 = arith.constant 16 : index
    %swap3A_31 = tpu.vector_load %arg9[%swap3A_30] {strides = array<i32>} : memref<640xf32, #tpu.memory_space<vmem>>, vector<16xf32>,
    %swap3A_32 = vector.shape_cast %swap3A_31 : vector<16xf32> to vector<16xf32>
    %swap3A_33 = vector.shape_cast %broadcast_in_dim3A_24 : vector<16xf32> to vector<16xf32>
    tpu.vector_store %arg9[%swap3A_30], %swap3A_33 {strides = array<i32>} : memref<640xf32, #tpu.memory_space<vmem>>, vector<16xf32>,
    %swap3A_34 = arith.constant 32 : index
    %swap3A_35 = tpu.vector_load %arg9[%swap3A_34] {strides = array<i32>} : memref<640xf32, #tpu.memory_space<vmem>>, vector<16xf32>,
    %swap3A_36 = vector.shape_cast %swap3A_35 : vector<16xf32> to vector<16xf32>
    %swap3A_37 = vector.shape_cast %broadcast_in_dim3A_24 : vector<16xf32> to vector<16xf32>
    tpu.vector_store %arg9[%swap3A_34], %swap3A_37 {strides = array<i32>} : memref<640xf32, #tpu.memory_space<vmem>>, vector<16xf32>,
    %swap3A_38 = arith.constant 48 : index
    %swap3A_39 = tpu.vector_load %arg9[%swap3A_38] {strides = array<i32>} : memref<640xf32, #tpu.memory_space<vmem>>, vector<16xf32>,
    %swap3A_40 = vector.shape_cast %swap3A_39 : vector<16xf32> to vector<16xf32>
    %swap3A_41 = vector.shape_cast %broadcast_in_dim3A_24 : vector<16xf32> to vector<16xf32>
    tpu.vector_store %arg9[%swap3A_38], %swap3A_41 {strides = array<i32>} : memref<640xf32, #tpu.memory_space<vmem>>, vector<16xf32>,
    %swap3A_42 = arith.constant 64 : index
    %swap3A_43 = tpu.vector_load %arg9[%swap3A_42] {strides = array<i32>} : memref<640xf32, #tpu.memory_space<vmem>>, vector<16xf32>,
    %swap3A_44 = vector.shape_cast %swap3A_43 : vector<16xf32> to vector<16xf32>
    %swap3A_45 = vector.shape_cast %broadcast_in_dim3A_24 : vector<16xf32> to vector<16xf32>
    tpu.vector_store %arg9[%swap3A_42], %swap3A_45 {strides = array<i32>} : memref<640xf32, #tpu.memory_space<vmem>>, vector<16xf32>,
    %swap3A_46 = arith.constant 80 : index
    %swap3A_47 = tpu.vector_load %arg9[%swap3A_46] {strides = array<i32>} : memref<640xf32, #tpu.memory_space<vmem>>, vector<16xf32>,
    %swap3A_48 = vector.shape_cast %swap3A_47 : vector<16xf32> to vector<16xf32>
    %swap3A_49 = vector.shape_cast %broadcast_in_dim3A_24 : vector<16xf32> to vector<16xf32>
    tpu.vector_store %arg9[%swap3A_46], %swap3A_49 {strides = array<i32>} : memref<640xf32, #tpu.memory_space<vmem>>, vector<16xf32>,
    %swap3A_50 = arith.constant 96 : index
    %swap3A_51 = tpu.vector_load %arg9[%swap3A_50] {strides = array<i32>} : memref<640xf32, #tpu.memory_space<vmem>>, vector<16xf32>,
    %swap3A_52 = vector.shape_cast %swap3A_51 : vector<16xf32> to vector<16xf32>
    %swap3A_53 = vector.shape_cast %broadcast_in_dim3A_24 : vector<16xf32> to vector<16xf32>
    tpu.vector_store %arg9[%swap3A_50], %swap3A_53 {strides = array<i32>} : memref<640xf32, #tpu.memory_space<vmem>>, vector<16xf32>,
    %swap3A_54 = arith.constant 112 : index
    %swap3A_55 = tpu.vector_load %arg9[%swap3A_54] {strides = array<i32>} : memref<640xf32, #tpu.memory_space<vmem>>, vector<16xf32>,
    %swap3A_56 = vector.shape_cast %swap3A_55 : vector<16xf32> to vector<16xf32>
    %swap3A_57 = vector.shape_cast %broadcast_in_dim3A_24 : vector<16xf32> to vector<16xf32>
    tpu.vector_store %arg9[%swap3A_54], %swap3A_57 {strides = array<i32>} : memref<640xf32, #tpu.memory_space<vmem>>, vector<16xf32>,
    %swap3A_58 = arith.constant 128 : index
    %swap3A_59 = tpu.vector_load %arg9[%swap3A_58] {strides = array<i32>} : memref<640xf32, #tpu.memory_space<vmem>>, vector<16xf32>,
    %swap3A_60 = vector.shape_cast %swap3A_59 : vector<16xf32> to vector<16xf32>
    %swap3A_61 = vector.shape_cast %broadcast_in_dim3A_24 : vector<16xf32> to vector<16xf32>
    tpu.vector_store %arg9[%swap3A_58], %swap3A_61 {strides = array<i32>} : memref<640xf32, #tpu.memory_space<vmem>>, vector<16xf32>,
    %swap3A_62 = arith.constant 144 : index
    %swap3A_63 = tpu.vector_load %arg9[%swap3A_62] {strides = array<i32>} : memref<640xf32, #tpu.memory_space<vmem>>, vector<16xf32>,
    %swap3A_64 = vector.shape_cast %swap3A_63 : vector<16xf32> to vector<16xf32>
    %swap3A_65 = vector.shape_cast %broadcast_in_dim3A_24 : vector<16xf32> to vector<16xf32>
    tpu.vector_store %arg9[%swap3A_62], %swap3A_65 {strides = array<i32>} : memref<640xf32, #tpu.memory_space<vmem>>, vector<16xf32>,
    %swap3A_66 = arith.constant 160 : index
    %swap3A_67 = tpu.vector_load %arg9[%swap3A_66] {strides = array<i32>} : memref<640xf32, #tpu.memory_space<vmem>>, vector<16xf32>,
    %swap3A_68 = vector.shape_cast %swap3A_67 : vector<16xf32> to vector<16xf32>
    %swap3A_69 = vector.shape_cast %broadcast_in_dim3A_24 : vector<16xf32> to vector<16xf32>
    tpu.vector_store %arg9[%swap3A_66], %swap3A_69 {strides = array<i32>} : memref<640xf32, #tpu.memory_space<vmem>>, vector<16xf32>,
    %swap3A_70 = arith.constant 176 : index
    %swap3A_71 = tpu.vector_load %arg9[%swap3A_70] {strides = array<i32>} : memref<640xf32, #tpu.memory_space<vmem>>, vector<16xf32>,
    %swap3A_72 = vector.shape_cast %swap3A_71 : vector<16xf32> to vector<16xf32>
    %swap3A_73 = vector.shape_cast %broadcast_in_dim3A_24 : vector<16xf32> to vector<16xf32>
    tpu.vector_store %arg9[%swap3A_70], %swap3A_73 {strides = array<i32>} : memref<640xf32, #tpu.memory_space<vmem>>, vector<16xf32>,
    %swap3A_74 = arith.constant 192 : index
    %swap3A_75 = tpu.vector_load %arg9[%swap3A_74] {strides = array<i32>} : memref<640xf32, #tpu.memory_space<vmem>>, vector<16xf32>,
    %swap3A_76 = vector.shape_cast %swap3A_75 : vector<16xf32> to vector<16xf32>
    %swap3A_77 = vector.shape_cast %broadcast_in_dim3A_24 : vector<16xf32> to vector<16xf32>
    tpu.vector_store %arg9[%swap3A_74], %swap3A_77 {strides = array<i32>} : memref<640xf32, #tpu.memory_space<vmem>>, vector<16xf32>,
    %swap3A_78 = arith.constant 208 : index
    %swap3A_79 = tpu.vector_load %arg9[%swap3A_78] {strides = array<i32>} : memref<640xf32, #tpu.memory_space<vmem>>, vector<16xf32>,
    %swap3A_80 = vector.shape_cast %swap3A_79 : vector<16xf32> to vector<16xf32>
    %swap3A_81 = vector.shape_cast %broadcast_in_dim3A_24 : vector<16xf32> to vector<16xf32>
    tpu.vector_store %arg9[%swap3A_78], %swap3A_81 {strides = array<i32>} : memref<640xf32, #tpu.memory_space<vmem>>, vector<16xf32>,
    %swap3A_82 = arith.constant 224 : index
    %swap3A_83 = tpu.vector_load %arg9[%swap3A_82] {strides = array<i32>} : memref<640xf32, #tpu.memory_space<vmem>>, vector<16xf32>,
    %swap3A_84 = vector.shape_cast %swap3A_83 : vector<16xf32> to vector<16xf32>
    %swap3A_85 = vector.shape_cast %broadcast_in_dim3A_24 : vector<16xf32> to vector<16xf32>
    tpu.vector_store %arg9[%swap3A_82], %swap3A_85 {strides = array<i32>} : memref<640xf32, #tpu.memory_space<vmem>>, vector<16xf32>,
    %swap3A_86 = arith.constant 240 : index
    %swap3A_87 = tpu.vector_load %arg9[%swap3A_86] {strides = array<i32>} : memref<640xf32, #tpu.memory_space<vmem>>, vector<16xf32>,
    %swap3A_88 = vector.shape_cast %swap3A_87 : vector<16xf32> to vector<16xf32>
    %swap3A_89 = vector.shape_cast %broadcast_in_dim3A_24 : vector<16xf32> to vector<16xf32>
    tpu.vector_store %arg9[%swap3A_86], %swap3A_89 {strides = array<i32>} : memref<640xf32, #tpu.memory_space<vmem>>, vector<16xf32>,
    %swap3A_90 = arith.constant 256 : index
    %swap3A_91 = tpu.vector_load %arg9[%swap3A_90] {strides = array<i32>} : memref<640xf32, #tpu.memory_space<vmem>>, vector<16xf32>,
    %swap3A_92 = vector.shape_cast %swap3A_91 : vector<16xf32> to vector<16xf32>
    %swap3A_93 = vector.shape_cast %broadcast_in_dim3A_24 : vector<16xf32> to vector<16xf32>
    tpu.vector_store %arg9[%swap3A_90], %swap3A_93 {strides = array<i32>} : memref<640xf32, #tpu.memory_space<vmem>>, vector<16xf32>,
    %swap3A_94 = arith.constant 272 : index
    %swap3A_95 = tpu.vector_load %arg9[%swap3A_94] {strides = array<i32>} : memref<640xf32, #tpu.memory_space<vmem>>, vector<16xf32>,
    %swap3A_96 = vector.shape_cast %swap3A_95 : vector<16xf32> to vector<16xf32>
    %swap3A_97 = vector.shape_cast %broadcast_in_dim3A_24 : vector<16xf32> to vector<16xf32>
    tpu.vector_store %arg9[%swap3A_94], %swap3A_97 {strides = array<i32>} : memref<640xf32, #tpu.memory_space<vmem>>, vector<16xf32>,
    %swap3A_98 = arith.constant 288 : index
    %swap3A_99 = tpu.vector_load %arg9[%swap3A_98] {strides = array<i32>} : memref<640xf32, #tpu.memory_space<vmem>>, vector<16xf32>,
    %swap3A_100 = vector.shape_cast %swap3A_99 : vector<16xf32> to vector<16xf32>
    %swap3A_101 = vector.shape_cast %broadcast_in_dim3A_24 : vector<16xf32> to vector<16xf32>
    tpu.vector_store %arg9[%swap3A_98], %swap3A_101 {strides = array<i32>} : memref<640xf32, #tpu.memory_space<vmem>>, vector<16xf32>,
    %swap3A_102 = arith.constant 304 : index
    %swap3A_103 = tpu.vector_load %arg9[%swap3A_102] {strides = array<i32>} : memref<640xf32, #tpu.memory_space<vmem>>, vector<16xf32>,
    %swap3A_104 = vector.shape_cast %swap3A_103 : vector<16xf32> to vector<16xf32>
    %swap3A_105 = vector.shape_cast %broadcast_in_dim3A_24 : vector<16xf32> to vector<16xf32>
    tpu.vector_store %arg9[%swap3A_102], %swap3A_105 {strides = array<i32>} : memref<640xf32, #tpu.memory_space<vmem>>, vector<16xf32>,
    %swap3A_106 = arith.constant 320 : index
    %swap3A_107 = tpu.vector_load %arg9[%swap3A_106] {strides = array<i32>} : memref<640xf32, #tpu.memory_space<vmem>>, vector<16xf32>,
    %swap3A_108 = vector.shape_cast %swap3A_107 : vector<16xf32> to vector<16xf32>
    %swap3A_109 = vector.shape_cast %broadcast_in_dim3A_24 : vector<16xf32> to vector<16xf32>
    tpu.vector_store %arg9[%swap3A_106], %swap3A_109 {strides = array<i32>} : memref<640xf32, #tpu.memory_space<vmem>>, vector<16xf32>,
    %swap3A_110 = arith.constant 336 : index
    %swap3A_111 = tpu.vector_load %arg9[%swap3A_110] {strides = array<i32>} : memref<640xf32, #tpu.memory_space<vmem>>, vector<16xf32>,
    %swap3A_112 = vector.shape_cast %swap3A_111 : vector<16xf32> to vector<16xf32>
    %swap3A_113 = vector.shape_cast %broadcast_in_dim3A_24 : vector<16xf32> to vector<16xf32>
    tpu.vector_store %arg9[%swap3A_110], %swap3A_113 {strides = array<i32>} : memref<640xf32, #tpu.memory_space<vmem>>, vector<16xf32>,
    %swap3A_114 = arith.constant 352 : index
    %swap3A_115 = tpu.vector_load %arg9[%swap3A_114] {strides = array<i32>} : memref<640xf32, #tpu.memory_space<vmem>>, vector<16xf32>,
    %swap3A_116 = vector.shape_cast %swap3A_115 : vector<16xf32> to vector<16xf32>
    %swap3A_117 = vector.shape_cast %broadcast_in_dim3A_24 : vector<16xf32> to vector<16xf32>
    tpu.vector_store %arg9[%swap3A_114], %swap3A_117 {strides = array<i32>} : memref<640xf32, #tpu.memory_space<vmem>>, vector<16xf32>,
    %swap3A_118 = arith.constant 368 : index
    %swap3A_119 = tpu.vector_load %arg9[%swap3A_118] {strides = array<i32>} : memref<640xf32, #tpu.memory_space<vmem>>, vector<16xf32>,
    %swap3A_120 = vector.shape_cast %swap3A_119 : vector<16xf32> to vector<16xf32>
    %swap3A_121 = vector.shape_cast %broadcast_in_dim3A_24 : vector<16xf32> to vector<16xf32>
    tpu.vector_store %arg9[%swap3A_118], %swap3A_121 {strides = array<i32>} : memref<640xf32, #tpu.memory_space<vmem>>, vector<16xf32>,
    %swap3A_122 = arith.constant 384 : index
    %swap3A_123 = tpu.vector_load %arg9[%swap3A_122] {strides = array<i32>} : memref<640xf32, #tpu.memory_space<vmem>>, vector<16xf32>,
    %swap3A_124 = vector.shape_cast %swap3A_123 : vector<16xf32> to vector<16xf32>
    %swap3A_125 = vector.shape_cast %broadcast_in_dim3A_24 : vector<16xf32> to vector<16xf32>
    tpu.vector_store %arg9[%swap3A_122], %swap3A_125 {strides = array<i32>} : memref<640xf32, #tpu.memory_space<vmem>>, vector<16xf32>,
    %swap3A_126 = arith.constant 400 : index
    %swap3A_127 = tpu.vector_load %arg9[%swap3A_126] {strides = array<i32>} : memref<640xf32, #tpu.memory_space<vmem>>, vector<16xf32>,
    %swap3A_128 = vector.shape_cast %swap3A_127 : vector<16xf32> to vector<16xf32>
    %swap3A_129 = vector.shape_cast %broadcast_in_dim3A_24 : vector<16xf32> to vector<16xf32>
    tpu.vector_store %arg9[%swap3A_126], %swap3A_129 {strides = array<i32>} : memref<640xf32, #tpu.memory_space<vmem>>, vector<16xf32>,
    %swap3A_130 = arith.constant 416 : index
    %swap3A_131 = tpu.vector_load %arg9[%swap3A_130] {strides = array<i32>} : memref<640xf32, #tpu.memory_space<vmem>>, vector<16xf32>,
    %swap3A_132 = vector.shape_cast %swap3A_131 : vector<16xf32> to vector<16xf32>
    %swap3A_133 = vector.shape_cast %broadcast_in_dim3A_24 : vector<16xf32> to vector<16xf32>
    tpu.vector_store %arg9[%swap3A_130], %swap3A_133 {strides = array<i32>} : memref<640xf32, #tpu.memory_space<vmem>>, vector<16xf32>,
    %swap3A_134 = arith.constant 432 : index
    %swap3A_135 = tpu.vector_load %arg9[%swap3A_134] {strides = array<i32>} : memref<640xf32, #tpu.memory_space<vmem>>, vector<16xf32>,
    %swap3A_136 = vector.shape_cast %swap3A_135 : vector<16xf32> to vector<16xf32>
    %swap3A_137 = vector.shape_cast %broadcast_in_dim3A_24 : vector<16xf32> to vector<16xf32>
    tpu.vector_store %arg9[%swap3A_134], %swap3A_137 {strides = array<i32>} : memref<640xf32, #tpu.memory_space<vmem>>, vector<16xf32>,
    %swap3A_138 = arith.constant 448 : index
    %swap3A_139 = tpu.vector_load %arg9[%swap3A_138] {strides = array<i32>} : memref<640xf32, #tpu.memory_space<vmem>>, vector<16xf32>,
    %swap3A_140 = vector.shape_cast %swap3A_139 : vector<16xf32> to vector<16xf32>
    %swap3A_141 = vector.shape_cast %broadcast_in_dim3A_24 : vector<16xf32> to vector<16xf32>
    tpu.vector_store %arg9[%swap3A_138], %swap3A_141 {strides = array<i32>} : memref<640xf32, #tpu.memory_space<vmem>>, vector<16xf32>,
    %swap3A_142 = arith.constant 464 : index
    %swap3A_143 = tpu.vector_load %arg9[%swap3A_142] {strides = array<i32>} : memref<640xf32, #tpu.memory_space<vmem>>, vector<16xf32>,
    %swap3A_144 = vector.shape_cast %swap3A_143 : vector<16xf32> to vector<16xf32>
    %swap3A_145 = vector.shape_cast %broadcast_in_dim3A_24 : vector<16xf32> to vector<16xf32>
    tpu.vector_store %arg9[%swap3A_142], %swap3A_145 {strides = array<i32>} : memref<640xf32, #tpu.memory_space<vmem>>, vector<16xf32>,
    %swap3A_146 = arith.constant 480 : index
    %swap3A_147 = tpu.vector_load %arg9[%swap3A_146] {strides = array<i32>} : memref<640xf32, #tpu.memory_space<vmem>>, vector<16xf32>,
    %swap3A_148 = vector.shape_cast %swap3A_147 : vector<16xf32> to vector<16xf32>
    %swap3A_149 = vector.shape_cast %broadcast_in_dim3A_24 : vector<16xf32> to vector<16xf32>
    tpu.vector_store %arg9[%swap3A_146], %swap3A_149 {strides = array<i32>} : memref<640xf32, #tpu.memory_space<vmem>>, vector<16xf32>,
    %swap3A_150 = arith.constant 496 : index
    %swap3A_151 = tpu.vector_load %arg9[%swap3A_150] {strides = array<i32>} : memref<640xf32, #tpu.memory_space<vmem>>, vector<16xf32>,
    %swap3A_152 = vector.shape_cast %swap3A_151 : vector<16xf32> to vector<16xf32>
    %swap3A_153 = vector.shape_cast %broadcast_in_dim3A_24 : vector<16xf32> to vector<16xf32>
    tpu.vector_store %arg9[%swap3A_150], %swap3A_153 {strides = array<i32>} : memref<640xf32, #tpu.memory_space<vmem>>, vector<16xf32>,
    %swap3A_154 = arith.constant 512 : index
    %swap3A_155 = tpu.vector_load %arg9[%swap3A_154] {strides = array<i32>} : memref<640xf32, #tpu.memory_space<vmem>>, vector<16xf32>,
    %swap3A_156 = vector.shape_cast %swap3A_155 : vector<16xf32> to vector<16xf32>
    %swap3A_157 = vector.shape_cast %broadcast_in_dim3A_24 : vector<16xf32> to vector<16xf32>
    tpu.vector_store %arg9[%swap3A_154], %swap3A_157 {strides = array<i32>} : memref<640xf32, #tpu.memory_space<vmem>>, vector<16xf32>,
    %swap3A_158 = arith.constant 528 : index
    %swap3A_159 = tpu.vector_load %arg9[%swap3A_158] {strides = array<i32>} : memref<640xf32, #tpu.memory_space<vmem>>, vector<16xf32>,
    %swap3A_160 = vector.shape_cast %swap3A_159 : vector<16xf32> to vector<16xf32>
    %swap3A_161 = vector.shape_cast %broadcast_in_dim3A_24 : vector<16xf32> to vector<16xf32>
    tpu.vector_store %arg9[%swap3A_158], %swap3A_161 {strides = array<i32>} : memref<640xf32, #tpu.memory_space<vmem>>, vector<16xf32>,
    %swap3A_162 = arith.constant 544 : index
    %swap3A_163 = tpu.vector_load %arg9[%swap3A_162] {strides = array<i32>} : memref<640xf32, #tpu.memory_space<vmem>>, vector<16xf32>,
    %swap3A_164 = vector.shape_cast %swap3A_163 : vector<16xf32> to vector<16xf32>
    %swap3A_165 = vector.shape_cast %broadcast_in_dim3A_24 : vector<16xf32> to vector<16xf32>
    tpu.vector_store %arg9[%swap3A_162], %swap3A_165 {strides = array<i32>} : memref<640xf32, #tpu.memory_space<vmem>>, vector<16xf32>,
    %swap3A_166 = arith.constant 560 : index
    %swap3A_167 = tpu.vector_load %arg9[%swap3A_166] {strides = array<i32>} : memref<640xf32, #tpu.memory_space<vmem>>, vector<16xf32>,
    %swap3A_168 = vector.shape_cast %swap3A_167 : vector<16xf32> to vector<16xf32>
    %swap3A_169 = vector.shape_cast %broadcast_in_dim3A_24 : vector<16xf32> to vector<16xf32>
    tpu.vector_store %arg9[%swap3A_166], %swap3A_169 {strides = array<i32>} : memref<640xf32, #tpu.memory_space<vmem>>, vector<16xf32>,
    %swap3A_170 = arith.constant 576 : index
    %swap3A_171 = tpu.vector_load %arg9[%swap3A_170] {strides = array<i32>} : memref<640xf32, #tpu.memory_space<vmem>>, vector<16xf32>,
    %swap3A_172 = vector.shape_cast %swap3A_171 : vector<16xf32> to vector<16xf32>
    %swap3A_173 = vector.shape_cast %broadcast_in_dim3A_24 : vector<16xf32> to vector<16xf32>
    tpu.vector_store %arg9[%swap3A_170], %swap3A_173 {strides = array<i32>} : memref<640xf32, #tpu.memory_space<vmem>>, vector<16xf32>,
    %swap3A_174 = arith.constant 592 : index
    %swap3A_175 = tpu.vector_load %arg9[%swap3A_174] {strides = array<i32>} : memref<640xf32, #tpu.memory_space<vmem>>, vector<16xf32>,
    %swap3A_176 = vector.shape_cast %swap3A_175 : vector<16xf32> to vector<16xf32>
    %swap3A_177 = vector.shape_cast %broadcast_in_dim3A_24 : vector<16xf32> to vector<16xf32>
    tpu.vector_store %arg9[%swap3A_174], %swap3A_177 {strides = array<i32>} : memref<640xf32, #tpu.memory_space<vmem>>, vector<16xf32>,
    %swap3A_178 = arith.constant 608 : index
    %swap3A_179 = tpu.vector_load %arg9[%swap3A_178] {strides = array<i32>} : memref<640xf32, #tpu.memory_space<vmem>>, vector<16xf32>,
    %swap3A_180 = vector.shape_cast %swap3A_179 : vector<16xf32> to vector<16xf32>
    %swap3A_181 = vector.shape_cast %broadcast_in_dim3A_24 : vector<16xf32> to vector<16xf32>
    tpu.vector_store %arg9[%swap3A_178], %swap3A_181 {strides = array<i32>} : memref<640xf32, #tpu.memory_space<vmem>>, vector<16xf32>,
    %swap3A_182 = arith.constant 624 : index
    %swap3A_183 = tpu.vector_load %arg9[%swap3A_182] {strides = array<i32>} : memref<640xf32, #tpu.memory_space<vmem>>, vector<16xf32>,
    %swap3A_184 = vector.shape_cast %swap3A_183 : vector<16xf32> to vector<16xf32>
    %swap3A_185 = vector.shape_cast %broadcast_in_dim3A_24 : vector<16xf32> to vector<16xf32>
    tpu.vector_store %arg9[%swap3A_182], %swap3A_185 {strides = array<i32>} : memref<640xf32, #tpu.memory_space<vmem>>, vector<16xf32>,
    %swap3A_186 = arith.constant 0 : index
    %swap3A_187 = tpu.vector_load %arg8[%swap3A_186] {strides = array<i32>} : memref<128xf32, #tpu.memory_space<vmem>>, vector<16xf32>,
    %swap3A_188 = vector.shape_cast %swap3A_187 : vector<16xf32> to vector<16xf32>
    %swap3A_189 = vector.shape_cast %broadcast_in_dim3A_26 : vector<16xf32> to vector<16xf32>
    tpu.vector_store %arg8[%swap3A_186], %swap3A_189 {strides = array<i32>} : memref<128xf32, #tpu.memory_space<vmem>>, vector<16xf32>,
    %swap3A_190 = arith.constant 16 : index
    %swap3A_191 = tpu.vector_load %arg8[%swap3A_190] {strides = array<i32>} : memref<128xf32, #tpu.memory_space<vmem>>, vector<16xf32>,
    %swap3A_192 = vector.shape_cast %swap3A_191 : vector<16xf32> to vector<16xf32>
    %swap3A_193 = vector.shape_cast %broadcast_in_dim3A_26 : vector<16xf32> to vector<16xf32>
    tpu.vector_store %arg8[%swap3A_190], %swap3A_193 {strides = array<i32>} : memref<128xf32, #tpu.memory_space<vmem>>, vector<16xf32>,
    %swap3A_194 = arith.constant 32 : index
    %swap3A_195 = tpu.vector_load %arg8[%swap3A_194] {strides = array<i32>} : memref<128xf32, #tpu.memory_space<vmem>>, vector<16xf32>,
    %swap3A_196 = vector.shape_cast %swap3A_195 : vector<16xf32> to vector<16xf32>
    %swap3A_197 = vector.shape_cast %broadcast_in_dim3A_26 : vector<16xf32> to vector<16xf32>
    tpu.vector_store %arg8[%swap3A_194], %swap3A_197 {strides = array<i32>} : memref<128xf32, #tpu.memory_space<vmem>>, vector<16xf32>,
    %swap3A_198 = arith.constant 48 : index
    %swap3A_199 = tpu.vector_load %arg8[%swap3A_198] {strides = array<i32>} : memref<128xf32, #tpu.memory_space<vmem>>, vector<16xf32>,
    %swap3A_200 = vector.shape_cast %swap3A_199 : vector<16xf32> to vector<16xf32>
    %swap3A_201 = vector.shape_cast %broadcast_in_dim3A_26 : vector<16xf32> to vector<16xf32>
    tpu.vector_store %arg8[%swap3A_198], %swap3A_201 {strides = array<i32>} : memref<128xf32, #tpu.memory_space<vmem>>, vector<16xf32>,
    %swap3A_202 = arith.constant 64 : index
    %swap3A_203 = tpu.vector_load %arg8[%swap3A_202] {strides = array<i32>} : memref<128xf32, #tpu.memory_space<vmem>>, vector<16xf32>,
    %swap3A_204 = vector.shape_cast %swap3A_203 : vector<16xf32> to vector<16xf32>
    %swap3A_205 = vector.shape_cast %broadcast_in_dim3A_26 : vector<16xf32> to vector<16xf32>
    tpu.vector_store %arg8[%swap3A_202], %swap3A_205 {strides = array<i32>} : memref<128xf32, #tpu.memory_space<vmem>>, vector<16xf32>,
    %swap3A_206 = arith.constant 80 : index
    %swap3A_207 = tpu.vector_load %arg8[%swap3A_206] {strides = array<i32>} : memref<128xf32, #tpu.memory_space<vmem>>, vector<16xf32>,
    %swap3A_208 = vector.shape_cast %swap3A_207 : vector<16xf32> to vector<16xf32>
    %swap3A_209 = vector.shape_cast %broadcast_in_dim3A_26 : vector<16xf32> to vector<16xf32>
    tpu.vector_store %arg8[%swap3A_206], %swap3A_209 {strides = array<i32>} : memref<128xf32, #tpu.memory_space<vmem>>, vector<16xf32>,
    %swap3A_210 = arith.constant 96 : index
    %swap3A_211 = tpu.vector_load %arg8[%swap3A_210] {strides = array<i32>} : memref<128xf32, #tpu.memory_space<vmem>>, vector<16xf32>,
    %swap3A_212 = vector.shape_cast %swap3A_211 : vector<16xf32> to vector<16xf32>
    %swap3A_213 = vector.shape_cast %broadcast_in_dim3A_26 : vector<16xf32> to vector<16xf32>
    tpu.vector_store %arg8[%swap3A_210], %swap3A_213 {strides = array<i32>} : memref<128xf32, #tpu.memory_space<vmem>>, vector<16xf32>,
    %swap3A_214 = arith.constant 112 : index
    %swap3A_215 = tpu.vector_load %arg8[%swap3A_214] {strides = array<i32>} : memref<128xf32, #tpu.memory_space<vmem>>, vector<16xf32>,
    %swap3A_216 = vector.shape_cast %swap3A_215 : vector<16xf32> to vector<16xf32>
    %swap3A_217 = vector.shape_cast %broadcast_in_dim3A_26 : vector<16xf32> to vector<16xf32>
    tpu.vector_store %arg8[%swap3A_214], %swap3A_217 {strides = array<i32>} : memref<128xf32, #tpu.memory_space<vmem>>, vector<16xf32>,
    %mul3A_218 = arith.constant 640 : i32
    %mul3A_219 = arith.muli %arg1, %mul3A_218 : i32
    "tpu.region"() ({
      %run_scoped3A = tpu.sem_alloc : memref<!tpu.dma_semaphore, #tpu.memory_space<semaphore_mem>>
      %dma_start3A_303 = tpu.memref_slice %arg10[%mul3A_219] : memref<10240xf32, #tpu.memory_space<vmem_shared>> -> memref<640xf32, #tpu.memory_space<vmem_shared>>
      %dma_start3A_304 = tpu.memref_slice %arg10[%mul3A_219] : memref<10240xf32, #tpu.memory_space<vmem_shared>> -> memref<640xf32, #tpu.memory_space<vmem_shared>>
      tpu.enqueue_dma source(%arg9 : memref<640xf32, #tpu.memory_space<vmem>>) target(%dma_start3A_304 : memref<640xf32, #tpu.memory_space<vmem_shared>>) target_semaphore(%run_scoped3A : memref<!tpu.dma_semaphore, #tpu.memory_space<semaphore_mem>>)
      %dma_wait3A = tpu.memref_slice %arg10[%mul3A_219] : memref<10240xf32, #tpu.memory_space<vmem_shared>> -> memref<640xf32, #tpu.memory_space<vmem_shared>>
      %dma_wait3A_305 = tpu.memref_slice %arg10[%mul3A_219] : memref<10240xf32, #tpu.memory_space<vmem_shared>> -> memref<640xf32, #tpu.memory_space<vmem_shared>>
      tpu.wait_dma2 semaphore(%run_scoped3A : memref<!tpu.dma_semaphore, #tpu.memory_space<semaphore_mem>>) src(%arg9 : memref<640xf32, #tpu.memory_space<vmem>>) dst(%dma_wait3A_305 : memref<640xf32, #tpu.memory_space<vmem_shared>>)
      tpu.yield
    }) : () -> ()
    %barrier3A = arith.constant 0 : index
    tpu.barrier barrier_id(%barrier3A)
    %add3A_220 = arith.constant 0 : i32
    %add3A_221 = arith.addi %mul3A_4, %add3A_220 : i32
    %dma_start3A = arith.constant 0 : i32
    %dma_start3A_222 = tpu.memref_slice %arg2[%dma_start3A, %add3A_221] : memref<2x320000xi32, #tpu.memory_space<hbm>> -> memref<2x128xi32, #tpu.memory_space<hbm>>
    %dma_start3A_223 = arith.constant 0 : i32
    %dma_start3A_224 = tpu.memref_slice %arg2[%dma_start3A_223, %add3A_221] : memref<2x320000xi32, #tpu.memory_space<hbm>> -> memref<2x128xi32, #tpu.memory_space<hbm>>
    tpu.enqueue_dma source(%dma_start3A_224 : memref<2x128xi32, #tpu.memory_space<hbm>>) target(%arg4 : memref<2x128xi32, #tpu.memory_space<vmem>>) target_semaphore(%arg11 : memref<!tpu.dma_semaphore, #tpu.memory_space<semaphore_mem>>)
    %add3A_225 = arith.constant 128 : i32
    %add3A_226 = arith.addi %mul3A_4, %add3A_225 : i32
    %dma_start3A_227 = arith.constant 0 : i32
    %dma_start3A_228 = tpu.memref_slice %arg2[%dma_start3A_227, %add3A_226] : memref<2x320000xi32, #tpu.memory_space<hbm>> -> memref<2x128xi32, #tpu.memory_space<hbm>>
    %dma_start3A_229 = arith.constant 0 : i32
    %dma_start3A_230 = tpu.memref_slice %arg2[%dma_start3A_229, %add3A_226] : memref<2x320000xi32, #tpu.memory_space<hbm>> -> memref<2x128xi32, #tpu.memory_space<hbm>>
    tpu.enqueue_dma source(%dma_start3A_230 : memref<2x128xi32, #tpu.memory_space<hbm>>) target(%arg5 : memref<2x128xi32, #tpu.memory_space<vmem>>) target_semaphore(%arg12 : memref<!tpu.dma_semaphore, #tpu.memory_space<semaphore_mem>>)
    %add3A_231 = arith.constant 256 : i32
    %add3A_232 = arith.addi %mul3A_4, %add3A_231 : i32
    %dma_start3A_233 = arith.constant 0 : i32
    %dma_start3A_234 = tpu.memref_slice %arg2[%dma_start3A_233, %add3A_232] : memref<2x320000xi32, #tpu.memory_space<hbm>> -> memref<2x128xi32, #tpu.memory_space<hbm>>
    %dma_start3A_235 = arith.constant 0 : i32
    %dma_start3A_236 = tpu.memref_slice %arg2[%dma_start3A_235, %add3A_232] : memref<2x320000xi32, #tpu.memory_space<hbm>> -> memref<2x128xi32, #tpu.memory_space<hbm>>
    tpu.enqueue_dma source(%dma_start3A_236 : memref<2x128xi32, #tpu.memory_space<hbm>>) target(%arg6 : memref<2x128xi32, #tpu.memory_space<vmem>>) target_semaphore(%arg13 : memref<!tpu.dma_semaphore, #tpu.memory_space<semaphore_mem>>)
    %add3A_237 = arith.constant 384 : i32
    %add3A_238 = arith.addi %mul3A_4, %add3A_237 : i32
    %dma_start3A_239 = arith.constant 0 : i32
    %dma_start3A_240 = tpu.memref_slice %arg2[%dma_start3A_239, %add3A_238] : memref<2x320000xi32, #tpu.memory_space<hbm>> -> memref<2x128xi32, #tpu.memory_space<hbm>>
    %dma_start3A_241 = arith.constant 0 : i32
    %dma_start3A_242 = tpu.memref_slice %arg2[%dma_start3A_241, %add3A_238] : memref<2x320000xi32, #tpu.memory_space<hbm>> -> memref<2x128xi32, #tpu.memory_space<hbm>>
    tpu.enqueue_dma source(%dma_start3A_242 : memref<2x128xi32, #tpu.memory_space<hbm>>) target(%arg7 : memref<2x128xi32, #tpu.memory_space<vmem>>) target_semaphore(%arg14 : memref<!tpu.dma_semaphore, #tpu.memory_space<semaphore_mem>>)
    %add3A_243 = arith.constant 3 : i32
    %add3A_244 = arith.addi %min3A_23, %add3A_243 : i32
    %jit3A_245 = arith.constant 4 : i32
    %div3A_246 = arith.divsi %add3A_244, %jit3A_245 : i32
    %sign3A_247 = arith.constant 0 : i32
    %sign3A_248 = arith.cmpi sgt, %add3A_244, %sign3A_247 : i32
    %sign3A_249 = arith.extui %sign3A_248 : i1 to i32
    %sign3A_250 = arith.constant 0 : i32
    %sign3A_251 = arith.cmpi slt, %add3A_244, %sign3A_250 : i32
    %sign3A_252 = arith.extui %sign3A_251 : i1 to i32
    %sign3A_253 = arith.subi %sign3A_249, %sign3A_252 : i32
    %sign3A_254 = arith.constant 0 : i32
    %sign3A_255 = arith.cmpi sgt, %jit3A_245, %sign3A_254 : i32
    %sign3A_256 = arith.extui %sign3A_255 : i1 to i32
    %sign3A_257 = arith.constant 0 : i32
    %sign3A_258 = arith.cmpi slt, %jit3A_245, %sign3A_257 : i32
    %sign3A_259 = arith.extui %sign3A_258 : i1 to i32
    %sign3A_260 = arith.subi %sign3A_256, %sign3A_259 : i32
    %ne3A_261 = arith.cmpi ne, %sign3A_253, %sign3A_260 : i32
    %rem3A_262 = arith.remsi %add3A_244, %jit3A_245 : i32
    %ne3A_263 = arith.constant 0 : i32
    %ne3A_264 = arith.cmpi ne, %rem3A_262, %ne3A_263 : i32
    %and3A_265 = arith.andi %ne3A_261, %ne3A_264 : i1
    %sub3A_266 = arith.constant 1 : i32
    %sub3A_267 = arith.subi %div3A_246, %sub3A_266 : i32
    %select_n3A_268 = arith.select %and3A_265, %sub3A_267, %div3A_246 : i32
    %while3A = arith.constant 0 : i32
    %while3A_269 = arith.constant 0 : i32
    %while3A_270 = arith.subi %select_n3A_268, %while3A_269 : i32
    %while3A_271 = arith.addi %while3A_269, %while3A_270 : i32
    %while3A_272 = arith.constant 1 : i32
    %while3A_273 = arith.divsi %while3A_270, %while3A_272 : i32
    %while3A_274 = arith.muli %while3A_273, %while3A_272 : i32
    %while3A_275 = arith.addi %while3A_269, %while3A_274 : i32
    %while3A_276 = arith.constant 1 : i32
    scf.for %while3A_303 = %while3A_269 to %while3A_275 step %while3A_276  : i32 {
      %mul3A_304 = arith.constant 4 : i32
      %mul3A_305 = arith.muli %mul3A_304, %while3A_303 : i32
      %add3A_306 = arith.constant 0 : i32
      %add3A_307 = arith.addi %mul3A_305, %add3A_306 : i32
      %lt3A = arith.cmpi slt, %add3A_307, %min3A_23 : i32
      %convert_element_type3A_308 = arith.extui %lt3A : i1 to i32
      %cond3A_309 = arith.constant 0 : i32
      %cond3A_310 = arith.cmpi ne, %convert_element_type3A_308, %cond3A_309 : i32
      scf.if %cond3A_310 {
        %add3A_329 = arith.constant 0 : i32
        %add3A_330 = arith.addi %mul3A_305, %add3A_329 : i32
        %mul3A_331 = arith.constant 128 : i32
        %mul3A_332 = arith.muli %add3A_330, %mul3A_331 : i32
        %add3A_333 = arith.addi %mul3A_4, %mul3A_332 : i32
        %dma_wait3A = arith.constant 0 : i32
        %dma_wait3A_334 = tpu.memref_slice %arg2[%dma_wait3A, %add3A_333] : memref<2x320000xi32, #tpu.memory_space<hbm>> -> memref<2x128xi32, #tpu.memory_space<hbm>>
        %dma_wait3A_335 = arith.constant 0 : i32
        %dma_wait3A_336 = tpu.memref_slice %arg2[%dma_wait3A_335, %add3A_333] : memref<2x320000xi32, #tpu.memory_space<hbm>> -> memref<2x128xi32, #tpu.memory_space<hbm>>
        tpu.wait_dma2 semaphore(%arg11 : memref<!tpu.dma_semaphore, #tpu.memory_space<semaphore_mem>>) src(%dma_wait3A_336 : memref<2x128xi32, #tpu.memory_space<hbm>>) dst(%arg4 : memref<2x128xi32, #tpu.memory_space<vmem>>)
        %add3A_337 = arith.constant 0 : i32
        %add3A_338 = arith.addi %mul3A_305, %add3A_337 : i32
        %ge3A = arith.constant 4 : i32
        %ge3A_339 = arith.cmpi sge, %add3A_338, %ge3A : i32
        %convert_element_type3A_340 = arith.extui %ge3A_339 : i1 to i32
        %cond3A_341 = arith.constant 0 : i32
        %cond3A_342 = arith.cmpi ne, %convert_element_type3A_340, %cond3A_341 : i32
        scf.if %cond3A_342 {
          %dma_wait3A_357 = arith.constant 1 : i32
          %dma_wait3A_358 = arith.constant 0 : i32
          %dma_wait3A_359 = tpu.memref_slice %arg4[%dma_wait3A_357, %dma_wait3A_358] : memref<2x128xi32, #tpu.memory_space<vmem>> -> memref<1x128xi32, #tpu.memory_space<vmem>>
          %dma_wait3A_360 = tpu.memref_squeeze %dma_wait3A_359 : memref<1x128xi32, #tpu.memory_space<vmem>> -> memref<128xi32, #tpu.memory_space<vmem>>
          %dma_wait3A_361 = arith.constant 0 : i32
          %dma_wait3A_362 = tpu.memref_slice %arg10[%dma_wait3A_361] : memref<10240xf32, #tpu.memory_space<vmem_shared>> -> memref<10240xf32, #tpu.memory_space<vmem_shared>>
          tpu.wait_indirect_dma semaphore(%arg15 : memref<!tpu.dma_semaphore, #tpu.memory_space<semaphore_mem>>) src(%arg8 : memref<128xf32, #tpu.memory_space<vmem>>) dst(%dma_wait3A_362 : memref<10240xf32, #tpu.memory_space<vmem_shared>>)
        } else {
        }
        %dma_start3A_343 = arith.constant 1 : i32
        %dma_start3A_344 = arith.constant 0 : i32
        %dma_start3A_345 = tpu.memref_slice %arg4[%dma_start3A_343, %dma_start3A_344] : memref<2x128xi32, #tpu.memory_space<vmem>> -> memref<1x128xi32, #tpu.memory_space<vmem>>
        %dma_start3A_346 = tpu.memref_squeeze %dma_start3A_345 : memref<1x128xi32, #tpu.memory_space<vmem>> -> memref<128xi32, #tpu.memory_space<vmem>>
        %dma_start3A_347 = arith.constant 0 : i32
        %dma_start3A_348 = tpu.memref_slice %arg10[%dma_start3A_347] : memref<10240xf32, #tpu.memory_space<vmem_shared>> -> memref<10240xf32, #tpu.memory_space<vmem_shared>>
        tpu.enqueue_indirect_dma source(%arg8 : memref<128xf32, #tpu.memory_space<vmem>>) target(%dma_start3A_348 : memref<10240xf32, #tpu.memory_space<vmem_shared>>) offsets(%dma_start3A_346 : memref<128xi32, #tpu.memory_space<vmem>>) semaphore(%arg15 : memref<!tpu.dma_semaphore, #tpu.memory_space<semaphore_mem>>) {add = true}
        %add3A_349 = arith.constant 0 : i32
        %add3A_350 = arith.addi %mul3A_305, %add3A_349 : i32
        %add3A_351 = arith.constant 4 : i32
        %add3A_352 = arith.addi %add3A_350, %add3A_351 : i32
        %lt3A_353 = arith.cmpi slt, %add3A_352, %min3A_23 : i32
        %convert_element_type3A_354 = arith.extui %lt3A_353 : i1 to i32
        %cond3A_355 = arith.constant 0 : i32
        %cond3A_356 = arith.cmpi ne, %convert_element_type3A_354, %cond3A_355 : i32
        scf.if %cond3A_356 {
          %add3A_357 = arith.constant 0 : i32
          %add3A_358 = arith.addi %mul3A_305, %add3A_357 : i32
          %add3A_359 = arith.constant 4 : i32
          %add3A_360 = arith.addi %add3A_358, %add3A_359 : i32
          %mul3A_361 = arith.constant 128 : i32
          %mul3A_362 = arith.muli %add3A_360, %mul3A_361 : i32
          %add3A_363 = arith.addi %mul3A_4, %mul3A_362 : i32
          %dma_start3A_364 = arith.constant 0 : i32
          %dma_start3A_365 = tpu.memref_slice %arg2[%dma_start3A_364, %add3A_363] : memref<2x320000xi32, #tpu.memory_space<hbm>> -> memref<2x128xi32, #tpu.memory_space<hbm>>
          %dma_start3A_366 = arith.constant 0 : i32
          %dma_start3A_367 = tpu.memref_slice %arg2[%dma_start3A_366, %add3A_363] : memref<2x320000xi32, #tpu.memory_space<hbm>> -> memref<2x128xi32, #tpu.memory_space<hbm>>
          tpu.enqueue_dma source(%dma_start3A_367 : memref<2x128xi32, #tpu.memory_space<hbm>>) target(%arg4 : memref<2x128xi32, #tpu.memory_space<vmem>>) target_semaphore(%arg11 : memref<!tpu.dma_semaphore, #tpu.memory_space<semaphore_mem>>)
        } else {
        }
      } else {
      }
      %add3A_311 = arith.constant 1 : i32
      %add3A_312 = arith.addi %mul3A_305, %add3A_311 : i32
      %lt3A_313 = arith.cmpi slt, %add3A_312, %min3A_23 : i32
      %convert_element_type3A_314 = arith.extui %lt3A_313 : i1 to i32
      %cond3A_315 = arith.constant 0 : i32
      %cond3A_316 = arith.cmpi ne, %convert_element_type3A_314, %cond3A_315 : i32
      scf.if %cond3A_316 {
        %add3A_329 = arith.constant 1 : i32
        %add3A_330 = arith.addi %mul3A_305, %add3A_329 : i32
        %mul3A_331 = arith.constant 128 : i32
        %mul3A_332 = arith.muli %add3A_330, %mul3A_331 : i32
        %add3A_333 = arith.addi %mul3A_4, %mul3A_332 : i32
        %dma_wait3A = arith.constant 0 : i32
        %dma_wait3A_334 = tpu.memref_slice %arg2[%dma_wait3A, %add3A_333] : memref<2x320000xi32, #tpu.memory_space<hbm>> -> memref<2x128xi32, #tpu.memory_space<hbm>>
        %dma_wait3A_335 = arith.constant 0 : i32
        %dma_wait3A_336 = tpu.memref_slice %arg2[%dma_wait3A_335, %add3A_333] : memref<2x320000xi32, #tpu.memory_space<hbm>> -> memref<2x128xi32, #tpu.memory_space<hbm>>
        tpu.wait_dma2 semaphore(%arg12 : memref<!tpu.dma_semaphore, #tpu.memory_space<semaphore_mem>>) src(%dma_wait3A_336 : memref<2x128xi32, #tpu.memory_space<hbm>>) dst(%arg5 : memref<2x128xi32, #tpu.memory_space<vmem>>)
        %add3A_337 = arith.constant 1 : i32
        %add3A_338 = arith.addi %mul3A_305, %add3A_337 : i32
        %ge3A = arith.constant 4 : i32
        %ge3A_339 = arith.cmpi sge, %add3A_338, %ge3A : i32
        %convert_element_type3A_340 = arith.extui %ge3A_339 : i1 to i32
        %cond3A_341 = arith.constant 0 : i32
        %cond3A_342 = arith.cmpi ne, %convert_element_type3A_340, %cond3A_341 : i32
        scf.if %cond3A_342 {
          %dma_wait3A_357 = arith.constant 1 : i32
          %dma_wait3A_358 = arith.constant 0 : i32
          %dma_wait3A_359 = tpu.memref_slice %arg5[%dma_wait3A_357, %dma_wait3A_358] : memref<2x128xi32, #tpu.memory_space<vmem>> -> memref<1x128xi32, #tpu.memory_space<vmem>>
          %dma_wait3A_360 = tpu.memref_squeeze %dma_wait3A_359 : memref<1x128xi32, #tpu.memory_space<vmem>> -> memref<128xi32, #tpu.memory_space<vmem>>
          %dma_wait3A_361 = arith.constant 0 : i32
          %dma_wait3A_362 = tpu.memref_slice %arg10[%dma_wait3A_361] : memref<10240xf32, #tpu.memory_space<vmem_shared>> -> memref<10240xf32, #tpu.memory_space<vmem_shared>>
          tpu.wait_indirect_dma semaphore(%arg16 : memref<!tpu.dma_semaphore, #tpu.memory_space<semaphore_mem>>) src(%arg8 : memref<128xf32, #tpu.memory_space<vmem>>) dst(%dma_wait3A_362 : memref<10240xf32, #tpu.memory_space<vmem_shared>>)
        } else {
        }
        %dma_start3A_343 = arith.constant 1 : i32
        %dma_start3A_344 = arith.constant 0 : i32
        %dma_start3A_345 = tpu.memref_slice %arg5[%dma_start3A_343, %dma_start3A_344] : memref<2x128xi32, #tpu.memory_space<vmem>> -> memref<1x128xi32, #tpu.memory_space<vmem>>
        %dma_start3A_346 = tpu.memref_squeeze %dma_start3A_345 : memref<1x128xi32, #tpu.memory_space<vmem>> -> memref<128xi32, #tpu.memory_space<vmem>>
        %dma_start3A_347 = arith.constant 0 : i32
        %dma_start3A_348 = tpu.memref_slice %arg10[%dma_start3A_347] : memref<10240xf32, #tpu.memory_space<vmem_shared>> -> memref<10240xf32, #tpu.memory_space<vmem_shared>>
        tpu.enqueue_indirect_dma source(%arg8 : memref<128xf32, #tpu.memory_space<vmem>>) target(%dma_start3A_348 : memref<10240xf32, #tpu.memory_space<vmem_shared>>) offsets(%dma_start3A_346 : memref<128xi32, #tpu.memory_space<vmem>>) semaphore(%arg16 : memref<!tpu.dma_semaphore, #tpu.memory_space<semaphore_mem>>) {add = true}
        %add3A_349 = arith.constant 1 : i32
        %add3A_350 = arith.addi %mul3A_305, %add3A_349 : i32
        %add3A_351 = arith.constant 4 : i32
        %add3A_352 = arith.addi %add3A_350, %add3A_351 : i32
        %lt3A_353 = arith.cmpi slt, %add3A_352, %min3A_23 : i32
        %convert_element_type3A_354 = arith.extui %lt3A_353 : i1 to i32
        %cond3A_355 = arith.constant 0 : i32
        %cond3A_356 = arith.cmpi ne, %convert_element_type3A_354, %cond3A_355 : i32
        scf.if %cond3A_356 {
          %add3A_357 = arith.constant 1 : i32
          %add3A_358 = arith.addi %mul3A_305, %add3A_357 : i32
          %add3A_359 = arith.constant 4 : i32
          %add3A_360 = arith.addi %add3A_358, %add3A_359 : i32
          %mul3A_361 = arith.constant 128 : i32
          %mul3A_362 = arith.muli %add3A_360, %mul3A_361 : i32
          %add3A_363 = arith.addi %mul3A_4, %mul3A_362 : i32
          %dma_start3A_364 = arith.constant 0 : i32
          %dma_start3A_365 = tpu.memref_slice %arg2[%dma_start3A_364, %add3A_363] : memref<2x320000xi32, #tpu.memory_space<hbm>> -> memref<2x128xi32, #tpu.memory_space<hbm>>
          %dma_start3A_366 = arith.constant 0 : i32
          %dma_start3A_367 = tpu.memref_slice %arg2[%dma_start3A_366, %add3A_363] : memref<2x320000xi32, #tpu.memory_space<hbm>> -> memref<2x128xi32, #tpu.memory_space<hbm>>
          tpu.enqueue_dma source(%dma_start3A_367 : memref<2x128xi32, #tpu.memory_space<hbm>>) target(%arg5 : memref<2x128xi32, #tpu.memory_space<vmem>>) target_semaphore(%arg12 : memref<!tpu.dma_semaphore, #tpu.memory_space<semaphore_mem>>)
        } else {
        }
      } else {
      }
      %add3A_317 = arith.constant 2 : i32
      %add3A_318 = arith.addi %mul3A_305, %add3A_317 : i32
      %lt3A_319 = arith.cmpi slt, %add3A_318, %min3A_23 : i32
      %convert_element_type3A_320 = arith.extui %lt3A_319 : i1 to i32
      %cond3A_321 = arith.constant 0 : i32
      %cond3A_322 = arith.cmpi ne, %convert_element_type3A_320, %cond3A_321 : i32
      scf.if %cond3A_322 {
        %add3A_329 = arith.constant 2 : i32
        %add3A_330 = arith.addi %mul3A_305, %add3A_329 : i32
        %mul3A_331 = arith.constant 128 : i32
        %mul3A_332 = arith.muli %add3A_330, %mul3A_331 : i32
        %add3A_333 = arith.addi %mul3A_4, %mul3A_332 : i32
        %dma_wait3A = arith.constant 0 : i32
        %dma_wait3A_334 = tpu.memref_slice %arg2[%dma_wait3A, %add3A_333] : memref<2x320000xi32, #tpu.memory_space<hbm>> -> memref<2x128xi32, #tpu.memory_space<hbm>>
        %dma_wait3A_335 = arith.constant 0 : i32
        %dma_wait3A_336 = tpu.memref_slice %arg2[%dma_wait3A_335, %add3A_333] : memref<2x320000xi32, #tpu.memory_space<hbm>> -> memref<2x128xi32, #tpu.memory_space<hbm>>
        tpu.wait_dma2 semaphore(%arg13 : memref<!tpu.dma_semaphore, #tpu.memory_space<semaphore_mem>>) src(%dma_wait3A_336 : memref<2x128xi32, #tpu.memory_space<hbm>>) dst(%arg6 : memref<2x128xi32, #tpu.memory_space<vmem>>)
        %add3A_337 = arith.constant 2 : i32
        %add3A_338 = arith.addi %mul3A_305, %add3A_337 : i32
        %ge3A = arith.constant 4 : i32
        %ge3A_339 = arith.cmpi sge, %add3A_338, %ge3A : i32
        %convert_element_type3A_340 = arith.extui %ge3A_339 : i1 to i32
        %cond3A_341 = arith.constant 0 : i32
        %cond3A_342 = arith.cmpi ne, %convert_element_type3A_340, %cond3A_341 : i32
        scf.if %cond3A_342 {
          %dma_wait3A_357 = arith.constant 1 : i32
          %dma_wait3A_358 = arith.constant 0 : i32
          %dma_wait3A_359 = tpu.memref_slice %arg6[%dma_wait3A_357, %dma_wait3A_358] : memref<2x128xi32, #tpu.memory_space<vmem>> -> memref<1x128xi32, #tpu.memory_space<vmem>>
          %dma_wait3A_360 = tpu.memref_squeeze %dma_wait3A_359 : memref<1x128xi32, #tpu.memory_space<vmem>> -> memref<128xi32, #tpu.memory_space<vmem>>
          %dma_wait3A_361 = arith.constant 0 : i32
          %dma_wait3A_362 = tpu.memref_slice %arg10[%dma_wait3A_361] : memref<10240xf32, #tpu.memory_space<vmem_shared>> -> memref<10240xf32, #tpu.memory_space<vmem_shared>>
          tpu.wait_indirect_dma semaphore(%arg17 : memref<!tpu.dma_semaphore, #tpu.memory_space<semaphore_mem>>) src(%arg8 : memref<128xf32, #tpu.memory_space<vmem>>) dst(%dma_wait3A_362 : memref<10240xf32, #tpu.memory_space<vmem_shared>>)
        } else {
        }
        %dma_start3A_343 = arith.constant 1 : i32
        %dma_start3A_344 = arith.constant 0 : i32
        %dma_start3A_345 = tpu.memref_slice %arg6[%dma_start3A_343, %dma_start3A_344] : memref<2x128xi32, #tpu.memory_space<vmem>> -> memref<1x128xi32, #tpu.memory_space<vmem>>
        %dma_start3A_346 = tpu.memref_squeeze %dma_start3A_345 : memref<1x128xi32, #tpu.memory_space<vmem>> -> memref<128xi32, #tpu.memory_space<vmem>>
        %dma_start3A_347 = arith.constant 0 : i32
        %dma_start3A_348 = tpu.memref_slice %arg10[%dma_start3A_347] : memref<10240xf32, #tpu.memory_space<vmem_shared>> -> memref<10240xf32, #tpu.memory_space<vmem_shared>>
        tpu.enqueue_indirect_dma source(%arg8 : memref<128xf32, #tpu.memory_space<vmem>>) target(%dma_start3A_348 : memref<10240xf32, #tpu.memory_space<vmem_shared>>) offsets(%dma_start3A_346 : memref<128xi32, #tpu.memory_space<vmem>>) semaphore(%arg17 : memref<!tpu.dma_semaphore, #tpu.memory_space<semaphore_mem>>) {add = true}
        %add3A_349 = arith.constant 2 : i32
        %add3A_350 = arith.addi %mul3A_305, %add3A_349 : i32
        %add3A_351 = arith.constant 4 : i32
        %add3A_352 = arith.addi %add3A_350, %add3A_351 : i32
        %lt3A_353 = arith.cmpi slt, %add3A_352, %min3A_23 : i32
        %convert_element_type3A_354 = arith.extui %lt3A_353 : i1 to i32
        %cond3A_355 = arith.constant 0 : i32
        %cond3A_356 = arith.cmpi ne, %convert_element_type3A_354, %cond3A_355 : i32
        scf.if %cond3A_356 {
          %add3A_357 = arith.constant 2 : i32
          %add3A_358 = arith.addi %mul3A_305, %add3A_357 : i32
          %add3A_359 = arith.constant 4 : i32
          %add3A_360 = arith.addi %add3A_358, %add3A_359 : i32
          %mul3A_361 = arith.constant 128 : i32
          %mul3A_362 = arith.muli %add3A_360, %mul3A_361 : i32
          %add3A_363 = arith.addi %mul3A_4, %mul3A_362 : i32
          %dma_start3A_364 = arith.constant 0 : i32
          %dma_start3A_365 = tpu.memref_slice %arg2[%dma_start3A_364, %add3A_363] : memref<2x320000xi32, #tpu.memory_space<hbm>> -> memref<2x128xi32, #tpu.memory_space<hbm>>
          %dma_start3A_366 = arith.constant 0 : i32
          %dma_start3A_367 = tpu.memref_slice %arg2[%dma_start3A_366, %add3A_363] : memref<2x320000xi32, #tpu.memory_space<hbm>> -> memref<2x128xi32, #tpu.memory_space<hbm>>
          tpu.enqueue_dma source(%dma_start3A_367 : memref<2x128xi32, #tpu.memory_space<hbm>>) target(%arg6 : memref<2x128xi32, #tpu.memory_space<vmem>>) target_semaphore(%arg13 : memref<!tpu.dma_semaphore, #tpu.memory_space<semaphore_mem>>)
        } else {
        }
      } else {
      }
      %add3A_323 = arith.constant 3 : i32
      %add3A_324 = arith.addi %mul3A_305, %add3A_323 : i32
      %lt3A_325 = arith.cmpi slt, %add3A_324, %min3A_23 : i32
      %convert_element_type3A_326 = arith.extui %lt3A_325 : i1 to i32
      %cond3A_327 = arith.constant 0 : i32
      %cond3A_328 = arith.cmpi ne, %convert_element_type3A_326, %cond3A_327 : i32
      scf.if %cond3A_328 {
        %add3A_329 = arith.constant 3 : i32
        %add3A_330 = arith.addi %mul3A_305, %add3A_329 : i32
        %mul3A_331 = arith.constant 128 : i32
        %mul3A_332 = arith.muli %add3A_330, %mul3A_331 : i32
        %add3A_333 = arith.addi %mul3A_4, %mul3A_332 : i32
        %dma_wait3A = arith.constant 0 : i32
        %dma_wait3A_334 = tpu.memref_slice %arg2[%dma_wait3A, %add3A_333] : memref<2x320000xi32, #tpu.memory_space<hbm>> -> memref<2x128xi32, #tpu.memory_space<hbm>>
        %dma_wait3A_335 = arith.constant 0 : i32
        %dma_wait3A_336 = tpu.memref_slice %arg2[%dma_wait3A_335, %add3A_333] : memref<2x320000xi32, #tpu.memory_space<hbm>> -> memref<2x128xi32, #tpu.memory_space<hbm>>
        tpu.wait_dma2 semaphore(%arg14 : memref<!tpu.dma_semaphore, #tpu.memory_space<semaphore_mem>>) src(%dma_wait3A_336 : memref<2x128xi32, #tpu.memory_space<hbm>>) dst(%arg7 : memref<2x128xi32, #tpu.memory_space<vmem>>)
        %add3A_337 = arith.constant 3 : i32
        %add3A_338 = arith.addi %mul3A_305, %add3A_337 : i32
        %ge3A = arith.constant 4 : i32
        %ge3A_339 = arith.cmpi sge, %add3A_338, %ge3A : i32
        %convert_element_type3A_340 = arith.extui %ge3A_339 : i1 to i32
        %cond3A_341 = arith.constant 0 : i32
        %cond3A_342 = arith.cmpi ne, %convert_element_type3A_340, %cond3A_341 : i32
        scf.if %cond3A_342 {
          %dma_wait3A_357 = arith.constant 1 : i32
          %dma_wait3A_358 = arith.constant 0 : i32
          %dma_wait3A_359 = tpu.memref_slice %arg7[%dma_wait3A_357, %dma_wait3A_358] : memref<2x128xi32, #tpu.memory_space<vmem>> -> memref<1x128xi32, #tpu.memory_space<vmem>>
          %dma_wait3A_360 = tpu.memref_squeeze %dma_wait3A_359 : memref<1x128xi32, #tpu.memory_space<vmem>> -> memref<128xi32, #tpu.memory_space<vmem>>
          %dma_wait3A_361 = arith.constant 0 : i32
          %dma_wait3A_362 = tpu.memref_slice %arg10[%dma_wait3A_361] : memref<10240xf32, #tpu.memory_space<vmem_shared>> -> memref<10240xf32, #tpu.memory_space<vmem_shared>>
          tpu.wait_indirect_dma semaphore(%arg18 : memref<!tpu.dma_semaphore, #tpu.memory_space<semaphore_mem>>) src(%arg8 : memref<128xf32, #tpu.memory_space<vmem>>) dst(%dma_wait3A_362 : memref<10240xf32, #tpu.memory_space<vmem_shared>>)
        } else {
        }
        %dma_start3A_343 = arith.constant 1 : i32
        %dma_start3A_344 = arith.constant 0 : i32
        %dma_start3A_345 = tpu.memref_slice %arg7[%dma_start3A_343, %dma_start3A_344] : memref<2x128xi32, #tpu.memory_space<vmem>> -> memref<1x128xi32, #tpu.memory_space<vmem>>
        %dma_start3A_346 = tpu.memref_squeeze %dma_start3A_345 : memref<1x128xi32, #tpu.memory_space<vmem>> -> memref<128xi32, #tpu.memory_space<vmem>>
        %dma_start3A_347 = arith.constant 0 : i32
        %dma_start3A_348 = tpu.memref_slice %arg10[%dma_start3A_347] : memref<10240xf32, #tpu.memory_space<vmem_shared>> -> memref<10240xf32, #tpu.memory_space<vmem_shared>>
        tpu.enqueue_indirect_dma source(%arg8 : memref<128xf32, #tpu.memory_space<vmem>>) target(%dma_start3A_348 : memref<10240xf32, #tpu.memory_space<vmem_shared>>) offsets(%dma_start3A_346 : memref<128xi32, #tpu.memory_space<vmem>>) semaphore(%arg18 : memref<!tpu.dma_semaphore, #tpu.memory_space<semaphore_mem>>) {add = true}
        %add3A_349 = arith.constant 3 : i32
        %add3A_350 = arith.addi %mul3A_305, %add3A_349 : i32
        %add3A_351 = arith.constant 4 : i32
        %add3A_352 = arith.addi %add3A_350, %add3A_351 : i32
        %lt3A_353 = arith.cmpi slt, %add3A_352, %min3A_23 : i32
        %convert_element_type3A_354 = arith.extui %lt3A_353 : i1 to i32
        %cond3A_355 = arith.constant 0 : i32
        %cond3A_356 = arith.cmpi ne, %convert_element_type3A_354, %cond3A_355 : i32
        scf.if %cond3A_356 {
          %add3A_357 = arith.constant 3 : i32
          %add3A_358 = arith.addi %mul3A_305, %add3A_357 : i32
          %add3A_359 = arith.constant 4 : i32
          %add3A_360 = arith.addi %add3A_358, %add3A_359 : i32
          %mul3A_361 = arith.constant 128 : i32
          %mul3A_362 = arith.muli %add3A_360, %mul3A_361 : i32
          %add3A_363 = arith.addi %mul3A_4, %mul3A_362 : i32
          %dma_start3A_364 = arith.constant 0 : i32
          %dma_start3A_365 = tpu.memref_slice %arg2[%dma_start3A_364, %add3A_363] : memref<2x320000xi32, #tpu.memory_space<hbm>> -> memref<2x128xi32, #tpu.memory_space<hbm>>
          %dma_start3A_366 = arith.constant 0 : i32
          %dma_start3A_367 = tpu.memref_slice %arg2[%dma_start3A_366, %add3A_363] : memref<2x320000xi32, #tpu.memory_space<hbm>> -> memref<2x128xi32, #tpu.memory_space<hbm>>
          tpu.enqueue_dma source(%dma_start3A_367 : memref<2x128xi32, #tpu.memory_space<hbm>>) target(%arg7 : memref<2x128xi32, #tpu.memory_space<vmem>>) target_semaphore(%arg14 : memref<!tpu.dma_semaphore, #tpu.memory_space<semaphore_mem>>)
        } else {
        }
      } else {
      }
    }
    %while3A_277 = arith.constant 1 : i32
    scf.for %while3A_303 = %while3A_275 to %while3A_271 step %while3A_277  : i32 {
      %mul3A_304 = arith.constant 4 : i32
      %mul3A_305 = arith.muli %mul3A_304, %while3A_303 : i32
      %add3A_306 = arith.constant 0 : i32
      %add3A_307 = arith.addi %mul3A_305, %add3A_306 : i32
      %lt3A = arith.cmpi slt, %add3A_307, %min3A_23 : i32
      %convert_element_type3A_308 = arith.extui %lt3A : i1 to i32
      %cond3A_309 = arith.constant 0 : i32
      %cond3A_310 = arith.cmpi ne, %convert_element_type3A_308, %cond3A_309 : i32
      scf.if %cond3A_310 {
        %add3A_329 = arith.constant 0 : i32
        %add3A_330 = arith.addi %mul3A_305, %add3A_329 : i32
        %mul3A_331 = arith.constant 128 : i32
        %mul3A_332 = arith.muli %add3A_330, %mul3A_331 : i32
        %add3A_333 = arith.addi %mul3A_4, %mul3A_332 : i32
        %dma_wait3A = arith.constant 0 : i32
        %dma_wait3A_334 = tpu.memref_slice %arg2[%dma_wait3A, %add3A_333] : memref<2x320000xi32, #tpu.memory_space<hbm>> -> memref<2x128xi32, #tpu.memory_space<hbm>>
        %dma_wait3A_335 = arith.constant 0 : i32
        %dma_wait3A_336 = tpu.memref_slice %arg2[%dma_wait3A_335, %add3A_333] : memref<2x320000xi32, #tpu.memory_space<hbm>> -> memref<2x128xi32, #tpu.memory_space<hbm>>
        tpu.wait_dma2 semaphore(%arg11 : memref<!tpu.dma_semaphore, #tpu.memory_space<semaphore_mem>>) src(%dma_wait3A_336 : memref<2x128xi32, #tpu.memory_space<hbm>>) dst(%arg4 : memref<2x128xi32, #tpu.memory_space<vmem>>)
        %add3A_337 = arith.constant 0 : i32
        %add3A_338 = arith.addi %mul3A_305, %add3A_337 : i32
        %ge3A = arith.constant 4 : i32
        %ge3A_339 = arith.cmpi sge, %add3A_338, %ge3A : i32
        %convert_element_type3A_340 = arith.extui %ge3A_339 : i1 to i32
        %cond3A_341 = arith.constant 0 : i32
        %cond3A_342 = arith.cmpi ne, %convert_element_type3A_340, %cond3A_341 : i32
        scf.if %cond3A_342 {
          %dma_wait3A_357 = arith.constant 1 : i32
          %dma_wait3A_358 = arith.constant 0 : i32
          %dma_wait3A_359 = tpu.memref_slice %arg4[%dma_wait3A_357, %dma_wait3A_358] : memref<2x128xi32, #tpu.memory_space<vmem>> -> memref<1x128xi32, #tpu.memory_space<vmem>>
          %dma_wait3A_360 = tpu.memref_squeeze %dma_wait3A_359 : memref<1x128xi32, #tpu.memory_space<vmem>> -> memref<128xi32, #tpu.memory_space<vmem>>
          %dma_wait3A_361 = arith.constant 0 : i32
          %dma_wait3A_362 = tpu.memref_slice %arg10[%dma_wait3A_361] : memref<10240xf32, #tpu.memory_space<vmem_shared>> -> memref<10240xf32, #tpu.memory_space<vmem_shared>>
          tpu.wait_indirect_dma semaphore(%arg15 : memref<!tpu.dma_semaphore, #tpu.memory_space<semaphore_mem>>) src(%arg8 : memref<128xf32, #tpu.memory_space<vmem>>) dst(%dma_wait3A_362 : memref<10240xf32, #tpu.memory_space<vmem_shared>>)
        } else {
        }
        %dma_start3A_343 = arith.constant 1 : i32
        %dma_start3A_344 = arith.constant 0 : i32
        %dma_start3A_345 = tpu.memref_slice %arg4[%dma_start3A_343, %dma_start3A_344] : memref<2x128xi32, #tpu.memory_space<vmem>> -> memref<1x128xi32, #tpu.memory_space<vmem>>
        %dma_start3A_346 = tpu.memref_squeeze %dma_start3A_345 : memref<1x128xi32, #tpu.memory_space<vmem>> -> memref<128xi32, #tpu.memory_space<vmem>>
        %dma_start3A_347 = arith.constant 0 : i32
        %dma_start3A_348 = tpu.memref_slice %arg10[%dma_start3A_347] : memref<10240xf32, #tpu.memory_space<vmem_shared>> -> memref<10240xf32, #tpu.memory_space<vmem_shared>>
        tpu.enqueue_indirect_dma source(%arg8 : memref<128xf32, #tpu.memory_space<vmem>>) target(%dma_start3A_348 : memref<10240xf32, #tpu.memory_space<vmem_shared>>) offsets(%dma_start3A_346 : memref<128xi32, #tpu.memory_space<vmem>>) semaphore(%arg15 : memref<!tpu.dma_semaphore, #tpu.memory_space<semaphore_mem>>) {add = true}
        %add3A_349 = arith.constant 0 : i32
        %add3A_350 = arith.addi %mul3A_305, %add3A_349 : i32
        %add3A_351 = arith.constant 4 : i32
        %add3A_352 = arith.addi %add3A_350, %add3A_351 : i32
        %lt3A_353 = arith.cmpi slt, %add3A_352, %min3A_23 : i32
        %convert_element_type3A_354 = arith.extui %lt3A_353 : i1 to i32
        %cond3A_355 = arith.constant 0 : i32
        %cond3A_356 = arith.cmpi ne, %convert_element_type3A_354, %cond3A_355 : i32
        scf.if %cond3A_356 {
          %add3A_357 = arith.constant 0 : i32
          %add3A_358 = arith.addi %mul3A_305, %add3A_357 : i32
          %add3A_359 = arith.constant 4 : i32
          %add3A_360 = arith.addi %add3A_358, %add3A_359 : i32
          %mul3A_361 = arith.constant 128 : i32
          %mul3A_362 = arith.muli %add3A_360, %mul3A_361 : i32
          %add3A_363 = arith.addi %mul3A_4, %mul3A_362 : i32
          %dma_start3A_364 = arith.constant 0 : i32
          %dma_start3A_365 = tpu.memref_slice %arg2[%dma_start3A_364, %add3A_363] : memref<2x320000xi32, #tpu.memory_space<hbm>> -> memref<2x128xi32, #tpu.memory_space<hbm>>
          %dma_start3A_366 = arith.constant 0 : i32
          %dma_start3A_367 = tpu.memref_slice %arg2[%dma_start3A_366, %add3A_363] : memref<2x320000xi32, #tpu.memory_space<hbm>> -> memref<2x128xi32, #tpu.memory_space<hbm>>
          tpu.enqueue_dma source(%dma_start3A_367 : memref<2x128xi32, #tpu.memory_space<hbm>>) target(%arg4 : memref<2x128xi32, #tpu.memory_space<vmem>>) target_semaphore(%arg11 : memref<!tpu.dma_semaphore, #tpu.memory_space<semaphore_mem>>)
        } else {
        }
      } else {
      }
      %add3A_311 = arith.constant 1 : i32
      %add3A_312 = arith.addi %mul3A_305, %add3A_311 : i32
      %lt3A_313 = arith.cmpi slt, %add3A_312, %min3A_23 : i32
      %convert_element_type3A_314 = arith.extui %lt3A_313 : i1 to i32
      %cond3A_315 = arith.constant 0 : i32
      %cond3A_316 = arith.cmpi ne, %convert_element_type3A_314, %cond3A_315 : i32
      scf.if %cond3A_316 {
        %add3A_329 = arith.constant 1 : i32
        %add3A_330 = arith.addi %mul3A_305, %add3A_329 : i32
        %mul3A_331 = arith.constant 128 : i32
        %mul3A_332 = arith.muli %add3A_330, %mul3A_331 : i32
        %add3A_333 = arith.addi %mul3A_4, %mul3A_332 : i32
        %dma_wait3A = arith.constant 0 : i32
        %dma_wait3A_334 = tpu.memref_slice %arg2[%dma_wait3A, %add3A_333] : memref<2x320000xi32, #tpu.memory_space<hbm>> -> memref<2x128xi32, #tpu.memory_space<hbm>>
        %dma_wait3A_335 = arith.constant 0 : i32
        %dma_wait3A_336 = tpu.memref_slice %arg2[%dma_wait3A_335, %add3A_333] : memref<2x320000xi32, #tpu.memory_space<hbm>> -> memref<2x128xi32, #tpu.memory_space<hbm>>
        tpu.wait_dma2 semaphore(%arg12 : memref<!tpu.dma_semaphore, #tpu.memory_space<semaphore_mem>>) src(%dma_wait3A_336 : memref<2x128xi32, #tpu.memory_space<hbm>>) dst(%arg5 : memref<2x128xi32, #tpu.memory_space<vmem>>)
        %add3A_337 = arith.constant 1 : i32
        %add3A_338 = arith.addi %mul3A_305, %add3A_337 : i32
        %ge3A = arith.constant 4 : i32
        %ge3A_339 = arith.cmpi sge, %add3A_338, %ge3A : i32
        %convert_element_type3A_340 = arith.extui %ge3A_339 : i1 to i32
        %cond3A_341 = arith.constant 0 : i32
        %cond3A_342 = arith.cmpi ne, %convert_element_type3A_340, %cond3A_341 : i32
        scf.if %cond3A_342 {
          %dma_wait3A_357 = arith.constant 1 : i32
          %dma_wait3A_358 = arith.constant 0 : i32
          %dma_wait3A_359 = tpu.memref_slice %arg5[%dma_wait3A_357, %dma_wait3A_358] : memref<2x128xi32, #tpu.memory_space<vmem>> -> memref<1x128xi32, #tpu.memory_space<vmem>>
          %dma_wait3A_360 = tpu.memref_squeeze %dma_wait3A_359 : memref<1x128xi32, #tpu.memory_space<vmem>> -> memref<128xi32, #tpu.memory_space<vmem>>
          %dma_wait3A_361 = arith.constant 0 : i32
          %dma_wait3A_362 = tpu.memref_slice %arg10[%dma_wait3A_361] : memref<10240xf32, #tpu.memory_space<vmem_shared>> -> memref<10240xf32, #tpu.memory_space<vmem_shared>>
          tpu.wait_indirect_dma semaphore(%arg16 : memref<!tpu.dma_semaphore, #tpu.memory_space<semaphore_mem>>) src(%arg8 : memref<128xf32, #tpu.memory_space<vmem>>) dst(%dma_wait3A_362 : memref<10240xf32, #tpu.memory_space<vmem_shared>>)
        } else {
        }
        %dma_start3A_343 = arith.constant 1 : i32
        %dma_start3A_344 = arith.constant 0 : i32
        %dma_start3A_345 = tpu.memref_slice %arg5[%dma_start3A_343, %dma_start3A_344] : memref<2x128xi32, #tpu.memory_space<vmem>> -> memref<1x128xi32, #tpu.memory_space<vmem>>
        %dma_start3A_346 = tpu.memref_squeeze %dma_start3A_345 : memref<1x128xi32, #tpu.memory_space<vmem>> -> memref<128xi32, #tpu.memory_space<vmem>>
        %dma_start3A_347 = arith.constant 0 : i32
        %dma_start3A_348 = tpu.memref_slice %arg10[%dma_start3A_347] : memref<10240xf32, #tpu.memory_space<vmem_shared>> -> memref<10240xf32, #tpu.memory_space<vmem_shared>>
        tpu.enqueue_indirect_dma source(%arg8 : memref<128xf32, #tpu.memory_space<vmem>>) target(%dma_start3A_348 : memref<10240xf32, #tpu.memory_space<vmem_shared>>) offsets(%dma_start3A_346 : memref<128xi32, #tpu.memory_space<vmem>>) semaphore(%arg16 : memref<!tpu.dma_semaphore, #tpu.memory_space<semaphore_mem>>) {add = true}
        %add3A_349 = arith.constant 1 : i32
        %add3A_350 = arith.addi %mul3A_305, %add3A_349 : i32
        %add3A_351 = arith.constant 4 : i32
        %add3A_352 = arith.addi %add3A_350, %add3A_351 : i32
        %lt3A_353 = arith.cmpi slt, %add3A_352, %min3A_23 : i32
        %convert_element_type3A_354 = arith.extui %lt3A_353 : i1 to i32
        %cond3A_355 = arith.constant 0 : i32
        %cond3A_356 = arith.cmpi ne, %convert_element_type3A_354, %cond3A_355 : i32
        scf.if %cond3A_356 {
          %add3A_357 = arith.constant 1 : i32
          %add3A_358 = arith.addi %mul3A_305, %add3A_357 : i32
          %add3A_359 = arith.constant 4 : i32
          %add3A_360 = arith.addi %add3A_358, %add3A_359 : i32
          %mul3A_361 = arith.constant 128 : i32
          %mul3A_362 = arith.muli %add3A_360, %mul3A_361 : i32
          %add3A_363 = arith.addi %mul3A_4, %mul3A_362 : i32
          %dma_start3A_364 = arith.constant 0 : i32
          %dma_start3A_365 = tpu.memref_slice %arg2[%dma_start3A_364, %add3A_363] : memref<2x320000xi32, #tpu.memory_space<hbm>> -> memref<2x128xi32, #tpu.memory_space<hbm>>
          %dma_start3A_366 = arith.constant 0 : i32
          %dma_start3A_367 = tpu.memref_slice %arg2[%dma_start3A_366, %add3A_363] : memref<2x320000xi32, #tpu.memory_space<hbm>> -> memref<2x128xi32, #tpu.memory_space<hbm>>
          tpu.enqueue_dma source(%dma_start3A_367 : memref<2x128xi32, #tpu.memory_space<hbm>>) target(%arg5 : memref<2x128xi32, #tpu.memory_space<vmem>>) target_semaphore(%arg12 : memref<!tpu.dma_semaphore, #tpu.memory_space<semaphore_mem>>)
        } else {
        }
      } else {
      }
      %add3A_317 = arith.constant 2 : i32
      %add3A_318 = arith.addi %mul3A_305, %add3A_317 : i32
      %lt3A_319 = arith.cmpi slt, %add3A_318, %min3A_23 : i32
      %convert_element_type3A_320 = arith.extui %lt3A_319 : i1 to i32
      %cond3A_321 = arith.constant 0 : i32
      %cond3A_322 = arith.cmpi ne, %convert_element_type3A_320, %cond3A_321 : i32
      scf.if %cond3A_322 {
        %add3A_329 = arith.constant 2 : i32
        %add3A_330 = arith.addi %mul3A_305, %add3A_329 : i32
        %mul3A_331 = arith.constant 128 : i32
        %mul3A_332 = arith.muli %add3A_330, %mul3A_331 : i32
        %add3A_333 = arith.addi %mul3A_4, %mul3A_332 : i32
        %dma_wait3A = arith.constant 0 : i32
        %dma_wait3A_334 = tpu.memref_slice %arg2[%dma_wait3A, %add3A_333] : memref<2x320000xi32, #tpu.memory_space<hbm>> -> memref<2x128xi32, #tpu.memory_space<hbm>>
        %dma_wait3A_335 = arith.constant 0 : i32
        %dma_wait3A_336 = tpu.memref_slice %arg2[%dma_wait3A_335, %add3A_333] : memref<2x320000xi32, #tpu.memory_space<hbm>> -> memref<2x128xi32, #tpu.memory_space<hbm>>
        tpu.wait_dma2 semaphore(%arg13 : memref<!tpu.dma_semaphore, #tpu.memory_space<semaphore_mem>>) src(%dma_wait3A_336 : memref<2x128xi32, #tpu.memory_space<hbm>>) dst(%arg6 : memref<2x128xi32, #tpu.memory_space<vmem>>)
        %add3A_337 = arith.constant 2 : i32
        %add3A_338 = arith.addi %mul3A_305, %add3A_337 : i32
        %ge3A = arith.constant 4 : i32
        %ge3A_339 = arith.cmpi sge, %add3A_338, %ge3A : i32
        %convert_element_type3A_340 = arith.extui %ge3A_339 : i1 to i32
        %cond3A_341 = arith.constant 0 : i32
        %cond3A_342 = arith.cmpi ne, %convert_element_type3A_340, %cond3A_341 : i32
        scf.if %cond3A_342 {
          %dma_wait3A_357 = arith.constant 1 : i32
          %dma_wait3A_358 = arith.constant 0 : i32
          %dma_wait3A_359 = tpu.memref_slice %arg6[%dma_wait3A_357, %dma_wait3A_358] : memref<2x128xi32, #tpu.memory_space<vmem>> -> memref<1x128xi32, #tpu.memory_space<vmem>>
          %dma_wait3A_360 = tpu.memref_squeeze %dma_wait3A_359 : memref<1x128xi32, #tpu.memory_space<vmem>> -> memref<128xi32, #tpu.memory_space<vmem>>
          %dma_wait3A_361 = arith.constant 0 : i32
          %dma_wait3A_362 = tpu.memref_slice %arg10[%dma_wait3A_361] : memref<10240xf32, #tpu.memory_space<vmem_shared>> -> memref<10240xf32, #tpu.memory_space<vmem_shared>>
          tpu.wait_indirect_dma semaphore(%arg17 : memref<!tpu.dma_semaphore, #tpu.memory_space<semaphore_mem>>) src(%arg8 : memref<128xf32, #tpu.memory_space<vmem>>) dst(%dma_wait3A_362 : memref<10240xf32, #tpu.memory_space<vmem_shared>>)
        } else {
        }
        %dma_start3A_343 = arith.constant 1 : i32
        %dma_start3A_344 = arith.constant 0 : i32
        %dma_start3A_345 = tpu.memref_slice %arg6[%dma_start3A_343, %dma_start3A_344] : memref<2x128xi32, #tpu.memory_space<vmem>> -> memref<1x128xi32, #tpu.memory_space<vmem>>
        %dma_start3A_346 = tpu.memref_squeeze %dma_start3A_345 : memref<1x128xi32, #tpu.memory_space<vmem>> -> memref<128xi32, #tpu.memory_space<vmem>>
        %dma_start3A_347 = arith.constant 0 : i32
        %dma_start3A_348 = tpu.memref_slice %arg10[%dma_start3A_347] : memref<10240xf32, #tpu.memory_space<vmem_shared>> -> memref<10240xf32, #tpu.memory_space<vmem_shared>>
        tpu.enqueue_indirect_dma source(%arg8 : memref<128xf32, #tpu.memory_space<vmem>>) target(%dma_start3A_348 : memref<10240xf32, #tpu.memory_space<vmem_shared>>) offsets(%dma_start3A_346 : memref<128xi32, #tpu.memory_space<vmem>>) semaphore(%arg17 : memref<!tpu.dma_semaphore, #tpu.memory_space<semaphore_mem>>) {add = true}
        %add3A_349 = arith.constant 2 : i32
        %add3A_350 = arith.addi %mul3A_305, %add3A_349 : i32
        %add3A_351 = arith.constant 4 : i32
        %add3A_352 = arith.addi %add3A_350, %add3A_351 : i32
        %lt3A_353 = arith.cmpi slt, %add3A_352, %min3A_23 : i32
        %convert_element_type3A_354 = arith.extui %lt3A_353 : i1 to i32
        %cond3A_355 = arith.constant 0 : i32
        %cond3A_356 = arith.cmpi ne, %convert_element_type3A_354, %cond3A_355 : i32
        scf.if %cond3A_356 {
          %add3A_357 = arith.constant 2 : i32
          %add3A_358 = arith.addi %mul3A_305, %add3A_357 : i32
          %add3A_359 = arith.constant 4 : i32
          %add3A_360 = arith.addi %add3A_358, %add3A_359 : i32
          %mul3A_361 = arith.constant 128 : i32
          %mul3A_362 = arith.muli %add3A_360, %mul3A_361 : i32
          %add3A_363 = arith.addi %mul3A_4, %mul3A_362 : i32
          %dma_start3A_364 = arith.constant 0 : i32
          %dma_start3A_365 = tpu.memref_slice %arg2[%dma_start3A_364, %add3A_363] : memref<2x320000xi32, #tpu.memory_space<hbm>> -> memref<2x128xi32, #tpu.memory_space<hbm>>
          %dma_start3A_366 = arith.constant 0 : i32
          %dma_start3A_367 = tpu.memref_slice %arg2[%dma_start3A_366, %add3A_363] : memref<2x320000xi32, #tpu.memory_space<hbm>> -> memref<2x128xi32, #tpu.memory_space<hbm>>
          tpu.enqueue_dma source(%dma_start3A_367 : memref<2x128xi32, #tpu.memory_space<hbm>>) target(%arg6 : memref<2x128xi32, #tpu.memory_space<vmem>>) target_semaphore(%arg13 : memref<!tpu.dma_semaphore, #tpu.memory_space<semaphore_mem>>)
        } else {
        }
      } else {
      }
      %add3A_323 = arith.constant 3 : i32
      %add3A_324 = arith.addi %mul3A_305, %add3A_323 : i32
      %lt3A_325 = arith.cmpi slt, %add3A_324, %min3A_23 : i32
      %convert_element_type3A_326 = arith.extui %lt3A_325 : i1 to i32
      %cond3A_327 = arith.constant 0 : i32
      %cond3A_328 = arith.cmpi ne, %convert_element_type3A_326, %cond3A_327 : i32
      scf.if %cond3A_328 {
        %add3A_329 = arith.constant 3 : i32
        %add3A_330 = arith.addi %mul3A_305, %add3A_329 : i32
        %mul3A_331 = arith.constant 128 : i32
        %mul3A_332 = arith.muli %add3A_330, %mul3A_331 : i32
        %add3A_333 = arith.addi %mul3A_4, %mul3A_332 : i32
        %dma_wait3A = arith.constant 0 : i32
        %dma_wait3A_334 = tpu.memref_slice %arg2[%dma_wait3A, %add3A_333] : memref<2x320000xi32, #tpu.memory_space<hbm>> -> memref<2x128xi32, #tpu.memory_space<hbm>>
        %dma_wait3A_335 = arith.constant 0 : i32
        %dma_wait3A_336 = tpu.memref_slice %arg2[%dma_wait3A_335, %add3A_333] : memref<2x320000xi32, #tpu.memory_space<hbm>> -> memref<2x128xi32, #tpu.memory_space<hbm>>
        tpu.wait_dma2 semaphore(%arg14 : memref<!tpu.dma_semaphore, #tpu.memory_space<semaphore_mem>>) src(%dma_wait3A_336 : memref<2x128xi32, #tpu.memory_space<hbm>>) dst(%arg7 : memref<2x128xi32, #tpu.memory_space<vmem>>)
        %add3A_337 = arith.constant 3 : i32
        %add3A_338 = arith.addi %mul3A_305, %add3A_337 : i32
        %ge3A = arith.constant 4 : i32
        %ge3A_339 = arith.cmpi sge, %add3A_338, %ge3A : i32
        %convert_element_type3A_340 = arith.extui %ge3A_339 : i1 to i32
        %cond3A_341 = arith.constant 0 : i32
        %cond3A_342 = arith.cmpi ne, %convert_element_type3A_340, %cond3A_341 : i32
        scf.if %cond3A_342 {
          %dma_wait3A_357 = arith.constant 1 : i32
          %dma_wait3A_358 = arith.constant 0 : i32
          %dma_wait3A_359 = tpu.memref_slice %arg7[%dma_wait3A_357, %dma_wait3A_358] : memref<2x128xi32, #tpu.memory_space<vmem>> -> memref<1x128xi32, #tpu.memory_space<vmem>>
          %dma_wait3A_360 = tpu.memref_squeeze %dma_wait3A_359 : memref<1x128xi32, #tpu.memory_space<vmem>> -> memref<128xi32, #tpu.memory_space<vmem>>
          %dma_wait3A_361 = arith.constant 0 : i32
          %dma_wait3A_362 = tpu.memref_slice %arg10[%dma_wait3A_361] : memref<10240xf32, #tpu.memory_space<vmem_shared>> -> memref<10240xf32, #tpu.memory_space<vmem_shared>>
          tpu.wait_indirect_dma semaphore(%arg18 : memref<!tpu.dma_semaphore, #tpu.memory_space<semaphore_mem>>) src(%arg8 : memref<128xf32, #tpu.memory_space<vmem>>) dst(%dma_wait3A_362 : memref<10240xf32, #tpu.memory_space<vmem_shared>>)
        } else {
        }
        %dma_start3A_343 = arith.constant 1 : i32
        %dma_start3A_344 = arith.constant 0 : i32
        %dma_start3A_345 = tpu.memref_slice %arg7[%dma_start3A_343, %dma_start3A_344] : memref<2x128xi32, #tpu.memory_space<vmem>> -> memref<1x128xi32, #tpu.memory_space<vmem>>
        %dma_start3A_346 = tpu.memref_squeeze %dma_start3A_345 : memref<1x128xi32, #tpu.memory_space<vmem>> -> memref<128xi32, #tpu.memory_space<vmem>>
        %dma_start3A_347 = arith.constant 0 : i32
        %dma_start3A_348 = tpu.memref_slice %arg10[%dma_start3A_347] : memref<10240xf32, #tpu.memory_space<vmem_shared>> -> memref<10240xf32, #tpu.memory_space<vmem_shared>>
        tpu.enqueue_indirect_dma source(%arg8 : memref<128xf32, #tpu.memory_space<vmem>>) target(%dma_start3A_348 : memref<10240xf32, #tpu.memory_space<vmem_shared>>) offsets(%dma_start3A_346 : memref<128xi32, #tpu.memory_space<vmem>>) semaphore(%arg18 : memref<!tpu.dma_semaphore, #tpu.memory_space<semaphore_mem>>) {add = true}
        %add3A_349 = arith.constant 3 : i32
        %add3A_350 = arith.addi %mul3A_305, %add3A_349 : i32
        %add3A_351 = arith.constant 4 : i32
        %add3A_352 = arith.addi %add3A_350, %add3A_351 : i32
        %lt3A_353 = arith.cmpi slt, %add3A_352, %min3A_23 : i32
        %convert_element_type3A_354 = arith.extui %lt3A_353 : i1 to i32
        %cond3A_355 = arith.constant 0 : i32
        %cond3A_356 = arith.cmpi ne, %convert_element_type3A_354, %cond3A_355 : i32
        scf.if %cond3A_356 {
          %add3A_357 = arith.constant 3 : i32
          %add3A_358 = arith.addi %mul3A_305, %add3A_357 : i32
          %add3A_359 = arith.constant 4 : i32
          %add3A_360 = arith.addi %add3A_358, %add3A_359 : i32
          %mul3A_361 = arith.constant 128 : i32
          %mul3A_362 = arith.muli %add3A_360, %mul3A_361 : i32
          %add3A_363 = arith.addi %mul3A_4, %mul3A_362 : i32
          %dma_start3A_364 = arith.constant 0 : i32
          %dma_start3A_365 = tpu.memref_slice %arg2[%dma_start3A_364, %add3A_363] : memref<2x320000xi32, #tpu.memory_space<hbm>> -> memref<2x128xi32, #tpu.memory_space<hbm>>
          %dma_start3A_366 = arith.constant 0 : i32
          %dma_start3A_367 = tpu.memref_slice %arg2[%dma_start3A_366, %add3A_363] : memref<2x320000xi32, #tpu.memory_space<hbm>> -> memref<2x128xi32, #tpu.memory_space<hbm>>
          tpu.enqueue_dma source(%dma_start3A_367 : memref<2x128xi32, #tpu.memory_space<hbm>>) target(%arg7 : memref<2x128xi32, #tpu.memory_space<vmem>>) target_semaphore(%arg14 : memref<!tpu.dma_semaphore, #tpu.memory_space<semaphore_mem>>)
        } else {
        }
      } else {
      }
    }
    %gt3A = arith.constant 0 : i32
    %gt3A_278 = arith.cmpi sgt, %min3A_23, %gt3A : i32
    %convert_element_type3A = arith.extui %gt3A_278 : i1 to i32
    %cond3A = arith.constant 0 : i32
    %cond3A_279 = arith.cmpi ne, %convert_element_type3A, %cond3A : i32
    scf.if %cond3A_279 {
      %dma_wait3A = arith.constant 1 : i32
      %dma_wait3A_303 = arith.constant 0 : i32
      %dma_wait3A_304 = tpu.memref_slice %arg4[%dma_wait3A, %dma_wait3A_303] : memref<2x128xi32, #tpu.memory_space<vmem>> -> memref<1x128xi32, #tpu.memory_space<vmem>>
      %dma_wait3A_305 = tpu.memref_squeeze %dma_wait3A_304 : memref<1x128xi32, #tpu.memory_space<vmem>> -> memref<128xi32, #tpu.memory_space<vmem>>
      %dma_wait3A_306 = arith.constant 0 : i32
      %dma_wait3A_307 = tpu.memref_slice %arg10[%dma_wait3A_306] : memref<10240xf32, #tpu.memory_space<vmem_shared>> -> memref<10240xf32, #tpu.memory_space<vmem_shared>>
      tpu.wait_indirect_dma semaphore(%arg15 : memref<!tpu.dma_semaphore, #tpu.memory_space<semaphore_mem>>) src(%arg8 : memref<128xf32, #tpu.memory_space<vmem>>) dst(%dma_wait3A_307 : memref<10240xf32, #tpu.memory_space<vmem_shared>>)
    } else {
    }
    %gt3A_280 = arith.constant 1 : i32
    %gt3A_281 = arith.cmpi sgt, %min3A_23, %gt3A_280 : i32
    %convert_element_type3A_282 = arith.extui %gt3A_281 : i1 to i32
    %cond3A_283 = arith.constant 0 : i32
    %cond3A_284 = arith.cmpi ne, %convert_element_type3A_282, %cond3A_283 : i32
    scf.if %cond3A_284 {
      %dma_wait3A = arith.constant 1 : i32
      %dma_wait3A_303 = arith.constant 0 : i32
      %dma_wait3A_304 = tpu.memref_slice %arg5[%dma_wait3A, %dma_wait3A_303] : memref<2x128xi32, #tpu.memory_space<vmem>> -> memref<1x128xi32, #tpu.memory_space<vmem>>
      %dma_wait3A_305 = tpu.memref_squeeze %dma_wait3A_304 : memref<1x128xi32, #tpu.memory_space<vmem>> -> memref<128xi32, #tpu.memory_space<vmem>>
      %dma_wait3A_306 = arith.constant 0 : i32
      %dma_wait3A_307 = tpu.memref_slice %arg10[%dma_wait3A_306] : memref<10240xf32, #tpu.memory_space<vmem_shared>> -> memref<10240xf32, #tpu.memory_space<vmem_shared>>
      tpu.wait_indirect_dma semaphore(%arg16 : memref<!tpu.dma_semaphore, #tpu.memory_space<semaphore_mem>>) src(%arg8 : memref<128xf32, #tpu.memory_space<vmem>>) dst(%dma_wait3A_307 : memref<10240xf32, #tpu.memory_space<vmem_shared>>)
    } else {
    }
    %gt3A_285 = arith.constant 2 : i32
    %gt3A_286 = arith.cmpi sgt, %min3A_23, %gt3A_285 : i32
    %convert_element_type3A_287 = arith.extui %gt3A_286 : i1 to i32
    %cond3A_288 = arith.constant 0 : i32
    %cond3A_289 = arith.cmpi ne, %convert_element_type3A_287, %cond3A_288 : i32
    scf.if %cond3A_289 {
      %dma_wait3A = arith.constant 1 : i32
      %dma_wait3A_303 = arith.constant 0 : i32
      %dma_wait3A_304 = tpu.memref_slice %arg6[%dma_wait3A, %dma_wait3A_303] : memref<2x128xi32, #tpu.memory_space<vmem>> -> memref<1x128xi32, #tpu.memory_space<vmem>>
      %dma_wait3A_305 = tpu.memref_squeeze %dma_wait3A_304 : memref<1x128xi32, #tpu.memory_space<vmem>> -> memref<128xi32, #tpu.memory_space<vmem>>
      %dma_wait3A_306 = arith.constant 0 : i32
      %dma_wait3A_307 = tpu.memref_slice %arg10[%dma_wait3A_306] : memref<10240xf32, #tpu.memory_space<vmem_shared>> -> memref<10240xf32, #tpu.memory_space<vmem_shared>>
      tpu.wait_indirect_dma semaphore(%arg17 : memref<!tpu.dma_semaphore, #tpu.memory_space<semaphore_mem>>) src(%arg8 : memref<128xf32, #tpu.memory_space<vmem>>) dst(%dma_wait3A_307 : memref<10240xf32, #tpu.memory_space<vmem_shared>>)
    } else {
    }
    %gt3A_290 = arith.constant 3 : i32
    %gt3A_291 = arith.cmpi sgt, %min3A_23, %gt3A_290 : i32
    %convert_element_type3A_292 = arith.extui %gt3A_291 : i1 to i32
    %cond3A_293 = arith.constant 0 : i32
    %cond3A_294 = arith.cmpi ne, %convert_element_type3A_292, %cond3A_293 : i32
    scf.if %cond3A_294 {
      %dma_wait3A = arith.constant 1 : i32
      %dma_wait3A_303 = arith.constant 0 : i32
      %dma_wait3A_304 = tpu.memref_slice %arg7[%dma_wait3A, %dma_wait3A_303] : memref<2x128xi32, #tpu.memory_space<vmem>> -> memref<1x128xi32, #tpu.memory_space<vmem>>
      %dma_wait3A_305 = tpu.memref_squeeze %dma_wait3A_304 : memref<1x128xi32, #tpu.memory_space<vmem>> -> memref<128xi32, #tpu.memory_space<vmem>>
      %dma_wait3A_306 = arith.constant 0 : i32
      %dma_wait3A_307 = tpu.memref_slice %arg10[%dma_wait3A_306] : memref<10240xf32, #tpu.memory_space<vmem_shared>> -> memref<10240xf32, #tpu.memory_space<vmem_shared>>
      tpu.wait_indirect_dma semaphore(%arg18 : memref<!tpu.dma_semaphore, #tpu.memory_space<semaphore_mem>>) src(%arg8 : memref<128xf32, #tpu.memory_space<vmem>>) dst(%dma_wait3A_307 : memref<10240xf32, #tpu.memory_space<vmem_shared>>)
    } else {
    }
    %barrier3A_295 = arith.constant 0 : index
    tpu.barrier barrier_id(%barrier3A_295)
    %mul3A_296 = arith.constant 640 : i32
    %mul3A_297 = arith.muli %arg1, %mul3A_296 : i32
    %mul3A_298 = arith.constant 10240 : i32
    %mul3A_299 = arith.muli %arg0, %mul3A_298 : i32
    %mul3A_300 = arith.constant 640 : i32
    %mul3A_301 = arith.muli %arg1, %mul3A_300 : i32
    %add3A_302 = arith.addi %mul3A_299, %mul3A_301 : i32
    "tpu.region"() ({
      %run_scoped3A = tpu.sem_alloc : memref<!tpu.dma_semaphore, #tpu.memory_space<semaphore_mem>>
      %dma_start3A_303 = tpu.memref_slice %arg3[%add3A_302] : memref<20480xf32, #tpu.memory_space<hbm>> -> memref<640xf32, #tpu.memory_space<hbm>>
      %dma_start3A_304 = tpu.memref_slice %arg10[%mul3A_297] : memref<10240xf32, #tpu.memory_space<vmem_shared>> -> memref<640xf32, #tpu.memory_space<vmem_shared>>
      tpu.enqueue_dma source(%dma_start3A_304 : memref<640xf32, #tpu.memory_space<vmem_shared>>) target(%dma_start3A_303 : memref<640xf32, #tpu.memory_space<hbm>>) target_semaphore(%run_scoped3A : memref<!tpu.dma_semaphore, #tpu.memory_space<semaphore_mem>>)
      %dma_wait3A = tpu.memref_slice %arg3[%add3A_302] : memref<20480xf32, #tpu.memory_space<hbm>> -> memref<640xf32, #tpu.memory_space<hbm>>
      %dma_wait3A_305 = tpu.memref_slice %arg10[%mul3A_297] : memref<10240xf32, #tpu.memory_space<vmem_shared>> -> memref<640xf32, #tpu.memory_space<vmem_shared>>
      tpu.wait_dma2 semaphore(%run_scoped3A : memref<!tpu.dma_semaphore, #tpu.memory_space<semaphore_mem>>) src(%dma_wait3A_305 : memref<640xf32, #tpu.memory_space<vmem_shared>>) dst(%dma_wait3A : memref<640xf32, #tpu.memory_space<hbm>>)
      tpu.yield
    }) : () -> ()
    return
  }
}

#map = affine_map<(d0, d1) -> (0, 0)>
#map1 = affine_map<(d0, d1) -> (0, 0, 0)>
module attributes {stable_mosaic.version = 14 : i64} {
  func.func @scat_fn(%arg0: i32, %arg1: i32, %arg2: memref<10000x128xf32, #tpu.memory_space<hbm>>, %arg3: memref<2x320000xi32, #tpu.memory_space<hbm>>, %arg4: memref<2x10240x128xf32, #tpu.memory_space<hbm>>, %arg5: memref<2x128xi32, #tpu.memory_space<vmem>>, %arg6: memref<2x128xi32, #tpu.memory_space<vmem>>, %arg7: memref<2x128xi32, #tpu.memory_space<vmem>>, %arg8: memref<2x128xi32, #tpu.memory_space<vmem>>, %arg9: memref<128x128xf32, #tpu.memory_space<vmem>>, %arg10: memref<128x128xf32, #tpu.memory_space<vmem>>, %arg11: memref<16x128xf32, #tpu.memory_space<vmem>>, %arg12: memref<10240x128xf32, #tpu.memory_space<vmem_shared>>, %arg13: memref<!tpu.dma_semaphore, #tpu.memory_space<semaphore_mem>>, %arg14: memref<!tpu.dma_semaphore, #tpu.memory_space<semaphore_mem>>, %arg15: memref<!tpu.dma_semaphore, #tpu.memory_space<semaphore_mem>>, %arg16: memref<!tpu.dma_semaphore, #tpu.memory_space<semaphore_mem>>, %arg17: memref<!tpu.dma_semaphore, #tpu.memory_space<semaphore_mem>>, %arg18: memref<!tpu.dma_semaphore, #tpu.memory_space<semaphore_mem>>) attributes {dimension_semantics = [#tpu.dimension_semantics<core_parallel>, #tpu.dimension_semantics<subcore_parallel>], iteration_bounds = array<i64: 2, 16>, scalar_prefetch = 0 : i64, scratch_operands = 14 : i64, tpu.core_type = #tpu.core_type<sc_vector_subcore>, window_params = [{transform_indices = #map}, {transform_indices = #map}, {transform_indices = #map1}]} {
    %mul3A = arith.constant 2 : i32
    %mul3A_0 = arith.muli %arg1, %mul3A : i32
    %add3A = arith.addi %mul3A_0, %arg0 : i32
    %mul3A_1 = arith.constant 79 : i32
    %mul3A_2 = arith.muli %add3A, %mul3A_1 : i32
    %mul3A_3 = arith.constant 128 : i32
    %mul3A_4 = arith.muli %mul3A_2, %mul3A_3 : i32
    %sub3A = arith.constant 320000 : i32
    %sub3A_5 = arith.subi %sub3A, %mul3A_4 : i32
    %jit3A = arith.constant 128 : i32
    %div3A = arith.divsi %sub3A_5, %jit3A : i32
    %sign3A = arith.constant 0 : i32
    %sign3A_6 = arith.cmpi sgt, %sub3A_5, %sign3A : i32
    %sign3A_7 = arith.extui %sign3A_6 : i1 to i32
    %sign3A_8 = arith.constant 0 : i32
    %sign3A_9 = arith.cmpi slt, %sub3A_5, %sign3A_8 : i32
    %sign3A_10 = arith.extui %sign3A_9 : i1 to i32
    %sign3A_11 = arith.subi %sign3A_7, %sign3A_10 : i32
    %sign3A_12 = arith.constant 0 : i32
    %sign3A_13 = arith.cmpi sgt, %jit3A, %sign3A_12 : i32
    %sign3A_14 = arith.extui %sign3A_13 : i1 to i32
    %sign3A_15 = arith.constant 0 : i32
    %sign3A_16 = arith.cmpi slt, %jit3A, %sign3A_15 : i32
    %sign3A_17 = arith.extui %sign3A_16 : i1 to i32
    %sign3A_18 = arith.subi %sign3A_14, %sign3A_17 : i32
    %ne3A = arith.cmpi ne, %sign3A_11, %sign3A_18 : i32
    %rem3A = arith.remsi %sub3A_5, %jit3A : i32
    %ne3A_19 = arith.constant 0 : i32
    %ne3A_20 = arith.cmpi ne, %rem3A, %ne3A_19 : i32
    %and3A = arith.andi %ne3A, %ne3A_20 : i1
    %sub3A_21 = arith.constant 1 : i32
    %sub3A_22 = arith.subi %div3A, %sub3A_21 : i32
    %select_n3A = arith.select %and3A, %sub3A_22, %div3A : i32
    %min3A = arith.constant 79 : i32
    %min3A_23 = arith.minsi %min3A, %select_n3A : i32
    %broadcast_in_dim3A = arith.constant 0.000000e+00 : f32
    %broadcast_in_dim3A_24 = vector.broadcast %broadcast_in_dim3A : f32 to vector<16xf32>
    %swap3A = arith.constant 0 : i32
    %swap3A_25 = arith.index_cast %swap3A : i32 to index
    %swap3A_26 = arith.constant 0 : index
    %swap3A_27 = tpu.vector_load %arg11[%swap3A_25, %swap3A_26] {strides = array<i32>} : memref<16x128xf32, #tpu.memory_space<vmem>>, vector<1x16xf32>,
    %swap3A_28 = vector.shape_cast %swap3A_27 : vector<1x16xf32> to vector<16xf32>
    %swap3A_29 = vector.shape_cast %broadcast_in_dim3A_24 : vector<16xf32> to vector<1x16xf32>
    tpu.vector_store %arg11[%swap3A_25, %swap3A_26], %swap3A_29 {strides = array<i32>} : memref<16x128xf32, #tpu.memory_space<vmem>>, vector<1x16xf32>,
    %swap3A_30 = arith.constant 0 : i32
    %swap3A_31 = arith.index_cast %swap3A_30 : i32 to index
    %swap3A_32 = arith.constant 16 : index
    %swap3A_33 = tpu.vector_load %arg11[%swap3A_31, %swap3A_32] {strides = array<i32>} : memref<16x128xf32, #tpu.memory_space<vmem>>, vector<1x16xf32>,
    %swap3A_34 = vector.shape_cast %swap3A_33 : vector<1x16xf32> to vector<16xf32>
    %swap3A_35 = vector.shape_cast %broadcast_in_dim3A_24 : vector<16xf32> to vector<1x16xf32>
    tpu.vector_store %arg11[%swap3A_31, %swap3A_32], %swap3A_35 {strides = array<i32>} : memref<16x128xf32, #tpu.memory_space<vmem>>, vector<1x16xf32>,
    %swap3A_36 = arith.constant 0 : i32
    %swap3A_37 = arith.index_cast %swap3A_36 : i32 to index
    %swap3A_38 = arith.constant 32 : index
    %swap3A_39 = tpu.vector_load %arg11[%swap3A_37, %swap3A_38] {strides = array<i32>} : memref<16x128xf32, #tpu.memory_space<vmem>>, vector<1x16xf32>,
    %swap3A_40 = vector.shape_cast %swap3A_39 : vector<1x16xf32> to vector<16xf32>
    %swap3A_41 = vector.shape_cast %broadcast_in_dim3A_24 : vector<16xf32> to vector<1x16xf32>
    tpu.vector_store %arg11[%swap3A_37, %swap3A_38], %swap3A_41 {strides = array<i32>} : memref<16x128xf32, #tpu.memory_space<vmem>>, vector<1x16xf32>,
    %swap3A_42 = arith.constant 0 : i32
    %swap3A_43 = arith.index_cast %swap3A_42 : i32 to index
    %swap3A_44 = arith.constant 48 : index
    %swap3A_45 = tpu.vector_load %arg11[%swap3A_43, %swap3A_44] {strides = array<i32>} : memref<16x128xf32, #tpu.memory_space<vmem>>, vector<1x16xf32>,
    %swap3A_46 = vector.shape_cast %swap3A_45 : vector<1x16xf32> to vector<16xf32>
    %swap3A_47 = vector.shape_cast %broadcast_in_dim3A_24 : vector<16xf32> to vector<1x16xf32>
    tpu.vector_store %arg11[%swap3A_43, %swap3A_44], %swap3A_47 {strides = array<i32>} : memref<16x128xf32, #tpu.memory_space<vmem>>, vector<1x16xf32>,
    %swap3A_48 = arith.constant 0 : i32
    %swap3A_49 = arith.index_cast %swap3A_48 : i32 to index
    %swap3A_50 = arith.constant 64 : index
    %swap3A_51 = tpu.vector_load %arg11[%swap3A_49, %swap3A_50] {strides = array<i32>} : memref<16x128xf32, #tpu.memory_space<vmem>>, vector<1x16xf32>,
    %swap3A_52 = vector.shape_cast %swap3A_51 : vector<1x16xf32> to vector<16xf32>
    %swap3A_53 = vector.shape_cast %broadcast_in_dim3A_24 : vector<16xf32> to vector<1x16xf32>
    tpu.vector_store %arg11[%swap3A_49, %swap3A_50], %swap3A_53 {strides = array<i32>} : memref<16x128xf32, #tpu.memory_space<vmem>>, vector<1x16xf32>,
    %swap3A_54 = arith.constant 0 : i32
    %swap3A_55 = arith.index_cast %swap3A_54 : i32 to index
    %swap3A_56 = arith.constant 80 : index
    %swap3A_57 = tpu.vector_load %arg11[%swap3A_55, %swap3A_56] {strides = array<i32>} : memref<16x128xf32, #tpu.memory_space<vmem>>, vector<1x16xf32>,
    %swap3A_58 = vector.shape_cast %swap3A_57 : vector<1x16xf32> to vector<16xf32>
    %swap3A_59 = vector.shape_cast %broadcast_in_dim3A_24 : vector<16xf32> to vector<1x16xf32>
    tpu.vector_store %arg11[%swap3A_55, %swap3A_56], %swap3A_59 {strides = array<i32>} : memref<16x128xf32, #tpu.memory_space<vmem>>, vector<1x16xf32>,
    %swap3A_60 = arith.constant 0 : i32
    %swap3A_61 = arith.index_cast %swap3A_60 : i32 to index
    %swap3A_62 = arith.constant 96 : index
    %swap3A_63 = tpu.vector_load %arg11[%swap3A_61, %swap3A_62] {strides = array<i32>} : memref<16x128xf32, #tpu.memory_space<vmem>>, vector<1x16xf32>,
    %swap3A_64 = vector.shape_cast %swap3A_63 : vector<1x16xf32> to vector<16xf32>
    %swap3A_65 = vector.shape_cast %broadcast_in_dim3A_24 : vector<16xf32> to vector<1x16xf32>
    tpu.vector_store %arg11[%swap3A_61, %swap3A_62], %swap3A_65 {strides = array<i32>} : memref<16x128xf32, #tpu.memory_space<vmem>>, vector<1x16xf32>,
    %swap3A_66 = arith.constant 0 : i32
    %swap3A_67 = arith.index_cast %swap3A_66 : i32 to index
    %swap3A_68 = arith.constant 112 : index
    %swap3A_69 = tpu.vector_load %arg11[%swap3A_67, %swap3A_68] {strides = array<i32>} : memref<16x128xf32, #tpu.memory_space<vmem>>, vector<1x16xf32>,
    %swap3A_70 = vector.shape_cast %swap3A_69 : vector<1x16xf32> to vector<16xf32>
    %swap3A_71 = vector.shape_cast %broadcast_in_dim3A_24 : vector<16xf32> to vector<1x16xf32>
    tpu.vector_store %arg11[%swap3A_67, %swap3A_68], %swap3A_71 {strides = array<i32>} : memref<16x128xf32, #tpu.memory_space<vmem>>, vector<1x16xf32>,
    %swap3A_72 = arith.constant 1 : i32
    %swap3A_73 = arith.index_cast %swap3A_72 : i32 to index
    %swap3A_74 = arith.constant 0 : index
    %swap3A_75 = tpu.vector_load %arg11[%swap3A_73, %swap3A_74] {strides = array<i32>} : memref<16x128xf32, #tpu.memory_space<vmem>>, vector<1x16xf32>,
    %swap3A_76 = vector.shape_cast %swap3A_75 : vector<1x16xf32> to vector<16xf32>
    %swap3A_77 = vector.shape_cast %broadcast_in_dim3A_24 : vector<16xf32> to vector<1x16xf32>
    tpu.vector_store %arg11[%swap3A_73, %swap3A_74], %swap3A_77 {strides = array<i32>} : memref<16x128xf32, #tpu.memory_space<vmem>>, vector<1x16xf32>,
    %swap3A_78 = arith.constant 1 : i32
    %swap3A_79 = arith.index_cast %swap3A_78 : i32 to index
    %swap3A_80 = arith.constant 16 : index
    %swap3A_81 = tpu.vector_load %arg11[%swap3A_79, %swap3A_80] {strides = array<i32>} : memref<16x128xf32, #tpu.memory_space<vmem>>, vector<1x16xf32>,
    %swap3A_82 = vector.shape_cast %swap3A_81 : vector<1x16xf32> to vector<16xf32>
    %swap3A_83 = vector.shape_cast %broadcast_in_dim3A_24 : vector<16xf32> to vector<1x16xf32>
    tpu.vector_store %arg11[%swap3A_79, %swap3A_80], %swap3A_83 {strides = array<i32>} : memref<16x128xf32, #tpu.memory_space<vmem>>, vector<1x16xf32>,
    %swap3A_84 = arith.constant 1 : i32
    %swap3A_85 = arith.index_cast %swap3A_84 : i32 to index
    %swap3A_86 = arith.constant 32 : index
    %swap3A_87 = tpu.vector_load %arg11[%swap3A_85, %swap3A_86] {strides = array<i32>} : memref<16x128xf32, #tpu.memory_space<vmem>>, vector<1x16xf32>,
    %swap3A_88 = vector.shape_cast %swap3A_87 : vector<1x16xf32> to vector<16xf32>
    %swap3A_89 = vector.shape_cast %broadcast_in_dim3A_24 : vector<16xf32> to vector<1x16xf32>
    tpu.vector_store %arg11[%swap3A_85, %swap3A_86], %swap3A_89 {strides = array<i32>} : memref<16x128xf32, #tpu.memory_space<vmem>>, vector<1x16xf32>,
    %swap3A_90 = arith.constant 1 : i32
    %swap3A_91 = arith.index_cast %swap3A_90 : i32 to index
    %swap3A_92 = arith.constant 48 : index
    %swap3A_93 = tpu.vector_load %arg11[%swap3A_91, %swap3A_92] {strides = array<i32>} : memref<16x128xf32, #tpu.memory_space<vmem>>, vector<1x16xf32>,
    %swap3A_94 = vector.shape_cast %swap3A_93 : vector<1x16xf32> to vector<16xf32>
    %swap3A_95 = vector.shape_cast %broadcast_in_dim3A_24 : vector<16xf32> to vector<1x16xf32>
    tpu.vector_store %arg11[%swap3A_91, %swap3A_92], %swap3A_95 {strides = array<i32>} : memref<16x128xf32, #tpu.memory_space<vmem>>, vector<1x16xf32>,
    %swap3A_96 = arith.constant 1 : i32
    %swap3A_97 = arith.index_cast %swap3A_96 : i32 to index
    %swap3A_98 = arith.constant 64 : index
    %swap3A_99 = tpu.vector_load %arg11[%swap3A_97, %swap3A_98] {strides = array<i32>} : memref<16x128xf32, #tpu.memory_space<vmem>>, vector<1x16xf32>,
    %swap3A_100 = vector.shape_cast %swap3A_99 : vector<1x16xf32> to vector<16xf32>
    %swap3A_101 = vector.shape_cast %broadcast_in_dim3A_24 : vector<16xf32> to vector<1x16xf32>
    tpu.vector_store %arg11[%swap3A_97, %swap3A_98], %swap3A_101 {strides = array<i32>} : memref<16x128xf32, #tpu.memory_space<vmem>>, vector<1x16xf32>,
    %swap3A_102 = arith.constant 1 : i32
    %swap3A_103 = arith.index_cast %swap3A_102 : i32 to index
    %swap3A_104 = arith.constant 80 : index
    %swap3A_105 = tpu.vector_load %arg11[%swap3A_103, %swap3A_104] {strides = array<i32>} : memref<16x128xf32, #tpu.memory_space<vmem>>, vector<1x16xf32>,
    %swap3A_106 = vector.shape_cast %swap3A_105 : vector<1x16xf32> to vector<16xf32>
    %swap3A_107 = vector.shape_cast %broadcast_in_dim3A_24 : vector<16xf32> to vector<1x16xf32>
    tpu.vector_store %arg11[%swap3A_103, %swap3A_104], %swap3A_107 {strides = array<i32>} : memref<16x128xf32, #tpu.memory_space<vmem>>, vector<1x16xf32>,
    %swap3A_108 = arith.constant 1 : i32
    %swap3A_109 = arith.index_cast %swap3A_108 : i32 to index
    %swap3A_110 = arith.constant 96 : index
    %swap3A_111 = tpu.vector_load %arg11[%swap3A_109, %swap3A_110] {strides = array<i32>} : memref<16x128xf32, #tpu.memory_space<vmem>>, vector<1x16xf32>,
    %swap3A_112 = vector.shape_cast %swap3A_111 : vector<1x16xf32> to vector<16xf32>
    %swap3A_113 = vector.shape_cast %broadcast_in_dim3A_24 : vector<16xf32> to vector<1x16xf32>
    tpu.vector_store %arg11[%swap3A_109, %swap3A_110], %swap3A_113 {strides = array<i32>} : memref<16x128xf32, #tpu.memory_space<vmem>>, vector<1x16xf32>,
    %swap3A_114 = arith.constant 1 : i32
    %swap3A_115 = arith.index_cast %swap3A_114 : i32 to index
    %swap3A_116 = arith.constant 112 : index
    %swap3A_117 = tpu.vector_load %arg11[%swap3A_115, %swap3A_116] {strides = array<i32>} : memref<16x128xf32, #tpu.memory_space<vmem>>, vector<1x16xf32>,
    %swap3A_118 = vector.shape_cast %swap3A_117 : vector<1x16xf32> to vector<16xf32>
    %swap3A_119 = vector.shape_cast %broadcast_in_dim3A_24 : vector<16xf32> to vector<1x16xf32>
    tpu.vector_store %arg11[%swap3A_115, %swap3A_116], %swap3A_119 {strides = array<i32>} : memref<16x128xf32, #tpu.memory_space<vmem>>, vector<1x16xf32>,
    %swap3A_120 = arith.constant 2 : i32
    %swap3A_121 = arith.index_cast %swap3A_120 : i32 to index
    %swap3A_122 = arith.constant 0 : index
    %swap3A_123 = tpu.vector_load %arg11[%swap3A_121, %swap3A_122] {strides = array<i32>} : memref<16x128xf32, #tpu.memory_space<vmem>>, vector<1x16xf32>,
    %swap3A_124 = vector.shape_cast %swap3A_123 : vector<1x16xf32> to vector<16xf32>
    %swap3A_125 = vector.shape_cast %broadcast_in_dim3A_24 : vector<16xf32> to vector<1x16xf32>
    tpu.vector_store %arg11[%swap3A_121, %swap3A_122], %swap3A_125 {strides = array<i32>} : memref<16x128xf32, #tpu.memory_space<vmem>>, vector<1x16xf32>,
    %swap3A_126 = arith.constant 2 : i32
    %swap3A_127 = arith.index_cast %swap3A_126 : i32 to index
    %swap3A_128 = arith.constant 16 : index
    %swap3A_129 = tpu.vector_load %arg11[%swap3A_127, %swap3A_128] {strides = array<i32>} : memref<16x128xf32, #tpu.memory_space<vmem>>, vector<1x16xf32>,
    %swap3A_130 = vector.shape_cast %swap3A_129 : vector<1x16xf32> to vector<16xf32>
    %swap3A_131 = vector.shape_cast %broadcast_in_dim3A_24 : vector<16xf32> to vector<1x16xf32>
    tpu.vector_store %arg11[%swap3A_127, %swap3A_128], %swap3A_131 {strides = array<i32>} : memref<16x128xf32, #tpu.memory_space<vmem>>, vector<1x16xf32>,
    %swap3A_132 = arith.constant 2 : i32
    %swap3A_133 = arith.index_cast %swap3A_132 : i32 to index
    %swap3A_134 = arith.constant 32 : index
    %swap3A_135 = tpu.vector_load %arg11[%swap3A_133, %swap3A_134] {strides = array<i32>} : memref<16x128xf32, #tpu.memory_space<vmem>>, vector<1x16xf32>,
    %swap3A_136 = vector.shape_cast %swap3A_135 : vector<1x16xf32> to vector<16xf32>
    %swap3A_137 = vector.shape_cast %broadcast_in_dim3A_24 : vector<16xf32> to vector<1x16xf32>
    tpu.vector_store %arg11[%swap3A_133, %swap3A_134], %swap3A_137 {strides = array<i32>} : memref<16x128xf32, #tpu.memory_space<vmem>>, vector<1x16xf32>,
    %swap3A_138 = arith.constant 2 : i32
    %swap3A_139 = arith.index_cast %swap3A_138 : i32 to index
    %swap3A_140 = arith.constant 48 : index
    %swap3A_141 = tpu.vector_load %arg11[%swap3A_139, %swap3A_140] {strides = array<i32>} : memref<16x128xf32, #tpu.memory_space<vmem>>, vector<1x16xf32>,
    %swap3A_142 = vector.shape_cast %swap3A_141 : vector<1x16xf32> to vector<16xf32>
    %swap3A_143 = vector.shape_cast %broadcast_in_dim3A_24 : vector<16xf32> to vector<1x16xf32>
    tpu.vector_store %arg11[%swap3A_139, %swap3A_140], %swap3A_143 {strides = array<i32>} : memref<16x128xf32, #tpu.memory_space<vmem>>, vector<1x16xf32>,
    %swap3A_144 = arith.constant 2 : i32
    %swap3A_145 = arith.index_cast %swap3A_144 : i32 to index
    %swap3A_146 = arith.constant 64 : index
    %swap3A_147 = tpu.vector_load %arg11[%swap3A_145, %swap3A_146] {strides = array<i32>} : memref<16x128xf32, #tpu.memory_space<vmem>>, vector<1x16xf32>,
    %swap3A_148 = vector.shape_cast %swap3A_147 : vector<1x16xf32> to vector<16xf32>
    %swap3A_149 = vector.shape_cast %broadcast_in_dim3A_24 : vector<16xf32> to vector<1x16xf32>
    tpu.vector_store %arg11[%swap3A_145, %swap3A_146], %swap3A_149 {strides = array<i32>} : memref<16x128xf32, #tpu.memory_space<vmem>>, vector<1x16xf32>,
    %swap3A_150 = arith.constant 2 : i32
    %swap3A_151 = arith.index_cast %swap3A_150 : i32 to index
    %swap3A_152 = arith.constant 80 : index
    %swap3A_153 = tpu.vector_load %arg11[%swap3A_151, %swap3A_152] {strides = array<i32>} : memref<16x128xf32, #tpu.memory_space<vmem>>, vector<1x16xf32>,
    %swap3A_154 = vector.shape_cast %swap3A_153 : vector<1x16xf32> to vector<16xf32>
    %swap3A_155 = vector.shape_cast %broadcast_in_dim3A_24 : vector<16xf32> to vector<1x16xf32>
    tpu.vector_store %arg11[%swap3A_151, %swap3A_152], %swap3A_155 {strides = array<i32>} : memref<16x128xf32, #tpu.memory_space<vmem>>, vector<1x16xf32>,
    %swap3A_156 = arith.constant 2 : i32
    %swap3A_157 = arith.index_cast %swap3A_156 : i32 to index
    %swap3A_158 = arith.constant 96 : index
    %swap3A_159 = tpu.vector_load %arg11[%swap3A_157, %swap3A_158] {strides = array<i32>} : memref<16x128xf32, #tpu.memory_space<vmem>>, vector<1x16xf32>,
    %swap3A_160 = vector.shape_cast %swap3A_159 : vector<1x16xf32> to vector<16xf32>
    %swap3A_161 = vector.shape_cast %broadcast_in_dim3A_24 : vector<16xf32> to vector<1x16xf32>
    tpu.vector_store %arg11[%swap3A_157, %swap3A_158], %swap3A_161 {strides = array<i32>} : memref<16x128xf32, #tpu.memory_space<vmem>>, vector<1x16xf32>,
    %swap3A_162 = arith.constant 2 : i32
    %swap3A_163 = arith.index_cast %swap3A_162 : i32 to index
    %swap3A_164 = arith.constant 112 : index
    %swap3A_165 = tpu.vector_load %arg11[%swap3A_163, %swap3A_164] {strides = array<i32>} : memref<16x128xf32, #tpu.memory_space<vmem>>, vector<1x16xf32>,
    %swap3A_166 = vector.shape_cast %swap3A_165 : vector<1x16xf32> to vector<16xf32>
    %swap3A_167 = vector.shape_cast %broadcast_in_dim3A_24 : vector<16xf32> to vector<1x16xf32>
    tpu.vector_store %arg11[%swap3A_163, %swap3A_164], %swap3A_167 {strides = array<i32>} : memref<16x128xf32, #tpu.memory_space<vmem>>, vector<1x16xf32>,
    %swap3A_168 = arith.constant 3 : i32
    %swap3A_169 = arith.index_cast %swap3A_168 : i32 to index
    %swap3A_170 = arith.constant 0 : index
    %swap3A_171 = tpu.vector_load %arg11[%swap3A_169, %swap3A_170] {strides = array<i32>} : memref<16x128xf32, #tpu.memory_space<vmem>>, vector<1x16xf32>,
    %swap3A_172 = vector.shape_cast %swap3A_171 : vector<1x16xf32> to vector<16xf32>
    %swap3A_173 = vector.shape_cast %broadcast_in_dim3A_24 : vector<16xf32> to vector<1x16xf32>
    tpu.vector_store %arg11[%swap3A_169, %swap3A_170], %swap3A_173 {strides = array<i32>} : memref<16x128xf32, #tpu.memory_space<vmem>>, vector<1x16xf32>,
    %swap3A_174 = arith.constant 3 : i32
    %swap3A_175 = arith.index_cast %swap3A_174 : i32 to index
    %swap3A_176 = arith.constant 16 : index
    %swap3A_177 = tpu.vector_load %arg11[%swap3A_175, %swap3A_176] {strides = array<i32>} : memref<16x128xf32, #tpu.memory_space<vmem>>, vector<1x16xf32>,
    %swap3A_178 = vector.shape_cast %swap3A_177 : vector<1x16xf32> to vector<16xf32>
    %swap3A_179 = vector.shape_cast %broadcast_in_dim3A_24 : vector<16xf32> to vector<1x16xf32>
    tpu.vector_store %arg11[%swap3A_175, %swap3A_176], %swap3A_179 {strides = array<i32>} : memref<16x128xf32, #tpu.memory_space<vmem>>, vector<1x16xf32>,
    %swap3A_180 = arith.constant 3 : i32
    %swap3A_181 = arith.index_cast %swap3A_180 : i32 to index
    %swap3A_182 = arith.constant 32 : index
    %swap3A_183 = tpu.vector_load %arg11[%swap3A_181, %swap3A_182] {strides = array<i32>} : memref<16x128xf32, #tpu.memory_space<vmem>>, vector<1x16xf32>,
    %swap3A_184 = vector.shape_cast %swap3A_183 : vector<1x16xf32> to vector<16xf32>
    %swap3A_185 = vector.shape_cast %broadcast_in_dim3A_24 : vector<16xf32> to vector<1x16xf32>
    tpu.vector_store %arg11[%swap3A_181, %swap3A_182], %swap3A_185 {strides = array<i32>} : memref<16x128xf32, #tpu.memory_space<vmem>>, vector<1x16xf32>,
    %swap3A_186 = arith.constant 3 : i32
    %swap3A_187 = arith.index_cast %swap3A_186 : i32 to index
    %swap3A_188 = arith.constant 48 : index
    %swap3A_189 = tpu.vector_load %arg11[%swap3A_187, %swap3A_188] {strides = array<i32>} : memref<16x128xf32, #tpu.memory_space<vmem>>, vector<1x16xf32>,
    %swap3A_190 = vector.shape_cast %swap3A_189 : vector<1x16xf32> to vector<16xf32>
    %swap3A_191 = vector.shape_cast %broadcast_in_dim3A_24 : vector<16xf32> to vector<1x16xf32>
    tpu.vector_store %arg11[%swap3A_187, %swap3A_188], %swap3A_191 {strides = array<i32>} : memref<16x128xf32, #tpu.memory_space<vmem>>, vector<1x16xf32>,
    %swap3A_192 = arith.constant 3 : i32
    %swap3A_193 = arith.index_cast %swap3A_192 : i32 to index
    %swap3A_194 = arith.constant 64 : index
    %swap3A_195 = tpu.vector_load %arg11[%swap3A_193, %swap3A_194] {strides = array<i32>} : memref<16x128xf32, #tpu.memory_space<vmem>>, vector<1x16xf32>,
    %swap3A_196 = vector.shape_cast %swap3A_195 : vector<1x16xf32> to vector<16xf32>
    %swap3A_197 = vector.shape_cast %broadcast_in_dim3A_24 : vector<16xf32> to vector<1x16xf32>
    tpu.vector_store %arg11[%swap3A_193, %swap3A_194], %swap3A_197 {strides = array<i32>} : memref<16x128xf32, #tpu.memory_space<vmem>>, vector<1x16xf32>,
    %swap3A_198 = arith.constant 3 : i32
    %swap3A_199 = arith.index_cast %swap3A_198 : i32 to index
    %swap3A_200 = arith.constant 80 : index
    %swap3A_201 = tpu.vector_load %arg11[%swap3A_199, %swap3A_200] {strides = array<i32>} : memref<16x128xf32, #tpu.memory_space<vmem>>, vector<1x16xf32>,
    %swap3A_202 = vector.shape_cast %swap3A_201 : vector<1x16xf32> to vector<16xf32>
    %swap3A_203 = vector.shape_cast %broadcast_in_dim3A_24 : vector<16xf32> to vector<1x16xf32>
    tpu.vector_store %arg11[%swap3A_199, %swap3A_200], %swap3A_203 {strides = array<i32>} : memref<16x128xf32, #tpu.memory_space<vmem>>, vector<1x16xf32>,
    %swap3A_204 = arith.constant 3 : i32
    %swap3A_205 = arith.index_cast %swap3A_204 : i32 to index
    %swap3A_206 = arith.constant 96 : index
    %swap3A_207 = tpu.vector_load %arg11[%swap3A_205, %swap3A_206] {strides = array<i32>} : memref<16x128xf32, #tpu.memory_space<vmem>>, vector<1x16xf32>,
    %swap3A_208 = vector.shape_cast %swap3A_207 : vector<1x16xf32> to vector<16xf32>
    %swap3A_209 = vector.shape_cast %broadcast_in_dim3A_24 : vector<16xf32> to vector<1x16xf32>
    tpu.vector_store %arg11[%swap3A_205, %swap3A_206], %swap3A_209 {strides = array<i32>} : memref<16x128xf32, #tpu.memory_space<vmem>>, vector<1x16xf32>,
    %swap3A_210 = arith.constant 3 : i32
    %swap3A_211 = arith.index_cast %swap3A_210 : i32 to index
    %swap3A_212 = arith.constant 112 : index
    %swap3A_213 = tpu.vector_load %arg11[%swap3A_211, %swap3A_212] {strides = array<i32>} : memref<16x128xf32, #tpu.memory_space<vmem>>, vector<1x16xf32>,
    %swap3A_214 = vector.shape_cast %swap3A_213 : vector<1x16xf32> to vector<16xf32>
    %swap3A_215 = vector.shape_cast %broadcast_in_dim3A_24 : vector<16xf32> to vector<1x16xf32>
    tpu.vector_store %arg11[%swap3A_211, %swap3A_212], %swap3A_215 {strides = array<i32>} : memref<16x128xf32, #tpu.memory_space<vmem>>, vector<1x16xf32>,
    %swap3A_216 = arith.constant 4 : i32
    %swap3A_217 = arith.index_cast %swap3A_216 : i32 to index
    %swap3A_218 = arith.constant 0 : index
    %swap3A_219 = tpu.vector_load %arg11[%swap3A_217, %swap3A_218] {strides = array<i32>} : memref<16x128xf32, #tpu.memory_space<vmem>>, vector<1x16xf32>,
    %swap3A_220 = vector.shape_cast %swap3A_219 : vector<1x16xf32> to vector<16xf32>
    %swap3A_221 = vector.shape_cast %broadcast_in_dim3A_24 : vector<16xf32> to vector<1x16xf32>
    tpu.vector_store %arg11[%swap3A_217, %swap3A_218], %swap3A_221 {strides = array<i32>} : memref<16x128xf32, #tpu.memory_space<vmem>>, vector<1x16xf32>,
    %swap3A_222 = arith.constant 4 : i32
    %swap3A_223 = arith.index_cast %swap3A_222 : i32 to index
    %swap3A_224 = arith.constant 16 : index
    %swap3A_225 = tpu.vector_load %arg11[%swap3A_223, %swap3A_224] {strides = array<i32>} : memref<16x128xf32, #tpu.memory_space<vmem>>, vector<1x16xf32>,
    %swap3A_226 = vector.shape_cast %swap3A_225 : vector<1x16xf32> to vector<16xf32>
    %swap3A_227 = vector.shape_cast %broadcast_in_dim3A_24 : vector<16xf32> to vector<1x16xf32>
    tpu.vector_store %arg11[%swap3A_223, %swap3A_224], %swap3A_227 {strides = array<i32>} : memref<16x128xf32, #tpu.memory_space<vmem>>, vector<1x16xf32>,
    %swap3A_228 = arith.constant 4 : i32
    %swap3A_229 = arith.index_cast %swap3A_228 : i32 to index
    %swap3A_230 = arith.constant 32 : index
    %swap3A_231 = tpu.vector_load %arg11[%swap3A_229, %swap3A_230] {strides = array<i32>} : memref<16x128xf32, #tpu.memory_space<vmem>>, vector<1x16xf32>,
    %swap3A_232 = vector.shape_cast %swap3A_231 : vector<1x16xf32> to vector<16xf32>
    %swap3A_233 = vector.shape_cast %broadcast_in_dim3A_24 : vector<16xf32> to vector<1x16xf32>
    tpu.vector_store %arg11[%swap3A_229, %swap3A_230], %swap3A_233 {strides = array<i32>} : memref<16x128xf32, #tpu.memory_space<vmem>>, vector<1x16xf32>,
    %swap3A_234 = arith.constant 4 : i32
    %swap3A_235 = arith.index_cast %swap3A_234 : i32 to index
    %swap3A_236 = arith.constant 48 : index
    %swap3A_237 = tpu.vector_load %arg11[%swap3A_235, %swap3A_236] {strides = array<i32>} : memref<16x128xf32, #tpu.memory_space<vmem>>, vector<1x16xf32>,
    %swap3A_238 = vector.shape_cast %swap3A_237 : vector<1x16xf32> to vector<16xf32>
    %swap3A_239 = vector.shape_cast %broadcast_in_dim3A_24 : vector<16xf32> to vector<1x16xf32>
    tpu.vector_store %arg11[%swap3A_235, %swap3A_236], %swap3A_239 {strides = array<i32>} : memref<16x128xf32, #tpu.memory_space<vmem>>, vector<1x16xf32>,
    %swap3A_240 = arith.constant 4 : i32
    %swap3A_241 = arith.index_cast %swap3A_240 : i32 to index
    %swap3A_242 = arith.constant 64 : index
    %swap3A_243 = tpu.vector_load %arg11[%swap3A_241, %swap3A_242] {strides = array<i32>} : memref<16x128xf32, #tpu.memory_space<vmem>>, vector<1x16xf32>,
    %swap3A_244 = vector.shape_cast %swap3A_243 : vector<1x16xf32> to vector<16xf32>
    %swap3A_245 = vector.shape_cast %broadcast_in_dim3A_24 : vector<16xf32> to vector<1x16xf32>
    tpu.vector_store %arg11[%swap3A_241, %swap3A_242], %swap3A_245 {strides = array<i32>} : memref<16x128xf32, #tpu.memory_space<vmem>>, vector<1x16xf32>,
    %swap3A_246 = arith.constant 4 : i32
    %swap3A_247 = arith.index_cast %swap3A_246 : i32 to index
    %swap3A_248 = arith.constant 80 : index
    %swap3A_249 = tpu.vector_load %arg11[%swap3A_247, %swap3A_248] {strides = array<i32>} : memref<16x128xf32, #tpu.memory_space<vmem>>, vector<1x16xf32>,
    %swap3A_250 = vector.shape_cast %swap3A_249 : vector<1x16xf32> to vector<16xf32>
    %swap3A_251 = vector.shape_cast %broadcast_in_dim3A_24 : vector<16xf32> to vector<1x16xf32>
    tpu.vector_store %arg11[%swap3A_247, %swap3A_248], %swap3A_251 {strides = array<i32>} : memref<16x128xf32, #tpu.memory_space<vmem>>, vector<1x16xf32>,
    %swap3A_252 = arith.constant 4 : i32
    %swap3A_253 = arith.index_cast %swap3A_252 : i32 to index
    %swap3A_254 = arith.constant 96 : index
    %swap3A_255 = tpu.vector_load %arg11[%swap3A_253, %swap3A_254] {strides = array<i32>} : memref<16x128xf32, #tpu.memory_space<vmem>>, vector<1x16xf32>,
    %swap3A_256 = vector.shape_cast %swap3A_255 : vector<1x16xf32> to vector<16xf32>
    %swap3A_257 = vector.shape_cast %broadcast_in_dim3A_24 : vector<16xf32> to vector<1x16xf32>
    tpu.vector_store %arg11[%swap3A_253, %swap3A_254], %swap3A_257 {strides = array<i32>} : memref<16x128xf32, #tpu.memory_space<vmem>>, vector<1x16xf32>,
    %swap3A_258 = arith.constant 4 : i32
    %swap3A_259 = arith.index_cast %swap3A_258 : i32 to index
    %swap3A_260 = arith.constant 112 : index
    %swap3A_261 = tpu.vector_load %arg11[%swap3A_259, %swap3A_260] {strides = array<i32>} : memref<16x128xf32, #tpu.memory_space<vmem>>, vector<1x16xf32>,
    %swap3A_262 = vector.shape_cast %swap3A_261 : vector<1x16xf32> to vector<16xf32>
    %swap3A_263 = vector.shape_cast %broadcast_in_dim3A_24 : vector<16xf32> to vector<1x16xf32>
    tpu.vector_store %arg11[%swap3A_259, %swap3A_260], %swap3A_263 {strides = array<i32>} : memref<16x128xf32, #tpu.memory_space<vmem>>, vector<1x16xf32>,
    %swap3A_264 = arith.constant 5 : i32
    %swap3A_265 = arith.index_cast %swap3A_264 : i32 to index
    %swap3A_266 = arith.constant 0 : index
    %swap3A_267 = tpu.vector_load %arg11[%swap3A_265, %swap3A_266] {strides = array<i32>} : memref<16x128xf32, #tpu.memory_space<vmem>>, vector<1x16xf32>,
    %swap3A_268 = vector.shape_cast %swap3A_267 : vector<1x16xf32> to vector<16xf32>
    %swap3A_269 = vector.shape_cast %broadcast_in_dim3A_24 : vector<16xf32> to vector<1x16xf32>
    tpu.vector_store %arg11[%swap3A_265, %swap3A_266], %swap3A_269 {strides = array<i32>} : memref<16x128xf32, #tpu.memory_space<vmem>>, vector<1x16xf32>,
    %swap3A_270 = arith.constant 5 : i32
    %swap3A_271 = arith.index_cast %swap3A_270 : i32 to index
    %swap3A_272 = arith.constant 16 : index
    %swap3A_273 = tpu.vector_load %arg11[%swap3A_271, %swap3A_272] {strides = array<i32>} : memref<16x128xf32, #tpu.memory_space<vmem>>, vector<1x16xf32>,
    %swap3A_274 = vector.shape_cast %swap3A_273 : vector<1x16xf32> to vector<16xf32>
    %swap3A_275 = vector.shape_cast %broadcast_in_dim3A_24 : vector<16xf32> to vector<1x16xf32>
    tpu.vector_store %arg11[%swap3A_271, %swap3A_272], %swap3A_275 {strides = array<i32>} : memref<16x128xf32, #tpu.memory_space<vmem>>, vector<1x16xf32>,
    %swap3A_276 = arith.constant 5 : i32
    %swap3A_277 = arith.index_cast %swap3A_276 : i32 to index
    %swap3A_278 = arith.constant 32 : index
    %swap3A_279 = tpu.vector_load %arg11[%swap3A_277, %swap3A_278] {strides = array<i32>} : memref<16x128xf32, #tpu.memory_space<vmem>>, vector<1x16xf32>,
    %swap3A_280 = vector.shape_cast %swap3A_279 : vector<1x16xf32> to vector<16xf32>
    %swap3A_281 = vector.shape_cast %broadcast_in_dim3A_24 : vector<16xf32> to vector<1x16xf32>
    tpu.vector_store %arg11[%swap3A_277, %swap3A_278], %swap3A_281 {strides = array<i32>} : memref<16x128xf32, #tpu.memory_space<vmem>>, vector<1x16xf32>,
    %swap3A_282 = arith.constant 5 : i32
    %swap3A_283 = arith.index_cast %swap3A_282 : i32 to index
    %swap3A_284 = arith.constant 48 : index
    %swap3A_285 = tpu.vector_load %arg11[%swap3A_283, %swap3A_284] {strides = array<i32>} : memref<16x128xf32, #tpu.memory_space<vmem>>, vector<1x16xf32>,
    %swap3A_286 = vector.shape_cast %swap3A_285 : vector<1x16xf32> to vector<16xf32>
    %swap3A_287 = vector.shape_cast %broadcast_in_dim3A_24 : vector<16xf32> to vector<1x16xf32>
    tpu.vector_store %arg11[%swap3A_283, %swap3A_284], %swap3A_287 {strides = array<i32>} : memref<16x128xf32, #tpu.memory_space<vmem>>, vector<1x16xf32>,
    %swap3A_288 = arith.constant 5 : i32
    %swap3A_289 = arith.index_cast %swap3A_288 : i32 to index
    %swap3A_290 = arith.constant 64 : index
    %swap3A_291 = tpu.vector_load %arg11[%swap3A_289, %swap3A_290] {strides = array<i32>} : memref<16x128xf32, #tpu.memory_space<vmem>>, vector<1x16xf32>,
    %swap3A_292 = vector.shape_cast %swap3A_291 : vector<1x16xf32> to vector<16xf32>
    %swap3A_293 = vector.shape_cast %broadcast_in_dim3A_24 : vector<16xf32> to vector<1x16xf32>
    tpu.vector_store %arg11[%swap3A_289, %swap3A_290], %swap3A_293 {strides = array<i32>} : memref<16x128xf32, #tpu.memory_space<vmem>>, vector<1x16xf32>,
    %swap3A_294 = arith.constant 5 : i32
    %swap3A_295 = arith.index_cast %swap3A_294 : i32 to index
    %swap3A_296 = arith.constant 80 : index
    %swap3A_297 = tpu.vector_load %arg11[%swap3A_295, %swap3A_296] {strides = array<i32>} : memref<16x128xf32, #tpu.memory_space<vmem>>, vector<1x16xf32>,
    %swap3A_298 = vector.shape_cast %swap3A_297 : vector<1x16xf32> to vector<16xf32>
    %swap3A_299 = vector.shape_cast %broadcast_in_dim3A_24 : vector<16xf32> to vector<1x16xf32>
    tpu.vector_store %arg11[%swap3A_295, %swap3A_296], %swap3A_299 {strides = array<i32>} : memref<16x128xf32, #tpu.memory_space<vmem>>, vector<1x16xf32>,
    %swap3A_300 = arith.constant 5 : i32
    %swap3A_301 = arith.index_cast %swap3A_300 : i32 to index
    %swap3A_302 = arith.constant 96 : index
    %swap3A_303 = tpu.vector_load %arg11[%swap3A_301, %swap3A_302] {strides = array<i32>} : memref<16x128xf32, #tpu.memory_space<vmem>>, vector<1x16xf32>,
    %swap3A_304 = vector.shape_cast %swap3A_303 : vector<1x16xf32> to vector<16xf32>
    %swap3A_305 = vector.shape_cast %broadcast_in_dim3A_24 : vector<16xf32> to vector<1x16xf32>
    tpu.vector_store %arg11[%swap3A_301, %swap3A_302], %swap3A_305 {strides = array<i32>} : memref<16x128xf32, #tpu.memory_space<vmem>>, vector<1x16xf32>,
    %swap3A_306 = arith.constant 5 : i32
    %swap3A_307 = arith.index_cast %swap3A_306 : i32 to index
    %swap3A_308 = arith.constant 112 : index
    %swap3A_309 = tpu.vector_load %arg11[%swap3A_307, %swap3A_308] {strides = array<i32>} : memref<16x128xf32, #tpu.memory_space<vmem>>, vector<1x16xf32>,
    %swap3A_310 = vector.shape_cast %swap3A_309 : vector<1x16xf32> to vector<16xf32>
    %swap3A_311 = vector.shape_cast %broadcast_in_dim3A_24 : vector<16xf32> to vector<1x16xf32>
    tpu.vector_store %arg11[%swap3A_307, %swap3A_308], %swap3A_311 {strides = array<i32>} : memref<16x128xf32, #tpu.memory_space<vmem>>, vector<1x16xf32>,
    %swap3A_312 = arith.constant 6 : i32
    %swap3A_313 = arith.index_cast %swap3A_312 : i32 to index
    %swap3A_314 = arith.constant 0 : index
    %swap3A_315 = tpu.vector_load %arg11[%swap3A_313, %swap3A_314] {strides = array<i32>} : memref<16x128xf32, #tpu.memory_space<vmem>>, vector<1x16xf32>,
    %swap3A_316 = vector.shape_cast %swap3A_315 : vector<1x16xf32> to vector<16xf32>
    %swap3A_317 = vector.shape_cast %broadcast_in_dim3A_24 : vector<16xf32> to vector<1x16xf32>
    tpu.vector_store %arg11[%swap3A_313, %swap3A_314], %swap3A_317 {strides = array<i32>} : memref<16x128xf32, #tpu.memory_space<vmem>>, vector<1x16xf32>,
    %swap3A_318 = arith.constant 6 : i32
    %swap3A_319 = arith.index_cast %swap3A_318 : i32 to index
    %swap3A_320 = arith.constant 16 : index
    %swap3A_321 = tpu.vector_load %arg11[%swap3A_319, %swap3A_320] {strides = array<i32>} : memref<16x128xf32, #tpu.memory_space<vmem>>, vector<1x16xf32>,
    %swap3A_322 = vector.shape_cast %swap3A_321 : vector<1x16xf32> to vector<16xf32>
    %swap3A_323 = vector.shape_cast %broadcast_in_dim3A_24 : vector<16xf32> to vector<1x16xf32>
    tpu.vector_store %arg11[%swap3A_319, %swap3A_320], %swap3A_323 {strides = array<i32>} : memref<16x128xf32, #tpu.memory_space<vmem>>, vector<1x16xf32>,
    %swap3A_324 = arith.constant 6 : i32
    %swap3A_325 = arith.index_cast %swap3A_324 : i32 to index
    %swap3A_326 = arith.constant 32 : index
    %swap3A_327 = tpu.vector_load %arg11[%swap3A_325, %swap3A_326] {strides = array<i32>} : memref<16x128xf32, #tpu.memory_space<vmem>>, vector<1x16xf32>,
    %swap3A_328 = vector.shape_cast %swap3A_327 : vector<1x16xf32> to vector<16xf32>
    %swap3A_329 = vector.shape_cast %broadcast_in_dim3A_24 : vector<16xf32> to vector<1x16xf32>
    tpu.vector_store %arg11[%swap3A_325, %swap3A_326], %swap3A_329 {strides = array<i32>} : memref<16x128xf32, #tpu.memory_space<vmem>>, vector<1x16xf32>,
    %swap3A_330 = arith.constant 6 : i32
    %swap3A_331 = arith.index_cast %swap3A_330 : i32 to index
    %swap3A_332 = arith.constant 48 : index
    %swap3A_333 = tpu.vector_load %arg11[%swap3A_331, %swap3A_332] {strides = array<i32>} : memref<16x128xf32, #tpu.memory_space<vmem>>, vector<1x16xf32>,
    %swap3A_334 = vector.shape_cast %swap3A_333 : vector<1x16xf32> to vector<16xf32>
    %swap3A_335 = vector.shape_cast %broadcast_in_dim3A_24 : vector<16xf32> to vector<1x16xf32>
    tpu.vector_store %arg11[%swap3A_331, %swap3A_332], %swap3A_335 {strides = array<i32>} : memref<16x128xf32, #tpu.memory_space<vmem>>, vector<1x16xf32>,
    %swap3A_336 = arith.constant 6 : i32
    %swap3A_337 = arith.index_cast %swap3A_336 : i32 to index
    %swap3A_338 = arith.constant 64 : index
    %swap3A_339 = tpu.vector_load %arg11[%swap3A_337, %swap3A_338] {strides = array<i32>} : memref<16x128xf32, #tpu.memory_space<vmem>>, vector<1x16xf32>,
    %swap3A_340 = vector.shape_cast %swap3A_339 : vector<1x16xf32> to vector<16xf32>
    %swap3A_341 = vector.shape_cast %broadcast_in_dim3A_24 : vector<16xf32> to vector<1x16xf32>
    tpu.vector_store %arg11[%swap3A_337, %swap3A_338], %swap3A_341 {strides = array<i32>} : memref<16x128xf32, #tpu.memory_space<vmem>>, vector<1x16xf32>,
    %swap3A_342 = arith.constant 6 : i32
    %swap3A_343 = arith.index_cast %swap3A_342 : i32 to index
    %swap3A_344 = arith.constant 80 : index
    %swap3A_345 = tpu.vector_load %arg11[%swap3A_343, %swap3A_344] {strides = array<i32>} : memref<16x128xf32, #tpu.memory_space<vmem>>, vector<1x16xf32>,
    %swap3A_346 = vector.shape_cast %swap3A_345 : vector<1x16xf32> to vector<16xf32>
    %swap3A_347 = vector.shape_cast %broadcast_in_dim3A_24 : vector<16xf32> to vector<1x16xf32>
    tpu.vector_store %arg11[%swap3A_343, %swap3A_344], %swap3A_347 {strides = array<i32>} : memref<16x128xf32, #tpu.memory_space<vmem>>, vector<1x16xf32>,
    %swap3A_348 = arith.constant 6 : i32
    %swap3A_349 = arith.index_cast %swap3A_348 : i32 to index
    %swap3A_350 = arith.constant 96 : index
    %swap3A_351 = tpu.vector_load %arg11[%swap3A_349, %swap3A_350] {strides = array<i32>} : memref<16x128xf32, #tpu.memory_space<vmem>>, vector<1x16xf32>,
    %swap3A_352 = vector.shape_cast %swap3A_351 : vector<1x16xf32> to vector<16xf32>
    %swap3A_353 = vector.shape_cast %broadcast_in_dim3A_24 : vector<16xf32> to vector<1x16xf32>
    tpu.vector_store %arg11[%swap3A_349, %swap3A_350], %swap3A_353 {strides = array<i32>} : memref<16x128xf32, #tpu.memory_space<vmem>>, vector<1x16xf32>,
    %swap3A_354 = arith.constant 6 : i32
    %swap3A_355 = arith.index_cast %swap3A_354 : i32 to index
    %swap3A_356 = arith.constant 112 : index
    %swap3A_357 = tpu.vector_load %arg11[%swap3A_355, %swap3A_356] {strides = array<i32>} : memref<16x128xf32, #tpu.memory_space<vmem>>, vector<1x16xf32>,
    %swap3A_358 = vector.shape_cast %swap3A_357 : vector<1x16xf32> to vector<16xf32>
    %swap3A_359 = vector.shape_cast %broadcast_in_dim3A_24 : vector<16xf32> to vector<1x16xf32>
    tpu.vector_store %arg11[%swap3A_355, %swap3A_356], %swap3A_359 {strides = array<i32>} : memref<16x128xf32, #tpu.memory_space<vmem>>, vector<1x16xf32>,
    %swap3A_360 = arith.constant 7 : i32
    %swap3A_361 = arith.index_cast %swap3A_360 : i32 to index
    %swap3A_362 = arith.constant 0 : index
    %swap3A_363 = tpu.vector_load %arg11[%swap3A_361, %swap3A_362] {strides = array<i32>} : memref<16x128xf32, #tpu.memory_space<vmem>>, vector<1x16xf32>,
    %swap3A_364 = vector.shape_cast %swap3A_363 : vector<1x16xf32> to vector<16xf32>
    %swap3A_365 = vector.shape_cast %broadcast_in_dim3A_24 : vector<16xf32> to vector<1x16xf32>
    tpu.vector_store %arg11[%swap3A_361, %swap3A_362], %swap3A_365 {strides = array<i32>} : memref<16x128xf32, #tpu.memory_space<vmem>>, vector<1x16xf32>,
    %swap3A_366 = arith.constant 7 : i32
    %swap3A_367 = arith.index_cast %swap3A_366 : i32 to index
    %swap3A_368 = arith.constant 16 : index
    %swap3A_369 = tpu.vector_load %arg11[%swap3A_367, %swap3A_368] {strides = array<i32>} : memref<16x128xf32, #tpu.memory_space<vmem>>, vector<1x16xf32>,
    %swap3A_370 = vector.shape_cast %swap3A_369 : vector<1x16xf32> to vector<16xf32>
    %swap3A_371 = vector.shape_cast %broadcast_in_dim3A_24 : vector<16xf32> to vector<1x16xf32>
    tpu.vector_store %arg11[%swap3A_367, %swap3A_368], %swap3A_371 {strides = array<i32>} : memref<16x128xf32, #tpu.memory_space<vmem>>, vector<1x16xf32>,
    %swap3A_372 = arith.constant 7 : i32
    %swap3A_373 = arith.index_cast %swap3A_372 : i32 to index
    %swap3A_374 = arith.constant 32 : index
    %swap3A_375 = tpu.vector_load %arg11[%swap3A_373, %swap3A_374] {strides = array<i32>} : memref<16x128xf32, #tpu.memory_space<vmem>>, vector<1x16xf32>,
    %swap3A_376 = vector.shape_cast %swap3A_375 : vector<1x16xf32> to vector<16xf32>
    %swap3A_377 = vector.shape_cast %broadcast_in_dim3A_24 : vector<16xf32> to vector<1x16xf32>
    tpu.vector_store %arg11[%swap3A_373, %swap3A_374], %swap3A_377 {strides = array<i32>} : memref<16x128xf32, #tpu.memory_space<vmem>>, vector<1x16xf32>,
    %swap3A_378 = arith.constant 7 : i32
    %swap3A_379 = arith.index_cast %swap3A_378 : i32 to index
    %swap3A_380 = arith.constant 48 : index
    %swap3A_381 = tpu.vector_load %arg11[%swap3A_379, %swap3A_380] {strides = array<i32>} : memref<16x128xf32, #tpu.memory_space<vmem>>, vector<1x16xf32>,
    %swap3A_382 = vector.shape_cast %swap3A_381 : vector<1x16xf32> to vector<16xf32>
    %swap3A_383 = vector.shape_cast %broadcast_in_dim3A_24 : vector<16xf32> to vector<1x16xf32>
    tpu.vector_store %arg11[%swap3A_379, %swap3A_380], %swap3A_383 {strides = array<i32>} : memref<16x128xf32, #tpu.memory_space<vmem>>, vector<1x16xf32>,
    %swap3A_384 = arith.constant 7 : i32
    %swap3A_385 = arith.index_cast %swap3A_384 : i32 to index
    %swap3A_386 = arith.constant 64 : index
    %swap3A_387 = tpu.vector_load %arg11[%swap3A_385, %swap3A_386] {strides = array<i32>} : memref<16x128xf32, #tpu.memory_space<vmem>>, vector<1x16xf32>,
    %swap3A_388 = vector.shape_cast %swap3A_387 : vector<1x16xf32> to vector<16xf32>
    %swap3A_389 = vector.shape_cast %broadcast_in_dim3A_24 : vector<16xf32> to vector<1x16xf32>
    tpu.vector_store %arg11[%swap3A_385, %swap3A_386], %swap3A_389 {strides = array<i32>} : memref<16x128xf32, #tpu.memory_space<vmem>>, vector<1x16xf32>,
    %swap3A_390 = arith.constant 7 : i32
    %swap3A_391 = arith.index_cast %swap3A_390 : i32 to index
    %swap3A_392 = arith.constant 80 : index
    %swap3A_393 = tpu.vector_load %arg11[%swap3A_391, %swap3A_392] {strides = array<i32>} : memref<16x128xf32, #tpu.memory_space<vmem>>, vector<1x16xf32>,
    %swap3A_394 = vector.shape_cast %swap3A_393 : vector<1x16xf32> to vector<16xf32>
    %swap3A_395 = vector.shape_cast %broadcast_in_dim3A_24 : vector<16xf32> to vector<1x16xf32>
    tpu.vector_store %arg11[%swap3A_391, %swap3A_392], %swap3A_395 {strides = array<i32>} : memref<16x128xf32, #tpu.memory_space<vmem>>, vector<1x16xf32>,
    %swap3A_396 = arith.constant 7 : i32
    %swap3A_397 = arith.index_cast %swap3A_396 : i32 to index
    %swap3A_398 = arith.constant 96 : index
    %swap3A_399 = tpu.vector_load %arg11[%swap3A_397, %swap3A_398] {strides = array<i32>} : memref<16x128xf32, #tpu.memory_space<vmem>>, vector<1x16xf32>,
    %swap3A_400 = vector.shape_cast %swap3A_399 : vector<1x16xf32> to vector<16xf32>
    %swap3A_401 = vector.shape_cast %broadcast_in_dim3A_24 : vector<16xf32> to vector<1x16xf32>
    tpu.vector_store %arg11[%swap3A_397, %swap3A_398], %swap3A_401 {strides = array<i32>} : memref<16x128xf32, #tpu.memory_space<vmem>>, vector<1x16xf32>,
    %swap3A_402 = arith.constant 7 : i32
    %swap3A_403 = arith.index_cast %swap3A_402 : i32 to index
    %swap3A_404 = arith.constant 112 : index
    %swap3A_405 = tpu.vector_load %arg11[%swap3A_403, %swap3A_404] {strides = array<i32>} : memref<16x128xf32, #tpu.memory_space<vmem>>, vector<1x16xf32>,
    %swap3A_406 = vector.shape_cast %swap3A_405 : vector<1x16xf32> to vector<16xf32>
    %swap3A_407 = vector.shape_cast %broadcast_in_dim3A_24 : vector<16xf32> to vector<1x16xf32>
    tpu.vector_store %arg11[%swap3A_403, %swap3A_404], %swap3A_407 {strides = array<i32>} : memref<16x128xf32, #tpu.memory_space<vmem>>, vector<1x16xf32>,
    %swap3A_408 = arith.constant 8 : i32
    %swap3A_409 = arith.index_cast %swap3A_408 : i32 to index
    %swap3A_410 = arith.constant 0 : index
    %swap3A_411 = tpu.vector_load %arg11[%swap3A_409, %swap3A_410] {strides = array<i32>} : memref<16x128xf32, #tpu.memory_space<vmem>>, vector<1x16xf32>,
    %swap3A_412 = vector.shape_cast %swap3A_411 : vector<1x16xf32> to vector<16xf32>
    %swap3A_413 = vector.shape_cast %broadcast_in_dim3A_24 : vector<16xf32> to vector<1x16xf32>
    tpu.vector_store %arg11[%swap3A_409, %swap3A_410], %swap3A_413 {strides = array<i32>} : memref<16x128xf32, #tpu.memory_space<vmem>>, vector<1x16xf32>,
    %swap3A_414 = arith.constant 8 : i32
    %swap3A_415 = arith.index_cast %swap3A_414 : i32 to index
    %swap3A_416 = arith.constant 16 : index
    %swap3A_417 = tpu.vector_load %arg11[%swap3A_415, %swap3A_416] {strides = array<i32>} : memref<16x128xf32, #tpu.memory_space<vmem>>, vector<1x16xf32>,
    %swap3A_418 = vector.shape_cast %swap3A_417 : vector<1x16xf32> to vector<16xf32>
    %swap3A_419 = vector.shape_cast %broadcast_in_dim3A_24 : vector<16xf32> to vector<1x16xf32>
    tpu.vector_store %arg11[%swap3A_415, %swap3A_416], %swap3A_419 {strides = array<i32>} : memref<16x128xf32, #tpu.memory_space<vmem>>, vector<1x16xf32>,
    %swap3A_420 = arith.constant 8 : i32
    %swap3A_421 = arith.index_cast %swap3A_420 : i32 to index
    %swap3A_422 = arith.constant 32 : index
    %swap3A_423 = tpu.vector_load %arg11[%swap3A_421, %swap3A_422] {strides = array<i32>} : memref<16x128xf32, #tpu.memory_space<vmem>>, vector<1x16xf32>,
    %swap3A_424 = vector.shape_cast %swap3A_423 : vector<1x16xf32> to vector<16xf32>
    %swap3A_425 = vector.shape_cast %broadcast_in_dim3A_24 : vector<16xf32> to vector<1x16xf32>
    tpu.vector_store %arg11[%swap3A_421, %swap3A_422], %swap3A_425 {strides = array<i32>} : memref<16x128xf32, #tpu.memory_space<vmem>>, vector<1x16xf32>,
    %swap3A_426 = arith.constant 8 : i32
    %swap3A_427 = arith.index_cast %swap3A_426 : i32 to index
    %swap3A_428 = arith.constant 48 : index
    %swap3A_429 = tpu.vector_load %arg11[%swap3A_427, %swap3A_428] {strides = array<i32>} : memref<16x128xf32, #tpu.memory_space<vmem>>, vector<1x16xf32>,
    %swap3A_430 = vector.shape_cast %swap3A_429 : vector<1x16xf32> to vector<16xf32>
    %swap3A_431 = vector.shape_cast %broadcast_in_dim3A_24 : vector<16xf32> to vector<1x16xf32>
    tpu.vector_store %arg11[%swap3A_427, %swap3A_428], %swap3A_431 {strides = array<i32>} : memref<16x128xf32, #tpu.memory_space<vmem>>, vector<1x16xf32>,
    %swap3A_432 = arith.constant 8 : i32
    %swap3A_433 = arith.index_cast %swap3A_432 : i32 to index
    %swap3A_434 = arith.constant 64 : index
    %swap3A_435 = tpu.vector_load %arg11[%swap3A_433, %swap3A_434] {strides = array<i32>} : memref<16x128xf32, #tpu.memory_space<vmem>>, vector<1x16xf32>,
    %swap3A_436 = vector.shape_cast %swap3A_435 : vector<1x16xf32> to vector<16xf32>
    %swap3A_437 = vector.shape_cast %broadcast_in_dim3A_24 : vector<16xf32> to vector<1x16xf32>
    tpu.vector_store %arg11[%swap3A_433, %swap3A_434], %swap3A_437 {strides = array<i32>} : memref<16x128xf32, #tpu.memory_space<vmem>>, vector<1x16xf32>,
    %swap3A_438 = arith.constant 8 : i32
    %swap3A_439 = arith.index_cast %swap3A_438 : i32 to index
    %swap3A_440 = arith.constant 80 : index
    %swap3A_441 = tpu.vector_load %arg11[%swap3A_439, %swap3A_440] {strides = array<i32>} : memref<16x128xf32, #tpu.memory_space<vmem>>, vector<1x16xf32>,
    %swap3A_442 = vector.shape_cast %swap3A_441 : vector<1x16xf32> to vector<16xf32>
    %swap3A_443 = vector.shape_cast %broadcast_in_dim3A_24 : vector<16xf32> to vector<1x16xf32>
    tpu.vector_store %arg11[%swap3A_439, %swap3A_440], %swap3A_443 {strides = array<i32>} : memref<16x128xf32, #tpu.memory_space<vmem>>, vector<1x16xf32>,
    %swap3A_444 = arith.constant 8 : i32
    %swap3A_445 = arith.index_cast %swap3A_444 : i32 to index
    %swap3A_446 = arith.constant 96 : index
    %swap3A_447 = tpu.vector_load %arg11[%swap3A_445, %swap3A_446] {strides = array<i32>} : memref<16x128xf32, #tpu.memory_space<vmem>>, vector<1x16xf32>,
    %swap3A_448 = vector.shape_cast %swap3A_447 : vector<1x16xf32> to vector<16xf32>
    %swap3A_449 = vector.shape_cast %broadcast_in_dim3A_24 : vector<16xf32> to vector<1x16xf32>
    tpu.vector_store %arg11[%swap3A_445, %swap3A_446], %swap3A_449 {strides = array<i32>} : memref<16x128xf32, #tpu.memory_space<vmem>>, vector<1x16xf32>,
    %swap3A_450 = arith.constant 8 : i32
    %swap3A_451 = arith.index_cast %swap3A_450 : i32 to index
    %swap3A_452 = arith.constant 112 : index
    %swap3A_453 = tpu.vector_load %arg11[%swap3A_451, %swap3A_452] {strides = array<i32>} : memref<16x128xf32, #tpu.memory_space<vmem>>, vector<1x16xf32>,
    %swap3A_454 = vector.shape_cast %swap3A_453 : vector<1x16xf32> to vector<16xf32>
    %swap3A_455 = vector.shape_cast %broadcast_in_dim3A_24 : vector<16xf32> to vector<1x16xf32>
    tpu.vector_store %arg11[%swap3A_451, %swap3A_452], %swap3A_455 {strides = array<i32>} : memref<16x128xf32, #tpu.memory_space<vmem>>, vector<1x16xf32>,
    %swap3A_456 = arith.constant 9 : i32
    %swap3A_457 = arith.index_cast %swap3A_456 : i32 to index
    %swap3A_458 = arith.constant 0 : index
    %swap3A_459 = tpu.vector_load %arg11[%swap3A_457, %swap3A_458] {strides = array<i32>} : memref<16x128xf32, #tpu.memory_space<vmem>>, vector<1x16xf32>,
    %swap3A_460 = vector.shape_cast %swap3A_459 : vector<1x16xf32> to vector<16xf32>
    %swap3A_461 = vector.shape_cast %broadcast_in_dim3A_24 : vector<16xf32> to vector<1x16xf32>
    tpu.vector_store %arg11[%swap3A_457, %swap3A_458], %swap3A_461 {strides = array<i32>} : memref<16x128xf32, #tpu.memory_space<vmem>>, vector<1x16xf32>,
    %swap3A_462 = arith.constant 9 : i32
    %swap3A_463 = arith.index_cast %swap3A_462 : i32 to index
    %swap3A_464 = arith.constant 16 : index
    %swap3A_465 = tpu.vector_load %arg11[%swap3A_463, %swap3A_464] {strides = array<i32>} : memref<16x128xf32, #tpu.memory_space<vmem>>, vector<1x16xf32>,
    %swap3A_466 = vector.shape_cast %swap3A_465 : vector<1x16xf32> to vector<16xf32>
    %swap3A_467 = vector.shape_cast %broadcast_in_dim3A_24 : vector<16xf32> to vector<1x16xf32>
    tpu.vector_store %arg11[%swap3A_463, %swap3A_464], %swap3A_467 {strides = array<i32>} : memref<16x128xf32, #tpu.memory_space<vmem>>, vector<1x16xf32>,
    %swap3A_468 = arith.constant 9 : i32
    %swap3A_469 = arith.index_cast %swap3A_468 : i32 to index
    %swap3A_470 = arith.constant 32 : index
    %swap3A_471 = tpu.vector_load %arg11[%swap3A_469, %swap3A_470] {strides = array<i32>} : memref<16x128xf32, #tpu.memory_space<vmem>>, vector<1x16xf32>,
    %swap3A_472 = vector.shape_cast %swap3A_471 : vector<1x16xf32> to vector<16xf32>
    %swap3A_473 = vector.shape_cast %broadcast_in_dim3A_24 : vector<16xf32> to vector<1x16xf32>
    tpu.vector_store %arg11[%swap3A_469, %swap3A_470], %swap3A_473 {strides = array<i32>} : memref<16x128xf32, #tpu.memory_space<vmem>>, vector<1x16xf32>,
    %swap3A_474 = arith.constant 9 : i32
    %swap3A_475 = arith.index_cast %swap3A_474 : i32 to index
    %swap3A_476 = arith.constant 48 : index
    %swap3A_477 = tpu.vector_load %arg11[%swap3A_475, %swap3A_476] {strides = array<i32>} : memref<16x128xf32, #tpu.memory_space<vmem>>, vector<1x16xf32>,
    %swap3A_478 = vector.shape_cast %swap3A_477 : vector<1x16xf32> to vector<16xf32>
    %swap3A_479 = vector.shape_cast %broadcast_in_dim3A_24 : vector<16xf32> to vector<1x16xf32>
    tpu.vector_store %arg11[%swap3A_475, %swap3A_476], %swap3A_479 {strides = array<i32>} : memref<16x128xf32, #tpu.memory_space<vmem>>, vector<1x16xf32>,
    %swap3A_480 = arith.constant 9 : i32
    %swap3A_481 = arith.index_cast %swap3A_480 : i32 to index
    %swap3A_482 = arith.constant 64 : index
    %swap3A_483 = tpu.vector_load %arg11[%swap3A_481, %swap3A_482] {strides = array<i32>} : memref<16x128xf32, #tpu.memory_space<vmem>>, vector<1x16xf32>,
    %swap3A_484 = vector.shape_cast %swap3A_483 : vector<1x16xf32> to vector<16xf32>
    %swap3A_485 = vector.shape_cast %broadcast_in_dim3A_24 : vector<16xf32> to vector<1x16xf32>
    tpu.vector_store %arg11[%swap3A_481, %swap3A_482], %swap3A_485 {strides = array<i32>} : memref<16x128xf32, #tpu.memory_space<vmem>>, vector<1x16xf32>,
    %swap3A_486 = arith.constant 9 : i32
    %swap3A_487 = arith.index_cast %swap3A_486 : i32 to index
    %swap3A_488 = arith.constant 80 : index
    %swap3A_489 = tpu.vector_load %arg11[%swap3A_487, %swap3A_488] {strides = array<i32>} : memref<16x128xf32, #tpu.memory_space<vmem>>, vector<1x16xf32>,
    %swap3A_490 = vector.shape_cast %swap3A_489 : vector<1x16xf32> to vector<16xf32>
    %swap3A_491 = vector.shape_cast %broadcast_in_dim3A_24 : vector<16xf32> to vector<1x16xf32>
    tpu.vector_store %arg11[%swap3A_487, %swap3A_488], %swap3A_491 {strides = array<i32>} : memref<16x128xf32, #tpu.memory_space<vmem>>, vector<1x16xf32>,
    %swap3A_492 = arith.constant 9 : i32
    %swap3A_493 = arith.index_cast %swap3A_492 : i32 to index
    %swap3A_494 = arith.constant 96 : index
    %swap3A_495 = tpu.vector_load %arg11[%swap3A_493, %swap3A_494] {strides = array<i32>} : memref<16x128xf32, #tpu.memory_space<vmem>>, vector<1x16xf32>,
    %swap3A_496 = vector.shape_cast %swap3A_495 : vector<1x16xf32> to vector<16xf32>
    %swap3A_497 = vector.shape_cast %broadcast_in_dim3A_24 : vector<16xf32> to vector<1x16xf32>
    tpu.vector_store %arg11[%swap3A_493, %swap3A_494], %swap3A_497 {strides = array<i32>} : memref<16x128xf32, #tpu.memory_space<vmem>>, vector<1x16xf32>,
    %swap3A_498 = arith.constant 9 : i32
    %swap3A_499 = arith.index_cast %swap3A_498 : i32 to index
    %swap3A_500 = arith.constant 112 : index
    %swap3A_501 = tpu.vector_load %arg11[%swap3A_499, %swap3A_500] {strides = array<i32>} : memref<16x128xf32, #tpu.memory_space<vmem>>, vector<1x16xf32>,
    %swap3A_502 = vector.shape_cast %swap3A_501 : vector<1x16xf32> to vector<16xf32>
    %swap3A_503 = vector.shape_cast %broadcast_in_dim3A_24 : vector<16xf32> to vector<1x16xf32>
    tpu.vector_store %arg11[%swap3A_499, %swap3A_500], %swap3A_503 {strides = array<i32>} : memref<16x128xf32, #tpu.memory_space<vmem>>, vector<1x16xf32>,
    %swap3A_504 = arith.constant 10 : i32
    %swap3A_505 = arith.index_cast %swap3A_504 : i32 to index
    %swap3A_506 = arith.constant 0 : index
    %swap3A_507 = tpu.vector_load %arg11[%swap3A_505, %swap3A_506] {strides = array<i32>} : memref<16x128xf32, #tpu.memory_space<vmem>>, vector<1x16xf32>,
    %swap3A_508 = vector.shape_cast %swap3A_507 : vector<1x16xf32> to vector<16xf32>
    %swap3A_509 = vector.shape_cast %broadcast_in_dim3A_24 : vector<16xf32> to vector<1x16xf32>
    tpu.vector_store %arg11[%swap3A_505, %swap3A_506], %swap3A_509 {strides = array<i32>} : memref<16x128xf32, #tpu.memory_space<vmem>>, vector<1x16xf32>,
    %swap3A_510 = arith.constant 10 : i32
    %swap3A_511 = arith.index_cast %swap3A_510 : i32 to index
    %swap3A_512 = arith.constant 16 : index
    %swap3A_513 = tpu.vector_load %arg11[%swap3A_511, %swap3A_512] {strides = array<i32>} : memref<16x128xf32, #tpu.memory_space<vmem>>, vector<1x16xf32>,
    %swap3A_514 = vector.shape_cast %swap3A_513 : vector<1x16xf32> to vector<16xf32>
    %swap3A_515 = vector.shape_cast %broadcast_in_dim3A_24 : vector<16xf32> to vector<1x16xf32>
    tpu.vector_store %arg11[%swap3A_511, %swap3A_512], %swap3A_515 {strides = array<i32>} : memref<16x128xf32, #tpu.memory_space<vmem>>, vector<1x16xf32>,
    %swap3A_516 = arith.constant 10 : i32
    %swap3A_517 = arith.index_cast %swap3A_516 : i32 to index
    %swap3A_518 = arith.constant 32 : index
    %swap3A_519 = tpu.vector_load %arg11[%swap3A_517, %swap3A_518] {strides = array<i32>} : memref<16x128xf32, #tpu.memory_space<vmem>>, vector<1x16xf32>,
    %swap3A_520 = vector.shape_cast %swap3A_519 : vector<1x16xf32> to vector<16xf32>
    %swap3A_521 = vector.shape_cast %broadcast_in_dim3A_24 : vector<16xf32> to vector<1x16xf32>
    tpu.vector_store %arg11[%swap3A_517, %swap3A_518], %swap3A_521 {strides = array<i32>} : memref<16x128xf32, #tpu.memory_space<vmem>>, vector<1x16xf32>,
    %swap3A_522 = arith.constant 10 : i32
    %swap3A_523 = arith.index_cast %swap3A_522 : i32 to index
    %swap3A_524 = arith.constant 48 : index
    %swap3A_525 = tpu.vector_load %arg11[%swap3A_523, %swap3A_524] {strides = array<i32>} : memref<16x128xf32, #tpu.memory_space<vmem>>, vector<1x16xf32>,
    %swap3A_526 = vector.shape_cast %swap3A_525 : vector<1x16xf32> to vector<16xf32>
    %swap3A_527 = vector.shape_cast %broadcast_in_dim3A_24 : vector<16xf32> to vector<1x16xf32>
    tpu.vector_store %arg11[%swap3A_523, %swap3A_524], %swap3A_527 {strides = array<i32>} : memref<16x128xf32, #tpu.memory_space<vmem>>, vector<1x16xf32>,
    %swap3A_528 = arith.constant 10 : i32
    %swap3A_529 = arith.index_cast %swap3A_528 : i32 to index
    %swap3A_530 = arith.constant 64 : index
    %swap3A_531 = tpu.vector_load %arg11[%swap3A_529, %swap3A_530] {strides = array<i32>} : memref<16x128xf32, #tpu.memory_space<vmem>>, vector<1x16xf32>,
    %swap3A_532 = vector.shape_cast %swap3A_531 : vector<1x16xf32> to vector<16xf32>
    %swap3A_533 = vector.shape_cast %broadcast_in_dim3A_24 : vector<16xf32> to vector<1x16xf32>
    tpu.vector_store %arg11[%swap3A_529, %swap3A_530], %swap3A_533 {strides = array<i32>} : memref<16x128xf32, #tpu.memory_space<vmem>>, vector<1x16xf32>,
    %swap3A_534 = arith.constant 10 : i32
    %swap3A_535 = arith.index_cast %swap3A_534 : i32 to index
    %swap3A_536 = arith.constant 80 : index
    %swap3A_537 = tpu.vector_load %arg11[%swap3A_535, %swap3A_536] {strides = array<i32>} : memref<16x128xf32, #tpu.memory_space<vmem>>, vector<1x16xf32>,
    %swap3A_538 = vector.shape_cast %swap3A_537 : vector<1x16xf32> to vector<16xf32>
    %swap3A_539 = vector.shape_cast %broadcast_in_dim3A_24 : vector<16xf32> to vector<1x16xf32>
    tpu.vector_store %arg11[%swap3A_535, %swap3A_536], %swap3A_539 {strides = array<i32>} : memref<16x128xf32, #tpu.memory_space<vmem>>, vector<1x16xf32>,
    %swap3A_540 = arith.constant 10 : i32
    %swap3A_541 = arith.index_cast %swap3A_540 : i32 to index
    %swap3A_542 = arith.constant 96 : index
    %swap3A_543 = tpu.vector_load %arg11[%swap3A_541, %swap3A_542] {strides = array<i32>} : memref<16x128xf32, #tpu.memory_space<vmem>>, vector<1x16xf32>,
    %swap3A_544 = vector.shape_cast %swap3A_543 : vector<1x16xf32> to vector<16xf32>
    %swap3A_545 = vector.shape_cast %broadcast_in_dim3A_24 : vector<16xf32> to vector<1x16xf32>
    tpu.vector_store %arg11[%swap3A_541, %swap3A_542], %swap3A_545 {strides = array<i32>} : memref<16x128xf32, #tpu.memory_space<vmem>>, vector<1x16xf32>,
    %swap3A_546 = arith.constant 10 : i32
    %swap3A_547 = arith.index_cast %swap3A_546 : i32 to index
    %swap3A_548 = arith.constant 112 : index
    %swap3A_549 = tpu.vector_load %arg11[%swap3A_547, %swap3A_548] {strides = array<i32>} : memref<16x128xf32, #tpu.memory_space<vmem>>, vector<1x16xf32>,
    %swap3A_550 = vector.shape_cast %swap3A_549 : vector<1x16xf32> to vector<16xf32>
    %swap3A_551 = vector.shape_cast %broadcast_in_dim3A_24 : vector<16xf32> to vector<1x16xf32>
    tpu.vector_store %arg11[%swap3A_547, %swap3A_548], %swap3A_551 {strides = array<i32>} : memref<16x128xf32, #tpu.memory_space<vmem>>, vector<1x16xf32>,
    %swap3A_552 = arith.constant 11 : i32
    %swap3A_553 = arith.index_cast %swap3A_552 : i32 to index
    %swap3A_554 = arith.constant 0 : index
    %swap3A_555 = tpu.vector_load %arg11[%swap3A_553, %swap3A_554] {strides = array<i32>} : memref<16x128xf32, #tpu.memory_space<vmem>>, vector<1x16xf32>,
    %swap3A_556 = vector.shape_cast %swap3A_555 : vector<1x16xf32> to vector<16xf32>
    %swap3A_557 = vector.shape_cast %broadcast_in_dim3A_24 : vector<16xf32> to vector<1x16xf32>
    tpu.vector_store %arg11[%swap3A_553, %swap3A_554], %swap3A_557 {strides = array<i32>} : memref<16x128xf32, #tpu.memory_space<vmem>>, vector<1x16xf32>,
    %swap3A_558 = arith.constant 11 : i32
    %swap3A_559 = arith.index_cast %swap3A_558 : i32 to index
    %swap3A_560 = arith.constant 16 : index
    %swap3A_561 = tpu.vector_load %arg11[%swap3A_559, %swap3A_560] {strides = array<i32>} : memref<16x128xf32, #tpu.memory_space<vmem>>, vector<1x16xf32>,
    %swap3A_562 = vector.shape_cast %swap3A_561 : vector<1x16xf32> to vector<16xf32>
    %swap3A_563 = vector.shape_cast %broadcast_in_dim3A_24 : vector<16xf32> to vector<1x16xf32>
    tpu.vector_store %arg11[%swap3A_559, %swap3A_560], %swap3A_563 {strides = array<i32>} : memref<16x128xf32, #tpu.memory_space<vmem>>, vector<1x16xf32>,
    %swap3A_564 = arith.constant 11 : i32
    %swap3A_565 = arith.index_cast %swap3A_564 : i32 to index
    %swap3A_566 = arith.constant 32 : index
    %swap3A_567 = tpu.vector_load %arg11[%swap3A_565, %swap3A_566] {strides = array<i32>} : memref<16x128xf32, #tpu.memory_space<vmem>>, vector<1x16xf32>,
    %swap3A_568 = vector.shape_cast %swap3A_567 : vector<1x16xf32> to vector<16xf32>
    %swap3A_569 = vector.shape_cast %broadcast_in_dim3A_24 : vector<16xf32> to vector<1x16xf32>
    tpu.vector_store %arg11[%swap3A_565, %swap3A_566], %swap3A_569 {strides = array<i32>} : memref<16x128xf32, #tpu.memory_space<vmem>>, vector<1x16xf32>,
    %swap3A_570 = arith.constant 11 : i32
    %swap3A_571 = arith.index_cast %swap3A_570 : i32 to index
    %swap3A_572 = arith.constant 48 : index
    %swap3A_573 = tpu.vector_load %arg11[%swap3A_571, %swap3A_572] {strides = array<i32>} : memref<16x128xf32, #tpu.memory_space<vmem>>, vector<1x16xf32>,
    %swap3A_574 = vector.shape_cast %swap3A_573 : vector<1x16xf32> to vector<16xf32>
    %swap3A_575 = vector.shape_cast %broadcast_in_dim3A_24 : vector<16xf32> to vector<1x16xf32>
    tpu.vector_store %arg11[%swap3A_571, %swap3A_572], %swap3A_575 {strides = array<i32>} : memref<16x128xf32, #tpu.memory_space<vmem>>, vector<1x16xf32>,
    %swap3A_576 = arith.constant 11 : i32
    %swap3A_577 = arith.index_cast %swap3A_576 : i32 to index
    %swap3A_578 = arith.constant 64 : index
    %swap3A_579 = tpu.vector_load %arg11[%swap3A_577, %swap3A_578] {strides = array<i32>} : memref<16x128xf32, #tpu.memory_space<vmem>>, vector<1x16xf32>,
    %swap3A_580 = vector.shape_cast %swap3A_579 : vector<1x16xf32> to vector<16xf32>
    %swap3A_581 = vector.shape_cast %broadcast_in_dim3A_24 : vector<16xf32> to vector<1x16xf32>
    tpu.vector_store %arg11[%swap3A_577, %swap3A_578], %swap3A_581 {strides = array<i32>} : memref<16x128xf32, #tpu.memory_space<vmem>>, vector<1x16xf32>,
    %swap3A_582 = arith.constant 11 : i32
    %swap3A_583 = arith.index_cast %swap3A_582 : i32 to index
    %swap3A_584 = arith.constant 80 : index
    %swap3A_585 = tpu.vector_load %arg11[%swap3A_583, %swap3A_584] {strides = array<i32>} : memref<16x128xf32, #tpu.memory_space<vmem>>, vector<1x16xf32>,
    %swap3A_586 = vector.shape_cast %swap3A_585 : vector<1x16xf32> to vector<16xf32>
    %swap3A_587 = vector.shape_cast %broadcast_in_dim3A_24 : vector<16xf32> to vector<1x16xf32>
    tpu.vector_store %arg11[%swap3A_583, %swap3A_584], %swap3A_587 {strides = array<i32>} : memref<16x128xf32, #tpu.memory_space<vmem>>, vector<1x16xf32>,
    %swap3A_588 = arith.constant 11 : i32
    %swap3A_589 = arith.index_cast %swap3A_588 : i32 to index
    %swap3A_590 = arith.constant 96 : index
    %swap3A_591 = tpu.vector_load %arg11[%swap3A_589, %swap3A_590] {strides = array<i32>} : memref<16x128xf32, #tpu.memory_space<vmem>>, vector<1x16xf32>,
    %swap3A_592 = vector.shape_cast %swap3A_591 : vector<1x16xf32> to vector<16xf32>
    %swap3A_593 = vector.shape_cast %broadcast_in_dim3A_24 : vector<16xf32> to vector<1x16xf32>
    tpu.vector_store %arg11[%swap3A_589, %swap3A_590], %swap3A_593 {strides = array<i32>} : memref<16x128xf32, #tpu.memory_space<vmem>>, vector<1x16xf32>,
    %swap3A_594 = arith.constant 11 : i32
    %swap3A_595 = arith.index_cast %swap3A_594 : i32 to index
    %swap3A_596 = arith.constant 112 : index
    %swap3A_597 = tpu.vector_load %arg11[%swap3A_595, %swap3A_596] {strides = array<i32>} : memref<16x128xf32, #tpu.memory_space<vmem>>, vector<1x16xf32>,
    %swap3A_598 = vector.shape_cast %swap3A_597 : vector<1x16xf32> to vector<16xf32>
    %swap3A_599 = vector.shape_cast %broadcast_in_dim3A_24 : vector<16xf32> to vector<1x16xf32>
    tpu.vector_store %arg11[%swap3A_595, %swap3A_596], %swap3A_599 {strides = array<i32>} : memref<16x128xf32, #tpu.memory_space<vmem>>, vector<1x16xf32>,
    %swap3A_600 = arith.constant 12 : i32
    %swap3A_601 = arith.index_cast %swap3A_600 : i32 to index
    %swap3A_602 = arith.constant 0 : index
    %swap3A_603 = tpu.vector_load %arg11[%swap3A_601, %swap3A_602] {strides = array<i32>} : memref<16x128xf32, #tpu.memory_space<vmem>>, vector<1x16xf32>,
    %swap3A_604 = vector.shape_cast %swap3A_603 : vector<1x16xf32> to vector<16xf32>
    %swap3A_605 = vector.shape_cast %broadcast_in_dim3A_24 : vector<16xf32> to vector<1x16xf32>
    tpu.vector_store %arg11[%swap3A_601, %swap3A_602], %swap3A_605 {strides = array<i32>} : memref<16x128xf32, #tpu.memory_space<vmem>>, vector<1x16xf32>,
    %swap3A_606 = arith.constant 12 : i32
    %swap3A_607 = arith.index_cast %swap3A_606 : i32 to index
    %swap3A_608 = arith.constant 16 : index
    %swap3A_609 = tpu.vector_load %arg11[%swap3A_607, %swap3A_608] {strides = array<i32>} : memref<16x128xf32, #tpu.memory_space<vmem>>, vector<1x16xf32>,
    %swap3A_610 = vector.shape_cast %swap3A_609 : vector<1x16xf32> to vector<16xf32>
    %swap3A_611 = vector.shape_cast %broadcast_in_dim3A_24 : vector<16xf32> to vector<1x16xf32>
    tpu.vector_store %arg11[%swap3A_607, %swap3A_608], %swap3A_611 {strides = array<i32>} : memref<16x128xf32, #tpu.memory_space<vmem>>, vector<1x16xf32>,
    %swap3A_612 = arith.constant 12 : i32
    %swap3A_613 = arith.index_cast %swap3A_612 : i32 to index
    %swap3A_614 = arith.constant 32 : index
    %swap3A_615 = tpu.vector_load %arg11[%swap3A_613, %swap3A_614] {strides = array<i32>} : memref<16x128xf32, #tpu.memory_space<vmem>>, vector<1x16xf32>,
    %swap3A_616 = vector.shape_cast %swap3A_615 : vector<1x16xf32> to vector<16xf32>
    %swap3A_617 = vector.shape_cast %broadcast_in_dim3A_24 : vector<16xf32> to vector<1x16xf32>
    tpu.vector_store %arg11[%swap3A_613, %swap3A_614], %swap3A_617 {strides = array<i32>} : memref<16x128xf32, #tpu.memory_space<vmem>>, vector<1x16xf32>,
    %swap3A_618 = arith.constant 12 : i32
    %swap3A_619 = arith.index_cast %swap3A_618 : i32 to index
    %swap3A_620 = arith.constant 48 : index
    %swap3A_621 = tpu.vector_load %arg11[%swap3A_619, %swap3A_620] {strides = array<i32>} : memref<16x128xf32, #tpu.memory_space<vmem>>, vector<1x16xf32>,
    %swap3A_622 = vector.shape_cast %swap3A_621 : vector<1x16xf32> to vector<16xf32>
    %swap3A_623 = vector.shape_cast %broadcast_in_dim3A_24 : vector<16xf32> to vector<1x16xf32>
    tpu.vector_store %arg11[%swap3A_619, %swap3A_620], %swap3A_623 {strides = array<i32>} : memref<16x128xf32, #tpu.memory_space<vmem>>, vector<1x16xf32>,
    %swap3A_624 = arith.constant 12 : i32
    %swap3A_625 = arith.index_cast %swap3A_624 : i32 to index
    %swap3A_626 = arith.constant 64 : index
    %swap3A_627 = tpu.vector_load %arg11[%swap3A_625, %swap3A_626] {strides = array<i32>} : memref<16x128xf32, #tpu.memory_space<vmem>>, vector<1x16xf32>,
    %swap3A_628 = vector.shape_cast %swap3A_627 : vector<1x16xf32> to vector<16xf32>
    %swap3A_629 = vector.shape_cast %broadcast_in_dim3A_24 : vector<16xf32> to vector<1x16xf32>
    tpu.vector_store %arg11[%swap3A_625, %swap3A_626], %swap3A_629 {strides = array<i32>} : memref<16x128xf32, #tpu.memory_space<vmem>>, vector<1x16xf32>,
    %swap3A_630 = arith.constant 12 : i32
    %swap3A_631 = arith.index_cast %swap3A_630 : i32 to index
    %swap3A_632 = arith.constant 80 : index
    %swap3A_633 = tpu.vector_load %arg11[%swap3A_631, %swap3A_632] {strides = array<i32>} : memref<16x128xf32, #tpu.memory_space<vmem>>, vector<1x16xf32>,
    %swap3A_634 = vector.shape_cast %swap3A_633 : vector<1x16xf32> to vector<16xf32>
    %swap3A_635 = vector.shape_cast %broadcast_in_dim3A_24 : vector<16xf32> to vector<1x16xf32>
    tpu.vector_store %arg11[%swap3A_631, %swap3A_632], %swap3A_635 {strides = array<i32>} : memref<16x128xf32, #tpu.memory_space<vmem>>, vector<1x16xf32>,
    %swap3A_636 = arith.constant 12 : i32
    %swap3A_637 = arith.index_cast %swap3A_636 : i32 to index
    %swap3A_638 = arith.constant 96 : index
    %swap3A_639 = tpu.vector_load %arg11[%swap3A_637, %swap3A_638] {strides = array<i32>} : memref<16x128xf32, #tpu.memory_space<vmem>>, vector<1x16xf32>,
    %swap3A_640 = vector.shape_cast %swap3A_639 : vector<1x16xf32> to vector<16xf32>
    %swap3A_641 = vector.shape_cast %broadcast_in_dim3A_24 : vector<16xf32> to vector<1x16xf32>
    tpu.vector_store %arg11[%swap3A_637, %swap3A_638], %swap3A_641 {strides = array<i32>} : memref<16x128xf32, #tpu.memory_space<vmem>>, vector<1x16xf32>,
    %swap3A_642 = arith.constant 12 : i32
    %swap3A_643 = arith.index_cast %swap3A_642 : i32 to index
    %swap3A_644 = arith.constant 112 : index
    %swap3A_645 = tpu.vector_load %arg11[%swap3A_643, %swap3A_644] {strides = array<i32>} : memref<16x128xf32, #tpu.memory_space<vmem>>, vector<1x16xf32>,
    %swap3A_646 = vector.shape_cast %swap3A_645 : vector<1x16xf32> to vector<16xf32>
    %swap3A_647 = vector.shape_cast %broadcast_in_dim3A_24 : vector<16xf32> to vector<1x16xf32>
    tpu.vector_store %arg11[%swap3A_643, %swap3A_644], %swap3A_647 {strides = array<i32>} : memref<16x128xf32, #tpu.memory_space<vmem>>, vector<1x16xf32>,
    %swap3A_648 = arith.constant 13 : i32
    %swap3A_649 = arith.index_cast %swap3A_648 : i32 to index
    %swap3A_650 = arith.constant 0 : index
    %swap3A_651 = tpu.vector_load %arg11[%swap3A_649, %swap3A_650] {strides = array<i32>} : memref<16x128xf32, #tpu.memory_space<vmem>>, vector<1x16xf32>,
    %swap3A_652 = vector.shape_cast %swap3A_651 : vector<1x16xf32> to vector<16xf32>
    %swap3A_653 = vector.shape_cast %broadcast_in_dim3A_24 : vector<16xf32> to vector<1x16xf32>
    tpu.vector_store %arg11[%swap3A_649, %swap3A_650], %swap3A_653 {strides = array<i32>} : memref<16x128xf32, #tpu.memory_space<vmem>>, vector<1x16xf32>,
    %swap3A_654 = arith.constant 13 : i32
    %swap3A_655 = arith.index_cast %swap3A_654 : i32 to index
    %swap3A_656 = arith.constant 16 : index
    %swap3A_657 = tpu.vector_load %arg11[%swap3A_655, %swap3A_656] {strides = array<i32>} : memref<16x128xf32, #tpu.memory_space<vmem>>, vector<1x16xf32>,
    %swap3A_658 = vector.shape_cast %swap3A_657 : vector<1x16xf32> to vector<16xf32>
    %swap3A_659 = vector.shape_cast %broadcast_in_dim3A_24 : vector<16xf32> to vector<1x16xf32>
    tpu.vector_store %arg11[%swap3A_655, %swap3A_656], %swap3A_659 {strides = array<i32>} : memref<16x128xf32, #tpu.memory_space<vmem>>, vector<1x16xf32>,
    %swap3A_660 = arith.constant 13 : i32
    %swap3A_661 = arith.index_cast %swap3A_660 : i32 to index
    %swap3A_662 = arith.constant 32 : index
    %swap3A_663 = tpu.vector_load %arg11[%swap3A_661, %swap3A_662] {strides = array<i32>} : memref<16x128xf32, #tpu.memory_space<vmem>>, vector<1x16xf32>,
    %swap3A_664 = vector.shape_cast %swap3A_663 : vector<1x16xf32> to vector<16xf32>
    %swap3A_665 = vector.shape_cast %broadcast_in_dim3A_24 : vector<16xf32> to vector<1x16xf32>
    tpu.vector_store %arg11[%swap3A_661, %swap3A_662], %swap3A_665 {strides = array<i32>} : memref<16x128xf32, #tpu.memory_space<vmem>>, vector<1x16xf32>,
    %swap3A_666 = arith.constant 13 : i32
    %swap3A_667 = arith.index_cast %swap3A_666 : i32 to index
    %swap3A_668 = arith.constant 48 : index
    %swap3A_669 = tpu.vector_load %arg11[%swap3A_667, %swap3A_668] {strides = array<i32>} : memref<16x128xf32, #tpu.memory_space<vmem>>, vector<1x16xf32>,
    %swap3A_670 = vector.shape_cast %swap3A_669 : vector<1x16xf32> to vector<16xf32>
    %swap3A_671 = vector.shape_cast %broadcast_in_dim3A_24 : vector<16xf32> to vector<1x16xf32>
    tpu.vector_store %arg11[%swap3A_667, %swap3A_668], %swap3A_671 {strides = array<i32>} : memref<16x128xf32, #tpu.memory_space<vmem>>, vector<1x16xf32>,
    %swap3A_672 = arith.constant 13 : i32
    %swap3A_673 = arith.index_cast %swap3A_672 : i32 to index
    %swap3A_674 = arith.constant 64 : index
    %swap3A_675 = tpu.vector_load %arg11[%swap3A_673, %swap3A_674] {strides = array<i32>} : memref<16x128xf32, #tpu.memory_space<vmem>>, vector<1x16xf32>,
    %swap3A_676 = vector.shape_cast %swap3A_675 : vector<1x16xf32> to vector<16xf32>
    %swap3A_677 = vector.shape_cast %broadcast_in_dim3A_24 : vector<16xf32> to vector<1x16xf32>
    tpu.vector_store %arg11[%swap3A_673, %swap3A_674], %swap3A_677 {strides = array<i32>} : memref<16x128xf32, #tpu.memory_space<vmem>>, vector<1x16xf32>,
    %swap3A_678 = arith.constant 13 : i32
    %swap3A_679 = arith.index_cast %swap3A_678 : i32 to index
    %swap3A_680 = arith.constant 80 : index
    %swap3A_681 = tpu.vector_load %arg11[%swap3A_679, %swap3A_680] {strides = array<i32>} : memref<16x128xf32, #tpu.memory_space<vmem>>, vector<1x16xf32>,
    %swap3A_682 = vector.shape_cast %swap3A_681 : vector<1x16xf32> to vector<16xf32>
    %swap3A_683 = vector.shape_cast %broadcast_in_dim3A_24 : vector<16xf32> to vector<1x16xf32>
    tpu.vector_store %arg11[%swap3A_679, %swap3A_680], %swap3A_683 {strides = array<i32>} : memref<16x128xf32, #tpu.memory_space<vmem>>, vector<1x16xf32>,
    %swap3A_684 = arith.constant 13 : i32
    %swap3A_685 = arith.index_cast %swap3A_684 : i32 to index
    %swap3A_686 = arith.constant 96 : index
    %swap3A_687 = tpu.vector_load %arg11[%swap3A_685, %swap3A_686] {strides = array<i32>} : memref<16x128xf32, #tpu.memory_space<vmem>>, vector<1x16xf32>,
    %swap3A_688 = vector.shape_cast %swap3A_687 : vector<1x16xf32> to vector<16xf32>
    %swap3A_689 = vector.shape_cast %broadcast_in_dim3A_24 : vector<16xf32> to vector<1x16xf32>
    tpu.vector_store %arg11[%swap3A_685, %swap3A_686], %swap3A_689 {strides = array<i32>} : memref<16x128xf32, #tpu.memory_space<vmem>>, vector<1x16xf32>,
    %swap3A_690 = arith.constant 13 : i32
    %swap3A_691 = arith.index_cast %swap3A_690 : i32 to index
    %swap3A_692 = arith.constant 112 : index
    %swap3A_693 = tpu.vector_load %arg11[%swap3A_691, %swap3A_692] {strides = array<i32>} : memref<16x128xf32, #tpu.memory_space<vmem>>, vector<1x16xf32>,
    %swap3A_694 = vector.shape_cast %swap3A_693 : vector<1x16xf32> to vector<16xf32>
    %swap3A_695 = vector.shape_cast %broadcast_in_dim3A_24 : vector<16xf32> to vector<1x16xf32>
    tpu.vector_store %arg11[%swap3A_691, %swap3A_692], %swap3A_695 {strides = array<i32>} : memref<16x128xf32, #tpu.memory_space<vmem>>, vector<1x16xf32>,
    %swap3A_696 = arith.constant 14 : i32
    %swap3A_697 = arith.index_cast %swap3A_696 : i32 to index
    %swap3A_698 = arith.constant 0 : index
    %swap3A_699 = tpu.vector_load %arg11[%swap3A_697, %swap3A_698] {strides = array<i32>} : memref<16x128xf32, #tpu.memory_space<vmem>>, vector<1x16xf32>,
    %swap3A_700 = vector.shape_cast %swap3A_699 : vector<1x16xf32> to vector<16xf32>
    %swap3A_701 = vector.shape_cast %broadcast_in_dim3A_24 : vector<16xf32> to vector<1x16xf32>
    tpu.vector_store %arg11[%swap3A_697, %swap3A_698], %swap3A_701 {strides = array<i32>} : memref<16x128xf32, #tpu.memory_space<vmem>>, vector<1x16xf32>,
    %swap3A_702 = arith.constant 14 : i32
    %swap3A_703 = arith.index_cast %swap3A_702 : i32 to index
    %swap3A_704 = arith.constant 16 : index
    %swap3A_705 = tpu.vector_load %arg11[%swap3A_703, %swap3A_704] {strides = array<i32>} : memref<16x128xf32, #tpu.memory_space<vmem>>, vector<1x16xf32>,
    %swap3A_706 = vector.shape_cast %swap3A_705 : vector<1x16xf32> to vector<16xf32>
    %swap3A_707 = vector.shape_cast %broadcast_in_dim3A_24 : vector<16xf32> to vector<1x16xf32>
    tpu.vector_store %arg11[%swap3A_703, %swap3A_704], %swap3A_707 {strides = array<i32>} : memref<16x128xf32, #tpu.memory_space<vmem>>, vector<1x16xf32>,
    %swap3A_708 = arith.constant 14 : i32
    %swap3A_709 = arith.index_cast %swap3A_708 : i32 to index
    %swap3A_710 = arith.constant 32 : index
    %swap3A_711 = tpu.vector_load %arg11[%swap3A_709, %swap3A_710] {strides = array<i32>} : memref<16x128xf32, #tpu.memory_space<vmem>>, vector<1x16xf32>,
    %swap3A_712 = vector.shape_cast %swap3A_711 : vector<1x16xf32> to vector<16xf32>
    %swap3A_713 = vector.shape_cast %broadcast_in_dim3A_24 : vector<16xf32> to vector<1x16xf32>
    tpu.vector_store %arg11[%swap3A_709, %swap3A_710], %swap3A_713 {strides = array<i32>} : memref<16x128xf32, #tpu.memory_space<vmem>>, vector<1x16xf32>,
    %swap3A_714 = arith.constant 14 : i32
    %swap3A_715 = arith.index_cast %swap3A_714 : i32 to index
    %swap3A_716 = arith.constant 48 : index
    %swap3A_717 = tpu.vector_load %arg11[%swap3A_715, %swap3A_716] {strides = array<i32>} : memref<16x128xf32, #tpu.memory_space<vmem>>, vector<1x16xf32>,
    %swap3A_718 = vector.shape_cast %swap3A_717 : vector<1x16xf32> to vector<16xf32>
    %swap3A_719 = vector.shape_cast %broadcast_in_dim3A_24 : vector<16xf32> to vector<1x16xf32>
    tpu.vector_store %arg11[%swap3A_715, %swap3A_716], %swap3A_719 {strides = array<i32>} : memref<16x128xf32, #tpu.memory_space<vmem>>, vector<1x16xf32>,
    %swap3A_720 = arith.constant 14 : i32
    %swap3A_721 = arith.index_cast %swap3A_720 : i32 to index
    %swap3A_722 = arith.constant 64 : index
    %swap3A_723 = tpu.vector_load %arg11[%swap3A_721, %swap3A_722] {strides = array<i32>} : memref<16x128xf32, #tpu.memory_space<vmem>>, vector<1x16xf32>,
    %swap3A_724 = vector.shape_cast %swap3A_723 : vector<1x16xf32> to vector<16xf32>
    %swap3A_725 = vector.shape_cast %broadcast_in_dim3A_24 : vector<16xf32> to vector<1x16xf32>
    tpu.vector_store %arg11[%swap3A_721, %swap3A_722], %swap3A_725 {strides = array<i32>} : memref<16x128xf32, #tpu.memory_space<vmem>>, vector<1x16xf32>,
    %swap3A_726 = arith.constant 14 : i32
    %swap3A_727 = arith.index_cast %swap3A_726 : i32 to index
    %swap3A_728 = arith.constant 80 : index
    %swap3A_729 = tpu.vector_load %arg11[%swap3A_727, %swap3A_728] {strides = array<i32>} : memref<16x128xf32, #tpu.memory_space<vmem>>, vector<1x16xf32>,
    %swap3A_730 = vector.shape_cast %swap3A_729 : vector<1x16xf32> to vector<16xf32>
    %swap3A_731 = vector.shape_cast %broadcast_in_dim3A_24 : vector<16xf32> to vector<1x16xf32>
    tpu.vector_store %arg11[%swap3A_727, %swap3A_728], %swap3A_731 {strides = array<i32>} : memref<16x128xf32, #tpu.memory_space<vmem>>, vector<1x16xf32>,
    %swap3A_732 = arith.constant 14 : i32
    %swap3A_733 = arith.index_cast %swap3A_732 : i32 to index
    %swap3A_734 = arith.constant 96 : index
    %swap3A_735 = tpu.vector_load %arg11[%swap3A_733, %swap3A_734] {strides = array<i32>} : memref<16x128xf32, #tpu.memory_space<vmem>>, vector<1x16xf32>,
    %swap3A_736 = vector.shape_cast %swap3A_735 : vector<1x16xf32> to vector<16xf32>
    %swap3A_737 = vector.shape_cast %broadcast_in_dim3A_24 : vector<16xf32> to vector<1x16xf32>
    tpu.vector_store %arg11[%swap3A_733, %swap3A_734], %swap3A_737 {strides = array<i32>} : memref<16x128xf32, #tpu.memory_space<vmem>>, vector<1x16xf32>,
    %swap3A_738 = arith.constant 14 : i32
    %swap3A_739 = arith.index_cast %swap3A_738 : i32 to index
    %swap3A_740 = arith.constant 112 : index
    %swap3A_741 = tpu.vector_load %arg11[%swap3A_739, %swap3A_740] {strides = array<i32>} : memref<16x128xf32, #tpu.memory_space<vmem>>, vector<1x16xf32>,
    %swap3A_742 = vector.shape_cast %swap3A_741 : vector<1x16xf32> to vector<16xf32>
    %swap3A_743 = vector.shape_cast %broadcast_in_dim3A_24 : vector<16xf32> to vector<1x16xf32>
    tpu.vector_store %arg11[%swap3A_739, %swap3A_740], %swap3A_743 {strides = array<i32>} : memref<16x128xf32, #tpu.memory_space<vmem>>, vector<1x16xf32>,
    %swap3A_744 = arith.constant 15 : i32
    %swap3A_745 = arith.index_cast %swap3A_744 : i32 to index
    %swap3A_746 = arith.constant 0 : index
    %swap3A_747 = tpu.vector_load %arg11[%swap3A_745, %swap3A_746] {strides = array<i32>} : memref<16x128xf32, #tpu.memory_space<vmem>>, vector<1x16xf32>,
    %swap3A_748 = vector.shape_cast %swap3A_747 : vector<1x16xf32> to vector<16xf32>
    %swap3A_749 = vector.shape_cast %broadcast_in_dim3A_24 : vector<16xf32> to vector<1x16xf32>
    tpu.vector_store %arg11[%swap3A_745, %swap3A_746], %swap3A_749 {strides = array<i32>} : memref<16x128xf32, #tpu.memory_space<vmem>>, vector<1x16xf32>,
    %swap3A_750 = arith.constant 15 : i32
    %swap3A_751 = arith.index_cast %swap3A_750 : i32 to index
    %swap3A_752 = arith.constant 16 : index
    %swap3A_753 = tpu.vector_load %arg11[%swap3A_751, %swap3A_752] {strides = array<i32>} : memref<16x128xf32, #tpu.memory_space<vmem>>, vector<1x16xf32>,
    %swap3A_754 = vector.shape_cast %swap3A_753 : vector<1x16xf32> to vector<16xf32>
    %swap3A_755 = vector.shape_cast %broadcast_in_dim3A_24 : vector<16xf32> to vector<1x16xf32>
    tpu.vector_store %arg11[%swap3A_751, %swap3A_752], %swap3A_755 {strides = array<i32>} : memref<16x128xf32, #tpu.memory_space<vmem>>, vector<1x16xf32>,
    %swap3A_756 = arith.constant 15 : i32
    %swap3A_757 = arith.index_cast %swap3A_756 : i32 to index
    %swap3A_758 = arith.constant 32 : index
    %swap3A_759 = tpu.vector_load %arg11[%swap3A_757, %swap3A_758] {strides = array<i32>} : memref<16x128xf32, #tpu.memory_space<vmem>>, vector<1x16xf32>,
    %swap3A_760 = vector.shape_cast %swap3A_759 : vector<1x16xf32> to vector<16xf32>
    %swap3A_761 = vector.shape_cast %broadcast_in_dim3A_24 : vector<16xf32> to vector<1x16xf32>
    tpu.vector_store %arg11[%swap3A_757, %swap3A_758], %swap3A_761 {strides = array<i32>} : memref<16x128xf32, #tpu.memory_space<vmem>>, vector<1x16xf32>,
    %swap3A_762 = arith.constant 15 : i32
    %swap3A_763 = arith.index_cast %swap3A_762 : i32 to index
    %swap3A_764 = arith.constant 48 : index
    %swap3A_765 = tpu.vector_load %arg11[%swap3A_763, %swap3A_764] {strides = array<i32>} : memref<16x128xf32, #tpu.memory_space<vmem>>, vector<1x16xf32>,
    %swap3A_766 = vector.shape_cast %swap3A_765 : vector<1x16xf32> to vector<16xf32>
    %swap3A_767 = vector.shape_cast %broadcast_in_dim3A_24 : vector<16xf32> to vector<1x16xf32>
    tpu.vector_store %arg11[%swap3A_763, %swap3A_764], %swap3A_767 {strides = array<i32>} : memref<16x128xf32, #tpu.memory_space<vmem>>, vector<1x16xf32>,
    %swap3A_768 = arith.constant 15 : i32
    %swap3A_769 = arith.index_cast %swap3A_768 : i32 to index
    %swap3A_770 = arith.constant 64 : index
    %swap3A_771 = tpu.vector_load %arg11[%swap3A_769, %swap3A_770] {strides = array<i32>} : memref<16x128xf32, #tpu.memory_space<vmem>>, vector<1x16xf32>,
    %swap3A_772 = vector.shape_cast %swap3A_771 : vector<1x16xf32> to vector<16xf32>
    %swap3A_773 = vector.shape_cast %broadcast_in_dim3A_24 : vector<16xf32> to vector<1x16xf32>
    tpu.vector_store %arg11[%swap3A_769, %swap3A_770], %swap3A_773 {strides = array<i32>} : memref<16x128xf32, #tpu.memory_space<vmem>>, vector<1x16xf32>,
    %swap3A_774 = arith.constant 15 : i32
    %swap3A_775 = arith.index_cast %swap3A_774 : i32 to index
    %swap3A_776 = arith.constant 80 : index
    %swap3A_777 = tpu.vector_load %arg11[%swap3A_775, %swap3A_776] {strides = array<i32>} : memref<16x128xf32, #tpu.memory_space<vmem>>, vector<1x16xf32>,
    %swap3A_778 = vector.shape_cast %swap3A_777 : vector<1x16xf32> to vector<16xf32>
    %swap3A_779 = vector.shape_cast %broadcast_in_dim3A_24 : vector<16xf32> to vector<1x16xf32>
    tpu.vector_store %arg11[%swap3A_775, %swap3A_776], %swap3A_779 {strides = array<i32>} : memref<16x128xf32, #tpu.memory_space<vmem>>, vector<1x16xf32>,
    %swap3A_780 = arith.constant 15 : i32
    %swap3A_781 = arith.index_cast %swap3A_780 : i32 to index
    %swap3A_782 = arith.constant 96 : index
    %swap3A_783 = tpu.vector_load %arg11[%swap3A_781, %swap3A_782] {strides = array<i32>} : memref<16x128xf32, #tpu.memory_space<vmem>>, vector<1x16xf32>,
    %swap3A_784 = vector.shape_cast %swap3A_783 : vector<1x16xf32> to vector<16xf32>
    %swap3A_785 = vector.shape_cast %broadcast_in_dim3A_24 : vector<16xf32> to vector<1x16xf32>
    tpu.vector_store %arg11[%swap3A_781, %swap3A_782], %swap3A_785 {strides = array<i32>} : memref<16x128xf32, #tpu.memory_space<vmem>>, vector<1x16xf32>,
    %swap3A_786 = arith.constant 15 : i32
    %swap3A_787 = arith.index_cast %swap3A_786 : i32 to index
    %swap3A_788 = arith.constant 112 : index
    %swap3A_789 = tpu.vector_load %arg11[%swap3A_787, %swap3A_788] {strides = array<i32>} : memref<16x128xf32, #tpu.memory_space<vmem>>, vector<1x16xf32>,
    %swap3A_790 = vector.shape_cast %swap3A_789 : vector<1x16xf32> to vector<16xf32>
    %swap3A_791 = vector.shape_cast %broadcast_in_dim3A_24 : vector<16xf32> to vector<1x16xf32>
    tpu.vector_store %arg11[%swap3A_787, %swap3A_788], %swap3A_791 {strides = array<i32>} : memref<16x128xf32, #tpu.memory_space<vmem>>, vector<1x16xf32>,
    %mul3A_792 = arith.constant 640 : i32
    %mul3A_793 = arith.muli %arg1, %mul3A_792 : i32
    %add3A_794 = arith.constant 0 : i32
    %add3A_795 = arith.addi %mul3A_793, %add3A_794 : i32
    %dma_start3A = arith.constant 0 : i32
    %dma_start3A_796 = tpu.memref_slice %arg12[%add3A_795, %dma_start3A] : memref<10240x128xf32, #tpu.memory_space<vmem_shared>> -> memref<16x128xf32, #tpu.memory_space<vmem_shared>>
    %dma_start3A_797 = arith.constant 0 : i32
    %dma_start3A_798 = tpu.memref_slice %arg12[%add3A_795, %dma_start3A_797] : memref<10240x128xf32, #tpu.memory_space<vmem_shared>> -> memref<16x128xf32, #tpu.memory_space<vmem_shared>>
    tpu.enqueue_dma source(%arg11 : memref<16x128xf32, #tpu.memory_space<vmem>>) target(%dma_start3A_798 : memref<16x128xf32, #tpu.memory_space<vmem_shared>>) target_semaphore(%arg17 : memref<!tpu.dma_semaphore, #tpu.memory_space<semaphore_mem>>)
    %mul3A_799 = arith.constant 640 : i32
    %mul3A_800 = arith.muli %arg1, %mul3A_799 : i32
    %add3A_801 = arith.constant 16 : i32
    %add3A_802 = arith.addi %mul3A_800, %add3A_801 : i32
    %dma_start3A_803 = arith.constant 0 : i32
    %dma_start3A_804 = tpu.memref_slice %arg12[%add3A_802, %dma_start3A_803] : memref<10240x128xf32, #tpu.memory_space<vmem_shared>> -> memref<16x128xf32, #tpu.memory_space<vmem_shared>>
    %dma_start3A_805 = arith.constant 0 : i32
    %dma_start3A_806 = tpu.memref_slice %arg12[%add3A_802, %dma_start3A_805] : memref<10240x128xf32, #tpu.memory_space<vmem_shared>> -> memref<16x128xf32, #tpu.memory_space<vmem_shared>>
    tpu.enqueue_dma source(%arg11 : memref<16x128xf32, #tpu.memory_space<vmem>>) target(%dma_start3A_806 : memref<16x128xf32, #tpu.memory_space<vmem_shared>>) target_semaphore(%arg18 : memref<!tpu.dma_semaphore, #tpu.memory_space<semaphore_mem>>)
    %mul3A_807 = arith.constant 640 : i32
    %mul3A_808 = arith.muli %arg1, %mul3A_807 : i32
    %add3A_809 = arith.constant 32 : i32
    %add3A_810 = arith.addi %mul3A_808, %add3A_809 : i32
    %dma_start3A_811 = arith.constant 0 : i32
    %dma_start3A_812 = tpu.memref_slice %arg12[%add3A_810, %dma_start3A_811] : memref<10240x128xf32, #tpu.memory_space<vmem_shared>> -> memref<16x128xf32, #tpu.memory_space<vmem_shared>>
    %dma_start3A_813 = arith.constant 0 : i32
    %dma_start3A_814 = tpu.memref_slice %arg12[%add3A_810, %dma_start3A_813] : memref<10240x128xf32, #tpu.memory_space<vmem_shared>> -> memref<16x128xf32, #tpu.memory_space<vmem_shared>>
    tpu.enqueue_dma source(%arg11 : memref<16x128xf32, #tpu.memory_space<vmem>>) target(%dma_start3A_814 : memref<16x128xf32, #tpu.memory_space<vmem_shared>>) target_semaphore(%arg17 : memref<!tpu.dma_semaphore, #tpu.memory_space<semaphore_mem>>)
    %mul3A_815 = arith.constant 640 : i32
    %mul3A_816 = arith.muli %arg1, %mul3A_815 : i32
    %add3A_817 = arith.constant 48 : i32
    %add3A_818 = arith.addi %mul3A_816, %add3A_817 : i32
    %dma_start3A_819 = arith.constant 0 : i32
    %dma_start3A_820 = tpu.memref_slice %arg12[%add3A_818, %dma_start3A_819] : memref<10240x128xf32, #tpu.memory_space<vmem_shared>> -> memref<16x128xf32, #tpu.memory_space<vmem_shared>>
    %dma_start3A_821 = arith.constant 0 : i32
    %dma_start3A_822 = tpu.memref_slice %arg12[%add3A_818, %dma_start3A_821] : memref<10240x128xf32, #tpu.memory_space<vmem_shared>> -> memref<16x128xf32, #tpu.memory_space<vmem_shared>>
    tpu.enqueue_dma source(%arg11 : memref<16x128xf32, #tpu.memory_space<vmem>>) target(%dma_start3A_822 : memref<16x128xf32, #tpu.memory_space<vmem_shared>>) target_semaphore(%arg18 : memref<!tpu.dma_semaphore, #tpu.memory_space<semaphore_mem>>)
    %mul3A_823 = arith.constant 640 : i32
    %mul3A_824 = arith.muli %arg1, %mul3A_823 : i32
    %add3A_825 = arith.constant 64 : i32
    %add3A_826 = arith.addi %mul3A_824, %add3A_825 : i32
    %dma_start3A_827 = arith.constant 0 : i32
    %dma_start3A_828 = tpu.memref_slice %arg12[%add3A_826, %dma_start3A_827] : memref<10240x128xf32, #tpu.memory_space<vmem_shared>> -> memref<16x128xf32, #tpu.memory_space<vmem_shared>>
    %dma_start3A_829 = arith.constant 0 : i32
    %dma_start3A_830 = tpu.memref_slice %arg12[%add3A_826, %dma_start3A_829] : memref<10240x128xf32, #tpu.memory_space<vmem_shared>> -> memref<16x128xf32, #tpu.memory_space<vmem_shared>>
    tpu.enqueue_dma source(%arg11 : memref<16x128xf32, #tpu.memory_space<vmem>>) target(%dma_start3A_830 : memref<16x128xf32, #tpu.memory_space<vmem_shared>>) target_semaphore(%arg17 : memref<!tpu.dma_semaphore, #tpu.memory_space<semaphore_mem>>)
    %mul3A_831 = arith.constant 640 : i32
    %mul3A_832 = arith.muli %arg1, %mul3A_831 : i32
    %add3A_833 = arith.constant 80 : i32
    %add3A_834 = arith.addi %mul3A_832, %add3A_833 : i32
    %dma_start3A_835 = arith.constant 0 : i32
    %dma_start3A_836 = tpu.memref_slice %arg12[%add3A_834, %dma_start3A_835] : memref<10240x128xf32, #tpu.memory_space<vmem_shared>> -> memref<16x128xf32, #tpu.memory_space<vmem_shared>>
    %dma_start3A_837 = arith.constant 0 : i32
    %dma_start3A_838 = tpu.memref_slice %arg12[%add3A_834, %dma_start3A_837] : memref<10240x128xf32, #tpu.memory_space<vmem_shared>> -> memref<16x128xf32, #tpu.memory_space<vmem_shared>>
    tpu.enqueue_dma source(%arg11 : memref<16x128xf32, #tpu.memory_space<vmem>>) target(%dma_start3A_838 : memref<16x128xf32, #tpu.memory_space<vmem_shared>>) target_semaphore(%arg18 : memref<!tpu.dma_semaphore, #tpu.memory_space<semaphore_mem>>)
    %mul3A_839 = arith.constant 640 : i32
    %mul3A_840 = arith.muli %arg1, %mul3A_839 : i32
    %add3A_841 = arith.constant 96 : i32
    %add3A_842 = arith.addi %mul3A_840, %add3A_841 : i32
    %dma_start3A_843 = arith.constant 0 : i32
    %dma_start3A_844 = tpu.memref_slice %arg12[%add3A_842, %dma_start3A_843] : memref<10240x128xf32, #tpu.memory_space<vmem_shared>> -> memref<16x128xf32, #tpu.memory_space<vmem_shared>>
    %dma_start3A_845 = arith.constant 0 : i32
    %dma_start3A_846 = tpu.memref_slice %arg12[%add3A_842, %dma_start3A_845] : memref<10240x128xf32, #tpu.memory_space<vmem_shared>> -> memref<16x128xf32, #tpu.memory_space<vmem_shared>>
    tpu.enqueue_dma source(%arg11 : memref<16x128xf32, #tpu.memory_space<vmem>>) target(%dma_start3A_846 : memref<16x128xf32, #tpu.memory_space<vmem_shared>>) target_semaphore(%arg17 : memref<!tpu.dma_semaphore, #tpu.memory_space<semaphore_mem>>)
    %mul3A_847 = arith.constant 640 : i32
    %mul3A_848 = arith.muli %arg1, %mul3A_847 : i32
    %add3A_849 = arith.constant 112 : i32
    %add3A_850 = arith.addi %mul3A_848, %add3A_849 : i32
    %dma_start3A_851 = arith.constant 0 : i32
    %dma_start3A_852 = tpu.memref_slice %arg12[%add3A_850, %dma_start3A_851] : memref<10240x128xf32, #tpu.memory_space<vmem_shared>> -> memref<16x128xf32, #tpu.memory_space<vmem_shared>>
    %dma_start3A_853 = arith.constant 0 : i32
    %dma_start3A_854 = tpu.memref_slice %arg12[%add3A_850, %dma_start3A_853] : memref<10240x128xf32, #tpu.memory_space<vmem_shared>> -> memref<16x128xf32, #tpu.memory_space<vmem_shared>>
    tpu.enqueue_dma source(%arg11 : memref<16x128xf32, #tpu.memory_space<vmem>>) target(%dma_start3A_854 : memref<16x128xf32, #tpu.memory_space<vmem_shared>>) target_semaphore(%arg18 : memref<!tpu.dma_semaphore, #tpu.memory_space<semaphore_mem>>)
    %mul3A_855 = arith.constant 640 : i32
    %mul3A_856 = arith.muli %arg1, %mul3A_855 : i32
    %add3A_857 = arith.constant 128 : i32
    %add3A_858 = arith.addi %mul3A_856, %add3A_857 : i32
    %dma_start3A_859 = arith.constant 0 : i32
    %dma_start3A_860 = tpu.memref_slice %arg12[%add3A_858, %dma_start3A_859] : memref<10240x128xf32, #tpu.memory_space<vmem_shared>> -> memref<16x128xf32, #tpu.memory_space<vmem_shared>>
    %dma_start3A_861 = arith.constant 0 : i32
    %dma_start3A_862 = tpu.memref_slice %arg12[%add3A_858, %dma_start3A_861] : memref<10240x128xf32, #tpu.memory_space<vmem_shared>> -> memref<16x128xf32, #tpu.memory_space<vmem_shared>>
    tpu.enqueue_dma source(%arg11 : memref<16x128xf32, #tpu.memory_space<vmem>>) target(%dma_start3A_862 : memref<16x128xf32, #tpu.memory_space<vmem_shared>>) target_semaphore(%arg17 : memref<!tpu.dma_semaphore, #tpu.memory_space<semaphore_mem>>)
    %mul3A_863 = arith.constant 640 : i32
    %mul3A_864 = arith.muli %arg1, %mul3A_863 : i32
    %add3A_865 = arith.constant 144 : i32
    %add3A_866 = arith.addi %mul3A_864, %add3A_865 : i32
    %dma_start3A_867 = arith.constant 0 : i32
    %dma_start3A_868 = tpu.memref_slice %arg12[%add3A_866, %dma_start3A_867] : memref<10240x128xf32, #tpu.memory_space<vmem_shared>> -> memref<16x128xf32, #tpu.memory_space<vmem_shared>>
    %dma_start3A_869 = arith.constant 0 : i32
    %dma_start3A_870 = tpu.memref_slice %arg12[%add3A_866, %dma_start3A_869] : memref<10240x128xf32, #tpu.memory_space<vmem_shared>> -> memref<16x128xf32, #tpu.memory_space<vmem_shared>>
    tpu.enqueue_dma source(%arg11 : memref<16x128xf32, #tpu.memory_space<vmem>>) target(%dma_start3A_870 : memref<16x128xf32, #tpu.memory_space<vmem_shared>>) target_semaphore(%arg18 : memref<!tpu.dma_semaphore, #tpu.memory_space<semaphore_mem>>)
    %mul3A_871 = arith.constant 640 : i32
    %mul3A_872 = arith.muli %arg1, %mul3A_871 : i32
    %add3A_873 = arith.constant 160 : i32
    %add3A_874 = arith.addi %mul3A_872, %add3A_873 : i32
    %dma_start3A_875 = arith.constant 0 : i32
    %dma_start3A_876 = tpu.memref_slice %arg12[%add3A_874, %dma_start3A_875] : memref<10240x128xf32, #tpu.memory_space<vmem_shared>> -> memref<16x128xf32, #tpu.memory_space<vmem_shared>>
    %dma_start3A_877 = arith.constant 0 : i32
    %dma_start3A_878 = tpu.memref_slice %arg12[%add3A_874, %dma_start3A_877] : memref<10240x128xf32, #tpu.memory_space<vmem_shared>> -> memref<16x128xf32, #tpu.memory_space<vmem_shared>>
    tpu.enqueue_dma source(%arg11 : memref<16x128xf32, #tpu.memory_space<vmem>>) target(%dma_start3A_878 : memref<16x128xf32, #tpu.memory_space<vmem_shared>>) target_semaphore(%arg17 : memref<!tpu.dma_semaphore, #tpu.memory_space<semaphore_mem>>)
    %mul3A_879 = arith.constant 640 : i32
    %mul3A_880 = arith.muli %arg1, %mul3A_879 : i32
    %add3A_881 = arith.constant 176 : i32
    %add3A_882 = arith.addi %mul3A_880, %add3A_881 : i32
    %dma_start3A_883 = arith.constant 0 : i32
    %dma_start3A_884 = tpu.memref_slice %arg12[%add3A_882, %dma_start3A_883] : memref<10240x128xf32, #tpu.memory_space<vmem_shared>> -> memref<16x128xf32, #tpu.memory_space<vmem_shared>>
    %dma_start3A_885 = arith.constant 0 : i32
    %dma_start3A_886 = tpu.memref_slice %arg12[%add3A_882, %dma_start3A_885] : memref<10240x128xf32, #tpu.memory_space<vmem_shared>> -> memref<16x128xf32, #tpu.memory_space<vmem_shared>>
    tpu.enqueue_dma source(%arg11 : memref<16x128xf32, #tpu.memory_space<vmem>>) target(%dma_start3A_886 : memref<16x128xf32, #tpu.memory_space<vmem_shared>>) target_semaphore(%arg18 : memref<!tpu.dma_semaphore, #tpu.memory_space<semaphore_mem>>)
    %mul3A_887 = arith.constant 640 : i32
    %mul3A_888 = arith.muli %arg1, %mul3A_887 : i32
    %add3A_889 = arith.constant 192 : i32
    %add3A_890 = arith.addi %mul3A_888, %add3A_889 : i32
    %dma_start3A_891 = arith.constant 0 : i32
    %dma_start3A_892 = tpu.memref_slice %arg12[%add3A_890, %dma_start3A_891] : memref<10240x128xf32, #tpu.memory_space<vmem_shared>> -> memref<16x128xf32, #tpu.memory_space<vmem_shared>>
    %dma_start3A_893 = arith.constant 0 : i32
    %dma_start3A_894 = tpu.memref_slice %arg12[%add3A_890, %dma_start3A_893] : memref<10240x128xf32, #tpu.memory_space<vmem_shared>> -> memref<16x128xf32, #tpu.memory_space<vmem_shared>>
    tpu.enqueue_dma source(%arg11 : memref<16x128xf32, #tpu.memory_space<vmem>>) target(%dma_start3A_894 : memref<16x128xf32, #tpu.memory_space<vmem_shared>>) target_semaphore(%arg17 : memref<!tpu.dma_semaphore, #tpu.memory_space<semaphore_mem>>)
    %mul3A_895 = arith.constant 640 : i32
    %mul3A_896 = arith.muli %arg1, %mul3A_895 : i32
    %add3A_897 = arith.constant 208 : i32
    %add3A_898 = arith.addi %mul3A_896, %add3A_897 : i32
    %dma_start3A_899 = arith.constant 0 : i32
    %dma_start3A_900 = tpu.memref_slice %arg12[%add3A_898, %dma_start3A_899] : memref<10240x128xf32, #tpu.memory_space<vmem_shared>> -> memref<16x128xf32, #tpu.memory_space<vmem_shared>>
    %dma_start3A_901 = arith.constant 0 : i32
    %dma_start3A_902 = tpu.memref_slice %arg12[%add3A_898, %dma_start3A_901] : memref<10240x128xf32, #tpu.memory_space<vmem_shared>> -> memref<16x128xf32, #tpu.memory_space<vmem_shared>>
    tpu.enqueue_dma source(%arg11 : memref<16x128xf32, #tpu.memory_space<vmem>>) target(%dma_start3A_902 : memref<16x128xf32, #tpu.memory_space<vmem_shared>>) target_semaphore(%arg18 : memref<!tpu.dma_semaphore, #tpu.memory_space<semaphore_mem>>)
    %mul3A_903 = arith.constant 640 : i32
    %mul3A_904 = arith.muli %arg1, %mul3A_903 : i32
    %add3A_905 = arith.constant 224 : i32
    %add3A_906 = arith.addi %mul3A_904, %add3A_905 : i32
    %dma_start3A_907 = arith.constant 0 : i32
    %dma_start3A_908 = tpu.memref_slice %arg12[%add3A_906, %dma_start3A_907] : memref<10240x128xf32, #tpu.memory_space<vmem_shared>> -> memref<16x128xf32, #tpu.memory_space<vmem_shared>>
    %dma_start3A_909 = arith.constant 0 : i32
    %dma_start3A_910 = tpu.memref_slice %arg12[%add3A_906, %dma_start3A_909] : memref<10240x128xf32, #tpu.memory_space<vmem_shared>> -> memref<16x128xf32, #tpu.memory_space<vmem_shared>>
    tpu.enqueue_dma source(%arg11 : memref<16x128xf32, #tpu.memory_space<vmem>>) target(%dma_start3A_910 : memref<16x128xf32, #tpu.memory_space<vmem_shared>>) target_semaphore(%arg17 : memref<!tpu.dma_semaphore, #tpu.memory_space<semaphore_mem>>)
    %mul3A_911 = arith.constant 640 : i32
    %mul3A_912 = arith.muli %arg1, %mul3A_911 : i32
    %add3A_913 = arith.constant 240 : i32
    %add3A_914 = arith.addi %mul3A_912, %add3A_913 : i32
    %dma_start3A_915 = arith.constant 0 : i32
    %dma_start3A_916 = tpu.memref_slice %arg12[%add3A_914, %dma_start3A_915] : memref<10240x128xf32, #tpu.memory_space<vmem_shared>> -> memref<16x128xf32, #tpu.memory_space<vmem_shared>>
    %dma_start3A_917 = arith.constant 0 : i32
    %dma_start3A_918 = tpu.memref_slice %arg12[%add3A_914, %dma_start3A_917] : memref<10240x128xf32, #tpu.memory_space<vmem_shared>> -> memref<16x128xf32, #tpu.memory_space<vmem_shared>>
    tpu.enqueue_dma source(%arg11 : memref<16x128xf32, #tpu.memory_space<vmem>>) target(%dma_start3A_918 : memref<16x128xf32, #tpu.memory_space<vmem_shared>>) target_semaphore(%arg18 : memref<!tpu.dma_semaphore, #tpu.memory_space<semaphore_mem>>)
    %mul3A_919 = arith.constant 640 : i32
    %mul3A_920 = arith.muli %arg1, %mul3A_919 : i32
    %add3A_921 = arith.constant 256 : i32
    %add3A_922 = arith.addi %mul3A_920, %add3A_921 : i32
    %dma_start3A_923 = arith.constant 0 : i32
    %dma_start3A_924 = tpu.memref_slice %arg12[%add3A_922, %dma_start3A_923] : memref<10240x128xf32, #tpu.memory_space<vmem_shared>> -> memref<16x128xf32, #tpu.memory_space<vmem_shared>>
    %dma_start3A_925 = arith.constant 0 : i32
    %dma_start3A_926 = tpu.memref_slice %arg12[%add3A_922, %dma_start3A_925] : memref<10240x128xf32, #tpu.memory_space<vmem_shared>> -> memref<16x128xf32, #tpu.memory_space<vmem_shared>>
    tpu.enqueue_dma source(%arg11 : memref<16x128xf32, #tpu.memory_space<vmem>>) target(%dma_start3A_926 : memref<16x128xf32, #tpu.memory_space<vmem_shared>>) target_semaphore(%arg17 : memref<!tpu.dma_semaphore, #tpu.memory_space<semaphore_mem>>)
    %mul3A_927 = arith.constant 640 : i32
    %mul3A_928 = arith.muli %arg1, %mul3A_927 : i32
    %add3A_929 = arith.constant 272 : i32
    %add3A_930 = arith.addi %mul3A_928, %add3A_929 : i32
    %dma_start3A_931 = arith.constant 0 : i32
    %dma_start3A_932 = tpu.memref_slice %arg12[%add3A_930, %dma_start3A_931] : memref<10240x128xf32, #tpu.memory_space<vmem_shared>> -> memref<16x128xf32, #tpu.memory_space<vmem_shared>>
    %dma_start3A_933 = arith.constant 0 : i32
    %dma_start3A_934 = tpu.memref_slice %arg12[%add3A_930, %dma_start3A_933] : memref<10240x128xf32, #tpu.memory_space<vmem_shared>> -> memref<16x128xf32, #tpu.memory_space<vmem_shared>>
    tpu.enqueue_dma source(%arg11 : memref<16x128xf32, #tpu.memory_space<vmem>>) target(%dma_start3A_934 : memref<16x128xf32, #tpu.memory_space<vmem_shared>>) target_semaphore(%arg18 : memref<!tpu.dma_semaphore, #tpu.memory_space<semaphore_mem>>)
    %mul3A_935 = arith.constant 640 : i32
    %mul3A_936 = arith.muli %arg1, %mul3A_935 : i32
    %add3A_937 = arith.constant 288 : i32
    %add3A_938 = arith.addi %mul3A_936, %add3A_937 : i32
    %dma_start3A_939 = arith.constant 0 : i32
    %dma_start3A_940 = tpu.memref_slice %arg12[%add3A_938, %dma_start3A_939] : memref<10240x128xf32, #tpu.memory_space<vmem_shared>> -> memref<16x128xf32, #tpu.memory_space<vmem_shared>>
    %dma_start3A_941 = arith.constant 0 : i32
    %dma_start3A_942 = tpu.memref_slice %arg12[%add3A_938, %dma_start3A_941] : memref<10240x128xf32, #tpu.memory_space<vmem_shared>> -> memref<16x128xf32, #tpu.memory_space<vmem_shared>>
    tpu.enqueue_dma source(%arg11 : memref<16x128xf32, #tpu.memory_space<vmem>>) target(%dma_start3A_942 : memref<16x128xf32, #tpu.memory_space<vmem_shared>>) target_semaphore(%arg17 : memref<!tpu.dma_semaphore, #tpu.memory_space<semaphore_mem>>)
    %mul3A_943 = arith.constant 640 : i32
    %mul3A_944 = arith.muli %arg1, %mul3A_943 : i32
    %add3A_945 = arith.constant 304 : i32
    %add3A_946 = arith.addi %mul3A_944, %add3A_945 : i32
    %dma_start3A_947 = arith.constant 0 : i32
    %dma_start3A_948 = tpu.memref_slice %arg12[%add3A_946, %dma_start3A_947] : memref<10240x128xf32, #tpu.memory_space<vmem_shared>> -> memref<16x128xf32, #tpu.memory_space<vmem_shared>>
    %dma_start3A_949 = arith.constant 0 : i32
    %dma_start3A_950 = tpu.memref_slice %arg12[%add3A_946, %dma_start3A_949] : memref<10240x128xf32, #tpu.memory_space<vmem_shared>> -> memref<16x128xf32, #tpu.memory_space<vmem_shared>>
    tpu.enqueue_dma source(%arg11 : memref<16x128xf32, #tpu.memory_space<vmem>>) target(%dma_start3A_950 : memref<16x128xf32, #tpu.memory_space<vmem_shared>>) target_semaphore(%arg18 : memref<!tpu.dma_semaphore, #tpu.memory_space<semaphore_mem>>)
    %mul3A_951 = arith.constant 640 : i32
    %mul3A_952 = arith.muli %arg1, %mul3A_951 : i32
    %add3A_953 = arith.constant 320 : i32
    %add3A_954 = arith.addi %mul3A_952, %add3A_953 : i32
    %dma_start3A_955 = arith.constant 0 : i32
    %dma_start3A_956 = tpu.memref_slice %arg12[%add3A_954, %dma_start3A_955] : memref<10240x128xf32, #tpu.memory_space<vmem_shared>> -> memref<16x128xf32, #tpu.memory_space<vmem_shared>>
    %dma_start3A_957 = arith.constant 0 : i32
    %dma_start3A_958 = tpu.memref_slice %arg12[%add3A_954, %dma_start3A_957] : memref<10240x128xf32, #tpu.memory_space<vmem_shared>> -> memref<16x128xf32, #tpu.memory_space<vmem_shared>>
    tpu.enqueue_dma source(%arg11 : memref<16x128xf32, #tpu.memory_space<vmem>>) target(%dma_start3A_958 : memref<16x128xf32, #tpu.memory_space<vmem_shared>>) target_semaphore(%arg17 : memref<!tpu.dma_semaphore, #tpu.memory_space<semaphore_mem>>)
    %mul3A_959 = arith.constant 640 : i32
    %mul3A_960 = arith.muli %arg1, %mul3A_959 : i32
    %add3A_961 = arith.constant 336 : i32
    %add3A_962 = arith.addi %mul3A_960, %add3A_961 : i32
    %dma_start3A_963 = arith.constant 0 : i32
    %dma_start3A_964 = tpu.memref_slice %arg12[%add3A_962, %dma_start3A_963] : memref<10240x128xf32, #tpu.memory_space<vmem_shared>> -> memref<16x128xf32, #tpu.memory_space<vmem_shared>>
    %dma_start3A_965 = arith.constant 0 : i32
    %dma_start3A_966 = tpu.memref_slice %arg12[%add3A_962, %dma_start3A_965] : memref<10240x128xf32, #tpu.memory_space<vmem_shared>> -> memref<16x128xf32, #tpu.memory_space<vmem_shared>>
    tpu.enqueue_dma source(%arg11 : memref<16x128xf32, #tpu.memory_space<vmem>>) target(%dma_start3A_966 : memref<16x128xf32, #tpu.memory_space<vmem_shared>>) target_semaphore(%arg18 : memref<!tpu.dma_semaphore, #tpu.memory_space<semaphore_mem>>)
    %mul3A_967 = arith.constant 640 : i32
    %mul3A_968 = arith.muli %arg1, %mul3A_967 : i32
    %add3A_969 = arith.constant 352 : i32
    %add3A_970 = arith.addi %mul3A_968, %add3A_969 : i32
    %dma_start3A_971 = arith.constant 0 : i32
    %dma_start3A_972 = tpu.memref_slice %arg12[%add3A_970, %dma_start3A_971] : memref<10240x128xf32, #tpu.memory_space<vmem_shared>> -> memref<16x128xf32, #tpu.memory_space<vmem_shared>>
    %dma_start3A_973 = arith.constant 0 : i32
    %dma_start3A_974 = tpu.memref_slice %arg12[%add3A_970, %dma_start3A_973] : memref<10240x128xf32, #tpu.memory_space<vmem_shared>> -> memref<16x128xf32, #tpu.memory_space<vmem_shared>>
    tpu.enqueue_dma source(%arg11 : memref<16x128xf32, #tpu.memory_space<vmem>>) target(%dma_start3A_974 : memref<16x128xf32, #tpu.memory_space<vmem_shared>>) target_semaphore(%arg17 : memref<!tpu.dma_semaphore, #tpu.memory_space<semaphore_mem>>)
    %mul3A_975 = arith.constant 640 : i32
    %mul3A_976 = arith.muli %arg1, %mul3A_975 : i32
    %add3A_977 = arith.constant 368 : i32
    %add3A_978 = arith.addi %mul3A_976, %add3A_977 : i32
    %dma_start3A_979 = arith.constant 0 : i32
    %dma_start3A_980 = tpu.memref_slice %arg12[%add3A_978, %dma_start3A_979] : memref<10240x128xf32, #tpu.memory_space<vmem_shared>> -> memref<16x128xf32, #tpu.memory_space<vmem_shared>>
    %dma_start3A_981 = arith.constant 0 : i32
    %dma_start3A_982 = tpu.memref_slice %arg12[%add3A_978, %dma_start3A_981] : memref<10240x128xf32, #tpu.memory_space<vmem_shared>> -> memref<16x128xf32, #tpu.memory_space<vmem_shared>>
    tpu.enqueue_dma source(%arg11 : memref<16x128xf32, #tpu.memory_space<vmem>>) target(%dma_start3A_982 : memref<16x128xf32, #tpu.memory_space<vmem_shared>>) target_semaphore(%arg18 : memref<!tpu.dma_semaphore, #tpu.memory_space<semaphore_mem>>)
    %mul3A_983 = arith.constant 640 : i32
    %mul3A_984 = arith.muli %arg1, %mul3A_983 : i32
    %add3A_985 = arith.constant 384 : i32
    %add3A_986 = arith.addi %mul3A_984, %add3A_985 : i32
    %dma_start3A_987 = arith.constant 0 : i32
    %dma_start3A_988 = tpu.memref_slice %arg12[%add3A_986, %dma_start3A_987] : memref<10240x128xf32, #tpu.memory_space<vmem_shared>> -> memref<16x128xf32, #tpu.memory_space<vmem_shared>>
    %dma_start3A_989 = arith.constant 0 : i32
    %dma_start3A_990 = tpu.memref_slice %arg12[%add3A_986, %dma_start3A_989] : memref<10240x128xf32, #tpu.memory_space<vmem_shared>> -> memref<16x128xf32, #tpu.memory_space<vmem_shared>>
    tpu.enqueue_dma source(%arg11 : memref<16x128xf32, #tpu.memory_space<vmem>>) target(%dma_start3A_990 : memref<16x128xf32, #tpu.memory_space<vmem_shared>>) target_semaphore(%arg17 : memref<!tpu.dma_semaphore, #tpu.memory_space<semaphore_mem>>)
    %mul3A_991 = arith.constant 640 : i32
    %mul3A_992 = arith.muli %arg1, %mul3A_991 : i32
    %add3A_993 = arith.constant 400 : i32
    %add3A_994 = arith.addi %mul3A_992, %add3A_993 : i32
    %dma_start3A_995 = arith.constant 0 : i32
    %dma_start3A_996 = tpu.memref_slice %arg12[%add3A_994, %dma_start3A_995] : memref<10240x128xf32, #tpu.memory_space<vmem_shared>> -> memref<16x128xf32, #tpu.memory_space<vmem_shared>>
    %dma_start3A_997 = arith.constant 0 : i32
    %dma_start3A_998 = tpu.memref_slice %arg12[%add3A_994, %dma_start3A_997] : memref<10240x128xf32, #tpu.memory_space<vmem_shared>> -> memref<16x128xf32, #tpu.memory_space<vmem_shared>>
    tpu.enqueue_dma source(%arg11 : memref<16x128xf32, #tpu.memory_space<vmem>>) target(%dma_start3A_998 : memref<16x128xf32, #tpu.memory_space<vmem_shared>>) target_semaphore(%arg18 : memref<!tpu.dma_semaphore, #tpu.memory_space<semaphore_mem>>)
    %mul3A_999 = arith.constant 640 : i32
    %mul3A_1000 = arith.muli %arg1, %mul3A_999 : i32
    %add3A_1001 = arith.constant 416 : i32
    %add3A_1002 = arith.addi %mul3A_1000, %add3A_1001 : i32
    %dma_start3A_1003 = arith.constant 0 : i32
    %dma_start3A_1004 = tpu.memref_slice %arg12[%add3A_1002, %dma_start3A_1003] : memref<10240x128xf32, #tpu.memory_space<vmem_shared>> -> memref<16x128xf32, #tpu.memory_space<vmem_shared>>
    %dma_start3A_1005 = arith.constant 0 : i32
    %dma_start3A_1006 = tpu.memref_slice %arg12[%add3A_1002, %dma_start3A_1005] : memref<10240x128xf32, #tpu.memory_space<vmem_shared>> -> memref<16x128xf32, #tpu.memory_space<vmem_shared>>
    tpu.enqueue_dma source(%arg11 : memref<16x128xf32, #tpu.memory_space<vmem>>) target(%dma_start3A_1006 : memref<16x128xf32, #tpu.memory_space<vmem_shared>>) target_semaphore(%arg17 : memref<!tpu.dma_semaphore, #tpu.memory_space<semaphore_mem>>)
    %mul3A_1007 = arith.constant 640 : i32
    %mul3A_1008 = arith.muli %arg1, %mul3A_1007 : i32
    %add3A_1009 = arith.constant 432 : i32
    %add3A_1010 = arith.addi %mul3A_1008, %add3A_1009 : i32
    %dma_start3A_1011 = arith.constant 0 : i32
    %dma_start3A_1012 = tpu.memref_slice %arg12[%add3A_1010, %dma_start3A_1011] : memref<10240x128xf32, #tpu.memory_space<vmem_shared>> -> memref<16x128xf32, #tpu.memory_space<vmem_shared>>
    %dma_start3A_1013 = arith.constant 0 : i32
    %dma_start3A_1014 = tpu.memref_slice %arg12[%add3A_1010, %dma_start3A_1013] : memref<10240x128xf32, #tpu.memory_space<vmem_shared>> -> memref<16x128xf32, #tpu.memory_space<vmem_shared>>
    tpu.enqueue_dma source(%arg11 : memref<16x128xf32, #tpu.memory_space<vmem>>) target(%dma_start3A_1014 : memref<16x128xf32, #tpu.memory_space<vmem_shared>>) target_semaphore(%arg18 : memref<!tpu.dma_semaphore, #tpu.memory_space<semaphore_mem>>)
    %mul3A_1015 = arith.constant 640 : i32
    %mul3A_1016 = arith.muli %arg1, %mul3A_1015 : i32
    %add3A_1017 = arith.constant 448 : i32
    %add3A_1018 = arith.addi %mul3A_1016, %add3A_1017 : i32
    %dma_start3A_1019 = arith.constant 0 : i32
    %dma_start3A_1020 = tpu.memref_slice %arg12[%add3A_1018, %dma_start3A_1019] : memref<10240x128xf32, #tpu.memory_space<vmem_shared>> -> memref<16x128xf32, #tpu.memory_space<vmem_shared>>
    %dma_start3A_1021 = arith.constant 0 : i32
    %dma_start3A_1022 = tpu.memref_slice %arg12[%add3A_1018, %dma_start3A_1021] : memref<10240x128xf32, #tpu.memory_space<vmem_shared>> -> memref<16x128xf32, #tpu.memory_space<vmem_shared>>
    tpu.enqueue_dma source(%arg11 : memref<16x128xf32, #tpu.memory_space<vmem>>) target(%dma_start3A_1022 : memref<16x128xf32, #tpu.memory_space<vmem_shared>>) target_semaphore(%arg17 : memref<!tpu.dma_semaphore, #tpu.memory_space<semaphore_mem>>)
    %mul3A_1023 = arith.constant 640 : i32
    %mul3A_1024 = arith.muli %arg1, %mul3A_1023 : i32
    %add3A_1025 = arith.constant 464 : i32
    %add3A_1026 = arith.addi %mul3A_1024, %add3A_1025 : i32
    %dma_start3A_1027 = arith.constant 0 : i32
    %dma_start3A_1028 = tpu.memref_slice %arg12[%add3A_1026, %dma_start3A_1027] : memref<10240x128xf32, #tpu.memory_space<vmem_shared>> -> memref<16x128xf32, #tpu.memory_space<vmem_shared>>
    %dma_start3A_1029 = arith.constant 0 : i32
    %dma_start3A_1030 = tpu.memref_slice %arg12[%add3A_1026, %dma_start3A_1029] : memref<10240x128xf32, #tpu.memory_space<vmem_shared>> -> memref<16x128xf32, #tpu.memory_space<vmem_shared>>
    tpu.enqueue_dma source(%arg11 : memref<16x128xf32, #tpu.memory_space<vmem>>) target(%dma_start3A_1030 : memref<16x128xf32, #tpu.memory_space<vmem_shared>>) target_semaphore(%arg18 : memref<!tpu.dma_semaphore, #tpu.memory_space<semaphore_mem>>)
    %mul3A_1031 = arith.constant 640 : i32
    %mul3A_1032 = arith.muli %arg1, %mul3A_1031 : i32
    %add3A_1033 = arith.constant 480 : i32
    %add3A_1034 = arith.addi %mul3A_1032, %add3A_1033 : i32
    %dma_start3A_1035 = arith.constant 0 : i32
    %dma_start3A_1036 = tpu.memref_slice %arg12[%add3A_1034, %dma_start3A_1035] : memref<10240x128xf32, #tpu.memory_space<vmem_shared>> -> memref<16x128xf32, #tpu.memory_space<vmem_shared>>
    %dma_start3A_1037 = arith.constant 0 : i32
    %dma_start3A_1038 = tpu.memref_slice %arg12[%add3A_1034, %dma_start3A_1037] : memref<10240x128xf32, #tpu.memory_space<vmem_shared>> -> memref<16x128xf32, #tpu.memory_space<vmem_shared>>
    tpu.enqueue_dma source(%arg11 : memref<16x128xf32, #tpu.memory_space<vmem>>) target(%dma_start3A_1038 : memref<16x128xf32, #tpu.memory_space<vmem_shared>>) target_semaphore(%arg17 : memref<!tpu.dma_semaphore, #tpu.memory_space<semaphore_mem>>)
    %mul3A_1039 = arith.constant 640 : i32
    %mul3A_1040 = arith.muli %arg1, %mul3A_1039 : i32
    %add3A_1041 = arith.constant 496 : i32
    %add3A_1042 = arith.addi %mul3A_1040, %add3A_1041 : i32
    %dma_start3A_1043 = arith.constant 0 : i32
    %dma_start3A_1044 = tpu.memref_slice %arg12[%add3A_1042, %dma_start3A_1043] : memref<10240x128xf32, #tpu.memory_space<vmem_shared>> -> memref<16x128xf32, #tpu.memory_space<vmem_shared>>
    %dma_start3A_1045 = arith.constant 0 : i32
    %dma_start3A_1046 = tpu.memref_slice %arg12[%add3A_1042, %dma_start3A_1045] : memref<10240x128xf32, #tpu.memory_space<vmem_shared>> -> memref<16x128xf32, #tpu.memory_space<vmem_shared>>
    tpu.enqueue_dma source(%arg11 : memref<16x128xf32, #tpu.memory_space<vmem>>) target(%dma_start3A_1046 : memref<16x128xf32, #tpu.memory_space<vmem_shared>>) target_semaphore(%arg18 : memref<!tpu.dma_semaphore, #tpu.memory_space<semaphore_mem>>)
    %mul3A_1047 = arith.constant 640 : i32
    %mul3A_1048 = arith.muli %arg1, %mul3A_1047 : i32
    %add3A_1049 = arith.constant 512 : i32
    %add3A_1050 = arith.addi %mul3A_1048, %add3A_1049 : i32
    %dma_start3A_1051 = arith.constant 0 : i32
    %dma_start3A_1052 = tpu.memref_slice %arg12[%add3A_1050, %dma_start3A_1051] : memref<10240x128xf32, #tpu.memory_space<vmem_shared>> -> memref<16x128xf32, #tpu.memory_space<vmem_shared>>
    %dma_start3A_1053 = arith.constant 0 : i32
    %dma_start3A_1054 = tpu.memref_slice %arg12[%add3A_1050, %dma_start3A_1053] : memref<10240x128xf32, #tpu.memory_space<vmem_shared>> -> memref<16x128xf32, #tpu.memory_space<vmem_shared>>
    tpu.enqueue_dma source(%arg11 : memref<16x128xf32, #tpu.memory_space<vmem>>) target(%dma_start3A_1054 : memref<16x128xf32, #tpu.memory_space<vmem_shared>>) target_semaphore(%arg17 : memref<!tpu.dma_semaphore, #tpu.memory_space<semaphore_mem>>)
    %mul3A_1055 = arith.constant 640 : i32
    %mul3A_1056 = arith.muli %arg1, %mul3A_1055 : i32
    %add3A_1057 = arith.constant 528 : i32
    %add3A_1058 = arith.addi %mul3A_1056, %add3A_1057 : i32
    %dma_start3A_1059 = arith.constant 0 : i32
    %dma_start3A_1060 = tpu.memref_slice %arg12[%add3A_1058, %dma_start3A_1059] : memref<10240x128xf32, #tpu.memory_space<vmem_shared>> -> memref<16x128xf32, #tpu.memory_space<vmem_shared>>
    %dma_start3A_1061 = arith.constant 0 : i32
    %dma_start3A_1062 = tpu.memref_slice %arg12[%add3A_1058, %dma_start3A_1061] : memref<10240x128xf32, #tpu.memory_space<vmem_shared>> -> memref<16x128xf32, #tpu.memory_space<vmem_shared>>
    tpu.enqueue_dma source(%arg11 : memref<16x128xf32, #tpu.memory_space<vmem>>) target(%dma_start3A_1062 : memref<16x128xf32, #tpu.memory_space<vmem_shared>>) target_semaphore(%arg18 : memref<!tpu.dma_semaphore, #tpu.memory_space<semaphore_mem>>)
    %mul3A_1063 = arith.constant 640 : i32
    %mul3A_1064 = arith.muli %arg1, %mul3A_1063 : i32
    %add3A_1065 = arith.constant 544 : i32
    %add3A_1066 = arith.addi %mul3A_1064, %add3A_1065 : i32
    %dma_start3A_1067 = arith.constant 0 : i32
    %dma_start3A_1068 = tpu.memref_slice %arg12[%add3A_1066, %dma_start3A_1067] : memref<10240x128xf32, #tpu.memory_space<vmem_shared>> -> memref<16x128xf32, #tpu.memory_space<vmem_shared>>
    %dma_start3A_1069 = arith.constant 0 : i32
    %dma_start3A_1070 = tpu.memref_slice %arg12[%add3A_1066, %dma_start3A_1069] : memref<10240x128xf32, #tpu.memory_space<vmem_shared>> -> memref<16x128xf32, #tpu.memory_space<vmem_shared>>
    tpu.enqueue_dma source(%arg11 : memref<16x128xf32, #tpu.memory_space<vmem>>) target(%dma_start3A_1070 : memref<16x128xf32, #tpu.memory_space<vmem_shared>>) target_semaphore(%arg17 : memref<!tpu.dma_semaphore, #tpu.memory_space<semaphore_mem>>)
    %mul3A_1071 = arith.constant 640 : i32
    %mul3A_1072 = arith.muli %arg1, %mul3A_1071 : i32
    %add3A_1073 = arith.constant 560 : i32
    %add3A_1074 = arith.addi %mul3A_1072, %add3A_1073 : i32
    %dma_start3A_1075 = arith.constant 0 : i32
    %dma_start3A_1076 = tpu.memref_slice %arg12[%add3A_1074, %dma_start3A_1075] : memref<10240x128xf32, #tpu.memory_space<vmem_shared>> -> memref<16x128xf32, #tpu.memory_space<vmem_shared>>
    %dma_start3A_1077 = arith.constant 0 : i32
    %dma_start3A_1078 = tpu.memref_slice %arg12[%add3A_1074, %dma_start3A_1077] : memref<10240x128xf32, #tpu.memory_space<vmem_shared>> -> memref<16x128xf32, #tpu.memory_space<vmem_shared>>
    tpu.enqueue_dma source(%arg11 : memref<16x128xf32, #tpu.memory_space<vmem>>) target(%dma_start3A_1078 : memref<16x128xf32, #tpu.memory_space<vmem_shared>>) target_semaphore(%arg18 : memref<!tpu.dma_semaphore, #tpu.memory_space<semaphore_mem>>)
    %mul3A_1079 = arith.constant 640 : i32
    %mul3A_1080 = arith.muli %arg1, %mul3A_1079 : i32
    %add3A_1081 = arith.constant 576 : i32
    %add3A_1082 = arith.addi %mul3A_1080, %add3A_1081 : i32
    %dma_start3A_1083 = arith.constant 0 : i32
    %dma_start3A_1084 = tpu.memref_slice %arg12[%add3A_1082, %dma_start3A_1083] : memref<10240x128xf32, #tpu.memory_space<vmem_shared>> -> memref<16x128xf32, #tpu.memory_space<vmem_shared>>
    %dma_start3A_1085 = arith.constant 0 : i32
    %dma_start3A_1086 = tpu.memref_slice %arg12[%add3A_1082, %dma_start3A_1085] : memref<10240x128xf32, #tpu.memory_space<vmem_shared>> -> memref<16x128xf32, #tpu.memory_space<vmem_shared>>
    tpu.enqueue_dma source(%arg11 : memref<16x128xf32, #tpu.memory_space<vmem>>) target(%dma_start3A_1086 : memref<16x128xf32, #tpu.memory_space<vmem_shared>>) target_semaphore(%arg17 : memref<!tpu.dma_semaphore, #tpu.memory_space<semaphore_mem>>)
    %mul3A_1087 = arith.constant 640 : i32
    %mul3A_1088 = arith.muli %arg1, %mul3A_1087 : i32
    %add3A_1089 = arith.constant 592 : i32
    %add3A_1090 = arith.addi %mul3A_1088, %add3A_1089 : i32
    %dma_start3A_1091 = arith.constant 0 : i32
    %dma_start3A_1092 = tpu.memref_slice %arg12[%add3A_1090, %dma_start3A_1091] : memref<10240x128xf32, #tpu.memory_space<vmem_shared>> -> memref<16x128xf32, #tpu.memory_space<vmem_shared>>
    %dma_start3A_1093 = arith.constant 0 : i32
    %dma_start3A_1094 = tpu.memref_slice %arg12[%add3A_1090, %dma_start3A_1093] : memref<10240x128xf32, #tpu.memory_space<vmem_shared>> -> memref<16x128xf32, #tpu.memory_space<vmem_shared>>
    tpu.enqueue_dma source(%arg11 : memref<16x128xf32, #tpu.memory_space<vmem>>) target(%dma_start3A_1094 : memref<16x128xf32, #tpu.memory_space<vmem_shared>>) target_semaphore(%arg18 : memref<!tpu.dma_semaphore, #tpu.memory_space<semaphore_mem>>)
    %mul3A_1095 = arith.constant 640 : i32
    %mul3A_1096 = arith.muli %arg1, %mul3A_1095 : i32
    %add3A_1097 = arith.constant 608 : i32
    %add3A_1098 = arith.addi %mul3A_1096, %add3A_1097 : i32
    %dma_start3A_1099 = arith.constant 0 : i32
    %dma_start3A_1100 = tpu.memref_slice %arg12[%add3A_1098, %dma_start3A_1099] : memref<10240x128xf32, #tpu.memory_space<vmem_shared>> -> memref<16x128xf32, #tpu.memory_space<vmem_shared>>
    %dma_start3A_1101 = arith.constant 0 : i32
    %dma_start3A_1102 = tpu.memref_slice %arg12[%add3A_1098, %dma_start3A_1101] : memref<10240x128xf32, #tpu.memory_space<vmem_shared>> -> memref<16x128xf32, #tpu.memory_space<vmem_shared>>
    tpu.enqueue_dma source(%arg11 : memref<16x128xf32, #tpu.memory_space<vmem>>) target(%dma_start3A_1102 : memref<16x128xf32, #tpu.memory_space<vmem_shared>>) target_semaphore(%arg17 : memref<!tpu.dma_semaphore, #tpu.memory_space<semaphore_mem>>)
    %mul3A_1103 = arith.constant 640 : i32
    %mul3A_1104 = arith.muli %arg1, %mul3A_1103 : i32
    %add3A_1105 = arith.constant 624 : i32
    %add3A_1106 = arith.addi %mul3A_1104, %add3A_1105 : i32
    %dma_start3A_1107 = arith.constant 0 : i32
    %dma_start3A_1108 = tpu.memref_slice %arg12[%add3A_1106, %dma_start3A_1107] : memref<10240x128xf32, #tpu.memory_space<vmem_shared>> -> memref<16x128xf32, #tpu.memory_space<vmem_shared>>
    %dma_start3A_1109 = arith.constant 0 : i32
    %dma_start3A_1110 = tpu.memref_slice %arg12[%add3A_1106, %dma_start3A_1109] : memref<10240x128xf32, #tpu.memory_space<vmem_shared>> -> memref<16x128xf32, #tpu.memory_space<vmem_shared>>
    tpu.enqueue_dma source(%arg11 : memref<16x128xf32, #tpu.memory_space<vmem>>) target(%dma_start3A_1110 : memref<16x128xf32, #tpu.memory_space<vmem_shared>>) target_semaphore(%arg18 : memref<!tpu.dma_semaphore, #tpu.memory_space<semaphore_mem>>)
    %mul3A_1111 = arith.constant 640 : i32
    %mul3A_1112 = arith.muli %arg1, %mul3A_1111 : i32
    %add3A_1113 = arith.constant 0 : i32
    %add3A_1114 = arith.addi %mul3A_1112, %add3A_1113 : i32
    %dma_wait3A = arith.constant 0 : i32
    %dma_wait3A_1115 = tpu.memref_slice %arg12[%add3A_1114, %dma_wait3A] : memref<10240x128xf32, #tpu.memory_space<vmem_shared>> -> memref<16x128xf32, #tpu.memory_space<vmem_shared>>
    %dma_wait3A_1116 = arith.constant 0 : i32
    %dma_wait3A_1117 = tpu.memref_slice %arg12[%add3A_1114, %dma_wait3A_1116] : memref<10240x128xf32, #tpu.memory_space<vmem_shared>> -> memref<16x128xf32, #tpu.memory_space<vmem_shared>>
    tpu.wait_dma2 semaphore(%arg17 : memref<!tpu.dma_semaphore, #tpu.memory_space<semaphore_mem>>) src(%arg11 : memref<16x128xf32, #tpu.memory_space<vmem>>) dst(%dma_wait3A_1117 : memref<16x128xf32, #tpu.memory_space<vmem_shared>>)
    %mul3A_1118 = arith.constant 640 : i32
    %mul3A_1119 = arith.muli %arg1, %mul3A_1118 : i32
    %add3A_1120 = arith.constant 16 : i32
    %add3A_1121 = arith.addi %mul3A_1119, %add3A_1120 : i32
    %dma_wait3A_1122 = arith.constant 0 : i32
    %dma_wait3A_1123 = tpu.memref_slice %arg12[%add3A_1121, %dma_wait3A_1122] : memref<10240x128xf32, #tpu.memory_space<vmem_shared>> -> memref<16x128xf32, #tpu.memory_space<vmem_shared>>
    %dma_wait3A_1124 = arith.constant 0 : i32
    %dma_wait3A_1125 = tpu.memref_slice %arg12[%add3A_1121, %dma_wait3A_1124] : memref<10240x128xf32, #tpu.memory_space<vmem_shared>> -> memref<16x128xf32, #tpu.memory_space<vmem_shared>>
    tpu.wait_dma2 semaphore(%arg18 : memref<!tpu.dma_semaphore, #tpu.memory_space<semaphore_mem>>) src(%arg11 : memref<16x128xf32, #tpu.memory_space<vmem>>) dst(%dma_wait3A_1125 : memref<16x128xf32, #tpu.memory_space<vmem_shared>>)
    %mul3A_1126 = arith.constant 640 : i32
    %mul3A_1127 = arith.muli %arg1, %mul3A_1126 : i32
    %add3A_1128 = arith.constant 32 : i32
    %add3A_1129 = arith.addi %mul3A_1127, %add3A_1128 : i32
    %dma_wait3A_1130 = arith.constant 0 : i32
    %dma_wait3A_1131 = tpu.memref_slice %arg12[%add3A_1129, %dma_wait3A_1130] : memref<10240x128xf32, #tpu.memory_space<vmem_shared>> -> memref<16x128xf32, #tpu.memory_space<vmem_shared>>
    %dma_wait3A_1132 = arith.constant 0 : i32
    %dma_wait3A_1133 = tpu.memref_slice %arg12[%add3A_1129, %dma_wait3A_1132] : memref<10240x128xf32, #tpu.memory_space<vmem_shared>> -> memref<16x128xf32, #tpu.memory_space<vmem_shared>>
    tpu.wait_dma2 semaphore(%arg17 : memref<!tpu.dma_semaphore, #tpu.memory_space<semaphore_mem>>) src(%arg11 : memref<16x128xf32, #tpu.memory_space<vmem>>) dst(%dma_wait3A_1133 : memref<16x128xf32, #tpu.memory_space<vmem_shared>>)
    %mul3A_1134 = arith.constant 640 : i32
    %mul3A_1135 = arith.muli %arg1, %mul3A_1134 : i32
    %add3A_1136 = arith.constant 48 : i32
    %add3A_1137 = arith.addi %mul3A_1135, %add3A_1136 : i32
    %dma_wait3A_1138 = arith.constant 0 : i32
    %dma_wait3A_1139 = tpu.memref_slice %arg12[%add3A_1137, %dma_wait3A_1138] : memref<10240x128xf32, #tpu.memory_space<vmem_shared>> -> memref<16x128xf32, #tpu.memory_space<vmem_shared>>
    %dma_wait3A_1140 = arith.constant 0 : i32
    %dma_wait3A_1141 = tpu.memref_slice %arg12[%add3A_1137, %dma_wait3A_1140] : memref<10240x128xf32, #tpu.memory_space<vmem_shared>> -> memref<16x128xf32, #tpu.memory_space<vmem_shared>>
    tpu.wait_dma2 semaphore(%arg18 : memref<!tpu.dma_semaphore, #tpu.memory_space<semaphore_mem>>) src(%arg11 : memref<16x128xf32, #tpu.memory_space<vmem>>) dst(%dma_wait3A_1141 : memref<16x128xf32, #tpu.memory_space<vmem_shared>>)
    %mul3A_1142 = arith.constant 640 : i32
    %mul3A_1143 = arith.muli %arg1, %mul3A_1142 : i32
    %add3A_1144 = arith.constant 64 : i32
    %add3A_1145 = arith.addi %mul3A_1143, %add3A_1144 : i32
    %dma_wait3A_1146 = arith.constant 0 : i32
    %dma_wait3A_1147 = tpu.memref_slice %arg12[%add3A_1145, %dma_wait3A_1146] : memref<10240x128xf32, #tpu.memory_space<vmem_shared>> -> memref<16x128xf32, #tpu.memory_space<vmem_shared>>
    %dma_wait3A_1148 = arith.constant 0 : i32
    %dma_wait3A_1149 = tpu.memref_slice %arg12[%add3A_1145, %dma_wait3A_1148] : memref<10240x128xf32, #tpu.memory_space<vmem_shared>> -> memref<16x128xf32, #tpu.memory_space<vmem_shared>>
    tpu.wait_dma2 semaphore(%arg17 : memref<!tpu.dma_semaphore, #tpu.memory_space<semaphore_mem>>) src(%arg11 : memref<16x128xf32, #tpu.memory_space<vmem>>) dst(%dma_wait3A_1149 : memref<16x128xf32, #tpu.memory_space<vmem_shared>>)
    %mul3A_1150 = arith.constant 640 : i32
    %mul3A_1151 = arith.muli %arg1, %mul3A_1150 : i32
    %add3A_1152 = arith.constant 80 : i32
    %add3A_1153 = arith.addi %mul3A_1151, %add3A_1152 : i32
    %dma_wait3A_1154 = arith.constant 0 : i32
    %dma_wait3A_1155 = tpu.memref_slice %arg12[%add3A_1153, %dma_wait3A_1154] : memref<10240x128xf32, #tpu.memory_space<vmem_shared>> -> memref<16x128xf32, #tpu.memory_space<vmem_shared>>
    %dma_wait3A_1156 = arith.constant 0 : i32
    %dma_wait3A_1157 = tpu.memref_slice %arg12[%add3A_1153, %dma_wait3A_1156] : memref<10240x128xf32, #tpu.memory_space<vmem_shared>> -> memref<16x128xf32, #tpu.memory_space<vmem_shared>>
    tpu.wait_dma2 semaphore(%arg18 : memref<!tpu.dma_semaphore, #tpu.memory_space<semaphore_mem>>) src(%arg11 : memref<16x128xf32, #tpu.memory_space<vmem>>) dst(%dma_wait3A_1157 : memref<16x128xf32, #tpu.memory_space<vmem_shared>>)
    %mul3A_1158 = arith.constant 640 : i32
    %mul3A_1159 = arith.muli %arg1, %mul3A_1158 : i32
    %add3A_1160 = arith.constant 96 : i32
    %add3A_1161 = arith.addi %mul3A_1159, %add3A_1160 : i32
    %dma_wait3A_1162 = arith.constant 0 : i32
    %dma_wait3A_1163 = tpu.memref_slice %arg12[%add3A_1161, %dma_wait3A_1162] : memref<10240x128xf32, #tpu.memory_space<vmem_shared>> -> memref<16x128xf32, #tpu.memory_space<vmem_shared>>
    %dma_wait3A_1164 = arith.constant 0 : i32
    %dma_wait3A_1165 = tpu.memref_slice %arg12[%add3A_1161, %dma_wait3A_1164] : memref<10240x128xf32, #tpu.memory_space<vmem_shared>> -> memref<16x128xf32, #tpu.memory_space<vmem_shared>>
    tpu.wait_dma2 semaphore(%arg17 : memref<!tpu.dma_semaphore, #tpu.memory_space<semaphore_mem>>) src(%arg11 : memref<16x128xf32, #tpu.memory_space<vmem>>) dst(%dma_wait3A_1165 : memref<16x128xf32, #tpu.memory_space<vmem_shared>>)
    %mul3A_1166 = arith.constant 640 : i32
    %mul3A_1167 = arith.muli %arg1, %mul3A_1166 : i32
    %add3A_1168 = arith.constant 112 : i32
    %add3A_1169 = arith.addi %mul3A_1167, %add3A_1168 : i32
    %dma_wait3A_1170 = arith.constant 0 : i32
    %dma_wait3A_1171 = tpu.memref_slice %arg12[%add3A_1169, %dma_wait3A_1170] : memref<10240x128xf32, #tpu.memory_space<vmem_shared>> -> memref<16x128xf32, #tpu.memory_space<vmem_shared>>
    %dma_wait3A_1172 = arith.constant 0 : i32
    %dma_wait3A_1173 = tpu.memref_slice %arg12[%add3A_1169, %dma_wait3A_1172] : memref<10240x128xf32, #tpu.memory_space<vmem_shared>> -> memref<16x128xf32, #tpu.memory_space<vmem_shared>>
    tpu.wait_dma2 semaphore(%arg18 : memref<!tpu.dma_semaphore, #tpu.memory_space<semaphore_mem>>) src(%arg11 : memref<16x128xf32, #tpu.memory_space<vmem>>) dst(%dma_wait3A_1173 : memref<16x128xf32, #tpu.memory_space<vmem_shared>>)
    %mul3A_1174 = arith.constant 640 : i32
    %mul3A_1175 = arith.muli %arg1, %mul3A_1174 : i32
    %add3A_1176 = arith.constant 128 : i32
    %add3A_1177 = arith.addi %mul3A_1175, %add3A_1176 : i32
    %dma_wait3A_1178 = arith.constant 0 : i32
    %dma_wait3A_1179 = tpu.memref_slice %arg12[%add3A_1177, %dma_wait3A_1178] : memref<10240x128xf32, #tpu.memory_space<vmem_shared>> -> memref<16x128xf32, #tpu.memory_space<vmem_shared>>
    %dma_wait3A_1180 = arith.constant 0 : i32
    %dma_wait3A_1181 = tpu.memref_slice %arg12[%add3A_1177, %dma_wait3A_1180] : memref<10240x128xf32, #tpu.memory_space<vmem_shared>> -> memref<16x128xf32, #tpu.memory_space<vmem_shared>>
    tpu.wait_dma2 semaphore(%arg17 : memref<!tpu.dma_semaphore, #tpu.memory_space<semaphore_mem>>) src(%arg11 : memref<16x128xf32, #tpu.memory_space<vmem>>) dst(%dma_wait3A_1181 : memref<16x128xf32, #tpu.memory_space<vmem_shared>>)
    %mul3A_1182 = arith.constant 640 : i32
    %mul3A_1183 = arith.muli %arg1, %mul3A_1182 : i32
    %add3A_1184 = arith.constant 144 : i32
    %add3A_1185 = arith.addi %mul3A_1183, %add3A_1184 : i32
    %dma_wait3A_1186 = arith.constant 0 : i32
    %dma_wait3A_1187 = tpu.memref_slice %arg12[%add3A_1185, %dma_wait3A_1186] : memref<10240x128xf32, #tpu.memory_space<vmem_shared>> -> memref<16x128xf32, #tpu.memory_space<vmem_shared>>
    %dma_wait3A_1188 = arith.constant 0 : i32
    %dma_wait3A_1189 = tpu.memref_slice %arg12[%add3A_1185, %dma_wait3A_1188] : memref<10240x128xf32, #tpu.memory_space<vmem_shared>> -> memref<16x128xf32, #tpu.memory_space<vmem_shared>>
    tpu.wait_dma2 semaphore(%arg18 : memref<!tpu.dma_semaphore, #tpu.memory_space<semaphore_mem>>) src(%arg11 : memref<16x128xf32, #tpu.memory_space<vmem>>) dst(%dma_wait3A_1189 : memref<16x128xf32, #tpu.memory_space<vmem_shared>>)
    %mul3A_1190 = arith.constant 640 : i32
    %mul3A_1191 = arith.muli %arg1, %mul3A_1190 : i32
    %add3A_1192 = arith.constant 160 : i32
    %add3A_1193 = arith.addi %mul3A_1191, %add3A_1192 : i32
    %dma_wait3A_1194 = arith.constant 0 : i32
    %dma_wait3A_1195 = tpu.memref_slice %arg12[%add3A_1193, %dma_wait3A_1194] : memref<10240x128xf32, #tpu.memory_space<vmem_shared>> -> memref<16x128xf32, #tpu.memory_space<vmem_shared>>
    %dma_wait3A_1196 = arith.constant 0 : i32
    %dma_wait3A_1197 = tpu.memref_slice %arg12[%add3A_1193, %dma_wait3A_1196] : memref<10240x128xf32, #tpu.memory_space<vmem_shared>> -> memref<16x128xf32, #tpu.memory_space<vmem_shared>>
    tpu.wait_dma2 semaphore(%arg17 : memref<!tpu.dma_semaphore, #tpu.memory_space<semaphore_mem>>) src(%arg11 : memref<16x128xf32, #tpu.memory_space<vmem>>) dst(%dma_wait3A_1197 : memref<16x128xf32, #tpu.memory_space<vmem_shared>>)
    %mul3A_1198 = arith.constant 640 : i32
    %mul3A_1199 = arith.muli %arg1, %mul3A_1198 : i32
    %add3A_1200 = arith.constant 176 : i32
    %add3A_1201 = arith.addi %mul3A_1199, %add3A_1200 : i32
    %dma_wait3A_1202 = arith.constant 0 : i32
    %dma_wait3A_1203 = tpu.memref_slice %arg12[%add3A_1201, %dma_wait3A_1202] : memref<10240x128xf32, #tpu.memory_space<vmem_shared>> -> memref<16x128xf32, #tpu.memory_space<vmem_shared>>
    %dma_wait3A_1204 = arith.constant 0 : i32
    %dma_wait3A_1205 = tpu.memref_slice %arg12[%add3A_1201, %dma_wait3A_1204] : memref<10240x128xf32, #tpu.memory_space<vmem_shared>> -> memref<16x128xf32, #tpu.memory_space<vmem_shared>>
    tpu.wait_dma2 semaphore(%arg18 : memref<!tpu.dma_semaphore, #tpu.memory_space<semaphore_mem>>) src(%arg11 : memref<16x128xf32, #tpu.memory_space<vmem>>) dst(%dma_wait3A_1205 : memref<16x128xf32, #tpu.memory_space<vmem_shared>>)
    %mul3A_1206 = arith.constant 640 : i32
    %mul3A_1207 = arith.muli %arg1, %mul3A_1206 : i32
    %add3A_1208 = arith.constant 192 : i32
    %add3A_1209 = arith.addi %mul3A_1207, %add3A_1208 : i32
    %dma_wait3A_1210 = arith.constant 0 : i32
    %dma_wait3A_1211 = tpu.memref_slice %arg12[%add3A_1209, %dma_wait3A_1210] : memref<10240x128xf32, #tpu.memory_space<vmem_shared>> -> memref<16x128xf32, #tpu.memory_space<vmem_shared>>
    %dma_wait3A_1212 = arith.constant 0 : i32
    %dma_wait3A_1213 = tpu.memref_slice %arg12[%add3A_1209, %dma_wait3A_1212] : memref<10240x128xf32, #tpu.memory_space<vmem_shared>> -> memref<16x128xf32, #tpu.memory_space<vmem_shared>>
    tpu.wait_dma2 semaphore(%arg17 : memref<!tpu.dma_semaphore, #tpu.memory_space<semaphore_mem>>) src(%arg11 : memref<16x128xf32, #tpu.memory_space<vmem>>) dst(%dma_wait3A_1213 : memref<16x128xf32, #tpu.memory_space<vmem_shared>>)
    %mul3A_1214 = arith.constant 640 : i32
    %mul3A_1215 = arith.muli %arg1, %mul3A_1214 : i32
    %add3A_1216 = arith.constant 208 : i32
    %add3A_1217 = arith.addi %mul3A_1215, %add3A_1216 : i32
    %dma_wait3A_1218 = arith.constant 0 : i32
    %dma_wait3A_1219 = tpu.memref_slice %arg12[%add3A_1217, %dma_wait3A_1218] : memref<10240x128xf32, #tpu.memory_space<vmem_shared>> -> memref<16x128xf32, #tpu.memory_space<vmem_shared>>
    %dma_wait3A_1220 = arith.constant 0 : i32
    %dma_wait3A_1221 = tpu.memref_slice %arg12[%add3A_1217, %dma_wait3A_1220] : memref<10240x128xf32, #tpu.memory_space<vmem_shared>> -> memref<16x128xf32, #tpu.memory_space<vmem_shared>>
    tpu.wait_dma2 semaphore(%arg18 : memref<!tpu.dma_semaphore, #tpu.memory_space<semaphore_mem>>) src(%arg11 : memref<16x128xf32, #tpu.memory_space<vmem>>) dst(%dma_wait3A_1221 : memref<16x128xf32, #tpu.memory_space<vmem_shared>>)
    %mul3A_1222 = arith.constant 640 : i32
    %mul3A_1223 = arith.muli %arg1, %mul3A_1222 : i32
    %add3A_1224 = arith.constant 224 : i32
    %add3A_1225 = arith.addi %mul3A_1223, %add3A_1224 : i32
    %dma_wait3A_1226 = arith.constant 0 : i32
    %dma_wait3A_1227 = tpu.memref_slice %arg12[%add3A_1225, %dma_wait3A_1226] : memref<10240x128xf32, #tpu.memory_space<vmem_shared>> -> memref<16x128xf32, #tpu.memory_space<vmem_shared>>
    %dma_wait3A_1228 = arith.constant 0 : i32
    %dma_wait3A_1229 = tpu.memref_slice %arg12[%add3A_1225, %dma_wait3A_1228] : memref<10240x128xf32, #tpu.memory_space<vmem_shared>> -> memref<16x128xf32, #tpu.memory_space<vmem_shared>>
    tpu.wait_dma2 semaphore(%arg17 : memref<!tpu.dma_semaphore, #tpu.memory_space<semaphore_mem>>) src(%arg11 : memref<16x128xf32, #tpu.memory_space<vmem>>) dst(%dma_wait3A_1229 : memref<16x128xf32, #tpu.memory_space<vmem_shared>>)
    %mul3A_1230 = arith.constant 640 : i32
    %mul3A_1231 = arith.muli %arg1, %mul3A_1230 : i32
    %add3A_1232 = arith.constant 240 : i32
    %add3A_1233 = arith.addi %mul3A_1231, %add3A_1232 : i32
    %dma_wait3A_1234 = arith.constant 0 : i32
    %dma_wait3A_1235 = tpu.memref_slice %arg12[%add3A_1233, %dma_wait3A_1234] : memref<10240x128xf32, #tpu.memory_space<vmem_shared>> -> memref<16x128xf32, #tpu.memory_space<vmem_shared>>
    %dma_wait3A_1236 = arith.constant 0 : i32
    %dma_wait3A_1237 = tpu.memref_slice %arg12[%add3A_1233, %dma_wait3A_1236] : memref<10240x128xf32, #tpu.memory_space<vmem_shared>> -> memref<16x128xf32, #tpu.memory_space<vmem_shared>>
    tpu.wait_dma2 semaphore(%arg18 : memref<!tpu.dma_semaphore, #tpu.memory_space<semaphore_mem>>) src(%arg11 : memref<16x128xf32, #tpu.memory_space<vmem>>) dst(%dma_wait3A_1237 : memref<16x128xf32, #tpu.memory_space<vmem_shared>>)
    %mul3A_1238 = arith.constant 640 : i32
    %mul3A_1239 = arith.muli %arg1, %mul3A_1238 : i32
    %add3A_1240 = arith.constant 256 : i32
    %add3A_1241 = arith.addi %mul3A_1239, %add3A_1240 : i32
    %dma_wait3A_1242 = arith.constant 0 : i32
    %dma_wait3A_1243 = tpu.memref_slice %arg12[%add3A_1241, %dma_wait3A_1242] : memref<10240x128xf32, #tpu.memory_space<vmem_shared>> -> memref<16x128xf32, #tpu.memory_space<vmem_shared>>
    %dma_wait3A_1244 = arith.constant 0 : i32
    %dma_wait3A_1245 = tpu.memref_slice %arg12[%add3A_1241, %dma_wait3A_1244] : memref<10240x128xf32, #tpu.memory_space<vmem_shared>> -> memref<16x128xf32, #tpu.memory_space<vmem_shared>>
    tpu.wait_dma2 semaphore(%arg17 : memref<!tpu.dma_semaphore, #tpu.memory_space<semaphore_mem>>) src(%arg11 : memref<16x128xf32, #tpu.memory_space<vmem>>) dst(%dma_wait3A_1245 : memref<16x128xf32, #tpu.memory_space<vmem_shared>>)
    %mul3A_1246 = arith.constant 640 : i32
    %mul3A_1247 = arith.muli %arg1, %mul3A_1246 : i32
    %add3A_1248 = arith.constant 272 : i32
    %add3A_1249 = arith.addi %mul3A_1247, %add3A_1248 : i32
    %dma_wait3A_1250 = arith.constant 0 : i32
    %dma_wait3A_1251 = tpu.memref_slice %arg12[%add3A_1249, %dma_wait3A_1250] : memref<10240x128xf32, #tpu.memory_space<vmem_shared>> -> memref<16x128xf32, #tpu.memory_space<vmem_shared>>
    %dma_wait3A_1252 = arith.constant 0 : i32
    %dma_wait3A_1253 = tpu.memref_slice %arg12[%add3A_1249, %dma_wait3A_1252] : memref<10240x128xf32, #tpu.memory_space<vmem_shared>> -> memref<16x128xf32, #tpu.memory_space<vmem_shared>>
    tpu.wait_dma2 semaphore(%arg18 : memref<!tpu.dma_semaphore, #tpu.memory_space<semaphore_mem>>) src(%arg11 : memref<16x128xf32, #tpu.memory_space<vmem>>) dst(%dma_wait3A_1253 : memref<16x128xf32, #tpu.memory_space<vmem_shared>>)
    %mul3A_1254 = arith.constant 640 : i32
    %mul3A_1255 = arith.muli %arg1, %mul3A_1254 : i32
    %add3A_1256 = arith.constant 288 : i32
    %add3A_1257 = arith.addi %mul3A_1255, %add3A_1256 : i32
    %dma_wait3A_1258 = arith.constant 0 : i32
    %dma_wait3A_1259 = tpu.memref_slice %arg12[%add3A_1257, %dma_wait3A_1258] : memref<10240x128xf32, #tpu.memory_space<vmem_shared>> -> memref<16x128xf32, #tpu.memory_space<vmem_shared>>
    %dma_wait3A_1260 = arith.constant 0 : i32
    %dma_wait3A_1261 = tpu.memref_slice %arg12[%add3A_1257, %dma_wait3A_1260] : memref<10240x128xf32, #tpu.memory_space<vmem_shared>> -> memref<16x128xf32, #tpu.memory_space<vmem_shared>>
    tpu.wait_dma2 semaphore(%arg17 : memref<!tpu.dma_semaphore, #tpu.memory_space<semaphore_mem>>) src(%arg11 : memref<16x128xf32, #tpu.memory_space<vmem>>) dst(%dma_wait3A_1261 : memref<16x128xf32, #tpu.memory_space<vmem_shared>>)
    %mul3A_1262 = arith.constant 640 : i32
    %mul3A_1263 = arith.muli %arg1, %mul3A_1262 : i32
    %add3A_1264 = arith.constant 304 : i32
    %add3A_1265 = arith.addi %mul3A_1263, %add3A_1264 : i32
    %dma_wait3A_1266 = arith.constant 0 : i32
    %dma_wait3A_1267 = tpu.memref_slice %arg12[%add3A_1265, %dma_wait3A_1266] : memref<10240x128xf32, #tpu.memory_space<vmem_shared>> -> memref<16x128xf32, #tpu.memory_space<vmem_shared>>
    %dma_wait3A_1268 = arith.constant 0 : i32
    %dma_wait3A_1269 = tpu.memref_slice %arg12[%add3A_1265, %dma_wait3A_1268] : memref<10240x128xf32, #tpu.memory_space<vmem_shared>> -> memref<16x128xf32, #tpu.memory_space<vmem_shared>>
    tpu.wait_dma2 semaphore(%arg18 : memref<!tpu.dma_semaphore, #tpu.memory_space<semaphore_mem>>) src(%arg11 : memref<16x128xf32, #tpu.memory_space<vmem>>) dst(%dma_wait3A_1269 : memref<16x128xf32, #tpu.memory_space<vmem_shared>>)
    %mul3A_1270 = arith.constant 640 : i32
    %mul3A_1271 = arith.muli %arg1, %mul3A_1270 : i32
    %add3A_1272 = arith.constant 320 : i32
    %add3A_1273 = arith.addi %mul3A_1271, %add3A_1272 : i32
    %dma_wait3A_1274 = arith.constant 0 : i32
    %dma_wait3A_1275 = tpu.memref_slice %arg12[%add3A_1273, %dma_wait3A_1274] : memref<10240x128xf32, #tpu.memory_space<vmem_shared>> -> memref<16x128xf32, #tpu.memory_space<vmem_shared>>
    %dma_wait3A_1276 = arith.constant 0 : i32
    %dma_wait3A_1277 = tpu.memref_slice %arg12[%add3A_1273, %dma_wait3A_1276] : memref<10240x128xf32, #tpu.memory_space<vmem_shared>> -> memref<16x128xf32, #tpu.memory_space<vmem_shared>>
    tpu.wait_dma2 semaphore(%arg17 : memref<!tpu.dma_semaphore, #tpu.memory_space<semaphore_mem>>) src(%arg11 : memref<16x128xf32, #tpu.memory_space<vmem>>) dst(%dma_wait3A_1277 : memref<16x128xf32, #tpu.memory_space<vmem_shared>>)
    %mul3A_1278 = arith.constant 640 : i32
    %mul3A_1279 = arith.muli %arg1, %mul3A_1278 : i32
    %add3A_1280 = arith.constant 336 : i32
    %add3A_1281 = arith.addi %mul3A_1279, %add3A_1280 : i32
    %dma_wait3A_1282 = arith.constant 0 : i32
    %dma_wait3A_1283 = tpu.memref_slice %arg12[%add3A_1281, %dma_wait3A_1282] : memref<10240x128xf32, #tpu.memory_space<vmem_shared>> -> memref<16x128xf32, #tpu.memory_space<vmem_shared>>
    %dma_wait3A_1284 = arith.constant 0 : i32
    %dma_wait3A_1285 = tpu.memref_slice %arg12[%add3A_1281, %dma_wait3A_1284] : memref<10240x128xf32, #tpu.memory_space<vmem_shared>> -> memref<16x128xf32, #tpu.memory_space<vmem_shared>>
    tpu.wait_dma2 semaphore(%arg18 : memref<!tpu.dma_semaphore, #tpu.memory_space<semaphore_mem>>) src(%arg11 : memref<16x128xf32, #tpu.memory_space<vmem>>) dst(%dma_wait3A_1285 : memref<16x128xf32, #tpu.memory_space<vmem_shared>>)
    %mul3A_1286 = arith.constant 640 : i32
    %mul3A_1287 = arith.muli %arg1, %mul3A_1286 : i32
    %add3A_1288 = arith.constant 352 : i32
    %add3A_1289 = arith.addi %mul3A_1287, %add3A_1288 : i32
    %dma_wait3A_1290 = arith.constant 0 : i32
    %dma_wait3A_1291 = tpu.memref_slice %arg12[%add3A_1289, %dma_wait3A_1290] : memref<10240x128xf32, #tpu.memory_space<vmem_shared>> -> memref<16x128xf32, #tpu.memory_space<vmem_shared>>
    %dma_wait3A_1292 = arith.constant 0 : i32
    %dma_wait3A_1293 = tpu.memref_slice %arg12[%add3A_1289, %dma_wait3A_1292] : memref<10240x128xf32, #tpu.memory_space<vmem_shared>> -> memref<16x128xf32, #tpu.memory_space<vmem_shared>>
    tpu.wait_dma2 semaphore(%arg17 : memref<!tpu.dma_semaphore, #tpu.memory_space<semaphore_mem>>) src(%arg11 : memref<16x128xf32, #tpu.memory_space<vmem>>) dst(%dma_wait3A_1293 : memref<16x128xf32, #tpu.memory_space<vmem_shared>>)
    %mul3A_1294 = arith.constant 640 : i32
    %mul3A_1295 = arith.muli %arg1, %mul3A_1294 : i32
    %add3A_1296 = arith.constant 368 : i32
    %add3A_1297 = arith.addi %mul3A_1295, %add3A_1296 : i32
    %dma_wait3A_1298 = arith.constant 0 : i32
    %dma_wait3A_1299 = tpu.memref_slice %arg12[%add3A_1297, %dma_wait3A_1298] : memref<10240x128xf32, #tpu.memory_space<vmem_shared>> -> memref<16x128xf32, #tpu.memory_space<vmem_shared>>
    %dma_wait3A_1300 = arith.constant 0 : i32
    %dma_wait3A_1301 = tpu.memref_slice %arg12[%add3A_1297, %dma_wait3A_1300] : memref<10240x128xf32, #tpu.memory_space<vmem_shared>> -> memref<16x128xf32, #tpu.memory_space<vmem_shared>>
    tpu.wait_dma2 semaphore(%arg18 : memref<!tpu.dma_semaphore, #tpu.memory_space<semaphore_mem>>) src(%arg11 : memref<16x128xf32, #tpu.memory_space<vmem>>) dst(%dma_wait3A_1301 : memref<16x128xf32, #tpu.memory_space<vmem_shared>>)
    %mul3A_1302 = arith.constant 640 : i32
    %mul3A_1303 = arith.muli %arg1, %mul3A_1302 : i32
    %add3A_1304 = arith.constant 384 : i32
    %add3A_1305 = arith.addi %mul3A_1303, %add3A_1304 : i32
    %dma_wait3A_1306 = arith.constant 0 : i32
    %dma_wait3A_1307 = tpu.memref_slice %arg12[%add3A_1305, %dma_wait3A_1306] : memref<10240x128xf32, #tpu.memory_space<vmem_shared>> -> memref<16x128xf32, #tpu.memory_space<vmem_shared>>
    %dma_wait3A_1308 = arith.constant 0 : i32
    %dma_wait3A_1309 = tpu.memref_slice %arg12[%add3A_1305, %dma_wait3A_1308] : memref<10240x128xf32, #tpu.memory_space<vmem_shared>> -> memref<16x128xf32, #tpu.memory_space<vmem_shared>>
    tpu.wait_dma2 semaphore(%arg17 : memref<!tpu.dma_semaphore, #tpu.memory_space<semaphore_mem>>) src(%arg11 : memref<16x128xf32, #tpu.memory_space<vmem>>) dst(%dma_wait3A_1309 : memref<16x128xf32, #tpu.memory_space<vmem_shared>>)
    %mul3A_1310 = arith.constant 640 : i32
    %mul3A_1311 = arith.muli %arg1, %mul3A_1310 : i32
    %add3A_1312 = arith.constant 400 : i32
    %add3A_1313 = arith.addi %mul3A_1311, %add3A_1312 : i32
    %dma_wait3A_1314 = arith.constant 0 : i32
    %dma_wait3A_1315 = tpu.memref_slice %arg12[%add3A_1313, %dma_wait3A_1314] : memref<10240x128xf32, #tpu.memory_space<vmem_shared>> -> memref<16x128xf32, #tpu.memory_space<vmem_shared>>
    %dma_wait3A_1316 = arith.constant 0 : i32
    %dma_wait3A_1317 = tpu.memref_slice %arg12[%add3A_1313, %dma_wait3A_1316] : memref<10240x128xf32, #tpu.memory_space<vmem_shared>> -> memref<16x128xf32, #tpu.memory_space<vmem_shared>>
    tpu.wait_dma2 semaphore(%arg18 : memref<!tpu.dma_semaphore, #tpu.memory_space<semaphore_mem>>) src(%arg11 : memref<16x128xf32, #tpu.memory_space<vmem>>) dst(%dma_wait3A_1317 : memref<16x128xf32, #tpu.memory_space<vmem_shared>>)
    %mul3A_1318 = arith.constant 640 : i32
    %mul3A_1319 = arith.muli %arg1, %mul3A_1318 : i32
    %add3A_1320 = arith.constant 416 : i32
    %add3A_1321 = arith.addi %mul3A_1319, %add3A_1320 : i32
    %dma_wait3A_1322 = arith.constant 0 : i32
    %dma_wait3A_1323 = tpu.memref_slice %arg12[%add3A_1321, %dma_wait3A_1322] : memref<10240x128xf32, #tpu.memory_space<vmem_shared>> -> memref<16x128xf32, #tpu.memory_space<vmem_shared>>
    %dma_wait3A_1324 = arith.constant 0 : i32
    %dma_wait3A_1325 = tpu.memref_slice %arg12[%add3A_1321, %dma_wait3A_1324] : memref<10240x128xf32, #tpu.memory_space<vmem_shared>> -> memref<16x128xf32, #tpu.memory_space<vmem_shared>>
    tpu.wait_dma2 semaphore(%arg17 : memref<!tpu.dma_semaphore, #tpu.memory_space<semaphore_mem>>) src(%arg11 : memref<16x128xf32, #tpu.memory_space<vmem>>) dst(%dma_wait3A_1325 : memref<16x128xf32, #tpu.memory_space<vmem_shared>>)
    %mul3A_1326 = arith.constant 640 : i32
    %mul3A_1327 = arith.muli %arg1, %mul3A_1326 : i32
    %add3A_1328 = arith.constant 432 : i32
    %add3A_1329 = arith.addi %mul3A_1327, %add3A_1328 : i32
    %dma_wait3A_1330 = arith.constant 0 : i32
    %dma_wait3A_1331 = tpu.memref_slice %arg12[%add3A_1329, %dma_wait3A_1330] : memref<10240x128xf32, #tpu.memory_space<vmem_shared>> -> memref<16x128xf32, #tpu.memory_space<vmem_shared>>
    %dma_wait3A_1332 = arith.constant 0 : i32
    %dma_wait3A_1333 = tpu.memref_slice %arg12[%add3A_1329, %dma_wait3A_1332] : memref<10240x128xf32, #tpu.memory_space<vmem_shared>> -> memref<16x128xf32, #tpu.memory_space<vmem_shared>>
    tpu.wait_dma2 semaphore(%arg18 : memref<!tpu.dma_semaphore, #tpu.memory_space<semaphore_mem>>) src(%arg11 : memref<16x128xf32, #tpu.memory_space<vmem>>) dst(%dma_wait3A_1333 : memref<16x128xf32, #tpu.memory_space<vmem_shared>>)
    %mul3A_1334 = arith.constant 640 : i32
    %mul3A_1335 = arith.muli %arg1, %mul3A_1334 : i32
    %add3A_1336 = arith.constant 448 : i32
    %add3A_1337 = arith.addi %mul3A_1335, %add3A_1336 : i32
    %dma_wait3A_1338 = arith.constant 0 : i32
    %dma_wait3A_1339 = tpu.memref_slice %arg12[%add3A_1337, %dma_wait3A_1338] : memref<10240x128xf32, #tpu.memory_space<vmem_shared>> -> memref<16x128xf32, #tpu.memory_space<vmem_shared>>
    %dma_wait3A_1340 = arith.constant 0 : i32
    %dma_wait3A_1341 = tpu.memref_slice %arg12[%add3A_1337, %dma_wait3A_1340] : memref<10240x128xf32, #tpu.memory_space<vmem_shared>> -> memref<16x128xf32, #tpu.memory_space<vmem_shared>>
    tpu.wait_dma2 semaphore(%arg17 : memref<!tpu.dma_semaphore, #tpu.memory_space<semaphore_mem>>) src(%arg11 : memref<16x128xf32, #tpu.memory_space<vmem>>) dst(%dma_wait3A_1341 : memref<16x128xf32, #tpu.memory_space<vmem_shared>>)
    %mul3A_1342 = arith.constant 640 : i32
    %mul3A_1343 = arith.muli %arg1, %mul3A_1342 : i32
    %add3A_1344 = arith.constant 464 : i32
    %add3A_1345 = arith.addi %mul3A_1343, %add3A_1344 : i32
    %dma_wait3A_1346 = arith.constant 0 : i32
    %dma_wait3A_1347 = tpu.memref_slice %arg12[%add3A_1345, %dma_wait3A_1346] : memref<10240x128xf32, #tpu.memory_space<vmem_shared>> -> memref<16x128xf32, #tpu.memory_space<vmem_shared>>
    %dma_wait3A_1348 = arith.constant 0 : i32
    %dma_wait3A_1349 = tpu.memref_slice %arg12[%add3A_1345, %dma_wait3A_1348] : memref<10240x128xf32, #tpu.memory_space<vmem_shared>> -> memref<16x128xf32, #tpu.memory_space<vmem_shared>>
    tpu.wait_dma2 semaphore(%arg18 : memref<!tpu.dma_semaphore, #tpu.memory_space<semaphore_mem>>) src(%arg11 : memref<16x128xf32, #tpu.memory_space<vmem>>) dst(%dma_wait3A_1349 : memref<16x128xf32, #tpu.memory_space<vmem_shared>>)
    %mul3A_1350 = arith.constant 640 : i32
    %mul3A_1351 = arith.muli %arg1, %mul3A_1350 : i32
    %add3A_1352 = arith.constant 480 : i32
    %add3A_1353 = arith.addi %mul3A_1351, %add3A_1352 : i32
    %dma_wait3A_1354 = arith.constant 0 : i32
    %dma_wait3A_1355 = tpu.memref_slice %arg12[%add3A_1353, %dma_wait3A_1354] : memref<10240x128xf32, #tpu.memory_space<vmem_shared>> -> memref<16x128xf32, #tpu.memory_space<vmem_shared>>
    %dma_wait3A_1356 = arith.constant 0 : i32
    %dma_wait3A_1357 = tpu.memref_slice %arg12[%add3A_1353, %dma_wait3A_1356] : memref<10240x128xf32, #tpu.memory_space<vmem_shared>> -> memref<16x128xf32, #tpu.memory_space<vmem_shared>>
    tpu.wait_dma2 semaphore(%arg17 : memref<!tpu.dma_semaphore, #tpu.memory_space<semaphore_mem>>) src(%arg11 : memref<16x128xf32, #tpu.memory_space<vmem>>) dst(%dma_wait3A_1357 : memref<16x128xf32, #tpu.memory_space<vmem_shared>>)
    %mul3A_1358 = arith.constant 640 : i32
    %mul3A_1359 = arith.muli %arg1, %mul3A_1358 : i32
    %add3A_1360 = arith.constant 496 : i32
    %add3A_1361 = arith.addi %mul3A_1359, %add3A_1360 : i32
    %dma_wait3A_1362 = arith.constant 0 : i32
    %dma_wait3A_1363 = tpu.memref_slice %arg12[%add3A_1361, %dma_wait3A_1362] : memref<10240x128xf32, #tpu.memory_space<vmem_shared>> -> memref<16x128xf32, #tpu.memory_space<vmem_shared>>
    %dma_wait3A_1364 = arith.constant 0 : i32
    %dma_wait3A_1365 = tpu.memref_slice %arg12[%add3A_1361, %dma_wait3A_1364] : memref<10240x128xf32, #tpu.memory_space<vmem_shared>> -> memref<16x128xf32, #tpu.memory_space<vmem_shared>>
    tpu.wait_dma2 semaphore(%arg18 : memref<!tpu.dma_semaphore, #tpu.memory_space<semaphore_mem>>) src(%arg11 : memref<16x128xf32, #tpu.memory_space<vmem>>) dst(%dma_wait3A_1365 : memref<16x128xf32, #tpu.memory_space<vmem_shared>>)
    %mul3A_1366 = arith.constant 640 : i32
    %mul3A_1367 = arith.muli %arg1, %mul3A_1366 : i32
    %add3A_1368 = arith.constant 512 : i32
    %add3A_1369 = arith.addi %mul3A_1367, %add3A_1368 : i32
    %dma_wait3A_1370 = arith.constant 0 : i32
    %dma_wait3A_1371 = tpu.memref_slice %arg12[%add3A_1369, %dma_wait3A_1370] : memref<10240x128xf32, #tpu.memory_space<vmem_shared>> -> memref<16x128xf32, #tpu.memory_space<vmem_shared>>
    %dma_wait3A_1372 = arith.constant 0 : i32
    %dma_wait3A_1373 = tpu.memref_slice %arg12[%add3A_1369, %dma_wait3A_1372] : memref<10240x128xf32, #tpu.memory_space<vmem_shared>> -> memref<16x128xf32, #tpu.memory_space<vmem_shared>>
    tpu.wait_dma2 semaphore(%arg17 : memref<!tpu.dma_semaphore, #tpu.memory_space<semaphore_mem>>) src(%arg11 : memref<16x128xf32, #tpu.memory_space<vmem>>) dst(%dma_wait3A_1373 : memref<16x128xf32, #tpu.memory_space<vmem_shared>>)
    %mul3A_1374 = arith.constant 640 : i32
    %mul3A_1375 = arith.muli %arg1, %mul3A_1374 : i32
    %add3A_1376 = arith.constant 528 : i32
    %add3A_1377 = arith.addi %mul3A_1375, %add3A_1376 : i32
    %dma_wait3A_1378 = arith.constant 0 : i32
    %dma_wait3A_1379 = tpu.memref_slice %arg12[%add3A_1377, %dma_wait3A_1378] : memref<10240x128xf32, #tpu.memory_space<vmem_shared>> -> memref<16x128xf32, #tpu.memory_space<vmem_shared>>
    %dma_wait3A_1380 = arith.constant 0 : i32
    %dma_wait3A_1381 = tpu.memref_slice %arg12[%add3A_1377, %dma_wait3A_1380] : memref<10240x128xf32, #tpu.memory_space<vmem_shared>> -> memref<16x128xf32, #tpu.memory_space<vmem_shared>>
    tpu.wait_dma2 semaphore(%arg18 : memref<!tpu.dma_semaphore, #tpu.memory_space<semaphore_mem>>) src(%arg11 : memref<16x128xf32, #tpu.memory_space<vmem>>) dst(%dma_wait3A_1381 : memref<16x128xf32, #tpu.memory_space<vmem_shared>>)
    %mul3A_1382 = arith.constant 640 : i32
    %mul3A_1383 = arith.muli %arg1, %mul3A_1382 : i32
    %add3A_1384 = arith.constant 544 : i32
    %add3A_1385 = arith.addi %mul3A_1383, %add3A_1384 : i32
    %dma_wait3A_1386 = arith.constant 0 : i32
    %dma_wait3A_1387 = tpu.memref_slice %arg12[%add3A_1385, %dma_wait3A_1386] : memref<10240x128xf32, #tpu.memory_space<vmem_shared>> -> memref<16x128xf32, #tpu.memory_space<vmem_shared>>
    %dma_wait3A_1388 = arith.constant 0 : i32
    %dma_wait3A_1389 = tpu.memref_slice %arg12[%add3A_1385, %dma_wait3A_1388] : memref<10240x128xf32, #tpu.memory_space<vmem_shared>> -> memref<16x128xf32, #tpu.memory_space<vmem_shared>>
    tpu.wait_dma2 semaphore(%arg17 : memref<!tpu.dma_semaphore, #tpu.memory_space<semaphore_mem>>) src(%arg11 : memref<16x128xf32, #tpu.memory_space<vmem>>) dst(%dma_wait3A_1389 : memref<16x128xf32, #tpu.memory_space<vmem_shared>>)
    %mul3A_1390 = arith.constant 640 : i32
    %mul3A_1391 = arith.muli %arg1, %mul3A_1390 : i32
    %add3A_1392 = arith.constant 560 : i32
    %add3A_1393 = arith.addi %mul3A_1391, %add3A_1392 : i32
    %dma_wait3A_1394 = arith.constant 0 : i32
    %dma_wait3A_1395 = tpu.memref_slice %arg12[%add3A_1393, %dma_wait3A_1394] : memref<10240x128xf32, #tpu.memory_space<vmem_shared>> -> memref<16x128xf32, #tpu.memory_space<vmem_shared>>
    %dma_wait3A_1396 = arith.constant 0 : i32
    %dma_wait3A_1397 = tpu.memref_slice %arg12[%add3A_1393, %dma_wait3A_1396] : memref<10240x128xf32, #tpu.memory_space<vmem_shared>> -> memref<16x128xf32, #tpu.memory_space<vmem_shared>>
    tpu.wait_dma2 semaphore(%arg18 : memref<!tpu.dma_semaphore, #tpu.memory_space<semaphore_mem>>) src(%arg11 : memref<16x128xf32, #tpu.memory_space<vmem>>) dst(%dma_wait3A_1397 : memref<16x128xf32, #tpu.memory_space<vmem_shared>>)
    %mul3A_1398 = arith.constant 640 : i32
    %mul3A_1399 = arith.muli %arg1, %mul3A_1398 : i32
    %add3A_1400 = arith.constant 576 : i32
    %add3A_1401 = arith.addi %mul3A_1399, %add3A_1400 : i32
    %dma_wait3A_1402 = arith.constant 0 : i32
    %dma_wait3A_1403 = tpu.memref_slice %arg12[%add3A_1401, %dma_wait3A_1402] : memref<10240x128xf32, #tpu.memory_space<vmem_shared>> -> memref<16x128xf32, #tpu.memory_space<vmem_shared>>
    %dma_wait3A_1404 = arith.constant 0 : i32
    %dma_wait3A_1405 = tpu.memref_slice %arg12[%add3A_1401, %dma_wait3A_1404] : memref<10240x128xf32, #tpu.memory_space<vmem_shared>> -> memref<16x128xf32, #tpu.memory_space<vmem_shared>>
    tpu.wait_dma2 semaphore(%arg17 : memref<!tpu.dma_semaphore, #tpu.memory_space<semaphore_mem>>) src(%arg11 : memref<16x128xf32, #tpu.memory_space<vmem>>) dst(%dma_wait3A_1405 : memref<16x128xf32, #tpu.memory_space<vmem_shared>>)
    %mul3A_1406 = arith.constant 640 : i32
    %mul3A_1407 = arith.muli %arg1, %mul3A_1406 : i32
    %add3A_1408 = arith.constant 592 : i32
    %add3A_1409 = arith.addi %mul3A_1407, %add3A_1408 : i32
    %dma_wait3A_1410 = arith.constant 0 : i32
    %dma_wait3A_1411 = tpu.memref_slice %arg12[%add3A_1409, %dma_wait3A_1410] : memref<10240x128xf32, #tpu.memory_space<vmem_shared>> -> memref<16x128xf32, #tpu.memory_space<vmem_shared>>
    %dma_wait3A_1412 = arith.constant 0 : i32
    %dma_wait3A_1413 = tpu.memref_slice %arg12[%add3A_1409, %dma_wait3A_1412] : memref<10240x128xf32, #tpu.memory_space<vmem_shared>> -> memref<16x128xf32, #tpu.memory_space<vmem_shared>>
    tpu.wait_dma2 semaphore(%arg18 : memref<!tpu.dma_semaphore, #tpu.memory_space<semaphore_mem>>) src(%arg11 : memref<16x128xf32, #tpu.memory_space<vmem>>) dst(%dma_wait3A_1413 : memref<16x128xf32, #tpu.memory_space<vmem_shared>>)
    %mul3A_1414 = arith.constant 640 : i32
    %mul3A_1415 = arith.muli %arg1, %mul3A_1414 : i32
    %add3A_1416 = arith.constant 608 : i32
    %add3A_1417 = arith.addi %mul3A_1415, %add3A_1416 : i32
    %dma_wait3A_1418 = arith.constant 0 : i32
    %dma_wait3A_1419 = tpu.memref_slice %arg12[%add3A_1417, %dma_wait3A_1418] : memref<10240x128xf32, #tpu.memory_space<vmem_shared>> -> memref<16x128xf32, #tpu.memory_space<vmem_shared>>
    %dma_wait3A_1420 = arith.constant 0 : i32
    %dma_wait3A_1421 = tpu.memref_slice %arg12[%add3A_1417, %dma_wait3A_1420] : memref<10240x128xf32, #tpu.memory_space<vmem_shared>> -> memref<16x128xf32, #tpu.memory_space<vmem_shared>>
    tpu.wait_dma2 semaphore(%arg17 : memref<!tpu.dma_semaphore, #tpu.memory_space<semaphore_mem>>) src(%arg11 : memref<16x128xf32, #tpu.memory_space<vmem>>) dst(%dma_wait3A_1421 : memref<16x128xf32, #tpu.memory_space<vmem_shared>>)
    %mul3A_1422 = arith.constant 640 : i32
    %mul3A_1423 = arith.muli %arg1, %mul3A_1422 : i32
    %add3A_1424 = arith.constant 624 : i32
    %add3A_1425 = arith.addi %mul3A_1423, %add3A_1424 : i32
    %dma_wait3A_1426 = arith.constant 0 : i32
    %dma_wait3A_1427 = tpu.memref_slice %arg12[%add3A_1425, %dma_wait3A_1426] : memref<10240x128xf32, #tpu.memory_space<vmem_shared>> -> memref<16x128xf32, #tpu.memory_space<vmem_shared>>
    %dma_wait3A_1428 = arith.constant 0 : i32
    %dma_wait3A_1429 = tpu.memref_slice %arg12[%add3A_1425, %dma_wait3A_1428] : memref<10240x128xf32, #tpu.memory_space<vmem_shared>> -> memref<16x128xf32, #tpu.memory_space<vmem_shared>>
    tpu.wait_dma2 semaphore(%arg18 : memref<!tpu.dma_semaphore, #tpu.memory_space<semaphore_mem>>) src(%arg11 : memref<16x128xf32, #tpu.memory_space<vmem>>) dst(%dma_wait3A_1429 : memref<16x128xf32, #tpu.memory_space<vmem_shared>>)
    %barrier3A = arith.constant 0 : index
    tpu.barrier barrier_id(%barrier3A)
    %add3A_1430 = arith.constant 0 : i32
    %add3A_1431 = arith.addi %mul3A_4, %add3A_1430 : i32
    %dma_start3A_1432 = arith.constant 0 : i32
    %dma_start3A_1433 = tpu.memref_slice %arg3[%dma_start3A_1432, %add3A_1431] : memref<2x320000xi32, #tpu.memory_space<hbm>> -> memref<2x128xi32, #tpu.memory_space<hbm>>
    %dma_start3A_1434 = arith.constant 0 : i32
    %dma_start3A_1435 = tpu.memref_slice %arg3[%dma_start3A_1434, %add3A_1431] : memref<2x320000xi32, #tpu.memory_space<hbm>> -> memref<2x128xi32, #tpu.memory_space<hbm>>
    tpu.enqueue_dma source(%dma_start3A_1435 : memref<2x128xi32, #tpu.memory_space<hbm>>) target(%arg5 : memref<2x128xi32, #tpu.memory_space<vmem>>) target_semaphore(%arg13 : memref<!tpu.dma_semaphore, #tpu.memory_space<semaphore_mem>>)
    %add3A_1436 = arith.constant 128 : i32
    %add3A_1437 = arith.addi %mul3A_4, %add3A_1436 : i32
    %dma_start3A_1438 = arith.constant 0 : i32
    %dma_start3A_1439 = tpu.memref_slice %arg3[%dma_start3A_1438, %add3A_1437] : memref<2x320000xi32, #tpu.memory_space<hbm>> -> memref<2x128xi32, #tpu.memory_space<hbm>>
    %dma_start3A_1440 = arith.constant 0 : i32
    %dma_start3A_1441 = tpu.memref_slice %arg3[%dma_start3A_1440, %add3A_1437] : memref<2x320000xi32, #tpu.memory_space<hbm>> -> memref<2x128xi32, #tpu.memory_space<hbm>>
    tpu.enqueue_dma source(%dma_start3A_1441 : memref<2x128xi32, #tpu.memory_space<hbm>>) target(%arg6 : memref<2x128xi32, #tpu.memory_space<vmem>>) target_semaphore(%arg14 : memref<!tpu.dma_semaphore, #tpu.memory_space<semaphore_mem>>)
    %add3A_1442 = arith.constant 256 : i32
    %add3A_1443 = arith.addi %mul3A_4, %add3A_1442 : i32
    %dma_start3A_1444 = arith.constant 0 : i32
    %dma_start3A_1445 = tpu.memref_slice %arg3[%dma_start3A_1444, %add3A_1443] : memref<2x320000xi32, #tpu.memory_space<hbm>> -> memref<2x128xi32, #tpu.memory_space<hbm>>
    %dma_start3A_1446 = arith.constant 0 : i32
    %dma_start3A_1447 = tpu.memref_slice %arg3[%dma_start3A_1446, %add3A_1443] : memref<2x320000xi32, #tpu.memory_space<hbm>> -> memref<2x128xi32, #tpu.memory_space<hbm>>
    tpu.enqueue_dma source(%dma_start3A_1447 : memref<2x128xi32, #tpu.memory_space<hbm>>) target(%arg7 : memref<2x128xi32, #tpu.memory_space<vmem>>) target_semaphore(%arg15 : memref<!tpu.dma_semaphore, #tpu.memory_space<semaphore_mem>>)
    %add3A_1448 = arith.constant 384 : i32
    %add3A_1449 = arith.addi %mul3A_4, %add3A_1448 : i32
    %dma_start3A_1450 = arith.constant 0 : i32
    %dma_start3A_1451 = tpu.memref_slice %arg3[%dma_start3A_1450, %add3A_1449] : memref<2x320000xi32, #tpu.memory_space<hbm>> -> memref<2x128xi32, #tpu.memory_space<hbm>>
    %dma_start3A_1452 = arith.constant 0 : i32
    %dma_start3A_1453 = tpu.memref_slice %arg3[%dma_start3A_1452, %add3A_1449] : memref<2x320000xi32, #tpu.memory_space<hbm>> -> memref<2x128xi32, #tpu.memory_space<hbm>>
    tpu.enqueue_dma source(%dma_start3A_1453 : memref<2x128xi32, #tpu.memory_space<hbm>>) target(%arg8 : memref<2x128xi32, #tpu.memory_space<vmem>>) target_semaphore(%arg16 : memref<!tpu.dma_semaphore, #tpu.memory_space<semaphore_mem>>)
    %add3A_1454 = arith.constant 0 : i32
    %add3A_1455 = arith.addi %mul3A_4, %add3A_1454 : i32
    %dma_wait3A_1456 = arith.constant 0 : i32
    %dma_wait3A_1457 = tpu.memref_slice %arg3[%dma_wait3A_1456, %add3A_1455] : memref<2x320000xi32, #tpu.memory_space<hbm>> -> memref<2x128xi32, #tpu.memory_space<hbm>>
    %dma_wait3A_1458 = arith.constant 0 : i32
    %dma_wait3A_1459 = tpu.memref_slice %arg3[%dma_wait3A_1458, %add3A_1455] : memref<2x320000xi32, #tpu.memory_space<hbm>> -> memref<2x128xi32, #tpu.memory_space<hbm>>
    tpu.wait_dma2 semaphore(%arg13 : memref<!tpu.dma_semaphore, #tpu.memory_space<semaphore_mem>>) src(%dma_wait3A_1459 : memref<2x128xi32, #tpu.memory_space<hbm>>) dst(%arg5 : memref<2x128xi32, #tpu.memory_space<vmem>>)
    %dma_start3A_1460 = arith.constant 0 : i32
    %dma_start3A_1461 = arith.constant 0 : i32
    %dma_start3A_1462 = tpu.memref_slice %arg5[%dma_start3A_1460, %dma_start3A_1461] : memref<2x128xi32, #tpu.memory_space<vmem>> -> memref<1x128xi32, #tpu.memory_space<vmem>>
    %dma_start3A_1463 = tpu.memref_squeeze %dma_start3A_1462 : memref<1x128xi32, #tpu.memory_space<vmem>> -> memref<128xi32, #tpu.memory_space<vmem>>
    %dma_start3A_1464 = arith.constant 0 : i32
    %dma_start3A_1465 = arith.constant 0 : i32
    %dma_start3A_1466 = tpu.memref_slice %arg2[%dma_start3A_1464, %dma_start3A_1465] : memref<10000x128xf32, #tpu.memory_space<hbm>> -> memref<10000x128xf32, #tpu.memory_space<hbm>>
    tpu.enqueue_indirect_dma source(%dma_start3A_1466 : memref<10000x128xf32, #tpu.memory_space<hbm>>) target(%arg9 : memref<128x128xf32, #tpu.memory_space<vmem>>) offsets(%dma_start3A_1463 : memref<128xi32, #tpu.memory_space<vmem>>) semaphore(%arg17 : memref<!tpu.dma_semaphore, #tpu.memory_space<semaphore_mem>>)
    %add3A_1467 = arith.constant 3 : i32
    %add3A_1468 = arith.addi %min3A_23, %add3A_1467 : i32
    %jit3A_1469 = arith.constant 4 : i32
    %div3A_1470 = arith.divsi %add3A_1468, %jit3A_1469 : i32
    %sign3A_1471 = arith.constant 0 : i32
    %sign3A_1472 = arith.cmpi sgt, %add3A_1468, %sign3A_1471 : i32
    %sign3A_1473 = arith.extui %sign3A_1472 : i1 to i32
    %sign3A_1474 = arith.constant 0 : i32
    %sign3A_1475 = arith.cmpi slt, %add3A_1468, %sign3A_1474 : i32
    %sign3A_1476 = arith.extui %sign3A_1475 : i1 to i32
    %sign3A_1477 = arith.subi %sign3A_1473, %sign3A_1476 : i32
    %sign3A_1478 = arith.constant 0 : i32
    %sign3A_1479 = arith.cmpi sgt, %jit3A_1469, %sign3A_1478 : i32
    %sign3A_1480 = arith.extui %sign3A_1479 : i1 to i32
    %sign3A_1481 = arith.constant 0 : i32
    %sign3A_1482 = arith.cmpi slt, %jit3A_1469, %sign3A_1481 : i32
    %sign3A_1483 = arith.extui %sign3A_1482 : i1 to i32
    %sign3A_1484 = arith.subi %sign3A_1480, %sign3A_1483 : i32
    %ne3A_1485 = arith.cmpi ne, %sign3A_1477, %sign3A_1484 : i32
    %rem3A_1486 = arith.remsi %add3A_1468, %jit3A_1469 : i32
    %ne3A_1487 = arith.constant 0 : i32
    %ne3A_1488 = arith.cmpi ne, %rem3A_1486, %ne3A_1487 : i32
    %and3A_1489 = arith.andi %ne3A_1485, %ne3A_1488 : i1
    %sub3A_1490 = arith.constant 1 : i32
    %sub3A_1491 = arith.subi %div3A_1470, %sub3A_1490 : i32
    %select_n3A_1492 = arith.select %and3A_1489, %sub3A_1491, %div3A_1470 : i32
    %while3A = arith.constant 0 : i32
    %while3A_1493 = arith.constant 0 : i32
    %while3A_1494 = arith.subi %select_n3A_1492, %while3A_1493 : i32
    %while3A_1495 = arith.addi %while3A_1493, %while3A_1494 : i32
    %while3A_1496 = arith.constant 1 : i32
    %while3A_1497 = arith.divsi %while3A_1494, %while3A_1496 : i32
    %while3A_1498 = arith.muli %while3A_1497, %while3A_1496 : i32
    %while3A_1499 = arith.addi %while3A_1493, %while3A_1498 : i32
    %while3A_1500 = arith.constant 1 : i32
    scf.for %while3A_1507 = %while3A_1493 to %while3A_1499 step %while3A_1500  : i32 {
      %mul3A_1508 = arith.constant 4 : i32
      %mul3A_1509 = arith.muli %mul3A_1508, %while3A_1507 : i32
      %add3A_1510 = arith.constant 0 : i32
      %add3A_1511 = arith.addi %mul3A_1509, %add3A_1510 : i32
      %add3A_1512 = arith.constant 1 : i32
      %add3A_1513 = arith.addi %add3A_1511, %add3A_1512 : i32
      %lt3A = arith.cmpi slt, %add3A_1513, %min3A_23 : i32
      %convert_element_type3A = arith.extui %lt3A : i1 to i32
      %cond3A = arith.constant 0 : i32
      %cond3A_1514 = arith.cmpi ne, %convert_element_type3A, %cond3A : i32
      scf.if %cond3A_1514 {
        %mul3A_1563 = arith.constant 128 : i32
        %mul3A_1564 = arith.muli %add3A_1513, %mul3A_1563 : i32
        %add3A_1565 = arith.addi %mul3A_4, %mul3A_1564 : i32
        %dma_wait3A_1566 = arith.constant 0 : i32
        %dma_wait3A_1567 = tpu.memref_slice %arg3[%dma_wait3A_1566, %add3A_1565] : memref<2x320000xi32, #tpu.memory_space<hbm>> -> memref<2x128xi32, #tpu.memory_space<hbm>>
        %dma_wait3A_1568 = arith.constant 0 : i32
        %dma_wait3A_1569 = tpu.memref_slice %arg3[%dma_wait3A_1568, %add3A_1565] : memref<2x320000xi32, #tpu.memory_space<hbm>> -> memref<2x128xi32, #tpu.memory_space<hbm>>
        tpu.wait_dma2 semaphore(%arg14 : memref<!tpu.dma_semaphore, #tpu.memory_space<semaphore_mem>>) src(%dma_wait3A_1569 : memref<2x128xi32, #tpu.memory_space<hbm>>) dst(%arg6 : memref<2x128xi32, #tpu.memory_space<vmem>>)
        %dma_start3A_1570 = arith.constant 0 : i32
        %dma_start3A_1571 = arith.constant 0 : i32
        %dma_start3A_1572 = tpu.memref_slice %arg6[%dma_start3A_1570, %dma_start3A_1571] : memref<2x128xi32, #tpu.memory_space<vmem>> -> memref<1x128xi32, #tpu.memory_space<vmem>>
        %dma_start3A_1573 = tpu.memref_squeeze %dma_start3A_1572 : memref<1x128xi32, #tpu.memory_space<vmem>> -> memref<128xi32, #tpu.memory_space<vmem>>
        %dma_start3A_1574 = arith.constant 0 : i32
        %dma_start3A_1575 = arith.constant 0 : i32
        %dma_start3A_1576 = tpu.memref_slice %arg2[%dma_start3A_1574, %dma_start3A_1575] : memref<10000x128xf32, #tpu.memory_space<hbm>> -> memref<10000x128xf32, #tpu.memory_space<hbm>>
        tpu.enqueue_indirect_dma source(%dma_start3A_1576 : memref<10000x128xf32, #tpu.memory_space<hbm>>) target(%arg10 : memref<128x128xf32, #tpu.memory_space<vmem>>) offsets(%dma_start3A_1573 : memref<128xi32, #tpu.memory_space<vmem>>) semaphore(%arg18 : memref<!tpu.dma_semaphore, #tpu.memory_space<semaphore_mem>>)
      } else {
      }
      %add3A_1515 = arith.constant 0 : i32
      %add3A_1516 = arith.addi %mul3A_1509, %add3A_1515 : i32
      %lt3A_1517 = arith.cmpi slt, %add3A_1516, %min3A_23 : i32
      %convert_element_type3A_1518 = arith.extui %lt3A_1517 : i1 to i32
      %cond3A_1519 = arith.constant 0 : i32
      %cond3A_1520 = arith.cmpi ne, %convert_element_type3A_1518, %cond3A_1519 : i32
      scf.if %cond3A_1520 {
        %dma_wait3A_1563 = arith.constant 0 : i32
        %dma_wait3A_1564 = arith.constant 0 : i32
        %dma_wait3A_1565 = tpu.memref_slice %arg5[%dma_wait3A_1563, %dma_wait3A_1564] : memref<2x128xi32, #tpu.memory_space<vmem>> -> memref<1x128xi32, #tpu.memory_space<vmem>>
        %dma_wait3A_1566 = tpu.memref_squeeze %dma_wait3A_1565 : memref<1x128xi32, #tpu.memory_space<vmem>> -> memref<128xi32, #tpu.memory_space<vmem>>
        %dma_wait3A_1567 = arith.constant 0 : i32
        %dma_wait3A_1568 = arith.constant 0 : i32
        %dma_wait3A_1569 = tpu.memref_slice %arg2[%dma_wait3A_1567, %dma_wait3A_1568] : memref<10000x128xf32, #tpu.memory_space<hbm>> -> memref<10000x128xf32, #tpu.memory_space<hbm>>
        tpu.wait_indirect_dma semaphore(%arg17 : memref<!tpu.dma_semaphore, #tpu.memory_space<semaphore_mem>>) src(%dma_wait3A_1569 : memref<10000x128xf32, #tpu.memory_space<hbm>>) dst(%arg9 : memref<128x128xf32, #tpu.memory_space<vmem>>)
        %run_scoped3A = arith.constant 1 : i32
        "tpu.region"() ({
          %run_scoped3A_1578 = tpu.sem_alloc : memref<!tpu.dma_semaphore, #tpu.memory_space<semaphore_mem>>
          %dma_start3A_1579 = arith.constant 0 : i32
          %dma_start3A_1580 = tpu.memref_slice %arg5[%run_scoped3A, %dma_start3A_1579] : memref<2x128xi32, #tpu.memory_space<vmem>> -> memref<1x128xi32, #tpu.memory_space<vmem>>
          %dma_start3A_1581 = tpu.memref_squeeze %dma_start3A_1580 : memref<1x128xi32, #tpu.memory_space<vmem>> -> memref<128xi32, #tpu.memory_space<vmem>>
          %dma_start3A_1582 = arith.constant 0 : i32
          %dma_start3A_1583 = arith.constant 0 : i32
          %dma_start3A_1584 = tpu.memref_slice %arg12[%dma_start3A_1582, %dma_start3A_1583] : memref<10240x128xf32, #tpu.memory_space<vmem_shared>> -> memref<10240x128xf32, #tpu.memory_space<vmem_shared>>
          tpu.enqueue_indirect_dma source(%arg9 : memref<128x128xf32, #tpu.memory_space<vmem>>) target(%dma_start3A_1584 : memref<10240x128xf32, #tpu.memory_space<vmem_shared>>) offsets(%dma_start3A_1581 : memref<128xi32, #tpu.memory_space<vmem>>) semaphore(%run_scoped3A_1578 : memref<!tpu.dma_semaphore, #tpu.memory_space<semaphore_mem>>) {add = true}
          %dma_wait3A_1585 = arith.constant 0 : i32
          %dma_wait3A_1586 = tpu.memref_slice %arg5[%run_scoped3A, %dma_wait3A_1585] : memref<2x128xi32, #tpu.memory_space<vmem>> -> memref<1x128xi32, #tpu.memory_space<vmem>>
          %dma_wait3A_1587 = tpu.memref_squeeze %dma_wait3A_1586 : memref<1x128xi32, #tpu.memory_space<vmem>> -> memref<128xi32, #tpu.memory_space<vmem>>
          %dma_wait3A_1588 = arith.constant 0 : i32
          %dma_wait3A_1589 = arith.constant 0 : i32
          %dma_wait3A_1590 = tpu.memref_slice %arg12[%dma_wait3A_1588, %dma_wait3A_1589] : memref<10240x128xf32, #tpu.memory_space<vmem_shared>> -> memref<10240x128xf32, #tpu.memory_space<vmem_shared>>
          tpu.wait_indirect_dma semaphore(%run_scoped3A_1578 : memref<!tpu.dma_semaphore, #tpu.memory_space<semaphore_mem>>) src(%arg9 : memref<128x128xf32, #tpu.memory_space<vmem>>) dst(%dma_wait3A_1590 : memref<10240x128xf32, #tpu.memory_space<vmem_shared>>)
          tpu.yield
        }) : () -> ()
        %add3A_1570 = arith.constant 0 : i32
        %add3A_1571 = arith.addi %mul3A_1509, %add3A_1570 : i32
        %add3A_1572 = arith.constant 4 : i32
        %add3A_1573 = arith.addi %add3A_1571, %add3A_1572 : i32
        %lt3A_1574 = arith.cmpi slt, %add3A_1573, %min3A_23 : i32
        %convert_element_type3A_1575 = arith.extui %lt3A_1574 : i1 to i32
        %cond3A_1576 = arith.constant 0 : i32
        %cond3A_1577 = arith.cmpi ne, %convert_element_type3A_1575, %cond3A_1576 : i32
        scf.if %cond3A_1577 {
          %add3A_1578 = arith.constant 0 : i32
          %add3A_1579 = arith.addi %mul3A_1509, %add3A_1578 : i32
          %add3A_1580 = arith.constant 4 : i32
          %add3A_1581 = arith.addi %add3A_1579, %add3A_1580 : i32
          %mul3A_1582 = arith.constant 128 : i32
          %mul3A_1583 = arith.muli %add3A_1581, %mul3A_1582 : i32
          %add3A_1584 = arith.addi %mul3A_4, %mul3A_1583 : i32
          %dma_start3A_1585 = arith.constant 0 : i32
          %dma_start3A_1586 = tpu.memref_slice %arg3[%dma_start3A_1585, %add3A_1584] : memref<2x320000xi32, #tpu.memory_space<hbm>> -> memref<2x128xi32, #tpu.memory_space<hbm>>
          %dma_start3A_1587 = arith.constant 0 : i32
          %dma_start3A_1588 = tpu.memref_slice %arg3[%dma_start3A_1587, %add3A_1584] : memref<2x320000xi32, #tpu.memory_space<hbm>> -> memref<2x128xi32, #tpu.memory_space<hbm>>
          tpu.enqueue_dma source(%dma_start3A_1588 : memref<2x128xi32, #tpu.memory_space<hbm>>) target(%arg5 : memref<2x128xi32, #tpu.memory_space<vmem>>) target_semaphore(%arg13 : memref<!tpu.dma_semaphore, #tpu.memory_space<semaphore_mem>>)
        } else {
        }
      } else {
      }
      %add3A_1521 = arith.constant 1 : i32
      %add3A_1522 = arith.addi %mul3A_1509, %add3A_1521 : i32
      %add3A_1523 = arith.constant 1 : i32
      %add3A_1524 = arith.addi %add3A_1522, %add3A_1523 : i32
      %lt3A_1525 = arith.cmpi slt, %add3A_1524, %min3A_23 : i32
      %convert_element_type3A_1526 = arith.extui %lt3A_1525 : i1 to i32
      %cond3A_1527 = arith.constant 0 : i32
      %cond3A_1528 = arith.cmpi ne, %convert_element_type3A_1526, %cond3A_1527 : i32
      scf.if %cond3A_1528 {
        %mul3A_1563 = arith.constant 128 : i32
        %mul3A_1564 = arith.muli %add3A_1524, %mul3A_1563 : i32
        %add3A_1565 = arith.addi %mul3A_4, %mul3A_1564 : i32
        %dma_wait3A_1566 = arith.constant 0 : i32
        %dma_wait3A_1567 = tpu.memref_slice %arg3[%dma_wait3A_1566, %add3A_1565] : memref<2x320000xi32, #tpu.memory_space<hbm>> -> memref<2x128xi32, #tpu.memory_space<hbm>>
        %dma_wait3A_1568 = arith.constant 0 : i32
        %dma_wait3A_1569 = tpu.memref_slice %arg3[%dma_wait3A_1568, %add3A_1565] : memref<2x320000xi32, #tpu.memory_space<hbm>> -> memref<2x128xi32, #tpu.memory_space<hbm>>
        tpu.wait_dma2 semaphore(%arg15 : memref<!tpu.dma_semaphore, #tpu.memory_space<semaphore_mem>>) src(%dma_wait3A_1569 : memref<2x128xi32, #tpu.memory_space<hbm>>) dst(%arg7 : memref<2x128xi32, #tpu.memory_space<vmem>>)
        %dma_start3A_1570 = arith.constant 0 : i32
        %dma_start3A_1571 = arith.constant 0 : i32
        %dma_start3A_1572 = tpu.memref_slice %arg7[%dma_start3A_1570, %dma_start3A_1571] : memref<2x128xi32, #tpu.memory_space<vmem>> -> memref<1x128xi32, #tpu.memory_space<vmem>>
        %dma_start3A_1573 = tpu.memref_squeeze %dma_start3A_1572 : memref<1x128xi32, #tpu.memory_space<vmem>> -> memref<128xi32, #tpu.memory_space<vmem>>
        %dma_start3A_1574 = arith.constant 0 : i32
        %dma_start3A_1575 = arith.constant 0 : i32
        %dma_start3A_1576 = tpu.memref_slice %arg2[%dma_start3A_1574, %dma_start3A_1575] : memref<10000x128xf32, #tpu.memory_space<hbm>> -> memref<10000x128xf32, #tpu.memory_space<hbm>>
        tpu.enqueue_indirect_dma source(%dma_start3A_1576 : memref<10000x128xf32, #tpu.memory_space<hbm>>) target(%arg9 : memref<128x128xf32, #tpu.memory_space<vmem>>) offsets(%dma_start3A_1573 : memref<128xi32, #tpu.memory_space<vmem>>) semaphore(%arg17 : memref<!tpu.dma_semaphore, #tpu.memory_space<semaphore_mem>>)
      } else {
      }
      %add3A_1529 = arith.constant 1 : i32
      %add3A_1530 = arith.addi %mul3A_1509, %add3A_1529 : i32
      %lt3A_1531 = arith.cmpi slt, %add3A_1530, %min3A_23 : i32
      %convert_element_type3A_1532 = arith.extui %lt3A_1531 : i1 to i32
      %cond3A_1533 = arith.constant 0 : i32
      %cond3A_1534 = arith.cmpi ne, %convert_element_type3A_1532, %cond3A_1533 : i32
      scf.if %cond3A_1534 {
        %dma_wait3A_1563 = arith.constant 0 : i32
        %dma_wait3A_1564 = arith.constant 0 : i32
        %dma_wait3A_1565 = tpu.memref_slice %arg6[%dma_wait3A_1563, %dma_wait3A_1564] : memref<2x128xi32, #tpu.memory_space<vmem>> -> memref<1x128xi32, #tpu.memory_space<vmem>>
        %dma_wait3A_1566 = tpu.memref_squeeze %dma_wait3A_1565 : memref<1x128xi32, #tpu.memory_space<vmem>> -> memref<128xi32, #tpu.memory_space<vmem>>
        %dma_wait3A_1567 = arith.constant 0 : i32
        %dma_wait3A_1568 = arith.constant 0 : i32
        %dma_wait3A_1569 = tpu.memref_slice %arg2[%dma_wait3A_1567, %dma_wait3A_1568] : memref<10000x128xf32, #tpu.memory_space<hbm>> -> memref<10000x128xf32, #tpu.memory_space<hbm>>
        tpu.wait_indirect_dma semaphore(%arg18 : memref<!tpu.dma_semaphore, #tpu.memory_space<semaphore_mem>>) src(%dma_wait3A_1569 : memref<10000x128xf32, #tpu.memory_space<hbm>>) dst(%arg10 : memref<128x128xf32, #tpu.memory_space<vmem>>)
        %run_scoped3A = arith.constant 1 : i32
        "tpu.region"() ({
          %run_scoped3A_1578 = tpu.sem_alloc : memref<!tpu.dma_semaphore, #tpu.memory_space<semaphore_mem>>
          %dma_start3A_1579 = arith.constant 0 : i32
          %dma_start3A_1580 = tpu.memref_slice %arg6[%run_scoped3A, %dma_start3A_1579] : memref<2x128xi32, #tpu.memory_space<vmem>> -> memref<1x128xi32, #tpu.memory_space<vmem>>
          %dma_start3A_1581 = tpu.memref_squeeze %dma_start3A_1580 : memref<1x128xi32, #tpu.memory_space<vmem>> -> memref<128xi32, #tpu.memory_space<vmem>>
          %dma_start3A_1582 = arith.constant 0 : i32
          %dma_start3A_1583 = arith.constant 0 : i32
          %dma_start3A_1584 = tpu.memref_slice %arg12[%dma_start3A_1582, %dma_start3A_1583] : memref<10240x128xf32, #tpu.memory_space<vmem_shared>> -> memref<10240x128xf32, #tpu.memory_space<vmem_shared>>
          tpu.enqueue_indirect_dma source(%arg10 : memref<128x128xf32, #tpu.memory_space<vmem>>) target(%dma_start3A_1584 : memref<10240x128xf32, #tpu.memory_space<vmem_shared>>) offsets(%dma_start3A_1581 : memref<128xi32, #tpu.memory_space<vmem>>) semaphore(%run_scoped3A_1578 : memref<!tpu.dma_semaphore, #tpu.memory_space<semaphore_mem>>) {add = true}
          %dma_wait3A_1585 = arith.constant 0 : i32
          %dma_wait3A_1586 = tpu.memref_slice %arg6[%run_scoped3A, %dma_wait3A_1585] : memref<2x128xi32, #tpu.memory_space<vmem>> -> memref<1x128xi32, #tpu.memory_space<vmem>>
          %dma_wait3A_1587 = tpu.memref_squeeze %dma_wait3A_1586 : memref<1x128xi32, #tpu.memory_space<vmem>> -> memref<128xi32, #tpu.memory_space<vmem>>
          %dma_wait3A_1588 = arith.constant 0 : i32
          %dma_wait3A_1589 = arith.constant 0 : i32
          %dma_wait3A_1590 = tpu.memref_slice %arg12[%dma_wait3A_1588, %dma_wait3A_1589] : memref<10240x128xf32, #tpu.memory_space<vmem_shared>> -> memref<10240x128xf32, #tpu.memory_space<vmem_shared>>
          tpu.wait_indirect_dma semaphore(%run_scoped3A_1578 : memref<!tpu.dma_semaphore, #tpu.memory_space<semaphore_mem>>) src(%arg10 : memref<128x128xf32, #tpu.memory_space<vmem>>) dst(%dma_wait3A_1590 : memref<10240x128xf32, #tpu.memory_space<vmem_shared>>)
          tpu.yield
        }) : () -> ()
        %add3A_1570 = arith.constant 1 : i32
        %add3A_1571 = arith.addi %mul3A_1509, %add3A_1570 : i32
        %add3A_1572 = arith.constant 4 : i32
        %add3A_1573 = arith.addi %add3A_1571, %add3A_1572 : i32
        %lt3A_1574 = arith.cmpi slt, %add3A_1573, %min3A_23 : i32
        %convert_element_type3A_1575 = arith.extui %lt3A_1574 : i1 to i32
        %cond3A_1576 = arith.constant 0 : i32
        %cond3A_1577 = arith.cmpi ne, %convert_element_type3A_1575, %cond3A_1576 : i32
        scf.if %cond3A_1577 {
          %add3A_1578 = arith.constant 1 : i32
          %add3A_1579 = arith.addi %mul3A_1509, %add3A_1578 : i32
          %add3A_1580 = arith.constant 4 : i32
          %add3A_1581 = arith.addi %add3A_1579, %add3A_1580 : i32
          %mul3A_1582 = arith.constant 128 : i32
          %mul3A_1583 = arith.muli %add3A_1581, %mul3A_1582 : i32
          %add3A_1584 = arith.addi %mul3A_4, %mul3A_1583 : i32
          %dma_start3A_1585 = arith.constant 0 : i32
          %dma_start3A_1586 = tpu.memref_slice %arg3[%dma_start3A_1585, %add3A_1584] : memref<2x320000xi32, #tpu.memory_space<hbm>> -> memref<2x128xi32, #tpu.memory_space<hbm>>
          %dma_start3A_1587 = arith.constant 0 : i32
          %dma_start3A_1588 = tpu.memref_slice %arg3[%dma_start3A_1587, %add3A_1584] : memref<2x320000xi32, #tpu.memory_space<hbm>> -> memref<2x128xi32, #tpu.memory_space<hbm>>
          tpu.enqueue_dma source(%dma_start3A_1588 : memref<2x128xi32, #tpu.memory_space<hbm>>) target(%arg6 : memref<2x128xi32, #tpu.memory_space<vmem>>) target_semaphore(%arg14 : memref<!tpu.dma_semaphore, #tpu.memory_space<semaphore_mem>>)
        } else {
        }
      } else {
      }
      %add3A_1535 = arith.constant 2 : i32
      %add3A_1536 = arith.addi %mul3A_1509, %add3A_1535 : i32
      %add3A_1537 = arith.constant 1 : i32
      %add3A_1538 = arith.addi %add3A_1536, %add3A_1537 : i32
      %lt3A_1539 = arith.cmpi slt, %add3A_1538, %min3A_23 : i32
      %convert_element_type3A_1540 = arith.extui %lt3A_1539 : i1 to i32
      %cond3A_1541 = arith.constant 0 : i32
      %cond3A_1542 = arith.cmpi ne, %convert_element_type3A_1540, %cond3A_1541 : i32
      scf.if %cond3A_1542 {
        %mul3A_1563 = arith.constant 128 : i32
        %mul3A_1564 = arith.muli %add3A_1538, %mul3A_1563 : i32
        %add3A_1565 = arith.addi %mul3A_4, %mul3A_1564 : i32
        %dma_wait3A_1566 = arith.constant 0 : i32
        %dma_wait3A_1567 = tpu.memref_slice %arg3[%dma_wait3A_1566, %add3A_1565] : memref<2x320000xi32, #tpu.memory_space<hbm>> -> memref<2x128xi32, #tpu.memory_space<hbm>>
        %dma_wait3A_1568 = arith.constant 0 : i32
        %dma_wait3A_1569 = tpu.memref_slice %arg3[%dma_wait3A_1568, %add3A_1565] : memref<2x320000xi32, #tpu.memory_space<hbm>> -> memref<2x128xi32, #tpu.memory_space<hbm>>
        tpu.wait_dma2 semaphore(%arg16 : memref<!tpu.dma_semaphore, #tpu.memory_space<semaphore_mem>>) src(%dma_wait3A_1569 : memref<2x128xi32, #tpu.memory_space<hbm>>) dst(%arg8 : memref<2x128xi32, #tpu.memory_space<vmem>>)
        %dma_start3A_1570 = arith.constant 0 : i32
        %dma_start3A_1571 = arith.constant 0 : i32
        %dma_start3A_1572 = tpu.memref_slice %arg8[%dma_start3A_1570, %dma_start3A_1571] : memref<2x128xi32, #tpu.memory_space<vmem>> -> memref<1x128xi32, #tpu.memory_space<vmem>>
        %dma_start3A_1573 = tpu.memref_squeeze %dma_start3A_1572 : memref<1x128xi32, #tpu.memory_space<vmem>> -> memref<128xi32, #tpu.memory_space<vmem>>
        %dma_start3A_1574 = arith.constant 0 : i32
        %dma_start3A_1575 = arith.constant 0 : i32
        %dma_start3A_1576 = tpu.memref_slice %arg2[%dma_start3A_1574, %dma_start3A_1575] : memref<10000x128xf32, #tpu.memory_space<hbm>> -> memref<10000x128xf32, #tpu.memory_space<hbm>>
        tpu.enqueue_indirect_dma source(%dma_start3A_1576 : memref<10000x128xf32, #tpu.memory_space<hbm>>) target(%arg10 : memref<128x128xf32, #tpu.memory_space<vmem>>) offsets(%dma_start3A_1573 : memref<128xi32, #tpu.memory_space<vmem>>) semaphore(%arg18 : memref<!tpu.dma_semaphore, #tpu.memory_space<semaphore_mem>>)
      } else {
      }
      %add3A_1543 = arith.constant 2 : i32
      %add3A_1544 = arith.addi %mul3A_1509, %add3A_1543 : i32
      %lt3A_1545 = arith.cmpi slt, %add3A_1544, %min3A_23 : i32
      %convert_element_type3A_1546 = arith.extui %lt3A_1545 : i1 to i32
      %cond3A_1547 = arith.constant 0 : i32
      %cond3A_1548 = arith.cmpi ne, %convert_element_type3A_1546, %cond3A_1547 : i32
      scf.if %cond3A_1548 {
        %dma_wait3A_1563 = arith.constant 0 : i32
        %dma_wait3A_1564 = arith.constant 0 : i32
        %dma_wait3A_1565 = tpu.memref_slice %arg7[%dma_wait3A_1563, %dma_wait3A_1564] : memref<2x128xi32, #tpu.memory_space<vmem>> -> memref<1x128xi32, #tpu.memory_space<vmem>>
        %dma_wait3A_1566 = tpu.memref_squeeze %dma_wait3A_1565 : memref<1x128xi32, #tpu.memory_space<vmem>> -> memref<128xi32, #tpu.memory_space<vmem>>
        %dma_wait3A_1567 = arith.constant 0 : i32
        %dma_wait3A_1568 = arith.constant 0 : i32
        %dma_wait3A_1569 = tpu.memref_slice %arg2[%dma_wait3A_1567, %dma_wait3A_1568] : memref<10000x128xf32, #tpu.memory_space<hbm>> -> memref<10000x128xf32, #tpu.memory_space<hbm>>
        tpu.wait_indirect_dma semaphore(%arg17 : memref<!tpu.dma_semaphore, #tpu.memory_space<semaphore_mem>>) src(%dma_wait3A_1569 : memref<10000x128xf32, #tpu.memory_space<hbm>>) dst(%arg9 : memref<128x128xf32, #tpu.memory_space<vmem>>)
        %run_scoped3A = arith.constant 1 : i32
        "tpu.region"() ({
          %run_scoped3A_1578 = tpu.sem_alloc : memref<!tpu.dma_semaphore, #tpu.memory_space<semaphore_mem>>
          %dma_start3A_1579 = arith.constant 0 : i32
          %dma_start3A_1580 = tpu.memref_slice %arg7[%run_scoped3A, %dma_start3A_1579] : memref<2x128xi32, #tpu.memory_space<vmem>> -> memref<1x128xi32, #tpu.memory_space<vmem>>
          %dma_start3A_1581 = tpu.memref_squeeze %dma_start3A_1580 : memref<1x128xi32, #tpu.memory_space<vmem>> -> memref<128xi32, #tpu.memory_space<vmem>>
          %dma_start3A_1582 = arith.constant 0 : i32
          %dma_start3A_1583 = arith.constant 0 : i32
          %dma_start3A_1584 = tpu.memref_slice %arg12[%dma_start3A_1582, %dma_start3A_1583] : memref<10240x128xf32, #tpu.memory_space<vmem_shared>> -> memref<10240x128xf32, #tpu.memory_space<vmem_shared>>
          tpu.enqueue_indirect_dma source(%arg9 : memref<128x128xf32, #tpu.memory_space<vmem>>) target(%dma_start3A_1584 : memref<10240x128xf32, #tpu.memory_space<vmem_shared>>) offsets(%dma_start3A_1581 : memref<128xi32, #tpu.memory_space<vmem>>) semaphore(%run_scoped3A_1578 : memref<!tpu.dma_semaphore, #tpu.memory_space<semaphore_mem>>) {add = true}
          %dma_wait3A_1585 = arith.constant 0 : i32
          %dma_wait3A_1586 = tpu.memref_slice %arg7[%run_scoped3A, %dma_wait3A_1585] : memref<2x128xi32, #tpu.memory_space<vmem>> -> memref<1x128xi32, #tpu.memory_space<vmem>>
          %dma_wait3A_1587 = tpu.memref_squeeze %dma_wait3A_1586 : memref<1x128xi32, #tpu.memory_space<vmem>> -> memref<128xi32, #tpu.memory_space<vmem>>
          %dma_wait3A_1588 = arith.constant 0 : i32
          %dma_wait3A_1589 = arith.constant 0 : i32
          %dma_wait3A_1590 = tpu.memref_slice %arg12[%dma_wait3A_1588, %dma_wait3A_1589] : memref<10240x128xf32, #tpu.memory_space<vmem_shared>> -> memref<10240x128xf32, #tpu.memory_space<vmem_shared>>
          tpu.wait_indirect_dma semaphore(%run_scoped3A_1578 : memref<!tpu.dma_semaphore, #tpu.memory_space<semaphore_mem>>) src(%arg9 : memref<128x128xf32, #tpu.memory_space<vmem>>) dst(%dma_wait3A_1590 : memref<10240x128xf32, #tpu.memory_space<vmem_shared>>)
          tpu.yield
        }) : () -> ()
        %add3A_1570 = arith.constant 2 : i32
        %add3A_1571 = arith.addi %mul3A_1509, %add3A_1570 : i32
        %add3A_1572 = arith.constant 4 : i32
        %add3A_1573 = arith.addi %add3A_1571, %add3A_1572 : i32
        %lt3A_1574 = arith.cmpi slt, %add3A_1573, %min3A_23 : i32
        %convert_element_type3A_1575 = arith.extui %lt3A_1574 : i1 to i32
        %cond3A_1576 = arith.constant 0 : i32
        %cond3A_1577 = arith.cmpi ne, %convert_element_type3A_1575, %cond3A_1576 : i32
        scf.if %cond3A_1577 {
          %add3A_1578 = arith.constant 2 : i32
          %add3A_1579 = arith.addi %mul3A_1509, %add3A_1578 : i32
          %add3A_1580 = arith.constant 4 : i32
          %add3A_1581 = arith.addi %add3A_1579, %add3A_1580 : i32
          %mul3A_1582 = arith.constant 128 : i32
          %mul3A_1583 = arith.muli %add3A_1581, %mul3A_1582 : i32
          %add3A_1584 = arith.addi %mul3A_4, %mul3A_1583 : i32
          %dma_start3A_1585 = arith.constant 0 : i32
          %dma_start3A_1586 = tpu.memref_slice %arg3[%dma_start3A_1585, %add3A_1584] : memref<2x320000xi32, #tpu.memory_space<hbm>> -> memref<2x128xi32, #tpu.memory_space<hbm>>
          %dma_start3A_1587 = arith.constant 0 : i32
          %dma_start3A_1588 = tpu.memref_slice %arg3[%dma_start3A_1587, %add3A_1584] : memref<2x320000xi32, #tpu.memory_space<hbm>> -> memref<2x128xi32, #tpu.memory_space<hbm>>
          tpu.enqueue_dma source(%dma_start3A_1588 : memref<2x128xi32, #tpu.memory_space<hbm>>) target(%arg7 : memref<2x128xi32, #tpu.memory_space<vmem>>) target_semaphore(%arg15 : memref<!tpu.dma_semaphore, #tpu.memory_space<semaphore_mem>>)
        } else {
        }
      } else {
      }
      %add3A_1549 = arith.constant 3 : i32
      %add3A_1550 = arith.addi %mul3A_1509, %add3A_1549 : i32
      %add3A_1551 = arith.constant 1 : i32
      %add3A_1552 = arith.addi %add3A_1550, %add3A_1551 : i32
      %lt3A_1553 = arith.cmpi slt, %add3A_1552, %min3A_23 : i32
      %convert_element_type3A_1554 = arith.extui %lt3A_1553 : i1 to i32
      %cond3A_1555 = arith.constant 0 : i32
      %cond3A_1556 = arith.cmpi ne, %convert_element_type3A_1554, %cond3A_1555 : i32
      scf.if %cond3A_1556 {
        %mul3A_1563 = arith.constant 128 : i32
        %mul3A_1564 = arith.muli %add3A_1552, %mul3A_1563 : i32
        %add3A_1565 = arith.addi %mul3A_4, %mul3A_1564 : i32
        %dma_wait3A_1566 = arith.constant 0 : i32
        %dma_wait3A_1567 = tpu.memref_slice %arg3[%dma_wait3A_1566, %add3A_1565] : memref<2x320000xi32, #tpu.memory_space<hbm>> -> memref<2x128xi32, #tpu.memory_space<hbm>>
        %dma_wait3A_1568 = arith.constant 0 : i32
        %dma_wait3A_1569 = tpu.memref_slice %arg3[%dma_wait3A_1568, %add3A_1565] : memref<2x320000xi32, #tpu.memory_space<hbm>> -> memref<2x128xi32, #tpu.memory_space<hbm>>
        tpu.wait_dma2 semaphore(%arg13 : memref<!tpu.dma_semaphore, #tpu.memory_space<semaphore_mem>>) src(%dma_wait3A_1569 : memref<2x128xi32, #tpu.memory_space<hbm>>) dst(%arg5 : memref<2x128xi32, #tpu.memory_space<vmem>>)
        %dma_start3A_1570 = arith.constant 0 : i32
        %dma_start3A_1571 = arith.constant 0 : i32
        %dma_start3A_1572 = tpu.memref_slice %arg5[%dma_start3A_1570, %dma_start3A_1571] : memref<2x128xi32, #tpu.memory_space<vmem>> -> memref<1x128xi32, #tpu.memory_space<vmem>>
        %dma_start3A_1573 = tpu.memref_squeeze %dma_start3A_1572 : memref<1x128xi32, #tpu.memory_space<vmem>> -> memref<128xi32, #tpu.memory_space<vmem>>
        %dma_start3A_1574 = arith.constant 0 : i32
        %dma_start3A_1575 = arith.constant 0 : i32
        %dma_start3A_1576 = tpu.memref_slice %arg2[%dma_start3A_1574, %dma_start3A_1575] : memref<10000x128xf32, #tpu.memory_space<hbm>> -> memref<10000x128xf32, #tpu.memory_space<hbm>>
        tpu.enqueue_indirect_dma source(%dma_start3A_1576 : memref<10000x128xf32, #tpu.memory_space<hbm>>) target(%arg9 : memref<128x128xf32, #tpu.memory_space<vmem>>) offsets(%dma_start3A_1573 : memref<128xi32, #tpu.memory_space<vmem>>) semaphore(%arg17 : memref<!tpu.dma_semaphore, #tpu.memory_space<semaphore_mem>>)
      } else {
      }
      %add3A_1557 = arith.constant 3 : i32
      %add3A_1558 = arith.addi %mul3A_1509, %add3A_1557 : i32
      %lt3A_1559 = arith.cmpi slt, %add3A_1558, %min3A_23 : i32
      %convert_element_type3A_1560 = arith.extui %lt3A_1559 : i1 to i32
      %cond3A_1561 = arith.constant 0 : i32
      %cond3A_1562 = arith.cmpi ne, %convert_element_type3A_1560, %cond3A_1561 : i32
      scf.if %cond3A_1562 {
        %dma_wait3A_1563 = arith.constant 0 : i32
        %dma_wait3A_1564 = arith.constant 0 : i32
        %dma_wait3A_1565 = tpu.memref_slice %arg8[%dma_wait3A_1563, %dma_wait3A_1564] : memref<2x128xi32, #tpu.memory_space<vmem>> -> memref<1x128xi32, #tpu.memory_space<vmem>>
        %dma_wait3A_1566 = tpu.memref_squeeze %dma_wait3A_1565 : memref<1x128xi32, #tpu.memory_space<vmem>> -> memref<128xi32, #tpu.memory_space<vmem>>
        %dma_wait3A_1567 = arith.constant 0 : i32
        %dma_wait3A_1568 = arith.constant 0 : i32
        %dma_wait3A_1569 = tpu.memref_slice %arg2[%dma_wait3A_1567, %dma_wait3A_1568] : memref<10000x128xf32, #tpu.memory_space<hbm>> -> memref<10000x128xf32, #tpu.memory_space<hbm>>
        tpu.wait_indirect_dma semaphore(%arg18 : memref<!tpu.dma_semaphore, #tpu.memory_space<semaphore_mem>>) src(%dma_wait3A_1569 : memref<10000x128xf32, #tpu.memory_space<hbm>>) dst(%arg10 : memref<128x128xf32, #tpu.memory_space<vmem>>)
        %run_scoped3A = arith.constant 1 : i32
        "tpu.region"() ({
          %run_scoped3A_1578 = tpu.sem_alloc : memref<!tpu.dma_semaphore, #tpu.memory_space<semaphore_mem>>
          %dma_start3A_1579 = arith.constant 0 : i32
          %dma_start3A_1580 = tpu.memref_slice %arg8[%run_scoped3A, %dma_start3A_1579] : memref<2x128xi32, #tpu.memory_space<vmem>> -> memref<1x128xi32, #tpu.memory_space<vmem>>
          %dma_start3A_1581 = tpu.memref_squeeze %dma_start3A_1580 : memref<1x128xi32, #tpu.memory_space<vmem>> -> memref<128xi32, #tpu.memory_space<vmem>>
          %dma_start3A_1582 = arith.constant 0 : i32
          %dma_start3A_1583 = arith.constant 0 : i32
          %dma_start3A_1584 = tpu.memref_slice %arg12[%dma_start3A_1582, %dma_start3A_1583] : memref<10240x128xf32, #tpu.memory_space<vmem_shared>> -> memref<10240x128xf32, #tpu.memory_space<vmem_shared>>
          tpu.enqueue_indirect_dma source(%arg10 : memref<128x128xf32, #tpu.memory_space<vmem>>) target(%dma_start3A_1584 : memref<10240x128xf32, #tpu.memory_space<vmem_shared>>) offsets(%dma_start3A_1581 : memref<128xi32, #tpu.memory_space<vmem>>) semaphore(%run_scoped3A_1578 : memref<!tpu.dma_semaphore, #tpu.memory_space<semaphore_mem>>) {add = true}
          %dma_wait3A_1585 = arith.constant 0 : i32
          %dma_wait3A_1586 = tpu.memref_slice %arg8[%run_scoped3A, %dma_wait3A_1585] : memref<2x128xi32, #tpu.memory_space<vmem>> -> memref<1x128xi32, #tpu.memory_space<vmem>>
          %dma_wait3A_1587 = tpu.memref_squeeze %dma_wait3A_1586 : memref<1x128xi32, #tpu.memory_space<vmem>> -> memref<128xi32, #tpu.memory_space<vmem>>
          %dma_wait3A_1588 = arith.constant 0 : i32
          %dma_wait3A_1589 = arith.constant 0 : i32
          %dma_wait3A_1590 = tpu.memref_slice %arg12[%dma_wait3A_1588, %dma_wait3A_1589] : memref<10240x128xf32, #tpu.memory_space<vmem_shared>> -> memref<10240x128xf32, #tpu.memory_space<vmem_shared>>
          tpu.wait_indirect_dma semaphore(%run_scoped3A_1578 : memref<!tpu.dma_semaphore, #tpu.memory_space<semaphore_mem>>) src(%arg10 : memref<128x128xf32, #tpu.memory_space<vmem>>) dst(%dma_wait3A_1590 : memref<10240x128xf32, #tpu.memory_space<vmem_shared>>)
          tpu.yield
        }) : () -> ()
        %add3A_1570 = arith.constant 3 : i32
        %add3A_1571 = arith.addi %mul3A_1509, %add3A_1570 : i32
        %add3A_1572 = arith.constant 4 : i32
        %add3A_1573 = arith.addi %add3A_1571, %add3A_1572 : i32
        %lt3A_1574 = arith.cmpi slt, %add3A_1573, %min3A_23 : i32
        %convert_element_type3A_1575 = arith.extui %lt3A_1574 : i1 to i32
        %cond3A_1576 = arith.constant 0 : i32
        %cond3A_1577 = arith.cmpi ne, %convert_element_type3A_1575, %cond3A_1576 : i32
        scf.if %cond3A_1577 {
          %add3A_1578 = arith.constant 3 : i32
          %add3A_1579 = arith.addi %mul3A_1509, %add3A_1578 : i32
          %add3A_1580 = arith.constant 4 : i32
          %add3A_1581 = arith.addi %add3A_1579, %add3A_1580 : i32
          %mul3A_1582 = arith.constant 128 : i32
          %mul3A_1583 = arith.muli %add3A_1581, %mul3A_1582 : i32
          %add3A_1584 = arith.addi %mul3A_4, %mul3A_1583 : i32
          %dma_start3A_1585 = arith.constant 0 : i32
          %dma_start3A_1586 = tpu.memref_slice %arg3[%dma_start3A_1585, %add3A_1584] : memref<2x320000xi32, #tpu.memory_space<hbm>> -> memref<2x128xi32, #tpu.memory_space<hbm>>
          %dma_start3A_1587 = arith.constant 0 : i32
          %dma_start3A_1588 = tpu.memref_slice %arg3[%dma_start3A_1587, %add3A_1584] : memref<2x320000xi32, #tpu.memory_space<hbm>> -> memref<2x128xi32, #tpu.memory_space<hbm>>
          tpu.enqueue_dma source(%dma_start3A_1588 : memref<2x128xi32, #tpu.memory_space<hbm>>) target(%arg8 : memref<2x128xi32, #tpu.memory_space<vmem>>) target_semaphore(%arg16 : memref<!tpu.dma_semaphore, #tpu.memory_space<semaphore_mem>>)
        } else {
        }
      } else {
      }
    }
    %while3A_1501 = arith.constant 1 : i32
    scf.for %while3A_1507 = %while3A_1499 to %while3A_1495 step %while3A_1501  : i32 {
      %mul3A_1508 = arith.constant 4 : i32
      %mul3A_1509 = arith.muli %mul3A_1508, %while3A_1507 : i32
      %add3A_1510 = arith.constant 0 : i32
      %add3A_1511 = arith.addi %mul3A_1509, %add3A_1510 : i32
      %add3A_1512 = arith.constant 1 : i32
      %add3A_1513 = arith.addi %add3A_1511, %add3A_1512 : i32
      %lt3A = arith.cmpi slt, %add3A_1513, %min3A_23 : i32
      %convert_element_type3A = arith.extui %lt3A : i1 to i32
      %cond3A = arith.constant 0 : i32
      %cond3A_1514 = arith.cmpi ne, %convert_element_type3A, %cond3A : i32
      scf.if %cond3A_1514 {
        %mul3A_1563 = arith.constant 128 : i32
        %mul3A_1564 = arith.muli %add3A_1513, %mul3A_1563 : i32
        %add3A_1565 = arith.addi %mul3A_4, %mul3A_1564 : i32
        %dma_wait3A_1566 = arith.constant 0 : i32
        %dma_wait3A_1567 = tpu.memref_slice %arg3[%dma_wait3A_1566, %add3A_1565] : memref<2x320000xi32, #tpu.memory_space<hbm>> -> memref<2x128xi32, #tpu.memory_space<hbm>>
        %dma_wait3A_1568 = arith.constant 0 : i32
        %dma_wait3A_1569 = tpu.memref_slice %arg3[%dma_wait3A_1568, %add3A_1565] : memref<2x320000xi32, #tpu.memory_space<hbm>> -> memref<2x128xi32, #tpu.memory_space<hbm>>
        tpu.wait_dma2 semaphore(%arg14 : memref<!tpu.dma_semaphore, #tpu.memory_space<semaphore_mem>>) src(%dma_wait3A_1569 : memref<2x128xi32, #tpu.memory_space<hbm>>) dst(%arg6 : memref<2x128xi32, #tpu.memory_space<vmem>>)
        %dma_start3A_1570 = arith.constant 0 : i32
        %dma_start3A_1571 = arith.constant 0 : i32
        %dma_start3A_1572 = tpu.memref_slice %arg6[%dma_start3A_1570, %dma_start3A_1571] : memref<2x128xi32, #tpu.memory_space<vmem>> -> memref<1x128xi32, #tpu.memory_space<vmem>>
        %dma_start3A_1573 = tpu.memref_squeeze %dma_start3A_1572 : memref<1x128xi32, #tpu.memory_space<vmem>> -> memref<128xi32, #tpu.memory_space<vmem>>
        %dma_start3A_1574 = arith.constant 0 : i32
        %dma_start3A_1575 = arith.constant 0 : i32
        %dma_start3A_1576 = tpu.memref_slice %arg2[%dma_start3A_1574, %dma_start3A_1575] : memref<10000x128xf32, #tpu.memory_space<hbm>> -> memref<10000x128xf32, #tpu.memory_space<hbm>>
        tpu.enqueue_indirect_dma source(%dma_start3A_1576 : memref<10000x128xf32, #tpu.memory_space<hbm>>) target(%arg10 : memref<128x128xf32, #tpu.memory_space<vmem>>) offsets(%dma_start3A_1573 : memref<128xi32, #tpu.memory_space<vmem>>) semaphore(%arg18 : memref<!tpu.dma_semaphore, #tpu.memory_space<semaphore_mem>>)
      } else {
      }
      %add3A_1515 = arith.constant 0 : i32
      %add3A_1516 = arith.addi %mul3A_1509, %add3A_1515 : i32
      %lt3A_1517 = arith.cmpi slt, %add3A_1516, %min3A_23 : i32
      %convert_element_type3A_1518 = arith.extui %lt3A_1517 : i1 to i32
      %cond3A_1519 = arith.constant 0 : i32
      %cond3A_1520 = arith.cmpi ne, %convert_element_type3A_1518, %cond3A_1519 : i32
      scf.if %cond3A_1520 {
        %dma_wait3A_1563 = arith.constant 0 : i32
        %dma_wait3A_1564 = arith.constant 0 : i32
        %dma_wait3A_1565 = tpu.memref_slice %arg5[%dma_wait3A_1563, %dma_wait3A_1564] : memref<2x128xi32, #tpu.memory_space<vmem>> -> memref<1x128xi32, #tpu.memory_space<vmem>>
        %dma_wait3A_1566 = tpu.memref_squeeze %dma_wait3A_1565 : memref<1x128xi32, #tpu.memory_space<vmem>> -> memref<128xi32, #tpu.memory_space<vmem>>
        %dma_wait3A_1567 = arith.constant 0 : i32
        %dma_wait3A_1568 = arith.constant 0 : i32
        %dma_wait3A_1569 = tpu.memref_slice %arg2[%dma_wait3A_1567, %dma_wait3A_1568] : memref<10000x128xf32, #tpu.memory_space<hbm>> -> memref<10000x128xf32, #tpu.memory_space<hbm>>
        tpu.wait_indirect_dma semaphore(%arg17 : memref<!tpu.dma_semaphore, #tpu.memory_space<semaphore_mem>>) src(%dma_wait3A_1569 : memref<10000x128xf32, #tpu.memory_space<hbm>>) dst(%arg9 : memref<128x128xf32, #tpu.memory_space<vmem>>)
        %run_scoped3A = arith.constant 1 : i32
        "tpu.region"() ({
          %run_scoped3A_1578 = tpu.sem_alloc : memref<!tpu.dma_semaphore, #tpu.memory_space<semaphore_mem>>
          %dma_start3A_1579 = arith.constant 0 : i32
          %dma_start3A_1580 = tpu.memref_slice %arg5[%run_scoped3A, %dma_start3A_1579] : memref<2x128xi32, #tpu.memory_space<vmem>> -> memref<1x128xi32, #tpu.memory_space<vmem>>
          %dma_start3A_1581 = tpu.memref_squeeze %dma_start3A_1580 : memref<1x128xi32, #tpu.memory_space<vmem>> -> memref<128xi32, #tpu.memory_space<vmem>>
          %dma_start3A_1582 = arith.constant 0 : i32
          %dma_start3A_1583 = arith.constant 0 : i32
          %dma_start3A_1584 = tpu.memref_slice %arg12[%dma_start3A_1582, %dma_start3A_1583] : memref<10240x128xf32, #tpu.memory_space<vmem_shared>> -> memref<10240x128xf32, #tpu.memory_space<vmem_shared>>
          tpu.enqueue_indirect_dma source(%arg9 : memref<128x128xf32, #tpu.memory_space<vmem>>) target(%dma_start3A_1584 : memref<10240x128xf32, #tpu.memory_space<vmem_shared>>) offsets(%dma_start3A_1581 : memref<128xi32, #tpu.memory_space<vmem>>) semaphore(%run_scoped3A_1578 : memref<!tpu.dma_semaphore, #tpu.memory_space<semaphore_mem>>) {add = true}
          %dma_wait3A_1585 = arith.constant 0 : i32
          %dma_wait3A_1586 = tpu.memref_slice %arg5[%run_scoped3A, %dma_wait3A_1585] : memref<2x128xi32, #tpu.memory_space<vmem>> -> memref<1x128xi32, #tpu.memory_space<vmem>>
          %dma_wait3A_1587 = tpu.memref_squeeze %dma_wait3A_1586 : memref<1x128xi32, #tpu.memory_space<vmem>> -> memref<128xi32, #tpu.memory_space<vmem>>
          %dma_wait3A_1588 = arith.constant 0 : i32
          %dma_wait3A_1589 = arith.constant 0 : i32
          %dma_wait3A_1590 = tpu.memref_slice %arg12[%dma_wait3A_1588, %dma_wait3A_1589] : memref<10240x128xf32, #tpu.memory_space<vmem_shared>> -> memref<10240x128xf32, #tpu.memory_space<vmem_shared>>
          tpu.wait_indirect_dma semaphore(%run_scoped3A_1578 : memref<!tpu.dma_semaphore, #tpu.memory_space<semaphore_mem>>) src(%arg9 : memref<128x128xf32, #tpu.memory_space<vmem>>) dst(%dma_wait3A_1590 : memref<10240x128xf32, #tpu.memory_space<vmem_shared>>)
          tpu.yield
        }) : () -> ()
        %add3A_1570 = arith.constant 0 : i32
        %add3A_1571 = arith.addi %mul3A_1509, %add3A_1570 : i32
        %add3A_1572 = arith.constant 4 : i32
        %add3A_1573 = arith.addi %add3A_1571, %add3A_1572 : i32
        %lt3A_1574 = arith.cmpi slt, %add3A_1573, %min3A_23 : i32
        %convert_element_type3A_1575 = arith.extui %lt3A_1574 : i1 to i32
        %cond3A_1576 = arith.constant 0 : i32
        %cond3A_1577 = arith.cmpi ne, %convert_element_type3A_1575, %cond3A_1576 : i32
        scf.if %cond3A_1577 {
          %add3A_1578 = arith.constant 0 : i32
          %add3A_1579 = arith.addi %mul3A_1509, %add3A_1578 : i32
          %add3A_1580 = arith.constant 4 : i32
          %add3A_1581 = arith.addi %add3A_1579, %add3A_1580 : i32
          %mul3A_1582 = arith.constant 128 : i32
          %mul3A_1583 = arith.muli %add3A_1581, %mul3A_1582 : i32
          %add3A_1584 = arith.addi %mul3A_4, %mul3A_1583 : i32
          %dma_start3A_1585 = arith.constant 0 : i32
          %dma_start3A_1586 = tpu.memref_slice %arg3[%dma_start3A_1585, %add3A_1584] : memref<2x320000xi32, #tpu.memory_space<hbm>> -> memref<2x128xi32, #tpu.memory_space<hbm>>
          %dma_start3A_1587 = arith.constant 0 : i32
          %dma_start3A_1588 = tpu.memref_slice %arg3[%dma_start3A_1587, %add3A_1584] : memref<2x320000xi32, #tpu.memory_space<hbm>> -> memref<2x128xi32, #tpu.memory_space<hbm>>
          tpu.enqueue_dma source(%dma_start3A_1588 : memref<2x128xi32, #tpu.memory_space<hbm>>) target(%arg5 : memref<2x128xi32, #tpu.memory_space<vmem>>) target_semaphore(%arg13 : memref<!tpu.dma_semaphore, #tpu.memory_space<semaphore_mem>>)
        } else {
        }
      } else {
      }
      %add3A_1521 = arith.constant 1 : i32
      %add3A_1522 = arith.addi %mul3A_1509, %add3A_1521 : i32
      %add3A_1523 = arith.constant 1 : i32
      %add3A_1524 = arith.addi %add3A_1522, %add3A_1523 : i32
      %lt3A_1525 = arith.cmpi slt, %add3A_1524, %min3A_23 : i32
      %convert_element_type3A_1526 = arith.extui %lt3A_1525 : i1 to i32
      %cond3A_1527 = arith.constant 0 : i32
      %cond3A_1528 = arith.cmpi ne, %convert_element_type3A_1526, %cond3A_1527 : i32
      scf.if %cond3A_1528 {
        %mul3A_1563 = arith.constant 128 : i32
        %mul3A_1564 = arith.muli %add3A_1524, %mul3A_1563 : i32
        %add3A_1565 = arith.addi %mul3A_4, %mul3A_1564 : i32
        %dma_wait3A_1566 = arith.constant 0 : i32
        %dma_wait3A_1567 = tpu.memref_slice %arg3[%dma_wait3A_1566, %add3A_1565] : memref<2x320000xi32, #tpu.memory_space<hbm>> -> memref<2x128xi32, #tpu.memory_space<hbm>>
        %dma_wait3A_1568 = arith.constant 0 : i32
        %dma_wait3A_1569 = tpu.memref_slice %arg3[%dma_wait3A_1568, %add3A_1565] : memref<2x320000xi32, #tpu.memory_space<hbm>> -> memref<2x128xi32, #tpu.memory_space<hbm>>
        tpu.wait_dma2 semaphore(%arg15 : memref<!tpu.dma_semaphore, #tpu.memory_space<semaphore_mem>>) src(%dma_wait3A_1569 : memref<2x128xi32, #tpu.memory_space<hbm>>) dst(%arg7 : memref<2x128xi32, #tpu.memory_space<vmem>>)
        %dma_start3A_1570 = arith.constant 0 : i32
        %dma_start3A_1571 = arith.constant 0 : i32
        %dma_start3A_1572 = tpu.memref_slice %arg7[%dma_start3A_1570, %dma_start3A_1571] : memref<2x128xi32, #tpu.memory_space<vmem>> -> memref<1x128xi32, #tpu.memory_space<vmem>>
        %dma_start3A_1573 = tpu.memref_squeeze %dma_start3A_1572 : memref<1x128xi32, #tpu.memory_space<vmem>> -> memref<128xi32, #tpu.memory_space<vmem>>
        %dma_start3A_1574 = arith.constant 0 : i32
        %dma_start3A_1575 = arith.constant 0 : i32
        %dma_start3A_1576 = tpu.memref_slice %arg2[%dma_start3A_1574, %dma_start3A_1575] : memref<10000x128xf32, #tpu.memory_space<hbm>> -> memref<10000x128xf32, #tpu.memory_space<hbm>>
        tpu.enqueue_indirect_dma source(%dma_start3A_1576 : memref<10000x128xf32, #tpu.memory_space<hbm>>) target(%arg9 : memref<128x128xf32, #tpu.memory_space<vmem>>) offsets(%dma_start3A_1573 : memref<128xi32, #tpu.memory_space<vmem>>) semaphore(%arg17 : memref<!tpu.dma_semaphore, #tpu.memory_space<semaphore_mem>>)
      } else {
      }
      %add3A_1529 = arith.constant 1 : i32
      %add3A_1530 = arith.addi %mul3A_1509, %add3A_1529 : i32
      %lt3A_1531 = arith.cmpi slt, %add3A_1530, %min3A_23 : i32
      %convert_element_type3A_1532 = arith.extui %lt3A_1531 : i1 to i32
      %cond3A_1533 = arith.constant 0 : i32
      %cond3A_1534 = arith.cmpi ne, %convert_element_type3A_1532, %cond3A_1533 : i32
      scf.if %cond3A_1534 {
        %dma_wait3A_1563 = arith.constant 0 : i32
        %dma_wait3A_1564 = arith.constant 0 : i32
        %dma_wait3A_1565 = tpu.memref_slice %arg6[%dma_wait3A_1563, %dma_wait3A_1564] : memref<2x128xi32, #tpu.memory_space<vmem>> -> memref<1x128xi32, #tpu.memory_space<vmem>>
        %dma_wait3A_1566 = tpu.memref_squeeze %dma_wait3A_1565 : memref<1x128xi32, #tpu.memory_space<vmem>> -> memref<128xi32, #tpu.memory_space<vmem>>
        %dma_wait3A_1567 = arith.constant 0 : i32
        %dma_wait3A_1568 = arith.constant 0 : i32
        %dma_wait3A_1569 = tpu.memref_slice %arg2[%dma_wait3A_1567, %dma_wait3A_1568] : memref<10000x128xf32, #tpu.memory_space<hbm>> -> memref<10000x128xf32, #tpu.memory_space<hbm>>
        tpu.wait_indirect_dma semaphore(%arg18 : memref<!tpu.dma_semaphore, #tpu.memory_space<semaphore_mem>>) src(%dma_wait3A_1569 : memref<10000x128xf32, #tpu.memory_space<hbm>>) dst(%arg10 : memref<128x128xf32, #tpu.memory_space<vmem>>)
        %run_scoped3A = arith.constant 1 : i32
        "tpu.region"() ({
          %run_scoped3A_1578 = tpu.sem_alloc : memref<!tpu.dma_semaphore, #tpu.memory_space<semaphore_mem>>
          %dma_start3A_1579 = arith.constant 0 : i32
          %dma_start3A_1580 = tpu.memref_slice %arg6[%run_scoped3A, %dma_start3A_1579] : memref<2x128xi32, #tpu.memory_space<vmem>> -> memref<1x128xi32, #tpu.memory_space<vmem>>
          %dma_start3A_1581 = tpu.memref_squeeze %dma_start3A_1580 : memref<1x128xi32, #tpu.memory_space<vmem>> -> memref<128xi32, #tpu.memory_space<vmem>>
          %dma_start3A_1582 = arith.constant 0 : i32
          %dma_start3A_1583 = arith.constant 0 : i32
          %dma_start3A_1584 = tpu.memref_slice %arg12[%dma_start3A_1582, %dma_start3A_1583] : memref<10240x128xf32, #tpu.memory_space<vmem_shared>> -> memref<10240x128xf32, #tpu.memory_space<vmem_shared>>
          tpu.enqueue_indirect_dma source(%arg10 : memref<128x128xf32, #tpu.memory_space<vmem>>) target(%dma_start3A_1584 : memref<10240x128xf32, #tpu.memory_space<vmem_shared>>) offsets(%dma_start3A_1581 : memref<128xi32, #tpu.memory_space<vmem>>) semaphore(%run_scoped3A_1578 : memref<!tpu.dma_semaphore, #tpu.memory_space<semaphore_mem>>) {add = true}
          %dma_wait3A_1585 = arith.constant 0 : i32
          %dma_wait3A_1586 = tpu.memref_slice %arg6[%run_scoped3A, %dma_wait3A_1585] : memref<2x128xi32, #tpu.memory_space<vmem>> -> memref<1x128xi32, #tpu.memory_space<vmem>>
          %dma_wait3A_1587 = tpu.memref_squeeze %dma_wait3A_1586 : memref<1x128xi32, #tpu.memory_space<vmem>> -> memref<128xi32, #tpu.memory_space<vmem>>
          %dma_wait3A_1588 = arith.constant 0 : i32
          %dma_wait3A_1589 = arith.constant 0 : i32
          %dma_wait3A_1590 = tpu.memref_slice %arg12[%dma_wait3A_1588, %dma_wait3A_1589] : memref<10240x128xf32, #tpu.memory_space<vmem_shared>> -> memref<10240x128xf32, #tpu.memory_space<vmem_shared>>
          tpu.wait_indirect_dma semaphore(%run_scoped3A_1578 : memref<!tpu.dma_semaphore, #tpu.memory_space<semaphore_mem>>) src(%arg10 : memref<128x128xf32, #tpu.memory_space<vmem>>) dst(%dma_wait3A_1590 : memref<10240x128xf32, #tpu.memory_space<vmem_shared>>)
          tpu.yield
        }) : () -> ()
        %add3A_1570 = arith.constant 1 : i32
        %add3A_1571 = arith.addi %mul3A_1509, %add3A_1570 : i32
        %add3A_1572 = arith.constant 4 : i32
        %add3A_1573 = arith.addi %add3A_1571, %add3A_1572 : i32
        %lt3A_1574 = arith.cmpi slt, %add3A_1573, %min3A_23 : i32
        %convert_element_type3A_1575 = arith.extui %lt3A_1574 : i1 to i32
        %cond3A_1576 = arith.constant 0 : i32
        %cond3A_1577 = arith.cmpi ne, %convert_element_type3A_1575, %cond3A_1576 : i32
        scf.if %cond3A_1577 {
          %add3A_1578 = arith.constant 1 : i32
          %add3A_1579 = arith.addi %mul3A_1509, %add3A_1578 : i32
          %add3A_1580 = arith.constant 4 : i32
          %add3A_1581 = arith.addi %add3A_1579, %add3A_1580 : i32
          %mul3A_1582 = arith.constant 128 : i32
          %mul3A_1583 = arith.muli %add3A_1581, %mul3A_1582 : i32
          %add3A_1584 = arith.addi %mul3A_4, %mul3A_1583 : i32
          %dma_start3A_1585 = arith.constant 0 : i32
          %dma_start3A_1586 = tpu.memref_slice %arg3[%dma_start3A_1585, %add3A_1584] : memref<2x320000xi32, #tpu.memory_space<hbm>> -> memref<2x128xi32, #tpu.memory_space<hbm>>
          %dma_start3A_1587 = arith.constant 0 : i32
          %dma_start3A_1588 = tpu.memref_slice %arg3[%dma_start3A_1587, %add3A_1584] : memref<2x320000xi32, #tpu.memory_space<hbm>> -> memref<2x128xi32, #tpu.memory_space<hbm>>
          tpu.enqueue_dma source(%dma_start3A_1588 : memref<2x128xi32, #tpu.memory_space<hbm>>) target(%arg6 : memref<2x128xi32, #tpu.memory_space<vmem>>) target_semaphore(%arg14 : memref<!tpu.dma_semaphore, #tpu.memory_space<semaphore_mem>>)
        } else {
        }
      } else {
      }
      %add3A_1535 = arith.constant 2 : i32
      %add3A_1536 = arith.addi %mul3A_1509, %add3A_1535 : i32
      %add3A_1537 = arith.constant 1 : i32
      %add3A_1538 = arith.addi %add3A_1536, %add3A_1537 : i32
      %lt3A_1539 = arith.cmpi slt, %add3A_1538, %min3A_23 : i32
      %convert_element_type3A_1540 = arith.extui %lt3A_1539 : i1 to i32
      %cond3A_1541 = arith.constant 0 : i32
      %cond3A_1542 = arith.cmpi ne, %convert_element_type3A_1540, %cond3A_1541 : i32
      scf.if %cond3A_1542 {
        %mul3A_1563 = arith.constant 128 : i32
        %mul3A_1564 = arith.muli %add3A_1538, %mul3A_1563 : i32
        %add3A_1565 = arith.addi %mul3A_4, %mul3A_1564 : i32
        %dma_wait3A_1566 = arith.constant 0 : i32
        %dma_wait3A_1567 = tpu.memref_slice %arg3[%dma_wait3A_1566, %add3A_1565] : memref<2x320000xi32, #tpu.memory_space<hbm>> -> memref<2x128xi32, #tpu.memory_space<hbm>>
        %dma_wait3A_1568 = arith.constant 0 : i32
        %dma_wait3A_1569 = tpu.memref_slice %arg3[%dma_wait3A_1568, %add3A_1565] : memref<2x320000xi32, #tpu.memory_space<hbm>> -> memref<2x128xi32, #tpu.memory_space<hbm>>
        tpu.wait_dma2 semaphore(%arg16 : memref<!tpu.dma_semaphore, #tpu.memory_space<semaphore_mem>>) src(%dma_wait3A_1569 : memref<2x128xi32, #tpu.memory_space<hbm>>) dst(%arg8 : memref<2x128xi32, #tpu.memory_space<vmem>>)
        %dma_start3A_1570 = arith.constant 0 : i32
        %dma_start3A_1571 = arith.constant 0 : i32
        %dma_start3A_1572 = tpu.memref_slice %arg8[%dma_start3A_1570, %dma_start3A_1571] : memref<2x128xi32, #tpu.memory_space<vmem>> -> memref<1x128xi32, #tpu.memory_space<vmem>>
        %dma_start3A_1573 = tpu.memref_squeeze %dma_start3A_1572 : memref<1x128xi32, #tpu.memory_space<vmem>> -> memref<128xi32, #tpu.memory_space<vmem>>
        %dma_start3A_1574 = arith.constant 0 : i32
        %dma_start3A_1575 = arith.constant 0 : i32
        %dma_start3A_1576 = tpu.memref_slice %arg2[%dma_start3A_1574, %dma_start3A_1575] : memref<10000x128xf32, #tpu.memory_space<hbm>> -> memref<10000x128xf32, #tpu.memory_space<hbm>>
        tpu.enqueue_indirect_dma source(%dma_start3A_1576 : memref<10000x128xf32, #tpu.memory_space<hbm>>) target(%arg10 : memref<128x128xf32, #tpu.memory_space<vmem>>) offsets(%dma_start3A_1573 : memref<128xi32, #tpu.memory_space<vmem>>) semaphore(%arg18 : memref<!tpu.dma_semaphore, #tpu.memory_space<semaphore_mem>>)
      } else {
      }
      %add3A_1543 = arith.constant 2 : i32
      %add3A_1544 = arith.addi %mul3A_1509, %add3A_1543 : i32
      %lt3A_1545 = arith.cmpi slt, %add3A_1544, %min3A_23 : i32
      %convert_element_type3A_1546 = arith.extui %lt3A_1545 : i1 to i32
      %cond3A_1547 = arith.constant 0 : i32
      %cond3A_1548 = arith.cmpi ne, %convert_element_type3A_1546, %cond3A_1547 : i32
      scf.if %cond3A_1548 {
        %dma_wait3A_1563 = arith.constant 0 : i32
        %dma_wait3A_1564 = arith.constant 0 : i32
        %dma_wait3A_1565 = tpu.memref_slice %arg7[%dma_wait3A_1563, %dma_wait3A_1564] : memref<2x128xi32, #tpu.memory_space<vmem>> -> memref<1x128xi32, #tpu.memory_space<vmem>>
        %dma_wait3A_1566 = tpu.memref_squeeze %dma_wait3A_1565 : memref<1x128xi32, #tpu.memory_space<vmem>> -> memref<128xi32, #tpu.memory_space<vmem>>
        %dma_wait3A_1567 = arith.constant 0 : i32
        %dma_wait3A_1568 = arith.constant 0 : i32
        %dma_wait3A_1569 = tpu.memref_slice %arg2[%dma_wait3A_1567, %dma_wait3A_1568] : memref<10000x128xf32, #tpu.memory_space<hbm>> -> memref<10000x128xf32, #tpu.memory_space<hbm>>
        tpu.wait_indirect_dma semaphore(%arg17 : memref<!tpu.dma_semaphore, #tpu.memory_space<semaphore_mem>>) src(%dma_wait3A_1569 : memref<10000x128xf32, #tpu.memory_space<hbm>>) dst(%arg9 : memref<128x128xf32, #tpu.memory_space<vmem>>)
        %run_scoped3A = arith.constant 1 : i32
        "tpu.region"() ({
          %run_scoped3A_1578 = tpu.sem_alloc : memref<!tpu.dma_semaphore, #tpu.memory_space<semaphore_mem>>
          %dma_start3A_1579 = arith.constant 0 : i32
          %dma_start3A_1580 = tpu.memref_slice %arg7[%run_scoped3A, %dma_start3A_1579] : memref<2x128xi32, #tpu.memory_space<vmem>> -> memref<1x128xi32, #tpu.memory_space<vmem>>
          %dma_start3A_1581 = tpu.memref_squeeze %dma_start3A_1580 : memref<1x128xi32, #tpu.memory_space<vmem>> -> memref<128xi32, #tpu.memory_space<vmem>>
          %dma_start3A_1582 = arith.constant 0 : i32
          %dma_start3A_1583 = arith.constant 0 : i32
          %dma_start3A_1584 = tpu.memref_slice %arg12[%dma_start3A_1582, %dma_start3A_1583] : memref<10240x128xf32, #tpu.memory_space<vmem_shared>> -> memref<10240x128xf32, #tpu.memory_space<vmem_shared>>
          tpu.enqueue_indirect_dma source(%arg9 : memref<128x128xf32, #tpu.memory_space<vmem>>) target(%dma_start3A_1584 : memref<10240x128xf32, #tpu.memory_space<vmem_shared>>) offsets(%dma_start3A_1581 : memref<128xi32, #tpu.memory_space<vmem>>) semaphore(%run_scoped3A_1578 : memref<!tpu.dma_semaphore, #tpu.memory_space<semaphore_mem>>) {add = true}
          %dma_wait3A_1585 = arith.constant 0 : i32
          %dma_wait3A_1586 = tpu.memref_slice %arg7[%run_scoped3A, %dma_wait3A_1585] : memref<2x128xi32, #tpu.memory_space<vmem>> -> memref<1x128xi32, #tpu.memory_space<vmem>>
          %dma_wait3A_1587 = tpu.memref_squeeze %dma_wait3A_1586 : memref<1x128xi32, #tpu.memory_space<vmem>> -> memref<128xi32, #tpu.memory_space<vmem>>
          %dma_wait3A_1588 = arith.constant 0 : i32
          %dma_wait3A_1589 = arith.constant 0 : i32
          %dma_wait3A_1590 = tpu.memref_slice %arg12[%dma_wait3A_1588, %dma_wait3A_1589] : memref<10240x128xf32, #tpu.memory_space<vmem_shared>> -> memref<10240x128xf32, #tpu.memory_space<vmem_shared>>
          tpu.wait_indirect_dma semaphore(%run_scoped3A_1578 : memref<!tpu.dma_semaphore, #tpu.memory_space<semaphore_mem>>) src(%arg9 : memref<128x128xf32, #tpu.memory_space<vmem>>) dst(%dma_wait3A_1590 : memref<10240x128xf32, #tpu.memory_space<vmem_shared>>)
          tpu.yield
        }) : () -> ()
        %add3A_1570 = arith.constant 2 : i32
        %add3A_1571 = arith.addi %mul3A_1509, %add3A_1570 : i32
        %add3A_1572 = arith.constant 4 : i32
        %add3A_1573 = arith.addi %add3A_1571, %add3A_1572 : i32
        %lt3A_1574 = arith.cmpi slt, %add3A_1573, %min3A_23 : i32
        %convert_element_type3A_1575 = arith.extui %lt3A_1574 : i1 to i32
        %cond3A_1576 = arith.constant 0 : i32
        %cond3A_1577 = arith.cmpi ne, %convert_element_type3A_1575, %cond3A_1576 : i32
        scf.if %cond3A_1577 {
          %add3A_1578 = arith.constant 2 : i32
          %add3A_1579 = arith.addi %mul3A_1509, %add3A_1578 : i32
          %add3A_1580 = arith.constant 4 : i32
          %add3A_1581 = arith.addi %add3A_1579, %add3A_1580 : i32
          %mul3A_1582 = arith.constant 128 : i32
          %mul3A_1583 = arith.muli %add3A_1581, %mul3A_1582 : i32
          %add3A_1584 = arith.addi %mul3A_4, %mul3A_1583 : i32
          %dma_start3A_1585 = arith.constant 0 : i32
          %dma_start3A_1586 = tpu.memref_slice %arg3[%dma_start3A_1585, %add3A_1584] : memref<2x320000xi32, #tpu.memory_space<hbm>> -> memref<2x128xi32, #tpu.memory_space<hbm>>
          %dma_start3A_1587 = arith.constant 0 : i32
          %dma_start3A_1588 = tpu.memref_slice %arg3[%dma_start3A_1587, %add3A_1584] : memref<2x320000xi32, #tpu.memory_space<hbm>> -> memref<2x128xi32, #tpu.memory_space<hbm>>
          tpu.enqueue_dma source(%dma_start3A_1588 : memref<2x128xi32, #tpu.memory_space<hbm>>) target(%arg7 : memref<2x128xi32, #tpu.memory_space<vmem>>) target_semaphore(%arg15 : memref<!tpu.dma_semaphore, #tpu.memory_space<semaphore_mem>>)
        } else {
        }
      } else {
      }
      %add3A_1549 = arith.constant 3 : i32
      %add3A_1550 = arith.addi %mul3A_1509, %add3A_1549 : i32
      %add3A_1551 = arith.constant 1 : i32
      %add3A_1552 = arith.addi %add3A_1550, %add3A_1551 : i32
      %lt3A_1553 = arith.cmpi slt, %add3A_1552, %min3A_23 : i32
      %convert_element_type3A_1554 = arith.extui %lt3A_1553 : i1 to i32
      %cond3A_1555 = arith.constant 0 : i32
      %cond3A_1556 = arith.cmpi ne, %convert_element_type3A_1554, %cond3A_1555 : i32
      scf.if %cond3A_1556 {
        %mul3A_1563 = arith.constant 128 : i32
        %mul3A_1564 = arith.muli %add3A_1552, %mul3A_1563 : i32
        %add3A_1565 = arith.addi %mul3A_4, %mul3A_1564 : i32
        %dma_wait3A_1566 = arith.constant 0 : i32
        %dma_wait3A_1567 = tpu.memref_slice %arg3[%dma_wait3A_1566, %add3A_1565] : memref<2x320000xi32, #tpu.memory_space<hbm>> -> memref<2x128xi32, #tpu.memory_space<hbm>>
        %dma_wait3A_1568 = arith.constant 0 : i32
        %dma_wait3A_1569 = tpu.memref_slice %arg3[%dma_wait3A_1568, %add3A_1565] : memref<2x320000xi32, #tpu.memory_space<hbm>> -> memref<2x128xi32, #tpu.memory_space<hbm>>
        tpu.wait_dma2 semaphore(%arg13 : memref<!tpu.dma_semaphore, #tpu.memory_space<semaphore_mem>>) src(%dma_wait3A_1569 : memref<2x128xi32, #tpu.memory_space<hbm>>) dst(%arg5 : memref<2x128xi32, #tpu.memory_space<vmem>>)
        %dma_start3A_1570 = arith.constant 0 : i32
        %dma_start3A_1571 = arith.constant 0 : i32
        %dma_start3A_1572 = tpu.memref_slice %arg5[%dma_start3A_1570, %dma_start3A_1571] : memref<2x128xi32, #tpu.memory_space<vmem>> -> memref<1x128xi32, #tpu.memory_space<vmem>>
        %dma_start3A_1573 = tpu.memref_squeeze %dma_start3A_1572 : memref<1x128xi32, #tpu.memory_space<vmem>> -> memref<128xi32, #tpu.memory_space<vmem>>
        %dma_start3A_1574 = arith.constant 0 : i32
        %dma_start3A_1575 = arith.constant 0 : i32
        %dma_start3A_1576 = tpu.memref_slice %arg2[%dma_start3A_1574, %dma_start3A_1575] : memref<10000x128xf32, #tpu.memory_space<hbm>> -> memref<10000x128xf32, #tpu.memory_space<hbm>>
        tpu.enqueue_indirect_dma source(%dma_start3A_1576 : memref<10000x128xf32, #tpu.memory_space<hbm>>) target(%arg9 : memref<128x128xf32, #tpu.memory_space<vmem>>) offsets(%dma_start3A_1573 : memref<128xi32, #tpu.memory_space<vmem>>) semaphore(%arg17 : memref<!tpu.dma_semaphore, #tpu.memory_space<semaphore_mem>>)
      } else {
      }
      %add3A_1557 = arith.constant 3 : i32
      %add3A_1558 = arith.addi %mul3A_1509, %add3A_1557 : i32
      %lt3A_1559 = arith.cmpi slt, %add3A_1558, %min3A_23 : i32
      %convert_element_type3A_1560 = arith.extui %lt3A_1559 : i1 to i32
      %cond3A_1561 = arith.constant 0 : i32
      %cond3A_1562 = arith.cmpi ne, %convert_element_type3A_1560, %cond3A_1561 : i32
      scf.if %cond3A_1562 {
        %dma_wait3A_1563 = arith.constant 0 : i32
        %dma_wait3A_1564 = arith.constant 0 : i32
        %dma_wait3A_1565 = tpu.memref_slice %arg8[%dma_wait3A_1563, %dma_wait3A_1564] : memref<2x128xi32, #tpu.memory_space<vmem>> -> memref<1x128xi32, #tpu.memory_space<vmem>>
        %dma_wait3A_1566 = tpu.memref_squeeze %dma_wait3A_1565 : memref<1x128xi32, #tpu.memory_space<vmem>> -> memref<128xi32, #tpu.memory_space<vmem>>
        %dma_wait3A_1567 = arith.constant 0 : i32
        %dma_wait3A_1568 = arith.constant 0 : i32
        %dma_wait3A_1569 = tpu.memref_slice %arg2[%dma_wait3A_1567, %dma_wait3A_1568] : memref<10000x128xf32, #tpu.memory_space<hbm>> -> memref<10000x128xf32, #tpu.memory_space<hbm>>
        tpu.wait_indirect_dma semaphore(%arg18 : memref<!tpu.dma_semaphore, #tpu.memory_space<semaphore_mem>>) src(%dma_wait3A_1569 : memref<10000x128xf32, #tpu.memory_space<hbm>>) dst(%arg10 : memref<128x128xf32, #tpu.memory_space<vmem>>)
        %run_scoped3A = arith.constant 1 : i32
        "tpu.region"() ({
          %run_scoped3A_1578 = tpu.sem_alloc : memref<!tpu.dma_semaphore, #tpu.memory_space<semaphore_mem>>
          %dma_start3A_1579 = arith.constant 0 : i32
          %dma_start3A_1580 = tpu.memref_slice %arg8[%run_scoped3A, %dma_start3A_1579] : memref<2x128xi32, #tpu.memory_space<vmem>> -> memref<1x128xi32, #tpu.memory_space<vmem>>
          %dma_start3A_1581 = tpu.memref_squeeze %dma_start3A_1580 : memref<1x128xi32, #tpu.memory_space<vmem>> -> memref<128xi32, #tpu.memory_space<vmem>>
          %dma_start3A_1582 = arith.constant 0 : i32
          %dma_start3A_1583 = arith.constant 0 : i32
          %dma_start3A_1584 = tpu.memref_slice %arg12[%dma_start3A_1582, %dma_start3A_1583] : memref<10240x128xf32, #tpu.memory_space<vmem_shared>> -> memref<10240x128xf32, #tpu.memory_space<vmem_shared>>
          tpu.enqueue_indirect_dma source(%arg10 : memref<128x128xf32, #tpu.memory_space<vmem>>) target(%dma_start3A_1584 : memref<10240x128xf32, #tpu.memory_space<vmem_shared>>) offsets(%dma_start3A_1581 : memref<128xi32, #tpu.memory_space<vmem>>) semaphore(%run_scoped3A_1578 : memref<!tpu.dma_semaphore, #tpu.memory_space<semaphore_mem>>) {add = true}
          %dma_wait3A_1585 = arith.constant 0 : i32
          %dma_wait3A_1586 = tpu.memref_slice %arg8[%run_scoped3A, %dma_wait3A_1585] : memref<2x128xi32, #tpu.memory_space<vmem>> -> memref<1x128xi32, #tpu.memory_space<vmem>>
          %dma_wait3A_1587 = tpu.memref_squeeze %dma_wait3A_1586 : memref<1x128xi32, #tpu.memory_space<vmem>> -> memref<128xi32, #tpu.memory_space<vmem>>
          %dma_wait3A_1588 = arith.constant 0 : i32
          %dma_wait3A_1589 = arith.constant 0 : i32
          %dma_wait3A_1590 = tpu.memref_slice %arg12[%dma_wait3A_1588, %dma_wait3A_1589] : memref<10240x128xf32, #tpu.memory_space<vmem_shared>> -> memref<10240x128xf32, #tpu.memory_space<vmem_shared>>
          tpu.wait_indirect_dma semaphore(%run_scoped3A_1578 : memref<!tpu.dma_semaphore, #tpu.memory_space<semaphore_mem>>) src(%arg10 : memref<128x128xf32, #tpu.memory_space<vmem>>) dst(%dma_wait3A_1590 : memref<10240x128xf32, #tpu.memory_space<vmem_shared>>)
          tpu.yield
        }) : () -> ()
        %add3A_1570 = arith.constant 3 : i32
        %add3A_1571 = arith.addi %mul3A_1509, %add3A_1570 : i32
        %add3A_1572 = arith.constant 4 : i32
        %add3A_1573 = arith.addi %add3A_1571, %add3A_1572 : i32
        %lt3A_1574 = arith.cmpi slt, %add3A_1573, %min3A_23 : i32
        %convert_element_type3A_1575 = arith.extui %lt3A_1574 : i1 to i32
        %cond3A_1576 = arith.constant 0 : i32
        %cond3A_1577 = arith.cmpi ne, %convert_element_type3A_1575, %cond3A_1576 : i32
        scf.if %cond3A_1577 {
          %add3A_1578 = arith.constant 3 : i32
          %add3A_1579 = arith.addi %mul3A_1509, %add3A_1578 : i32
          %add3A_1580 = arith.constant 4 : i32
          %add3A_1581 = arith.addi %add3A_1579, %add3A_1580 : i32
          %mul3A_1582 = arith.constant 128 : i32
          %mul3A_1583 = arith.muli %add3A_1581, %mul3A_1582 : i32
          %add3A_1584 = arith.addi %mul3A_4, %mul3A_1583 : i32
          %dma_start3A_1585 = arith.constant 0 : i32
          %dma_start3A_1586 = tpu.memref_slice %arg3[%dma_start3A_1585, %add3A_1584] : memref<2x320000xi32, #tpu.memory_space<hbm>> -> memref<2x128xi32, #tpu.memory_space<hbm>>
          %dma_start3A_1587 = arith.constant 0 : i32
          %dma_start3A_1588 = tpu.memref_slice %arg3[%dma_start3A_1587, %add3A_1584] : memref<2x320000xi32, #tpu.memory_space<hbm>> -> memref<2x128xi32, #tpu.memory_space<hbm>>
          tpu.enqueue_dma source(%dma_start3A_1588 : memref<2x128xi32, #tpu.memory_space<hbm>>) target(%arg8 : memref<2x128xi32, #tpu.memory_space<vmem>>) target_semaphore(%arg16 : memref<!tpu.dma_semaphore, #tpu.memory_space<semaphore_mem>>)
        } else {
        }
      } else {
      }
    }
    %barrier3A_1502 = arith.constant 0 : index
    tpu.barrier barrier_id(%barrier3A_1502)
    %mul3A_1503 = arith.constant 640 : i32
    %mul3A_1504 = arith.muli %arg1, %mul3A_1503 : i32
    %mul3A_1505 = arith.constant 640 : i32
    %mul3A_1506 = arith.muli %arg1, %mul3A_1505 : i32
    "tpu.region"() ({
      %run_scoped3A = tpu.sem_alloc : memref<!tpu.dma_semaphore, #tpu.memory_space<semaphore_mem>>
      %dma_start3A_1507 = arith.constant 0 : i32
      %dma_start3A_1508 = tpu.memref_slice %arg4[%arg0, %mul3A_1506, %dma_start3A_1507] : memref<2x10240x128xf32, #tpu.memory_space<hbm>> -> memref<1x640x128xf32, #tpu.memory_space<hbm>>
      %dma_start3A_1509 = tpu.memref_squeeze %dma_start3A_1508 : memref<1x640x128xf32, #tpu.memory_space<hbm>> -> memref<640x128xf32, #tpu.memory_space<hbm>>
      %dma_start3A_1510 = arith.constant 0 : i32
      %dma_start3A_1511 = tpu.memref_slice %arg12[%mul3A_1504, %dma_start3A_1510] : memref<10240x128xf32, #tpu.memory_space<vmem_shared>> -> memref<640x128xf32, #tpu.memory_space<vmem_shared>>
      tpu.enqueue_dma source(%dma_start3A_1511 : memref<640x128xf32, #tpu.memory_space<vmem_shared>>) target(%dma_start3A_1509 : memref<640x128xf32, #tpu.memory_space<hbm>>) target_semaphore(%run_scoped3A : memref<!tpu.dma_semaphore, #tpu.memory_space<semaphore_mem>>)
      %dma_wait3A_1512 = arith.constant 0 : i32
      %dma_wait3A_1513 = tpu.memref_slice %arg4[%arg0, %mul3A_1506, %dma_wait3A_1512] : memref<2x10240x128xf32, #tpu.memory_space<hbm>> -> memref<1x640x128xf32, #tpu.memory_space<hbm>>
      %dma_wait3A_1514 = tpu.memref_squeeze %dma_wait3A_1513 : memref<1x640x128xf32, #tpu.memory_space<hbm>> -> memref<640x128xf32, #tpu.memory_space<hbm>>
      %dma_wait3A_1515 = arith.constant 0 : i32
      %dma_wait3A_1516 = tpu.memref_slice %arg12[%mul3A_1504, %dma_wait3A_1515] : memref<10240x128xf32, #tpu.memory_space<vmem_shared>> -> memref<640x128xf32, #tpu.memory_space<vmem_shared>>
      tpu.wait_dma2 semaphore(%run_scoped3A : memref<!tpu.dma_semaphore, #tpu.memory_space<semaphore_mem>>) src(%dma_wait3A_1516 : memref<640x128xf32, #tpu.memory_space<vmem_shared>>) dst(%dma_wait3A_1514 : memref<640x128xf32, #tpu.memory_space<hbm>>)
      tpu.yield
    }) : () -> ()
    return
  }
}

module attributes {stable_mosaic.version = 14 : i64} {
  func.func @_matnorm_body(%arg0: i32, %arg1: memref<2000x128xf32, #tpu.memory_space<vmem>>, %arg2: memref<128x128xf32, #tpu.memory_space<vmem>>, %arg3: memref<1x128xf32, #tpu.memory_space<vmem>>, %arg4: memref<2000x128xf32, #tpu.memory_space<vmem>>) attributes {dimension_semantics = [#tpu.dimension_semantics<arbitrary>], iteration_bounds = array<i64: 5>, scalar_prefetch = 0 : i64, scratch_operands = 0 : i64, tpu.core_type = #tpu.core_type<tc>, window_params = [{transform_indices = @transform_0, window_bounds = array<i64: 2000, 128>}, {pipeline_mode = #tpu.pipeline_mode<synchronous>, transform_indices = @transform_1, window_bounds = array<i64: 128, 128>}, {pipeline_mode = #tpu.pipeline_mode<synchronous>, transform_indices = @transform_2, window_bounds = array<i64: 1, 128>}, {transform_indices = @transform_3, window_bounds = array<i64: 2000, 128>}]} {
    %get3A = arith.constant 0 : index
    %get3A_0 = arith.constant 0 : index
    %get3A_1 = vector.load %arg1[%get3A, %get3A_0] : memref<2000x128xf32, #tpu.memory_space<vmem>>, vector<2000x128xf32>
    %get3A_2 = arith.constant 0 : index
    %get3A_3 = arith.constant 0 : index
    %get3A_4 = vector.load %arg2[%get3A_2, %get3A_3] : memref<128x128xf32, #tpu.memory_space<vmem>>, vector<128x128xf32>
    %dot_general3A = arith.constant dense<0.000000e+00> : vector<2000x128xf32>
    %dot_general3A_5 = tpu.matmul %get3A_1, %get3A_4, %dot_general3A {dimension_numbers = #tpu.dot_dimension_numbers<[1], [0], [0], [1], [0, 0, 1, 1], [], []>, transpose_lhs_hint = false} : vector<2000x128xf32>, vector<128x128xf32>, vector<2000x128xf32> -> vector<2000x128xf32>
    %get3A_6 = arith.constant 0 : index
    %get3A_7 = arith.constant 0 : index
    %get3A_8 = vector.load %arg3[%get3A_6, %get3A_7] : memref<1x128xf32, #tpu.memory_space<vmem>>, vector<1x128xf32>
    %add3A = vector.broadcast %get3A_8 : vector<1x128xf32> to vector<2000x128xf32>
    %add3A_9 = arith.addf %dot_general3A_5, %add3A : vector<2000x128xf32>
    %mul3A = arith.mulf %add3A_9, %add3A_9 : vector<2000x128xf32>
    %reduce_sum3A = arith.constant dense<0.000000e+00> : vector<2000xf32>
    %reduce_sum3A_10 = vector.multi_reduction <add>, %mul3A, %reduce_sum3A [1] : vector<2000x128xf32> to vector<2000xf32>
    %broadcast_in_dim3A = vector.shape_cast %reduce_sum3A_10 : vector<2000xf32> to vector<2000x1xf32>
    %sqrt3A = math.sqrt %broadcast_in_dim3A : vector<2000x1xf32>
    %max3A = arith.constant 9.99999996E-13 : f32
    %max3A_11 = vector.broadcast %max3A : f32 to vector<2000x1xf32>
    %max3A_12 = arith.maximumf %sqrt3A, %max3A_11 : vector<2000x1xf32>
    %div3A = arith.constant 1.800000e+00 : f32
    %div3A_13 = vector.broadcast %div3A : f32 to vector<2000x1xf32>
    %div3A_14 = arith.divf %div3A_13, %max3A_12 : vector<2000x1xf32>
    %mul3A_15 = vector.broadcast %div3A_14 : vector<2000x1xf32> to vector<2000x128xf32>
    %mul3A_16 = arith.mulf %add3A_9, %mul3A_15 : vector<2000x128xf32>
    %swap3A = arith.constant 0 : index
    %swap3A_17 = arith.constant 0 : index
    %swap3A_18 = vector.load %arg4[%swap3A, %swap3A_17] : memref<2000x128xf32, #tpu.memory_space<vmem>>, vector<2000x128xf32>
    tpu.vector_store %arg4[%swap3A, %swap3A_17], %mul3A_16 {strides = array<i32>} : memref<2000x128xf32, #tpu.memory_space<vmem>>, vector<2000x128xf32>,
    return
  }
  func.func @transform_0(%arg0: i32) -> (i32, i32) {
    %c0_i32 = arith.constant 0 : i32
    %c0_i32_0 = arith.constant 0 : i32
    return %arg0, %c0_i32 : i32, i32
  }
  func.func @transform_1(%arg0: i32) -> (i32, i32) {
    %c0_i32 = arith.constant 0 : i32
    %c0_i32_0 = arith.constant 0 : i32
    %c0_i32_1 = arith.constant 0 : i32
    return %c0_i32, %c0_i32_0 : i32, i32
  }
  func.func @transform_2(%arg0: i32) -> (i32, i32) {
    %c0_i32 = arith.constant 0 : i32
    %c0_i32_0 = arith.constant 0 : i32
    %c0_i32_1 = arith.constant 0 : i32
    return %c0_i32, %c0_i32_0 : i32, i32
  }
  func.func @transform_3(%arg0: i32) -> (i32, i32) {
    %c0_i32 = arith.constant 0 : i32
    %c0_i32_0 = arith.constant 0 : i32
    return %arg0, %c0_i32 : i32, i32
  }
}

module attributes {stable_mosaic.version = 14 : i64} {
  func.func @_scale_body(%arg0: i32, %arg1: memref<2000x128xf32, #tpu.memory_space<vmem>>, %arg2: memref<2000x1xf32, #tpu.memory_space<vmem>>, %arg3: memref<2000x128xf32, #tpu.memory_space<vmem>>) attributes {dimension_semantics = [#tpu.dimension_semantics<arbitrary>], iteration_bounds = array<i64: 5>, scalar_prefetch = 0 : i64, scratch_operands = 0 : i64, tpu.core_type = #tpu.core_type<tc>, window_params = [{transform_indices = @transform_0, window_bounds = array<i64: 2000, 128>}, {transform_indices = @transform_1, window_bounds = array<i64: 2000, 1>}, {transform_indices = @transform_2, window_bounds = array<i64: 2000, 128>}]} {
    %get3A = arith.constant 0 : index
    %get3A_0 = arith.constant 0 : index
    %get3A_1 = vector.load %arg1[%get3A, %get3A_0] : memref<2000x128xf32, #tpu.memory_space<vmem>>, vector<2000x128xf32>
    %get3A_2 = arith.constant 0 : index
    %get3A_3 = arith.constant 0 : index
    %get3A_4 = vector.load %arg2[%get3A_2, %get3A_3] : memref<2000x1xf32, #tpu.memory_space<vmem>>, vector<2000x1xf32>
    %rsqrt3A = math.rsqrt %get3A_4 : vector<2000x1xf32>
    %mul3A = vector.broadcast %rsqrt3A : vector<2000x1xf32> to vector<2000x128xf32>
    %mul3A_5 = arith.mulf %get3A_1, %mul3A : vector<2000x128xf32>
    %swap3A = arith.constant 0 : index
    %swap3A_6 = arith.constant 0 : index
    %swap3A_7 = vector.load %arg3[%swap3A, %swap3A_6] : memref<2000x128xf32, #tpu.memory_space<vmem>>, vector<2000x128xf32>
    tpu.vector_store %arg3[%swap3A, %swap3A_6], %mul3A_5 {strides = array<i32>} : memref<2000x128xf32, #tpu.memory_space<vmem>>, vector<2000x128xf32>,
    return
  }
  func.func @transform_0(%arg0: i32) -> (i32, i32) {
    %c0_i32 = arith.constant 0 : i32
    %c0_i32_0 = arith.constant 0 : i32
    return %arg0, %c0_i32 : i32, i32
  }
  func.func @transform_1(%arg0: i32) -> (i32, i32) {
    %c0_i32 = arith.constant 0 : i32
    %c0_i32_0 = arith.constant 0 : i32
    return %arg0, %c0_i32 : i32, i32
  }
  func.func @transform_2(%arg0: i32) -> (i32, i32) {
    %c0_i32 = arith.constant 0 : i32
    %c0_i32_0 = arith.constant 0 : i32
    return %arg0, %c0_i32 : i32, i32
  }
}

module attributes {stable_mosaic.version = 14 : i64} {
  func.func @_combine_body(%arg0: i32, %arg1: memref<2x2000x128xf32, #tpu.memory_space<vmem>>, %arg2: memref<2000x128xf32, #tpu.memory_space<vmem>>, %arg3: memref<2000x1xf32, #tpu.memory_space<vmem>>, %arg4: memref<2000x128xf32, #tpu.memory_space<vmem>>) attributes {dimension_semantics = [#tpu.dimension_semantics<arbitrary>], iteration_bounds = array<i64: 5>, scalar_prefetch = 0 : i64, scratch_operands = 0 : i64, tpu.core_type = #tpu.core_type<tc>, window_params = [{transform_indices = @transform_0, window_bounds = array<i64: 2, 2000, 128>}, {transform_indices = @transform_1, window_bounds = array<i64: 2000, 128>}, {transform_indices = @transform_2, window_bounds = array<i64: 2000, 1>}, {transform_indices = @transform_3, window_bounds = array<i64: 2000, 128>}]} {
    %get3A = arith.constant 0 : index
    %get3A_0 = arith.constant 0 : index
    %get3A_1 = arith.constant 0 : index
    %get3A_2 = vector.load %arg1[%get3A, %get3A_0, %get3A_1] : memref<2x2000x128xf32, #tpu.memory_space<vmem>>, vector<1x2000x128xf32>
    %get3A_3 = vector.shape_cast %get3A_2 : vector<1x2000x128xf32> to vector<2000x128xf32>
    %get3A_4 = arith.constant 1 : index
    %get3A_5 = arith.constant 0 : index
    %get3A_6 = arith.constant 0 : index
    %get3A_7 = vector.load %arg1[%get3A_4, %get3A_5, %get3A_6] : memref<2x2000x128xf32, #tpu.memory_space<vmem>>, vector<1x2000x128xf32>
    %get3A_8 = vector.shape_cast %get3A_7 : vector<1x2000x128xf32> to vector<2000x128xf32>
    %add3A = arith.addf %get3A_3, %get3A_8 : vector<2000x128xf32>
    %get3A_9 = arith.constant 0 : index
    %get3A_10 = arith.constant 0 : index
    %get3A_11 = vector.load %arg2[%get3A_9, %get3A_10] : memref<2000x128xf32, #tpu.memory_space<vmem>>, vector<2000x128xf32>
    %add3A_12 = arith.addf %add3A, %get3A_11 : vector<2000x128xf32>
    %get3A_13 = arith.constant 0 : index
    %get3A_14 = arith.constant 0 : index
    %get3A_15 = vector.load %arg3[%get3A_13, %get3A_14] : memref<2000x1xf32, #tpu.memory_space<vmem>>, vector<2000x1xf32>
    %rsqrt3A = math.rsqrt %get3A_15 : vector<2000x1xf32>
    %mul3A = vector.broadcast %rsqrt3A : vector<2000x1xf32> to vector<2000x128xf32>
    %mul3A_16 = arith.mulf %add3A_12, %mul3A : vector<2000x128xf32>
    %swap3A = arith.constant 0 : index
    %swap3A_17 = arith.constant 0 : index
    %swap3A_18 = vector.load %arg4[%swap3A, %swap3A_17] : memref<2000x128xf32, #tpu.memory_space<vmem>>, vector<2000x128xf32>
    tpu.vector_store %arg4[%swap3A, %swap3A_17], %mul3A_16 {strides = array<i32>} : memref<2000x128xf32, #tpu.memory_space<vmem>>, vector<2000x128xf32>,
    return
  }
  func.func @transform_0(%arg0: i32) -> (i32, i32, i32) {
    %c0_i32 = arith.constant 0 : i32
    %c0_i32_0 = arith.constant 0 : i32
    %c0_i32_1 = arith.constant 0 : i32
    return %c0_i32, %arg0, %c0_i32_0 : i32, i32, i32
  }
  func.func @transform_1(%arg0: i32) -> (i32, i32) {
    %c0_i32 = arith.constant 0 : i32
    %c0_i32_0 = arith.constant 0 : i32
    return %arg0, %c0_i32 : i32, i32
  }
  func.func @transform_2(%arg0: i32) -> (i32, i32) {
    %c0_i32 = arith.constant 0 : i32
    %c0_i32_0 = arith.constant 0 : i32
    return %arg0, %c0_i32 : i32, i32
  }
  func.func @transform_3(%arg0: i32) -> (i32, i32) {
    %c0_i32 = arith.constant 0 : i32
    %c0_i32_0 = arith.constant 0 : i32
    return %arg0, %c0_i32 : i32, i32
  }
}

</mosaic_0001>

<sc_bundles>
// kernel: kernel.10.cloned.1.call-start
scs
__scs_entry_jumppad:
0x0: {  	(pc) =	sbr.rel $0x88, $3  }
0x1: {  	(tag) =	ssettag $0x0;
	lr =	simm.s32 $0x1  }
0x2: {  	[smem:$0x3F9D] =	sst lr;
	_ =	strace $0xD0000000  }
0x3: {  	_ = 	snop  }
0x4: {  	_ = 	snop  }
0x5: {  	_ = 	snop  }
0x6: {  	_ = 	snop  }
0x7: {  	_ = 	snop  }
__scs_overlays_trampoline_lowered:
0x8: {  	[smem:$0x3FAC] =	sst s0  }
0x9: {  	[smem:$0x3FAD] =	sst s1  }
0xa: {  	[smem:$0x3FAE] =	sst s2  }
0xb: {  	[smem:$0x3FAF] =	sst s3  }
0xc: {  	[smem:$0x3FB0] =	sst s4  }
0xd: {  	[smem:$0x3FB1] =	sst s5  }
0xe: {  	[smem:$0x3FB2] =	sst s6  }
0xf: {  	[smem:$0x3FB3] =	sst s7  }
0x10: {  	[smem:$0x3FB4] =	sst s8  }
0x11: {  	[smem:$0x3FB5] =	sst s9;
	s0 =	simm.s32 @!p0 $0x0  }
0x12: {  	s1 =	sld [smem:$0x3F9B];
	s0 =	simm.s32 @p0 $0x1  }
0x13: {  	[smem:$0x3FB6] =	sst s0;
	s0 =	simm.s32 @!p1 $0x0  }
0x14: {  	s2 =	sld [smem:$0x3F9A];
	s0 =	simm.s32 @p1 $0x1  }
0x15: {  	[smem:$0x3FB7] =	sst s0;
	s0 =	simm.s32 @!p2 $0x0  }
0x16: {  	s3 =	sld [smem:$0x3FDB];
	s0 =	simm.s32 @p2 $0x1  }
0x17: {  	s4 =	simm.s32 $0x1BF5;
	[smem:$0x3FB9] =	sst s0  }
0x18: {  	s0 =	sld [smem:$0x3F9C];
	_ =	swait.ge [sflag:s4], $0x0  }
0x19: {  	s7 =	sld [smem:$0x3F9D]  }
0x1a: {  	s8 =	sadd.s32 $0xFFFFE003, lr  }
0x1b: {  	s9 =	sadd.s32 $0xFFFFFEF7, lr;
	s5 =	simm.s32 $0xFFFFFFFF;
	p2 =	slt.u32 s8, $0xFFFFF086  }
0x1c: {  	p1 =	slt.u32 s9, $0xF7A;
	s5 =	simm.s32 @!p2 $0x0  }
0x1d: {  	s5 =	simm.s32 @p1 $0x1;
	p0 =	seq.s32 s7, s2  }
0x1e: {  	s7 =	smul.u32 @!p0 $0xF7A, s2;
	p2 =	seq.s32 @!p0 s5, $0x0  }
0x1f: {  	s9 =	smul.u32 $0xF7A, s1;
	s8 =	simm.s32 @!p0 $0x1BF5;
	p2 =	por !p2, p0  }
0x20: {  	[sflag:s8] =	ssyncset.s32 @!p0 $0xFFFFF086;
	s6 =	sadd.s32 @!p0 s3, s7;
	s7 =	simm.s32 @!p0 $0x108  }
0x21: {  	s3 =	sadd.s32 s3, s9;
	s6 =	sadd.s32 @!p0 $0x88, s6;
	s7 =	simm.s32 @p2 $0x1082  }
0x22: {  	[simem:s7], [sflag:s8] =	dma.local @!p0 [hbm:s6], $0xF7A  }
0x23: {  	s9 =	sor.u32 $0xD0000000, s2;
	s6 =	simm.s32 $0x108;
	_ =	swait.ge @!p0 [sflag:s8], $0x0  }
0x24: {  	s3 =	sadd.s32 $0x88, s3;
	s6 =	simm.s32 @!p1 $0x1082;
	[sflag:s4] =	ssyncset.s32 $0xFFFFF086  }
0x25: {  	[simem:s6], [sflag:s4] =	dma.local [hbm:s3], $0xF7A  }
0x26: {  	[smem:$0x3F9D] =	sst s1;
	(tag) =	ssettag s2;
	_ =	strace s9  }
0x27: {  	s1 =	sld [smem:$0x3FAD]  }
0x28: {  	s2 =	sld [smem:$0x3FAE]  }
0x29: {  	s4 =	sld [smem:$0x3FB0]  }
0x2a: {  	p0 =	seq.s32 s5, $0x0;
	s5 =	sld [smem:$0x3FB1]  }
0x2b: {  	s6 =	sld [smem:$0x3FB2]  }
0x2c: {  	s7 =	sld [smem:$0x3FB3]  }
0x2d: {  	s3 =	simm.s32 $0x108;
	s8 =	sld [smem:$0x3FB4]  }
0x2e: {  	s3 =	simm.s32 @!p0 $0x1082;
	s9 =	sld [smem:$0x3FB5]  }
0x2f: {  	lr =	sadd.s32 s0, s3;
	s0 =	sld [smem:$0x3FAC]  }
0x30: {  	s3 =	sld [smem:$0x3FAF]  }
0x31: {  	[smem:$0x3FB8] =	sst s10  }
0x32: {  	s10 =	sld [smem:$0x3FB6];
	_ =	sdelay $0x3  }
0x33: {  	p0 =	seq.s32 s10, $0x1;
	s10 =	sld [smem:$0x3FB8];
	_ =	sdelay $0x3  }
0x34: {  	[smem:$0x3FB8] =	sst s10  }
0x35: {  	s10 =	sld [smem:$0x3FB7];
	_ =	sdelay $0x3  }
0x36: {  	p1 =	seq.s32 s10, $0x1;
	s10 =	sld [smem:$0x3FB8];
	_ =	sdelay $0x3  }
0x37: {  	[smem:$0x3FB8] =	sst s10  }
0x38: {  	s10 =	sld [smem:$0x3FB9]  }
0x39: {  	_ = 	snop;
	(pc) =	sbr.ind lr, $3  }
0x3a: {  	_ = 	snop  }
0x3b: {  	_ = 	snop  }
0x3c: {  	p2 =	seq.s32 s10, $0x1;
	s10 =	sld [smem:$0x3FB8]  }
0x3d: {  	_ =	shalt  }
0x3e: {  	_ =	shalt  }
0x3f: {  	_ =	shalt  }
0x40: {  	_ =	shalt  }
0x41: {  	_ =	shalt  }
0x42: {  	_ =	shalt  }
0x43: {  	_ =	shalt  }
0x44: {  	_ =	shalt  }
0x45: {  	_ =	shalt  }
0x46: {  	_ =	shalt  }
0x47: {  	_ =	shalt  }
0x48: {  	_ =	shalt  }
0x49: {  	_ =	shalt  }
0x4a: {  	_ =	shalt  }
0x4b: {  	_ =	shalt  }
0x4c: {  	_ =	shalt  }
0x4d: {  	_ =	shalt  }
0x4e: {  	_ =	shalt  }
0x4f: {  	_ =	shalt  }
0x50: {  	_ =	shalt  }
0x51: {  	_ =	shalt  }
0x52: {  	_ =	shalt  }
0x53: {  	_ =	shalt  }
0x54: {  	_ =	shalt  }
0x55: {  	_ =	shalt  }
0x56: {  	_ =	shalt  }
0x57: {  	_ =	shalt  }
0x58: {  	_ =	shalt  }
0x59: {  	_ =	shalt  }
0x5a: {  	_ =	shalt  }
0x5b: {  	_ =	shalt  }
0x5c: {  	_ =	shalt  }
0x5d: {  	_ =	shalt  }
0x5e: {  	_ =	shalt  }
0x5f: {  	_ =	shalt  }
0x60: {  	_ =	shalt  }
0x61: {  	_ =	shalt  }
0x62: {  	_ =	shalt  }
0x63: {  	_ =	shalt  }
0x64: {  	_ =	shalt  }
0x65: {  	_ =	shalt  }
0x66: {  	_ =	shalt  }
0x67: {  	_ =	shalt  }
0x68: {  	_ =	shalt  }
0x69: {  	_ =	shalt  }
0x6a: {  	_ =	shalt  }
0x6b: {  	_ =	shalt  }
0x6c: {  	_ =	shalt  }
0x6d: {  	_ =	shalt  }
0x6e: {  	_ =	shalt  }
0x6f: {  	_ =	shalt  }
0x70: {  	_ =	shalt  }
0x71: {  	_ =	shalt  }
0x72: {  	_ =	shalt  }
0x73: {  	_ =	shalt  }
0x74: {  	_ =	shalt  }
0x75: {  	_ =	shalt  }
0x76: {  	_ =	shalt  }
0x77: {  	_ =	shalt  }
0x78: {  	_ =	shalt  }
0x79: {  	_ =	shalt  }
0x7a: {  	_ =	shalt  }
0x7b: {  	_ =	shalt  }
0x7c: {  	_ =	shalt  }
0x7d: {  	_ =	shalt  }
0x7e: {  	_ =	shalt  }
0x7f: {  	_ =	shalt  }
0x80: {  	_ =	shalt  }
0x81: {  	_ =	shalt  }
0x82: {  	_ =	shalt  }
0x83: {  	_ =	shalt  }
0x84: {  	_ =	shalt  }
0x85: {  	_ =	shalt  }
0x86: {  	_ =	shalt  }
0x87: {  	_ =	shalt  }
.Lfunc_end0:
.L_simem_size_0:
called_computation.1_lowered:
.L_overlay_start_0:
0x88: {  	s2 =	sld [smem:$0x3FD9]  }
0x89: {  	s3 =	sld [smem:$0x3FFE];
	_ =	sdelay $0x1  }
0x8a: {  	s1 =	srdreg.scid  }
0x8b: {  	s0 =	sand.u32 $0x1, s1  }
0x8c: {  	s17 =	sshll.u32 s0, $0xA;
	s2 =	sadd.s32 s3, s2  }
0x8d: {  	s2 =	sadd.s32 s2, s17  }
0x8e: {  	[smem:$0x3FC4] =	sst s2  }
0x8f: {  	_ = 	snop  }
0x90: {  	s2 =	sld [smem:$0x3FC8]  }
0x91: {  	s18 =	sld [smem:$0x3FD0];
	(tm) =	ssettm $0x1  }
0x92: {  	s4 =	sld [smem:$0x3FFB];
	_ =	sdelay $0x3  }
0x93: {  	_ =	strace s4  }
0x94: {  	s4 =	sld [smem:$0x3FFC];
	_ =	sdelay $0x3  }
0x95: {  	_ =	strace s4  }
0x96: {  	s4 =	sld [smem:$0x3FFD];
	_ =	sdelay $0x3  }
0x97: {  	_ =	strace s4  }
0x98: {  	_ =	strace $0x8FFFFFFF  }
0x99: {  	s19 =	sld [smem:$0x3FDB];
	_ =	sdelay $0x1  }
0x9a: {  	s5 =	simm.s32 $_scs_section_size  }
0x9b: {  	s6 =	simm.s32 $_size__tile_overlayer_lowered;
	s7 =	simm.s32 $_tile_overlayer_lowered  }
0x9c: {  	s22 =	simm.s32 $0x1BFF;
	s21 =	sshll.u32 s7, $0x1;
	s4 =	sadd.s32 s5, s19  }
0x9d: {  	s8 =	simm.s32 $0x0;
	s20 =	sshll.u32 s6, $0x1;
	s6 =	sadd.s32 s21, s4  }
0x9e: {  	[timem:s8], [sflag:s22] =	dma.local [hbm:s6], s20  }
0x9f: {  	_ =	swait.ge [sflag:s22], s20  }
0xa0: {  	s5 =	ssub.s32 $0x0, s20;
	[sflag:s22] =	ssyncset.done $0x0  }
0xa1: {  	[sflag:s22] =	ssyncadd.s32 s5;
	_ =	sdelay $0x1  }
0xa2: {  	s23 =	simm.s32 $0x1B8B  }
0xa3: {  	_ =	swait.ge [sflag:s23], $0x1  }
0xa4: {  	[sflag:s23] =	ssyncset.done $0x0  }
0xa5: {  	s25 =	simm.s32 $0x1B8E;
	s24 =	sld [smem:$0x3FFE];
	[sflag:s23] =	ssyncadd.s32 $0xFFFFFFFF  }
0xa6: {  	s26 =	simm.s32 $execute0_lowered;
	[smem:$0x3FD2] =	sst s25  }
0xa7: {  	s6 =	sshll.u32 s26, $0x1;
	_ =	strace $0x80000049;
	[dreg:$0x1] =	wrdreg $0xFFFFFFFF  }
0xa8: {  	s28 =	simm.s32 $_size_execute0_lowered;
	s4 =	sadd.s32 s4, s6;
	[dreg:$0x0] =	wrdreg $0x0  }
0xa9: {  	s6 =	sshll.u32 s28, $0x1;
	[dreg:$0x2] =	wrdreg s4  }
0xaa: {  	[dreg:$0x3] =	wrdreg s6  }
0xab: {  	[dreg:$0x4] =	wrdreg $0xC0  }
0xac: {  	_ =	task [dreg:s8], $0x5FFFF  }
0xad: {  	[dreg:$0x1] =	wrdreg $0xFFFFFFFF  }
0xae: {  	[dreg:$0x0] =	wrdreg $0x60  }
0xaf: {  	[dreg:$0x2] =	wrdreg s18  }
0xb0: {  	[dreg:$0x3] =	wrdreg s2  }
0xb1: {  	[dreg:$0x4] =	wrdreg s24  }
0xb2: {  	[dreg:$0x5] =	wrdreg $0x8C000  }
0xb3: {  	[dreg:$0x6] =	wrdreg $0x9  }
0xb4: {  	_ =	task.clear_ibuf [dreg:s8], $0x7FFFF;
	_ =	strace $0x90000049  }
0xb5: {  	s29 =	simm.s32 $0x9;
	_ =	strace $0x8000004B  }
0xb6: {  	_ =	swait.ge [sflag:s29], $0x1  }
0xb7: {  	[sflag:s29] =	ssyncadd.s32 $0xFFFFFFFF  }
0xb8: {  	_ =	strace $0x9000004B  }
0xb9: {  	_ =	sfence  }
0xba: {  	s30 =	sld [smem:$0x0];
	_ =	sdelay $0x2  }
0xbb: {  	s31 =	sshll.u32 s1, $0xD;
	s1 =	sshrl.u32 s1, $0x2  }
0xbc: {  	s3 =	sand.u32 $0x4000, s31;
	s1 =	sadd.s32 s1, s30  }
0xbd: {  	s0 =	sor.u32 s3, s0;
	s1 =	sshll.u32 s1, $0x11  }
0xbe: {  	s0 =	sor.u32 s1, s0  }
0xbf: {  	s0 =	sadd.s32 $0x8F2B, s0  }
0xc0: {  	[sflag:s0] =	ssyncadd.remote.s32 $0x1  }
0xc1: {  	_ =	sfence.sel $0xFFFF  }
0xc2: {  	[dreg:$0x0] =	wrdreg $0xFFFFFFFF;
	(pc) =	sbr.abs _section_cstart, $3  }
0xc3: {  	[dreg:$0x1] =	wrdreg $0xFFFFFFFF  }
0xc4: {  	_ =	task.clear_ibuf [dreg:s8], $0x2FFFF;
	_ =	strace $0x9FFFFFFF  }
0xc5: {  	(tm) =	ssettm $0x7FFFFFFF  }
tec
execute0_lowered:
.L_overlay_start_1:
0x0: {  	(tag) =	ssettag $0x1  }
0x1: {  	s0 =	rddreg [dreg:$0x0]  }
0x2: {  	s1 =	rddreg [dreg:$0x1];
	s13 =	stileid.u32  }
0x3: {  	s2 =	srdreg.scid;
	s7 =	smul.u32 $0x14000, s13  }
0x4: {  	s2 =	sand.u32 $0x1, s2;
	s8 =	sshll.u32 s13, $0x1;
	s9 =	smul.u32 $0x50000, s13  }
0x5: {  	s5 =	rddreg [dreg:$0x2];
	s6 =	smul.u32 $0x140000, s2;
	s8 =	sor.u32 s2, s8  }
0x6: {  	s3 =	rddreg [dreg:$0x3];
	s4 =	simm.s32 $0x0;
	s18 =	smul.u32 $0x2780, s8  }
0x7: {  	[smem:$0x7FF] =	sst s4;
	s19 =	ssub.s32 $0x2, s2;
	s26 =	smul.u32 $0x4F00, s8  }
0x8: {  	_ =	strace $0x8000004A;
	s21 =	sshrl.u32 s19, $0x1;
	s8 =	smul.u32 $0x9E0, s8  }
0x9: {  	s9 =	sshrl.u32 s9, $0x2;
	s6 =	sadd.s32 s7, s6;
	s7 =	ssub.s32 s19, s21  }
0xa: {  	s6 =	sshrl.u32 s6, $0x3;
	s20 =	ssub.s32 $0x4E200, s18;
	s8 =	sadd.s32 s1, s8  }
0xb: {  	s7 =	smax.u32 s7, $0x1;
	s10 =	sadd.s32 s6, s5;
	s6 =	sshrl.u32 s20, $0x7  }
0xc: {  	[dreg:$0x12] =	wrdreg s8;
	s5 =	smin.u32 s6, $0x4F;
	s6 =	sadd.s32 s9, s3  }
0xd: {  	[dreg:$0x17] =	wrdreg s7;
	s9 =	sadd.s32 $0x800, s6  }
0xe: {  	s22 =	sadd.s32 $0x1000, s6;
	[dreg:$0x9] =	wrdreg s9  }
0xf: {  	s23 =	sadd.s32 $0x1800, s6;
	[dreg:$0xa] =	wrdreg s22  }
0x10: {  	s24 =	sadd.s32 $0x2000, s6;
	[dreg:$0xb] =	wrdreg s23  }
0x11: {  	s25 =	sadd.s32 $0x2800, s6;
	[dreg:$0xc] =	wrdreg s24  }
0x12: {  	s11 =	sadd.s32 $0x3000, s6;
	[dreg:$0xd] =	wrdreg s25  }
0x13: {  	s12 =	sadd.s32 $0x3800, s6;
	[dreg:$0xe] =	wrdreg s11  }
0x14: {  	s14 =	sadd.s32 $0x4000, s6;
	[dreg:$0xf] =	wrdreg s12  }
0x15: {  	s15 =	smul.u32 $0xFFFFD880, s2;
	s18 =	sadd.s32 $0xFFFFFFFF, s5;
	[dreg:$0x10] =	wrdreg s14  }
0x16: {  	s2 =	smul.u32 $0x2780, s2;
	s19 =	sadd.s32 $0xFFFFFFFE, s5;
	[dreg:$0x5] =	wrdreg s18  }
0x17: {  	s21 =	smul.u32 $0x4F00, s13;
	s7 =	sadd.s32 $0x5800, s6;
	[dreg:$0x6] =	wrdreg s19  }
0x18: {  	s16 =	smul.u32 $0xFFFFB100, s13;
	s13 =	sadd.s32 $0x8800, s6;
	[dreg:$0x1d] =	wrdreg s7  }
0x19: {  	s2 =	sadd.s32 s2, s21;
	s21 =	sadd.s32 $0xC800, s6;
	[smem:$0x7F0] =	sst s13  }
0x1a: {  	s12 =	sadd.s32 $0x4800, s6;
	[smem:$0x7F8] =	sst s21  }
0x1b: {  	s22 =	sadd.s32 $0xFFFFFFFD, s5;
	[dreg:$0x11] =	wrdreg s12  }
0x1c: {  	s24 =	sadd.s32 $0x1400, s10;
	[dreg:$0x7] =	wrdreg s22  }
0x1d: {  	s10 =	sadd.s32 $0x7000, s6;
	[dreg:$0x16] =	wrdreg s24  }
0x1e: {  	s14 =	sadd.s32 $0x9000, s6;
	[smem:$0x7ED] =	sst s10  }
0x1f: {  	s11 =	sadd.s32 s16, s15;
	s15 =	sadd.s32 $0x9800, s6;
	[smem:$0x7F1] =	sst s14  }
0x20: {  	s16 =	sadd.s32 $0xA000, s6;
	[smem:$0x7F2] =	sst s15  }
0x21: {  	s18 =	sadd.s32 $0xB000, s6;
	[smem:$0x7F3] =	sst s16  }
0x22: {  	s19 =	sadd.s32 $0xB800, s6;
	[smem:$0x7F5] =	sst s18  }
0x23: {  	s20 =	sadd.s32 $0x4E200, s11;
	s11 =	sadd.s32 $0x7800, s6;
	[smem:$0x7F6] =	sst s19  }
0x24: {  	s12 =	sadd.s32 $0x8000, s6;
	[smem:$0x7EE] =	sst s11  }
0x25: {  	s9 =	sshrl.u32 s26, $0x3;
	s22 =	sadd.s32 $0xD000, s6;
	[smem:$0x7EF] =	sst s12  }
0x26: {  	s9 =	sadd.s32 s1, s9;
	s24 =	sadd.s32 $0xE000, s6;
	[smem:$0x7F9] =	sst s22  }
0x27: {  	s17 =	sadd.s32 $0x20, s9;
	[smem:$0x7FB] =	sst s24  }
0x28: {  	s2 =	sshrl.u32 s2, $0x2;
	s23 =	sadd.s32 $0x40, s9;
	[dreg:$0x13] =	wrdreg s17  }
0x29: {  	s1 =	sadd.s32 s1, s2;
	s9 =	sadd.s32 $0x60, s9;
	[dreg:$0x14] =	wrdreg s23  }
0x2a: {  	s31 =	simm.s32 $0x8400;
	s2 =	sadd.s32 $0xE0, s1;
	[dreg:$0x15] =	wrdreg s9  }
0x2b: {  	s28 =	sadd.s32 $0x11000, s6;
	s25 =	sadd.s32 $0xC0, s1;
	[dreg:$0x18] =	wrdreg s2  }
0x2c: {  	s29 =	sadd.s32 $0x12000, s6;
	s26 =	sadd.s32 $0xA0, s1;
	[dreg:$0x19] =	wrdreg s25  }
0x2d: {  	s30 =	sadd.s32 $0x13000, s6;
	s1 =	sadd.s32 $0x80, s1;
	[dreg:$0x1a] =	wrdreg s26  }
0x2e: {  	s8 =	sshrl.u32 s20, $0x7;
	s20 =	sadd.s32 $0xC000, s6;
	[dreg:$0x1b] =	wrdreg s1  }
0x2f: {  	s21 =	sadd.s32 $0xF800, s6;
	s2 =	sadd.s32 $0x5000, s6;
	[smem:$0x7F7] =	sst s20  }
0x30: {  	s7 =	simm.s32 $0x1;
	s9 =	sadd.s32 $0x6800, s6;
	[dreg:$0x1c] =	wrdreg s2  }
0x31: {  	s22 =	sadd.s32 $0x10800, s6;
	s17 =	sadd.s32 $0xA800, s6;
	[dreg:$0x1f] =	wrdreg s9  }
0x32: {  	s24 =	sadd.s32 $0x12800, s6;
	s23 =	sadd.s32 $0xD800, s6;
	[smem:$0x7F4] =	sst s17  }
0x33: {  	s8 =	smin.u32 s8, $0x4F;
	s25 =	sadd.s32 $0xE800, s6;
	[smem:$0x7FA] =	sst s23  }
0x34: {  	s26 =	sadd.s32 $0xF000, s6;
	s1 =	simm.s32 $0x6;
	[smem:$0x7FC] =	sst s25  }
0x35: {  	s8 =	sadd.s32 $0x3, s8;
	[smem:$0x7FD] =	sst s26;
	s26 =	sadd.s32 $0x10000, s6  }
0x36: {  	s23 =	sadd.s32 $0x11800, s6;
	s25 =	sadd.s32 $0x13800, s6;
	s8 =	sand.u32 $0xFC, s8  }
0x37: {  	s2 =	simm.s32 $0x5;
	[dreg:$0x8] =	wrdreg s8;
	s8 =	sadd.s32 $0x6000, s6  }
0x38: {  	v0 =	vimm.f32 $0.0e+00;
	s9 =	simm.s32 $0x0;
	[dreg:$0x1e] =	wrdreg s8;
	s8 =	simm.s32 $0x7  }
.LBB2_1:
0x39: {  	[tilespmem:$0x8400] =	vst v0  }
0x3a: {  	[tilespmem:$0x8410] =	vst v0  }
0x3b: {  	[tilespmem:$0x8420] =	vst v0  }
0x3c: {  	[tilespmem:$0x8430] =	vst v0  }
0x3d: {  	[tilespmem:$0x8440] =	vst v0  }
0x3e: {  	[tilespmem:$0x8450] =	vst v0  }
0x3f: {  	[tilespmem:$0x8460] =	vst v0  }
0x40: {  	[tilespmem:$0x8470] =	vst v0  }
0x41: {  	[tilespmem:$0x8480] =	vst v0  }
0x42: {  	[tilespmem:$0x8490] =	vst v0  }
0x43: {  	[tilespmem:$0x84A0] =	vst v0  }
0x44: {  	[tilespmem:$0x84B0] =	vst v0  }
0x45: {  	[tilespmem:$0x84C0] =	vst v0  }
0x46: {  	[tilespmem:$0x84D0] =	vst v0  }
0x47: {  	[tilespmem:$0x84E0] =	vst v0  }
0x48: {  	[tilespmem:$0x84F0] =	vst v0  }
0x49: {  	[tilespmem:$0x8500] =	vst v0  }
0x4a: {  	[tilespmem:$0x8510] =	vst v0  }
0x4b: {  	[tilespmem:$0x8520] =	vst v0  }
0x4c: {  	[tilespmem:$0x8530] =	vst v0  }
0x4d: {  	[tilespmem:$0x8540] =	vst v0  }
0x4e: {  	[tilespmem:$0x8550] =	vst v0  }
0x4f: {  	[tilespmem:$0x8560] =	vst v0  }
0x50: {  	[tilespmem:$0x8570] =	vst v0  }
0x51: {  	[tilespmem:$0x8580] =	vst v0  }
0x52: {  	[tilespmem:$0x8590] =	vst v0  }
0x53: {  	[tilespmem:$0x85A0] =	vst v0  }
0x54: {  	[tilespmem:$0x85B0] =	vst v0  }
0x55: {  	[tilespmem:$0x85C0] =	vst v0  }
0x56: {  	[tilespmem:$0x85D0] =	vst v0  }
0x57: {  	[tilespmem:$0x85E0] =	vst v0  }
0x58: {  	[tilespmem:$0x85F0] =	vst v0  }
0x59: {  	[tilespmem:$0x8600] =	vst v0  }
0x5a: {  	[tilespmem:$0x8610] =	vst v0  }
0x5b: {  	[tilespmem:$0x8620] =	vst v0  }
0x5c: {  	[tilespmem:$0x8630] =	vst v0  }
0x5d: {  	[tilespmem:$0x8640] =	vst v0  }
0x5e: {  	[tilespmem:$0x8650] =	vst v0  }
0x5f: {  	[tilespmem:$0x8660] =	vst v0  }
0x60: {  	[tilespmem:$0x8670] =	vst v0  }
0x61: {  	[tilespmem:$0x8680] =	vst v0  }
0x62: {  	[tilespmem:$0x8690] =	vst v0  }
0x63: {  	[tilespmem:$0x86A0] =	vst v0  }
0x64: {  	[tilespmem:$0x86B0] =	vst v0  }
0x65: {  	[tilespmem:$0x86C0] =	vst v0  }
0x66: {  	[tilespmem:$0x86D0] =	vst v0  }
0x67: {  	[tilespmem:$0x86E0] =	vst v0  }
0x68: {  	[tilespmem:$0x86F0] =	vst v0  }
0x69: {  	[tilespmem:$0x8700] =	vst v0  }
0x6a: {  	[tilespmem:$0x8710] =	vst v0  }
0x6b: {  	[tilespmem:$0x8720] =	vst v0  }
0x6c: {  	[tilespmem:$0x8730] =	vst v0  }
0x6d: {  	[tilespmem:$0x8740] =	vst v0  }
0x6e: {  	[tilespmem:$0x8750] =	vst v0  }
0x6f: {  	[tilespmem:$0x8760] =	vst v0  }
0x70: {  	[tilespmem:$0x8770] =	vst v0  }
0x71: {  	[tilespmem:$0x8780] =	vst v0  }
0x72: {  	[tilespmem:$0x8790] =	vst v0  }
0x73: {  	[tilespmem:$0x87A0] =	vst v0  }
0x74: {  	[tilespmem:$0x87B0] =	vst v0  }
0x75: {  	[tilespmem:$0x87C0] =	vst v0  }
0x76: {  	[tilespmem:$0x87D0] =	vst v0  }
0x77: {  	[tilespmem:$0x87E0] =	vst v0  }
0x78: {  	[tilespmem:$0x87F0] =	vst v0  }
0x79: {  	[tilespmem:$0x8800] =	vst v0  }
0x7a: {  	[tilespmem:$0x8810] =	vst v0  }
0x7b: {  	[tilespmem:$0x8820] =	vst v0  }
0x7c: {  	[tilespmem:$0x8830] =	vst v0  }
0x7d: {  	[tilespmem:$0x8840] =	vst v0  }
0x7e: {  	[tilespmem:$0x8850] =	vst v0  }
0x7f: {  	[tilespmem:$0x8860] =	vst v0  }
0x80: {  	[tilespmem:$0x8870] =	vst v0  }
0x81: {  	[tilespmem:$0x8880] =	vst v0  }
0x82: {  	[tilespmem:$0x8890] =	vst v0  }
0x83: {  	[tilespmem:$0x88A0] =	vst v0  }
0x84: {  	[tilespmem:$0x88B0] =	vst v0  }
0x85: {  	[tilespmem:$0x88C0] =	vst v0  }
0x86: {  	[tilespmem:$0x88D0] =	vst v0  }
0x87: {  	[tilespmem:$0x88E0] =	vst v0  }
0x88: {  	[tilespmem:$0x88F0] =	vst v0  }
0x89: {  	[tilespmem:$0x8900] =	vst v0  }
0x8a: {  	[tilespmem:$0x8910] =	vst v0  }
0x8b: {  	[tilespmem:$0x8920] =	vst v0  }
0x8c: {  	[tilespmem:$0x8930] =	vst v0  }
0x8d: {  	[tilespmem:$0x8940] =	vst v0  }
0x8e: {  	[tilespmem:$0x8950] =	vst v0  }
0x8f: {  	[tilespmem:$0x8960] =	vst v0  }
0x90: {  	[tilespmem:$0x8970] =	vst v0  }
0x91: {  	[tilespmem:$0x8980] =	vst v0  }
0x92: {  	[tilespmem:$0x8990] =	vst v0  }
0x93: {  	[tilespmem:$0x89A0] =	vst v0  }
0x94: {  	[tilespmem:$0x89B0] =	vst v0  }
0x95: {  	[tilespmem:$0x89C0] =	vst v0  }
0x96: {  	[tilespmem:$0x89D0] =	vst v0  }
0x97: {  	[tilespmem:$0x89E0] =	vst v0  }
0x98: {  	[tilespmem:$0x89F0] =	vst v0  }
0x99: {  	[tilespmem:$0x8A00] =	vst v0  }
0x9a: {  	[tilespmem:$0x8A10] =	vst v0  }
0x9b: {  	[tilespmem:$0x8A20] =	vst v0  }
0x9c: {  	[tilespmem:$0x8A30] =	vst v0  }
0x9d: {  	[tilespmem:$0x8A40] =	vst v0  }
0x9e: {  	[tilespmem:$0x8A50] =	vst v0  }
0x9f: {  	[tilespmem:$0x8A60] =	vst v0  }
0xa0: {  	[tilespmem:$0x8A70] =	vst v0  }
0xa1: {  	[tilespmem:$0x8A80] =	vst v0  }
0xa2: {  	[tilespmem:$0x8A90] =	vst v0  }
0xa3: {  	[tilespmem:$0x8AA0] =	vst v0  }
0xa4: {  	[tilespmem:$0x8AB0] =	vst v0  }
0xa5: {  	[tilespmem:$0x8AC0] =	vst v0  }
0xa6: {  	[tilespmem:$0x8AD0] =	vst v0  }
0xa7: {  	[tilespmem:$0x8AE0] =	vst v0  }
0xa8: {  	[tilespmem:$0x8AF0] =	vst v0  }
0xa9: {  	[tilespmem:$0x8B00] =	vst v0  }
0xaa: {  	[tilespmem:$0x8B10] =	vst v0  }
0xab: {  	[tilespmem:$0x8B20] =	vst v0  }
0xac: {  	[tilespmem:$0x8B30] =	vst v0  }
0xad: {  	[tilespmem:$0x8B40] =	vst v0  }
0xae: {  	[tilespmem:$0x8B50] =	vst v0  }
0xaf: {  	[tilespmem:$0x8B60] =	vst v0  }
0xb0: {  	[tilespmem:$0x8B70] =	vst v0  }
0xb1: {  	[tilespmem:$0x8B80] =	vst v0  }
0xb2: {  	[tilespmem:$0x8B90] =	vst v0  }
0xb3: {  	[tilespmem:$0x8BA0] =	vst v0  }
0xb4: {  	[tilespmem:$0x8BB0] =	vst v0  }
0xb5: {  	[tilespmem:$0x8BC0] =	vst v0  }
0xb6: {  	[tilespmem:$0x8BD0] =	vst v0  }
0xb7: {  	[tilespmem:$0x8BE0] =	vst v0  }
0xb8: {  	[tilespmem:$0x8BF0] =	vst v0;
	s10 =	rddreg [dreg:$0x9]  }
0xb9: {  	[spmem:s6] =	stream.linear.scatter [tilespmem:s31], [sflag:$0x5], $0x800, $0x38;
	[tilespmem:$0x1CC00] =	vst v63  }
0xba: {  	s14 =	rddreg [dreg:$0xa]  }
0xbb: {  	[spmem:s10] =	stream.linear.scatter [tilespmem:s31], [sflag:$0x6], $0x800, $0x38;
	[tilespmem:$0x1CC00] =	vst v63  }
0xbc: {  	s15 =	rddreg [dreg:$0xb]  }
0xbd: {  	[spmem:s14] =	stream.linear.scatter [tilespmem:s31], [sflag:$0x5], $0x800, $0x38;
	[tilespmem:$0x1CC00] =	vst v63  }
0xbe: {  	s16 =	rddreg [dreg:$0xc]  }
0xbf: {  	[spmem:s15] =	stream.linear.scatter [tilespmem:s31], [sflag:$0x6], $0x800, $0x38;
	[tilespmem:$0x1CC00] =	vst v63  }
0xc0: {  	s17 =	rddreg [dreg:$0xd]  }
0xc1: {  	[spmem:s16] =	stream.linear.scatter [tilespmem:s31], [sflag:$0x5], $0x800, $0x38;
	[tilespmem:$0x1CC00] =	vst v63  }
0xc2: {  	s18 =	rddreg [dreg:$0xe]  }
0xc3: {  	[spmem:s17] =	stream.linear.scatter [tilespmem:s31], [sflag:$0x6], $0x800, $0x38;
	[tilespmem:$0x1CC00] =	vst v63  }
0xc4: {  	s19 =	rddreg [dreg:$0xf]  }
0xc5: {  	[spmem:s18] =	stream.linear.scatter [tilespmem:s31], [sflag:$0x5], $0x800, $0x38;
	[tilespmem:$0x1CC00] =	vst v63  }
0xc6: {  	s20 =	rddreg [dreg:$0x10]  }
0xc7: {  	[spmem:s19] =	stream.linear.scatter [tilespmem:s31], [sflag:$0x6], $0x800, $0x38;
	[tilespmem:$0x1CC00] =	vst v63  }
0xc8: {  	s11 =	rddreg [dreg:$0x11]  }
0xc9: {  	[spmem:s20] =	stream.linear.scatter [tilespmem:s31], [sflag:$0x5], $0x800, $0x38;
	[tilespmem:$0x1CC00] =	vst v63  }
0xca: {  	s12 =	rddreg [dreg:$0x1c]  }
0xcb: {  	[spmem:s11] =	stream.linear.scatter [tilespmem:s31], [sflag:$0x6], $0x800, $0x38;
	[tilespmem:$0x1CC00] =	vst v63  }
0xcc: {  	s13 =	rddreg [dreg:$0x1d]  }
0xcd: {  	[spmem:s12] =	stream.linear.scatter [tilespmem:s31], [sflag:$0x5], $0x800, $0x38;
	[tilespmem:$0x1CC00] =	vst v63  }
0xce: {  	s14 =	rddreg [dreg:$0x1e]  }
0xcf: {  	[spmem:s13] =	stream.linear.scatter [tilespmem:s31], [sflag:$0x6], $0x800, $0x38;
	[tilespmem:$0x1CC00] =	vst v63  }
0xd0: {  	s15 =	rddreg [dreg:$0x1f]  }
0xd1: {  	[spmem:s14] =	stream.linear.scatter [tilespmem:s31], [sflag:$0x5], $0x800, $0x38;
	[tilespmem:$0x1CC00] =	vst v63  }
0xd2: {  	s16 =	sld [smem:$0x7ED]  }
0xd3: {  	[spmem:s15] =	stream.linear.scatter [tilespmem:s31], [sflag:$0x6], $0x800, $0x38;
	[tilespmem:$0x1CC00] =	vst v63  }
0xd4: {  	s17 =	sld [smem:$0x7EE]  }
0xd5: {  	[spmem:s16] =	stream.linear.scatter [tilespmem:s31], [sflag:$0x5], $0x800, $0x38;
	[tilespmem:$0x1CC00] =	vst v63  }
0xd6: {  	s18 =	sld [smem:$0x7EF]  }
0xd7: {  	[spmem:s17] =	stream.linear.scatter [tilespmem:s31], [sflag:$0x6], $0x800, $0x38;
	[tilespmem:$0x1CC00] =	vst v63  }
0xd8: {  	s19 =	sld [smem:$0x7F0]  }
0xd9: {  	[spmem:s18] =	stream.linear.scatter [tilespmem:s31], [sflag:$0x5], $0x800, $0x38;
	[tilespmem:$0x1CC00] =	vst v63  }
0xda: {  	s20 =	sld [smem:$0x7F1]  }
0xdb: {  	[spmem:s19] =	stream.linear.scatter [tilespmem:s31], [sflag:$0x6], $0x800, $0x38;
	[tilespmem:$0x1CC00] =	vst v63  }
0xdc: {  	s11 =	sld [smem:$0x7F2]  }
0xdd: {  	[spmem:s20] =	stream.linear.scatter [tilespmem:s31], [sflag:$0x5], $0x800, $0x38;
	[tilespmem:$0x1CC00] =	vst v63  }
0xde: {  	s12 =	sld [smem:$0x7F3]  }
0xdf: {  	[spmem:s11] =	stream.linear.scatter [tilespmem:s31], [sflag:$0x6], $0x800, $0x38;
	[tilespmem:$0x1CC00] =	vst v63  }
0xe0: {  	s13 =	sld [smem:$0x7F4]  }
0xe1: {  	[spmem:s12] =	stream.linear.scatter [tilespmem:s31], [sflag:$0x5], $0x800, $0x38;
	[tilespmem:$0x1CC00] =	vst v63  }
0xe2: {  	s14 =	sld [smem:$0x7F5]  }
0xe3: {  	[spmem:s13] =	stream.linear.scatter [tilespmem:s31], [sflag:$0x6], $0x800, $0x38;
	[tilespmem:$0x1CC00] =	vst v63  }
0xe4: {  	s15 =	sld [smem:$0x7F6]  }
0xe5: {  	[spmem:s14] =	stream.linear.scatter [tilespmem:s31], [sflag:$0x5], $0x800, $0x38;
	[tilespmem:$0x1CC00] =	vst v63  }
0xe6: {  	s16 =	sld [smem:$0x7F7]  }
0xe7: {  	[spmem:s15] =	stream.linear.scatter [tilespmem:s31], [sflag:$0x6], $0x800, $0x38;
	[tilespmem:$0x1CC00] =	vst v63  }
0xe8: {  	s17 =	sld [smem:$0x7F8]  }
0xe9: {  	[spmem:s16] =	stream.linear.scatter [tilespmem:s31], [sflag:$0x5], $0x800, $0x38;
	[tilespmem:$0x1CC00] =	vst v63  }
0xea: {  	s18 =	sld [smem:$0x7F9]  }
0xeb: {  	[spmem:s17] =	stream.linear.scatter [tilespmem:s31], [sflag:$0x6], $0x800, $0x38;
	[tilespmem:$0x1CC00] =	vst v63  }
0xec: {  	s19 =	sld [smem:$0x7FA]  }
0xed: {  	[spmem:s18] =	stream.linear.scatter [tilespmem:s31], [sflag:$0x5], $0x800, $0x38;
	[tilespmem:$0x1CC00] =	vst v63  }
0xee: {  	s20 =	sld [smem:$0x7FB]  }
0xef: {  	[spmem:s19] =	stream.linear.scatter [tilespmem:s31], [sflag:$0x6], $0x800, $0x38;
	[tilespmem:$0x1CC00] =	vst v63  }
0xf0: {  	s11 =	sld [smem:$0x7FC]  }
0xf1: {  	[spmem:s20] =	stream.linear.scatter [tilespmem:s31], [sflag:$0x5], $0x800, $0x38;
	[tilespmem:$0x1CC00] =	vst v63  }
0xf2: {  	s12 =	sld [smem:$0x7FD]  }
0xf3: {  	[spmem:s11] =	stream.linear.scatter [tilespmem:s31], [sflag:$0x6], $0x800, $0x38;
	[tilespmem:$0x1CC00] =	vst v63  }
0xf4: {  	_ = 	snop  }
0xf5: {  	[spmem:s12] =	stream.linear.scatter [tilespmem:s31], [sflag:$0x5], $0x800, $0x38;
	[tilespmem:$0x1CC00] =	vst v63  }
0xf6: {  	_ = 	snop  }
0xf7: {  	[spmem:s21] =	stream.linear.scatter [tilespmem:s31], [sflag:$0x6], $0x800, $0x38;
	[tilespmem:$0x1CC00] =	vst v63  }
0xf8: {  	_ = 	snop  }
0xf9: {  	[spmem:s26] =	stream.linear.scatter [tilespmem:s31], [sflag:$0x5], $0x800, $0x38;
	[tilespmem:$0x1CC00] =	vst v63  }
0xfa: {  	_ = 	snop  }
0xfb: {  	[spmem:s22] =	stream.linear.scatter [tilespmem:s31], [sflag:$0x6], $0x800, $0x38;
	[tilespmem:$0x1CC00] =	vst v63  }
0xfc: {  	_ = 	snop  }
0xfd: {  	[spmem:s28] =	stream.linear.scatter [tilespmem:s31], [sflag:$0x5], $0x800, $0x38;
	[tilespmem:$0x1CC00] =	vst v63  }
0xfe: {  	_ = 	snop  }
0xff: {  	[spmem:s23] =	stream.linear.scatter [tilespmem:s31], [sflag:$0x6], $0x800, $0x38;
	[tilespmem:$0x1CC00] =	vst v63  }
0x100: {  	_ = 	snop  }
0x101: {  	[spmem:s29] =	stream.linear.scatter [tilespmem:s31], [sflag:$0x5], $0x800, $0x38;
	[tilespmem:$0x1CC00] =	vst v63  }
0x102: {  	_ = 	snop  }
0x103: {  	[spmem:s24] =	stream.linear.scatter [tilespmem:s31], [sflag:$0x6], $0x800, $0x38;
	[tilespmem:$0x1CC00] =	vst v63  }
0x104: {  	_ = 	snop  }
0x105: {  	[spmem:s30] =	stream.linear.scatter [tilespmem:s31], [sflag:$0x5], $0x800, $0x38;
	[tilespmem:$0x1CC00] =	vst v63  }
0x106: {  	_ = 	snop  }
0x107: {  	[spmem:s25] =	stream.linear.scatter [tilespmem:s31], [sflag:$0x6], $0x800, $0x38;
	[tilespmem:$0x1CC00] =	vst v63  }
0x108: {  	_ =	swait.ge [sflag:s2], $0x800  }
0x109: {  	[sflag:s2] =	ssyncset.done $0x0  }
0x10a: {  	[sflag:s2] =	ssyncadd.s32 $0xFFFFF800  }
0x10b: {  	_ =	swait.ge [sflag:s1], $0x800  }
0x10c: {  	[sflag:s1] =	ssyncset.done $0x0  }
0x10d: {  	[sflag:s1] =	ssyncadd.s32 $0xFFFFF800  }
0x10e: {  	_ =	swait.ge [sflag:s2], $0x800  }
0x10f: {  	[sflag:s2] =	ssyncset.done $0x0  }
0x110: {  	[sflag:s2] =	ssyncadd.s32 $0xFFFFF800  }
0x111: {  	_ =	swait.ge [sflag:s1], $0x800  }
0x112: {  	[sflag:s1] =	ssyncset.done $0x0  }
0x113: {  	[sflag:s1] =	ssyncadd.s32 $0xFFFFF800  }
0x114: {  	_ =	swait.ge [sflag:s2], $0x800  }
0x115: {  	[sflag:s2] =	ssyncset.done $0x0  }
0x116: {  	[sflag:s2] =	ssyncadd.s32 $0xFFFFF800  }
0x117: {  	_ =	swait.ge [sflag:s1], $0x800  }
0x118: {  	[sflag:s1] =	ssyncset.done $0x0  }
0x119: {  	[sflag:s1] =	ssyncadd.s32 $0xFFFFF800  }
0x11a: {  	_ =	swait.ge [sflag:s2], $0x800  }
0x11b: {  	[sflag:s2] =	ssyncset.done $0x0  }
0x11c: {  	[sflag:s2] =	ssyncadd.s32 $0xFFFFF800  }
0x11d: {  	_ =	swait.ge [sflag:s1], $0x800  }
0x11e: {  	[sflag:s1] =	ssyncset.done $0x0  }
0x11f: {  	[sflag:s1] =	ssyncadd.s32 $0xFFFFF800  }
0x120: {  	_ =	swait.ge [sflag:s2], $0x800  }
0x121: {  	[sflag:s2] =	ssyncset.done $0x0  }
0x122: {  	[sflag:s2] =	ssyncadd.s32 $0xFFFFF800  }
0x123: {  	_ =	swait.ge [sflag:s1], $0x800  }
0x124: {  	[sflag:s1] =	ssyncset.done $0x0  }
0x125: {  	[sflag:s1] =	ssyncadd.s32 $0xFFFFF800  }
0x126: {  	_ =	swait.ge [sflag:s2], $0x800  }
0x127: {  	[sflag:s2] =	ssyncset.done $0x0  }
0x128: {  	[sflag:s2] =	ssyncadd.s32 $0xFFFFF800  }
0x129: {  	_ =	swait.ge [sflag:s1], $0x800  }
0x12a: {  	[sflag:s1] =	ssyncset.done $0x0  }
0x12b: {  	[sflag:s1] =	ssyncadd.s32 $0xFFFFF800  }
0x12c: {  	_ =	swait.ge [sflag:s2], $0x800  }
0x12d: {  	[sflag:s2] =	ssyncset.done $0x0  }
0x12e: {  	[sflag:s2] =	ssyncadd.s32 $0xFFFFF800  }
0x12f: {  	_ =	swait.ge [sflag:s1], $0x800  }
0x130: {  	[sflag:s1] =	ssyncset.done $0x0  }
0x131: {  	[sflag:s1] =	ssyncadd.s32 $0xFFFFF800  }
0x132: {  	_ =	swait.ge [sflag:s2], $0x800  }
0x133: {  	[sflag:s2] =	ssyncset.done $0x0  }
0x134: {  	[sflag:s2] =	ssyncadd.s32 $0xFFFFF800  }
0x135: {  	_ =	swait.ge [sflag:s1], $0x800  }
0x136: {  	[sflag:s1] =	ssyncset.done $0x0  }
0x137: {  	[sflag:s1] =	ssyncadd.s32 $0xFFFFF800  }
0x138: {  	_ =	swait.ge [sflag:s2], $0x800  }
0x139: {  	[sflag:s2] =	ssyncset.done $0x0  }
0x13a: {  	[sflag:s2] =	ssyncadd.s32 $0xFFFFF800  }
0x13b: {  	_ =	swait.ge [sflag:s1], $0x800  }
0x13c: {  	[sflag:s1] =	ssyncset.done $0x0  }
0x13d: {  	[sflag:s1] =	ssyncadd.s32 $0xFFFFF800  }
0x13e: {  	_ =	swait.ge [sflag:s2], $0x800  }
0x13f: {  	[sflag:s2] =	ssyncset.done $0x0  }
0x140: {  	[sflag:s2] =	ssyncadd.s32 $0xFFFFF800  }
0x141: {  	_ =	swait.ge [sflag:s1], $0x800  }
0x142: {  	[sflag:s1] =	ssyncset.done $0x0  }
0x143: {  	[sflag:s1] =	ssyncadd.s32 $0xFFFFF800  }
0x144: {  	_ =	swait.ge [sflag:s2], $0x800  }
0x145: {  	[sflag:s2] =	ssyncset.done $0x0  }
0x146: {  	[sflag:s2] =	ssyncadd.s32 $0xFFFFF800  }
0x147: {  	_ =	swait.ge [sflag:s1], $0x800  }
0x148: {  	[sflag:s1] =	ssyncset.done $0x0  }
0x149: {  	[sflag:s1] =	ssyncadd.s32 $0xFFFFF800  }
0x14a: {  	_ =	swait.ge [sflag:s2], $0x800  }
0x14b: {  	[sflag:s2] =	ssyncset.done $0x0  }
0x14c: {  	[sflag:s2] =	ssyncadd.s32 $0xFFFFF800  }
0x14d: {  	_ =	swait.ge [sflag:s1], $0x800  }
0x14e: {  	[sflag:s1] =	ssyncset.done $0x0  }
0x14f: {  	[sflag:s1] =	ssyncadd.s32 $0xFFFFF800  }
0x150: {  	_ =	swait.ge [sflag:s2], $0x800  }
0x151: {  	[sflag:s2] =	ssyncset.done $0x0  }
0x152: {  	[sflag:s2] =	ssyncadd.s32 $0xFFFFF800  }
0x153: {  	_ =	swait.ge [sflag:s1], $0x800  }
0x154: {  	[sflag:s1] =	ssyncset.done $0x0  }
0x155: {  	[sflag:s1] =	ssyncadd.s32 $0xFFFFF800  }
0x156: {  	_ =	swait.ge [sflag:s2], $0x800  }
0x157: {  	[sflag:s2] =	ssyncset.done $0x0  }
0x158: {  	[sflag:s2] =	ssyncadd.s32 $0xFFFFF800  }
0x159: {  	_ =	swait.ge [sflag:s1], $0x800  }
0x15a: {  	[sflag:s1] =	ssyncset.done $0x0  }
0x15b: {  	[sflag:s1] =	ssyncadd.s32 $0xFFFFF800  }
0x15c: {  	_ =	swait.ge [sflag:s2], $0x800  }
0x15d: {  	[sflag:s2] =	ssyncset.done $0x0  }
0x15e: {  	[sflag:s2] =	ssyncadd.s32 $0xFFFFF800  }
0x15f: {  	_ =	swait.ge [sflag:s1], $0x800  }
0x160: {  	[sflag:s1] =	ssyncset.done $0x0  }
0x161: {  	[sflag:s1] =	ssyncadd.s32 $0xFFFFF800  }
0x162: {  	_ =	swait.ge [sflag:s2], $0x800  }
0x163: {  	[sflag:s2] =	ssyncset.done $0x0  }
0x164: {  	[sflag:s2] =	ssyncadd.s32 $0xFFFFF800  }
0x165: {  	_ =	swait.ge [sflag:s1], $0x800  }
0x166: {  	[sflag:s1] =	ssyncset.done $0x0  }
0x167: {  	[sflag:s1] =	ssyncadd.s32 $0xFFFFF800  }
0x168: {  	_ =	swait.ge [sflag:s2], $0x800  }
0x169: {  	[sflag:s2] =	ssyncset.done $0x0  }
0x16a: {  	[sflag:s2] =	ssyncadd.s32 $0xFFFFF800  }
0x16b: {  	_ =	swait.ge [sflag:s1], $0x800  }
0x16c: {  	[sflag:s1] =	ssyncset.done $0x0  }
0x16d: {  	[sflag:s1] =	ssyncadd.s32 $0xFFFFF800  }
0x16e: {  	_ =	swait.ge [sflag:s2], $0x800  }
0x16f: {  	[sflag:s2] =	ssyncset.done $0x0  }
0x170: {  	[sflag:s2] =	ssyncadd.s32 $0xFFFFF800  }
0x171: {  	_ =	swait.ge [sflag:s1], $0x800  }
0x172: {  	[sflag:s1] =	ssyncset.done $0x0  }
0x173: {  	[sflag:s1] =	ssyncadd.s32 $0xFFFFF800  }
0x174: {  	_ =	swait.ge [sflag:s2], $0x800  }
0x175: {  	[sflag:s2] =	ssyncset.done $0x0  }
0x176: {  	[sflag:s2] =	ssyncadd.s32 $0xFFFFF800  }
0x177: {  	_ =	swait.ge [sflag:s1], $0x800  }
0x178: {  	[sflag:s1] =	ssyncset.done $0x0  }
0x179: {  	[sflag:s1] =	ssyncadd.s32 $0xFFFFF800  }
0x17a: {  	_ =	swait.ge [sflag:s2], $0x800  }
0x17b: {  	[sflag:s2] =	ssyncset.done $0x0  }
0x17c: {  	[sflag:s2] =	ssyncadd.s32 $0xFFFFF800  }
0x17d: {  	_ =	swait.ge [sflag:s1], $0x800  }
0x17e: {  	[sflag:s1] =	ssyncset.done $0x0  }
0x17f: {  	[sflag:s1] =	ssyncadd.s32 $0xFFFFF800  }
0x180: {  	[bflag:$0x0] =	sbarrier.arrive $0xFFFF  }
0x181: {  	s13 =	rddreg [dreg:$0x12]  }
0x182: {  	[tilespmem:s4], [sflag:$0x1] =	stream.linear.gather [hbm4b:s13+s4], $0x100, $0x38;
	[tilespmem:$0x1CC00] =	vst v63  }
0x183: {  	s11 =	simm.s32 $0x100;
	s14 =	rddreg [dreg:$0x13]  }
0x184: {  	[tilespmem:s11], [sflag:$0x2] =	stream.linear.gather [hbm4b:s14+s4], $0x100, $0x38;
	[tilespmem:$0x1CC00] =	vst v63  }
0x185: {  	s16 =	simm.s32 $0x200;
	s15 =	rddreg [dreg:$0x14]  }
0x186: {  	[tilespmem:s16], [sflag:$0x3] =	stream.linear.gather [hbm4b:s15+s4], $0x100, $0x38;
	[tilespmem:$0x1CC00] =	vst v63  }
0x187: {  	s18 =	simm.s32 $0x300;
	s17 =	rddreg [dreg:$0x15]  }
0x188: {  	[tilespmem:s18], [sflag:$0x4] =	stream.linear.gather [hbm4b:s17+s4], $0x100, $0x38;
	[tilespmem:$0x1CC00] =	vst v63  }
0x189: {  	_ =	swait.ge [sflag:s7], $0x100  }
0x18a: {  	s10 =	rddreg [dreg:$0x1b]  }
0x18b: {  	s19 =	simm.s32 $0x80;
	s11 =	rddreg [dreg:$0x1a]  }
0x18c: {  	s20 =	simm.s32 $0x400;
	[sflag:s7] =	ssyncset.done $0x0;
	s12 =	rddreg [dreg:$0x19]  }
0x18d: {  	s14 =	simm.s32 $0x0;
	s13 =	rddreg [dreg:$0x18];
	[sflag:s7] =	ssyncadd.s32 $0xFFFFFF00  }
0x18e: {  	[tilespmem:s20], [sflag:$0x5] =	stream.indirect.gather [hbm4b:s0+s19], $0x80, s4, s19, $0xb8;
	[tilespmem:$0x1CC00] =	vst v63  }
.LBB2_2:
0x18f: {  	s15 =	rddreg [dreg:$0x5]  }
0x190: {  	p0 =	sge.u32 s14, s15  }
0x191: {  	s15 =	simm.s32 @!p0 $0x2  }
0x192: {  	_ =	swait.ge @!p0 [sflag:s15], $0x100  }
0x193: {  	p1 =	sge.u32 s14, s5;
	s16 =	simm.s32 @!p0 $0x100;
	[sflag:s15] =	ssyncset.done @!p0 $0x0  }
0x194: {  	s17 =	simm.s32 @!p0 $0x4400;
	[sflag:s15] =	ssyncadd.s32 @!p0 $0xFFFFFF00;
	s15 =	simm.s32 @!p0 $0x80  }
0x195: {  	[tilespmem:s17], [sflag:$0x6] =	stream.indirect.gather @!p0 [hbm4b:s0+s15], $0x80, s16, s15, $0xb8;
	[tilespmem:$0x1CC00] =	vst v63  }
0x196: {  	s16 =	simm.s32 @!p1 $0x5  }
0x197: {  	_ =	swait.ge @!p1 [sflag:s16], $0x4000  }
0x198: {  	[sflag:s16] =	ssyncset.done @!p1 $0x0  }
0x199: {  	s18 =	simm.s32 @!p1 $0x400;
	[sflag:s16] =	ssyncadd.s32 @!p1 $0xFFFFC000;
	s16 =	simm.s32 @!p1 $0x80  }
0x19a: {  	[spmem:s3] =	stream.indirect.scatter.add.f32 @!p1 [tilespmem:s18], [sflag:$0x7], $0x80, s16, s16, $0xb8;
	[tilespmem:$0x1CC00] =	vst v63  }
0x19b: {  	s16 =	simm.s32 @!p1 $0x7;
	s18 =	sadd.s32 @!p1 $0x4, s14  }
0x19c: {  	_ =	swait.ge @!p1 [sflag:s16], $0x4000;
	p2 =	sge.u32 @!p1 s18, s5  }
0x19d: {  	[sflag:s16] =	ssyncset.done @!p1 $0x0;
	p2 =	por p2, p1;
	s19 =	rddreg [dreg:$0x6]  }
0x19e: {  	[sflag:s16] =	ssyncadd.s32 @!p1 $0xFFFFC000;
	s16 =	simm.s32 @!p2 $0x0;
	p1 =	sge.u32 s14, s19  }
0x19f: {  	[tilespmem:s16], [sflag:$0x1] =	stream.linear.gather @!p2 [hbm4b:s10+s16], $0x100, $0x38;
	[tilespmem:$0x1CC00] =	vst v63  }
0x1a0: {  	s16 =	simm.s32 @!p1 $0x3  }
0x1a1: {  	_ =	swait.ge @!p1 [sflag:s16], $0x100  }
0x1a2: {  	s18 =	simm.s32 @!p1 $0x200;
	[sflag:s16] =	ssyncset.done @!p1 $0x0  }
0x1a3: {  	s19 =	simm.s32 @!p1 $0x400;
	[sflag:s16] =	ssyncadd.s32 @!p1 $0xFFFFFF00;
	s16 =	simm.s32 @!p1 $0x80  }
0x1a4: {  	[tilespmem:s19], [sflag:$0x5] =	stream.indirect.gather @!p1 [hbm4b:s0+s16], $0x80, s18, s16, $0xb8;
	[tilespmem:$0x1CC00] =	vst v63  }
0x1a5: {  	s18 =	simm.s32 @!p0 $0x6  }
0x1a6: {  	_ =	swait.ge @!p0 [sflag:s18], $0x4000  }
0x1a7: {  	[sflag:s18] =	ssyncset.done @!p0 $0x0  }
0x1a8: {  	[sflag:s18] =	ssyncadd.s32 @!p0 $0xFFFFC000;
	s18 =	simm.s32 @!p0 $0x180  }
0x1a9: {  	[spmem:s3] =	stream.indirect.scatter.add.f32 @!p0 [tilespmem:s17], [sflag:$0x7], $0x80, s18, s15, $0xb8;
	[tilespmem:$0x1CC00] =	vst v63  }
0x1aa: {  	s15 =	simm.s32 @!p0 $0x7  }
0x1ab: {  	s17 =	sadd.s32 @!p0 $0x5, s14;
	_ =	swait.ge @!p0 [sflag:s15], $0x4000  }
0x1ac: {  	p2 =	sge.u32 @!p0 s17, s5;
	[sflag:s15] =	ssyncset.done @!p0 $0x0  }
0x1ad: {  	p2 =	por p2, p0;
	s20 =	rddreg [dreg:$0x7];
	[sflag:s15] =	ssyncadd.s32 @!p0 $0xFFFFC000  }
0x1ae: {  	s15 =	simm.s32 @!p2 $0x0;
	s18 =	simm.s32 @!p2 $0x100;
	p0 =	sge.u32 s14, s20  }
0x1af: {  	[tilespmem:s18], [sflag:$0x2] =	stream.linear.gather @!p2 [hbm4b:s11+s15], $0x100, $0x38;
	[tilespmem:$0x1CC00] =	vst v63  }
0x1b0: {  	s15 =	simm.s32 @!p0 $0x4  }
0x1b1: {  	_ =	swait.ge @!p0 [sflag:s15], $0x100  }
0x1b2: {  	s17 =	simm.s32 @!p0 $0x300;
	[sflag:s15] =	ssyncset.done @!p0 $0x0  }
0x1b3: {  	s18 =	simm.s32 @!p0 $0x4400;
	[sflag:s15] =	ssyncadd.s32 @!p0 $0xFFFFFF00;
	s15 =	simm.s32 @!p0 $0x80  }
0x1b4: {  	[tilespmem:s18], [sflag:$0x6] =	stream.indirect.gather @!p0 [hbm4b:s0+s15], $0x80, s17, s15, $0xb8;
	[tilespmem:$0x1CC00] =	vst v63  }
0x1b5: {  	s17 =	simm.s32 @!p1 $0x5  }
0x1b6: {  	_ =	swait.ge @!p1 [sflag:s17], $0x4000  }
0x1b7: {  	[sflag:s17] =	ssyncset.done @!p1 $0x0  }
0x1b8: {  	[sflag:s17] =	ssyncadd.s32 @!p1 $0xFFFFC000;
	s17 =	simm.s32 @!p1 $0x280  }
0x1b9: {  	[spmem:s3] =	stream.indirect.scatter.add.f32 @!p1 [tilespmem:s19], [sflag:$0x7], $0x80, s17, s16, $0xb8;
	[tilespmem:$0x1CC00] =	vst v63  }
0x1ba: {  	s16 =	simm.s32 @!p1 $0x7;
	s17 =	sadd.s32 @!p1 $0x6, s14  }
0x1bb: {  	_ =	swait.ge @!p1 [sflag:s16], $0x4000;
	p2 =	sge.u32 @!p1 s17, s5  }
0x1bc: {  	[sflag:s16] =	ssyncset.done @!p1 $0x0;
	p2 =	por p2, p1  }
0x1bd: {  	[sflag:s16] =	ssyncadd.s32 @!p1 $0xFFFFC000;
	s16 =	simm.s32 @!p2 $0x0;
	s17 =	simm.s32 @!p2 $0x200  }
0x1be: {  	[tilespmem:s17], [sflag:$0x3] =	stream.linear.gather @!p2 [hbm4b:s12+s16], $0x100, $0x38;
	[tilespmem:$0x1CC00] =	vst v63  }
0x1bf: {  	s16 =	sadd.s32 $0x4, s14  }
0x1c0: {  	p1 =	sge.u32 s16, s5  }
0x1c1: {  	s17 =	simm.s32 @!p1 $0x1  }
0x1c2: {  	_ =	swait.ge @!p1 [sflag:s17], $0x100  }
0x1c3: {  	s19 =	simm.s32 @!p1 $0x0;
	[sflag:s17] =	ssyncset.done @!p1 $0x0  }
0x1c4: {  	s20 =	simm.s32 @!p1 $0x400;
	[sflag:s17] =	ssyncadd.s32 @!p1 $0xFFFFFF00;
	s17 =	simm.s32 @!p1 $0x80  }
0x1c5: {  	[tilespmem:s20], [sflag:$0x5] =	stream.indirect.gather @!p1 [hbm4b:s0+s17], $0x80, s19, s17, $0xb8;
	[tilespmem:$0x1CC00] =	vst v63  }
0x1c6: {  	s17 =	simm.s32 @!p0 $0x6  }
0x1c7: {  	_ =	swait.ge @!p0 [sflag:s17], $0x4000  }
0x1c8: {  	[sflag:s17] =	ssyncset.done @!p0 $0x0  }
0x1c9: {  	[sflag:s17] =	ssyncadd.s32 @!p0 $0xFFFFC000;
	s17 =	simm.s32 @!p0 $0x380  }
0x1ca: {  	[spmem:s3] =	stream.indirect.scatter.add.f32 @!p0 [tilespmem:s18], [sflag:$0x7], $0x80, s17, s15, $0xb8;
	[tilespmem:$0x1CC00] =	vst v63  }
0x1cb: {  	s15 =	simm.s32 @!p0 $0x7  }
0x1cc: {  	s14 =	sadd.s32 @!p0 $0x7, s14;
	_ =	swait.ge @!p0 [sflag:s15], $0x4000  }
0x1cd: {  	p1 =	sge.u32 @!p0 s14, s5;
	[sflag:s15] =	ssyncset.done @!p0 $0x0;
	s20 =	rddreg [dreg:$0x8]  }
0x1ce: {  	p1 =	por p1, p0;
	[sflag:s15] =	ssyncadd.s32 @!p0 $0xFFFFC000;
	p0 =	sne.s32 s20, s16  }
.Ltmp0:
0x1cf: {  	_ = 	snop;
	(pc) =	sbr.rel @p0 .LBB2_2-.Ltmp0, $4  }
0x1d0: {  	s10 =	sadd.s32 $0x80, s10  }
0x1d1: {  	s11 =	sadd.s32 $0x80, s11;
	s17 =	simm.s32 @!p1 $0x300;
	s15 =	simm.s32 @!p1 $0x0  }
0x1d2: {  	[tilespmem:s17], [sflag:$0x4] =	stream.linear.gather @!p1 [hbm4b:s13+s15], $0x100, $0x38;
	[tilespmem:$0x1CC00] =	vst v63  }
0x1d3: {  	s12 =	sadd.s32 $0x80, s12;
	s14 =	smov.u32 s16;
	s13 =	sadd.s32 $0x80, s13  }
0x1d4: {  	s10 =	stileid.u32  }
0x1d5: {  	[bflag:$0x0] =	sbarrier.arrive $0xFFFF;
	s10 =	sshll.u32 s10, $0x6  }
0x1d6: {  	s11 =	sshrl.u32 s6, $0x3;
	s12 =	rddreg [dreg:$0x16];
	s10 =	sor.u32 $0x1C07, s10  }
0x1d7: {  	[hbm:s12], [sflag:s10] =	dma.local [spmem:s11], $0x2800  }
0x1d8: {  	_ =	swait.ge [sflag:s8], $0x2800  }
0x1d9: {  	s9 =	sadd.s32 $0x1, s9;
	s20 =	rddreg [dreg:$0x17]  }
0x1da: {  	p0 =	sne.s32 s9, s20  }
.Ltmp1:
0x1db: {  	_ = 	snop;
	(pc) =	sbr.rel @p0 .LBB2_1-.Ltmp1, $3  }
0x1dc: {  	_ =	sdelay $0x1  }
0x1dd: {  	[sflag:s8] =	ssyncset.done $0x0  }
0x1de: {  	[sflag:s8] =	ssyncadd.s32 $0xFFFFD800  }
0x1df: {  	_ =	sfence.sel $0x180000  }
0x1e0: {  	[bflag:$0x0] =	sbarrier.arrive $0xFFFF  }
0x1e1: {  	_ =	strace $0x9000004A  }
0x1e2: {  	s0 =	stileid.u32;
	[bflag:$0x2] =	sbarrier.arrive $0xFFFF  }
0x1e3: {  	p0 =	sne.s32 s0, $0x0;
	s0 =	rddreg [dreg:$0x4]  }
0x1e4: {  	s0 =	sadd.s32 @!p0 $0x100000, s0  }
0x1e5: {  	[sflag:s0] =	ssyncadd.tile.s32 @!p0 $0x1;
	_ =	shalt  }
.Lfunc_end2:
_tile_overlayer_lowered:
.L_overlay_start_2:
0x1e6: {  	(tag) =	ssettag $0x2  }
0x1e7: {  	s0 =	rddreg [dreg:$0x0];
	s2 =	stileid.u32  }
0x1e8: {  	s1 =	rddreg [dreg:$0x1];
	p0 =	sne.s32 s2, $0x0  }
0x1e9: {  	s3 =	rddreg [dreg:$0x2];
	[bflag:$0x3] =	sbarrier.arrive $0xFFFF;
	s2 =	simm.s32 @!p0 $0x1C07  }
0x1ea: {  	[timem:s3], [sflag:s2] =	dma.local @!p0 [hbm:s0], s1  }
0x1eb: {  	s0 =	simm.s32 @!p0 $0x7  }
0x1ec: {  	_ =	swait.ge @!p0 [sflag:s0], s1  }
0x1ed: {  	s1 =	ssub.s32 @!p0 $0x0, s1;
	[sflag:s0] =	ssyncset.done @!p0 $0x0  }
0x1ee: {  	[sflag:s0] =	ssyncadd.s32 @!p0 s1  }
0x1ef: {  	[bflag:$0x3] =	sbarrier.arrive $0xFFFF  }
0x1f0: {  	_ =	shalt  }

// kernel: kernel.7.cloned.1.call-start
scs
__scs_entry_jumppad:
0x0: {  	(pc) =	sbr.rel $0x88, $3  }
0x1: {  	(tag) =	ssettag $0x0;
	lr =	simm.s32 $0x1  }
0x2: {  	[smem:$0x3F9D] =	sst lr;
	_ =	strace $0xD0000000  }
0x3: {  	_ = 	snop  }
0x4: {  	_ = 	snop  }
0x5: {  	_ = 	snop  }
0x6: {  	_ = 	snop  }
0x7: {  	_ = 	snop  }
__scs_overlays_trampoline_lowered:
0x8: {  	[smem:$0x3FAC] =	sst s0  }
0x9: {  	[smem:$0x3FAD] =	sst s1  }
0xa: {  	[smem:$0x3FAE] =	sst s2  }
0xb: {  	[smem:$0x3FAF] =	sst s3  }
0xc: {  	[smem:$0x3FB0] =	sst s4  }
0xd: {  	[smem:$0x3FB1] =	sst s5  }
0xe: {  	[smem:$0x3FB2] =	sst s6  }
0xf: {  	[smem:$0x3FB3] =	sst s7  }
0x10: {  	[smem:$0x3FB4] =	sst s8  }
0x11: {  	[smem:$0x3FB5] =	sst s9;
	s0 =	simm.s32 @!p0 $0x0  }
0x12: {  	s1 =	sld [smem:$0x3F9B];
	s0 =	simm.s32 @p0 $0x1  }
0x13: {  	[smem:$0x3FB6] =	sst s0;
	s0 =	simm.s32 @!p1 $0x0  }
0x14: {  	s2 =	sld [smem:$0x3F9A];
	s0 =	simm.s32 @p1 $0x1  }
0x15: {  	[smem:$0x3FB7] =	sst s0;
	s0 =	simm.s32 @!p2 $0x0  }
0x16: {  	s3 =	sld [smem:$0x3FDB];
	s0 =	simm.s32 @p2 $0x1  }
0x17: {  	s4 =	simm.s32 $0x1BF5;
	[smem:$0x3FB9] =	sst s0  }
0x18: {  	s0 =	sld [smem:$0x3F9C];
	_ =	swait.ge [sflag:s4], $0x0  }
0x19: {  	s7 =	sld [smem:$0x3F9D]  }
0x1a: {  	s8 =	sadd.s32 $0xFFFFE003, lr  }
0x1b: {  	s9 =	sadd.s32 $0xFFFFFEF7, lr;
	s5 =	simm.s32 $0xFFFFFFFF;
	p2 =	slt.u32 s8, $0xFFFFF086  }
0x1c: {  	p1 =	slt.u32 s9, $0xF7A;
	s5 =	simm.s32 @!p2 $0x0  }
0x1d: {  	s5 =	simm.s32 @p1 $0x1;
	p0 =	seq.s32 s7, s2  }
0x1e: {  	s7 =	smul.u32 @!p0 $0xF7A, s2;
	p2 =	seq.s32 @!p0 s5, $0x0  }
0x1f: {  	s9 =	smul.u32 $0xF7A, s1;
	s8 =	simm.s32 @!p0 $0x1BF5;
	p2 =	por !p2, p0  }
0x20: {  	[sflag:s8] =	ssyncset.s32 @!p0 $0xFFFFF086;
	s6 =	sadd.s32 @!p0 s3, s7;
	s7 =	simm.s32 @!p0 $0x108  }
0x21: {  	s3 =	sadd.s32 s3, s9;
	s6 =	sadd.s32 @!p0 $0x88, s6;
	s7 =	simm.s32 @p2 $0x1082  }
0x22: {  	[simem:s7], [sflag:s8] =	dma.local @!p0 [hbm:s6], $0xF7A  }
0x23: {  	s9 =	sor.u32 $0xD0000000, s2;
	s6 =	simm.s32 $0x108;
	_ =	swait.ge @!p0 [sflag:s8], $0x0  }
0x24: {  	s3 =	sadd.s32 $0x88, s3;
	s6 =	simm.s32 @!p1 $0x1082;
	[sflag:s4] =	ssyncset.s32 $0xFFFFF086  }
0x25: {  	[simem:s6], [sflag:s4] =	dma.local [hbm:s3], $0xF7A  }
0x26: {  	[smem:$0x3F9D] =	sst s1;
	(tag) =	ssettag s2;
	_ =	strace s9  }
0x27: {  	s1 =	sld [smem:$0x3FAD]  }
0x28: {  	s2 =	sld [smem:$0x3FAE]  }
0x29: {  	s4 =	sld [smem:$0x3FB0]  }
0x2a: {  	p0 =	seq.s32 s5, $0x0;
	s5 =	sld [smem:$0x3FB1]  }
0x2b: {  	s6 =	sld [smem:$0x3FB2]  }
0x2c: {  	s7 =	sld [smem:$0x3FB3]  }
0x2d: {  	s3 =	simm.s32 $0x108;
	s8 =	sld [smem:$0x3FB4]  }
0x2e: {  	s3 =	simm.s32 @!p0 $0x1082;
	s9 =	sld [smem:$0x3FB5]  }
0x2f: {  	lr =	sadd.s32 s0, s3;
	s0 =	sld [smem:$0x3FAC]  }
0x30: {  	s3 =	sld [smem:$0x3FAF]  }
0x31: {  	[smem:$0x3FB8] =	sst s10  }
0x32: {  	s10 =	sld [smem:$0x3FB6];
	_ =	sdelay $0x3  }
0x33: {  	p0 =	seq.s32 s10, $0x1;
	s10 =	sld [smem:$0x3FB8];
	_ =	sdelay $0x3  }
0x34: {  	[smem:$0x3FB8] =	sst s10  }
0x35: {  	s10 =	sld [smem:$0x3FB7];
	_ =	sdelay $0x3  }
0x36: {  	p1 =	seq.s32 s10, $0x1;
	s10 =	sld [smem:$0x3FB8];
	_ =	sdelay $0x3  }
0x37: {  	[smem:$0x3FB8] =	sst s10  }
0x38: {  	s10 =	sld [smem:$0x3FB9]  }
0x39: {  	_ = 	snop;
	(pc) =	sbr.ind lr, $3  }
0x3a: {  	_ = 	snop  }
0x3b: {  	_ = 	snop  }
0x3c: {  	p2 =	seq.s32 s10, $0x1;
	s10 =	sld [smem:$0x3FB8]  }
0x3d: {  	_ =	shalt  }
0x3e: {  	_ =	shalt  }
0x3f: {  	_ =	shalt  }
0x40: {  	_ =	shalt  }
0x41: {  	_ =	shalt  }
0x42: {  	_ =	shalt  }
0x43: {  	_ =	shalt  }
0x44: {  	_ =	shalt  }
0x45: {  	_ =	shalt  }
0x46: {  	_ =	shalt  }
0x47: {  	_ =	shalt  }
0x48: {  	_ =	shalt  }
0x49: {  	_ =	shalt  }
0x4a: {  	_ =	shalt  }
0x4b: {  	_ =	shalt  }
0x4c: {  	_ =	shalt  }
0x4d: {  	_ =	shalt  }
0x4e: {  	_ =	shalt  }
0x4f: {  	_ =	shalt  }
0x50: {  	_ =	shalt  }
0x51: {  	_ =	shalt  }
0x52: {  	_ =	shalt  }
0x53: {  	_ =	shalt  }
0x54: {  	_ =	shalt  }
0x55: {  	_ =	shalt  }
0x56: {  	_ =	shalt  }
0x57: {  	_ =	shalt  }
0x58: {  	_ =	shalt  }
0x59: {  	_ =	shalt  }
0x5a: {  	_ =	shalt  }
0x5b: {  	_ =	shalt  }
0x5c: {  	_ =	shalt  }
0x5d: {  	_ =	shalt  }
0x5e: {  	_ =	shalt  }
0x5f: {  	_ =	shalt  }
0x60: {  	_ =	shalt  }
0x61: {  	_ =	shalt  }
0x62: {  	_ =	shalt  }
0x63: {  	_ =	shalt  }
0x64: {  	_ =	shalt  }
0x65: {  	_ =	shalt  }
0x66: {  	_ =	shalt  }
0x67: {  	_ =	shalt  }
0x68: {  	_ =	shalt  }
0x69: {  	_ =	shalt  }
0x6a: {  	_ =	shalt  }
0x6b: {  	_ =	shalt  }
0x6c: {  	_ =	shalt  }
0x6d: {  	_ =	shalt  }
0x6e: {  	_ =	shalt  }
0x6f: {  	_ =	shalt  }
0x70: {  	_ =	shalt  }
0x71: {  	_ =	shalt  }
0x72: {  	_ =	shalt  }
0x73: {  	_ =	shalt  }
0x74: {  	_ =	shalt  }
0x75: {  	_ =	shalt  }
0x76: {  	_ =	shalt  }
0x77: {  	_ =	shalt  }
0x78: {  	_ =	shalt  }
0x79: {  	_ =	shalt  }
0x7a: {  	_ =	shalt  }
0x7b: {  	_ =	shalt  }
0x7c: {  	_ =	shalt  }
0x7d: {  	_ =	shalt  }
0x7e: {  	_ =	shalt  }
0x7f: {  	_ =	shalt  }
0x80: {  	_ =	shalt  }
0x81: {  	_ =	shalt  }
0x82: {  	_ =	shalt  }
0x83: {  	_ =	shalt  }
0x84: {  	_ =	shalt  }
0x85: {  	_ =	shalt  }
0x86: {  	_ =	shalt  }
0x87: {  	_ =	shalt  }
.Lfunc_end0:
.L_simem_size_0:
called_computation_lowered:
.L_overlay_start_0:
0x88: {  	s2 =	sld [smem:$0x3FD9]  }
0x89: {  	s3 =	sld [smem:$0x3FFE];
	_ =	sdelay $0x1  }
0x8a: {  	s1 =	srdreg.scid  }
0x8b: {  	s0 =	sand.u32 $0x1, s1  }
0x8c: {  	s18 =	sshll.u32 s0, $0xA;
	s2 =	sadd.s32 s3, s2  }
0x8d: {  	s2 =	sadd.s32 s2, s18  }
0x8e: {  	[smem:$0x3FC4] =	sst s2  }
0x8f: {  	_ = 	snop  }
0x90: {  	s2 =	sld [smem:$0x3FC8]  }
0x91: {  	s19 =	sld [smem:$0x3FD0];
	(tm) =	ssettm $0x1  }
0x92: {  	s4 =	sld [smem:$0x3FFB];
	_ =	sdelay $0x3  }
0x93: {  	_ =	strace s4  }
0x94: {  	s4 =	sld [smem:$0x3FFC];
	_ =	sdelay $0x3  }
0x95: {  	_ =	strace s4  }
0x96: {  	s4 =	sld [smem:$0x3FFD];
	_ =	sdelay $0x3  }
0x97: {  	_ =	strace s4  }
0x98: {  	_ =	strace $0x8FFFFFFF  }
0x99: {  	s20 =	sld [smem:$0x3FDB];
	_ =	sdelay $0x1  }
0x9a: {  	s5 =	simm.s32 $_scs_section_size  }
0x9b: {  	s6 =	simm.s32 $_size__tile_overlayer_lowered;
	s7 =	simm.s32 $_tile_overlayer_lowered  }
0x9c: {  	s23 =	simm.s32 $0x1BFF;
	s22 =	sshll.u32 s7, $0x1;
	s4 =	sadd.s32 s5, s20  }
0x9d: {  	s8 =	simm.s32 $0x0;
	s21 =	sshll.u32 s6, $0x1;
	s6 =	sadd.s32 s22, s4  }
0x9e: {  	[timem:s8], [sflag:s23] =	dma.local [hbm:s6], s21  }
0x9f: {  	_ =	swait.ge [sflag:s23], s21  }
0xa0: {  	s5 =	ssub.s32 $0x0, s21;
	[sflag:s23] =	ssyncset.done $0x0  }
0xa1: {  	[sflag:s23] =	ssyncadd.s32 s5;
	_ =	sdelay $0x1  }
0xa2: {  	s24 =	simm.s32 $0x1B8B  }
0xa3: {  	_ =	swait.ge [sflag:s24], $0x1  }
0xa4: {  	[sflag:s24] =	ssyncset.done $0x0  }
0xa5: {  	s25 =	simm.s32 $0x1B8E;
	[sflag:s24] =	ssyncadd.s32 $0xFFFFFFFF  }
0xa6: {  	s26 =	simm.s32 $execute0_lowered;
	[smem:$0x3FD2] =	sst s25  }
0xa7: {  	s5 =	sshll.u32 s26, $0x1;
	_ =	strace $0x80000046;
	[dreg:$0x1] =	wrdreg $0xFFFFFFFF  }
0xa8: {  	s28 =	simm.s32 $_size_execute0_lowered;
	s4 =	sadd.s32 s4, s5;
	[dreg:$0x0] =	wrdreg $0x0  }
0xa9: {  	s5 =	sshll.u32 s28, $0x1;
	[dreg:$0x2] =	wrdreg s4  }
0xaa: {  	[dreg:$0x3] =	wrdreg s5  }
0xab: {  	[dreg:$0x4] =	wrdreg $0xC0  }
0xac: {  	_ =	task [dreg:s8], $0x5FFFF  }
0xad: {  	[dreg:$0x1] =	wrdreg $0xFFFFFFFF  }
0xae: {  	[dreg:$0x0] =	wrdreg $0x60  }
0xaf: {  	[dreg:$0x2] =	wrdreg s2  }
0xb0: {  	[dreg:$0x3] =	wrdreg s19  }
0xb1: {  	[dreg:$0x4] =	wrdreg $0x7000  }
0xb2: {  	[dreg:$0x5] =	wrdreg $0x9  }
0xb3: {  	_ =	task.clear_ibuf [dreg:s8], $0x6FFFF;
	_ =	strace $0x90000046  }
0xb4: {  	s29 =	simm.s32 $0x9;
	_ =	strace $0x80000048  }
0xb5: {  	_ =	swait.ge [sflag:s29], $0x1  }
0xb6: {  	[sflag:s29] =	ssyncadd.s32 $0xFFFFFFFF  }
0xb7: {  	_ =	strace $0x90000048  }
0xb8: {  	_ =	sfence  }
0xb9: {  	s30 =	sld [smem:$0x0];
	_ =	sdelay $0x2  }
0xba: {  	s31 =	sshll.u32 s1, $0xD;
	s1 =	sshrl.u32 s1, $0x2  }
0xbb: {  	s3 =	sand.u32 $0x4000, s31;
	s1 =	sadd.s32 s1, s30  }
0xbc: {  	s0 =	sor.u32 s3, s0;
	s1 =	sshll.u32 s1, $0x11  }
0xbd: {  	s0 =	sor.u32 s1, s0  }
0xbe: {  	s0 =	sadd.s32 $0x8F2B, s0  }
0xbf: {  	[sflag:s0] =	ssyncadd.remote.s32 $0x1  }
0xc0: {  	_ =	sfence.sel $0xFFFF  }
0xc1: {  	[dreg:$0x0] =	wrdreg $0xFFFFFFFF;
	(pc) =	sbr.abs _section_cstart, $3  }
0xc2: {  	[dreg:$0x1] =	wrdreg $0xFFFFFFFF  }
0xc3: {  	_ =	task.clear_ibuf [dreg:s8], $0x2FFFF;
	_ =	strace $0x9FFFFFFF  }
0xc4: {  	(tm) =	ssettm $0x7FFFFFFF  }
0xc5: {  	_ =	shalt  }
tec
execute0_lowered:
.L_overlay_start_1:
0x0: {  	(tag) =	ssettag $0x1  }
0x1: {  	s12 =	rddreg [dreg:$0x0]  }
0x2: {  	s10 =	rddreg [dreg:$0x1];
	s0 =	stileid.u32  }
0x3: {  	s1 =	srdreg.scid;
	s13 =	smul.u32 $0x280, s0  }
0x4: {  	s2 =	rddreg [dreg:$0x2];
	s16 =	smul.u32 $0xFFFFB100, s0  }
0x5: {  	s3 =	simm.s32 $0x0;
	s11 =	sand.u32 $0x1, s1;
	s28 =	smul.u32 $0x4F00, s0  }
0x6: {  	s19 =	simm.s32 $0x200;
	s20 =	simm.s32 $0x300;
	s15 =	smul.u32 $0xFFFFD880, s11  }
0x7: {  	s21 =	simm.s32 $0x5;
	s4 =	sshll.u32 s0, $0x1;
	s18 =	smul.u32 $0x2800, s11  }
0x8: {  	s4 =	sor.u32 s11, s4;
	s6 =	ssub.s32 $0x2, s11;
	s11 =	smul.u32 $0x2780, s11  }
0x9: {  	s22 =	simm.s32 $0x6;
	s23 =	simm.s32 $0x7;
	s5 =	smul.u32 $0x2780, s4  }
0xa: {  	s24 =	simm.s32 $0x8;
	[smem:$0x7FF] =	sst s3;
	s8 =	smul.u32 $0x4F00, s4  }
0xb: {  	_ =	strace $0x80000047;
	s7 =	sshrl.u32 s6, $0x1;
	s25 =	smul.u32 $0x9E0, s4  }
0xc: {  	s14 =	ssub.s32 s6, s7;
	s15 =	sadd.s32 s16, s15;
	s11 =	sadd.s32 s11, s28  }
0xd: {  	s5 =	ssub.s32 $0x4E200, s5;
	s26 =	sshrl.u32 s8, $0x3;
	s6 =	sadd.s32 s12, s25  }
0xe: {  	s15 =	sadd.s32 $0x4E200, s15;
	s31 =	sshrl.u32 s11, $0x2;
	s11 =	smax.u32 s14, $0x1  }
0xf: {  	s25 =	simm.s32 $0x0;
	s5 =	sshrl.u32 s5, $0x7;
	s9 =	sadd.s32 s12, s26  }
0x10: {  	s15 =	sshrl.u32 s15, $0x7;
	s4 =	smin.u32 s5, $0x4F;
	s5 =	sadd.s32 s13, s2  }
0x11: {  	s7 =	sadd.s32 $0x20, s9;
	s8 =	sadd.s32 $0x40, s9;
	s9 =	sadd.s32 $0x60, s9  }
0x12: {  	s13 =	sadd.s32 s13, s18;
	s15 =	smin.u32 s15, $0x4F;
	s18 =	simm.s32 $0x100  }
0x13: {  	s17 =	sadd.s32 $0xFFFFFFFF, s4;
	s29 =	sadd.s32 $0xFFFFFFFD, s4;
	s13 =	sshrl.u32 s13, $0x3  }
0x14: {  	s30 =	sadd.s32 $0x3, s15;
	s15 =	sadd.s32 s12, s31;
	[dreg:$0x4] =	wrdreg s17  }
0x15: {  	[dreg:$0x5] =	wrdreg s29;
	s10 =	sadd.s32 s10, s13;
	s13 =	sand.u32 $0xFC, s30  }
0x16: {  	s12 =	sadd.s32 $0xE0, s15;
	s14 =	sadd.s32 $0x80, s15;
	s17 =	simm.s32 $0x9  }
0x17: {  	v0 =	vimm.f32 $0.0e+00;
	v1 =	vimm.f32 $1.000000000e+00;
	[dreg:$0x6] =	wrdreg s13;
	s13 =	sadd.s32 $0xA0, s15;
	s15 =	sadd.s32 $0xC0, s15  }
.LBB2_1:
0x18: {  	[tilespmem:$0x480] =	vst v0  }
0x19: {  	[tilespmem:$0x490] =	vst v0  }
0x1a: {  	[tilespmem:$0x4A0] =	vst v0  }
0x1b: {  	[tilespmem:$0x4B0] =	vst v0  }
0x1c: {  	[tilespmem:$0x4C0] =	vst v0  }
0x1d: {  	[tilespmem:$0x4D0] =	vst v0  }
0x1e: {  	[tilespmem:$0x4E0] =	vst v0  }
0x1f: {  	[tilespmem:$0x4F0] =	vst v0  }
0x20: {  	[tilespmem:$0x500] =	vst v0  }
0x21: {  	[tilespmem:$0x510] =	vst v0  }
0x22: {  	[tilespmem:$0x520] =	vst v0  }
0x23: {  	[tilespmem:$0x530] =	vst v0  }
0x24: {  	[tilespmem:$0x540] =	vst v0  }
0x25: {  	[tilespmem:$0x550] =	vst v0  }
0x26: {  	[tilespmem:$0x560] =	vst v0  }
0x27: {  	[tilespmem:$0x570] =	vst v0  }
0x28: {  	[tilespmem:$0x580] =	vst v0  }
0x29: {  	[tilespmem:$0x590] =	vst v0  }
0x2a: {  	[tilespmem:$0x5A0] =	vst v0  }
0x2b: {  	[tilespmem:$0x5B0] =	vst v0  }
0x2c: {  	[tilespmem:$0x5C0] =	vst v0  }
0x2d: {  	[tilespmem:$0x5D0] =	vst v0  }
0x2e: {  	[tilespmem:$0x5E0] =	vst v0  }
0x2f: {  	[tilespmem:$0x5F0] =	vst v0  }
0x30: {  	[tilespmem:$0x600] =	vst v0  }
0x31: {  	[tilespmem:$0x610] =	vst v0  }
0x32: {  	[tilespmem:$0x620] =	vst v0  }
0x33: {  	[tilespmem:$0x630] =	vst v0  }
0x34: {  	[tilespmem:$0x640] =	vst v0  }
0x35: {  	[tilespmem:$0x650] =	vst v0  }
0x36: {  	[tilespmem:$0x660] =	vst v0  }
0x37: {  	[tilespmem:$0x670] =	vst v0  }
0x38: {  	[tilespmem:$0x680] =	vst v0  }
0x39: {  	[tilespmem:$0x690] =	vst v0  }
0x3a: {  	[tilespmem:$0x6A0] =	vst v0  }
0x3b: {  	[tilespmem:$0x6B0] =	vst v0  }
0x3c: {  	[tilespmem:$0x6C0] =	vst v0  }
0x3d: {  	[tilespmem:$0x6D0] =	vst v0  }
0x3e: {  	[tilespmem:$0x6E0] =	vst v0  }
0x3f: {  	[tilespmem:$0x6F0] =	vst v0  }
0x40: {  	[tilespmem:$0x400] =	vst v1  }
0x41: {  	[tilespmem:$0x410] =	vst v1  }
0x42: {  	[tilespmem:$0x420] =	vst v1  }
0x43: {  	[tilespmem:$0x430] =	vst v1  }
0x44: {  	[tilespmem:$0x440] =	vst v1  }
0x45: {  	[tilespmem:$0x450] =	vst v1  }
0x46: {  	[tilespmem:$0x460] =	vst v1  }
0x47: {  	[tilespmem:$0x470] =	vst v1;
	s0 =	simm.s32 $0x480  }
0x48: {  	[spmem:s5] =	stream.linear.scatter [tilespmem:s0], [sflag:$0x9], $0x280, $0x38;
	[tilespmem:$0x980] =	vst v63  }
0x49: {  	_ =	swait.ge [sflag:s17], $0x280  }
0x4a: {  	[sflag:s17] =	ssyncset.done $0x0  }
0x4b: {  	[sflag:s17] =	ssyncadd.s32 $0xFFFFFD80  }
0x4c: {  	[bflag:$0x0] =	sbarrier.arrive $0xFFFF  }
0x4d: {  	[tilespmem:s3], [sflag:$0x1] =	stream.linear.gather [hbm4b:s6+s3], $0x100, $0x38;
	[tilespmem:$0x980] =	vst v63  }
0x4e: {  	_ = 	snop  }
0x4f: {  	[tilespmem:s18], [sflag:$0x2] =	stream.linear.gather [hbm4b:s7+s3], $0x100, $0x38;
	[tilespmem:$0x980] =	vst v63  }
0x50: {  	s26 =	smov.u32 s15;
	s28 =	smov.u32 s14  }
0x51: {  	[tilespmem:s19], [sflag:$0x3] =	stream.linear.gather [hbm4b:s8+s3], $0x100, $0x38;
	[tilespmem:$0x980] =	vst v63  }
0x52: {  	s29 =	smov.u32 s13;
	s30 =	smov.u32 s12;
	s31 =	simm.s32 $0x0  }
0x53: {  	[tilespmem:s20], [sflag:$0x4] =	stream.linear.gather [hbm4b:s9+s3], $0x100, $0x38;
	[tilespmem:$0x980] =	vst v63  }
.LBB2_2:
0x54: {  	p0 =	sge.u32 s31, s4  }
0x55: {  	s1 =	simm.s32 @!p0 $0x1  }
0x56: {  	p1 =	seq.s32 @!p0 s31, $0x0;
	_ =	swait.ge @!p0 [sflag:s1], $0x100  }
0x57: {  	p1 =	por p1, p0;
	[sflag:s1] =	ssyncset.done @!p0 $0x0  }
0x58: {  	[sflag:s1] =	ssyncadd.s32 @!p0 $0xFFFFFF00;
	s1 =	simm.s32 @!p1 $0x5  }
0x59: {  	_ =	swait.ge @!p1 [sflag:s1], $0x80  }
0x5a: {  	[sflag:s1] =	ssyncset.done @!p1 $0x0  }
0x5b: {  	s0 =	simm.s32 @!p0 $0x400;
	[sflag:s1] =	ssyncadd.s32 @!p1 $0xFFFFFF80;
	s1 =	simm.s32 @!p0 $0x80  }
0x5c: {  	[spmem:s2] =	stream.indirect.scatter.add.f32 @!p0 [tilespmem:s0], [sflag:$0x5], $0x1, s1, s1, $0xb8;
	[tilespmem:$0x980] =	vst v63  }
0x5d: {  	s0 =	sadd.s32 @!p0 $0x4, s31  }
0x5e: {  	p1 =	sge.u32 @!p0 s0, s4  }
0x5f: {  	p0 =	por p1, p0  }
0x60: {  	s16 =	rddreg [dreg:$0x4];
	s1 =	simm.s32 @!p0 $0x0  }
0x61: {  	[tilespmem:s1], [sflag:$0x1] =	stream.linear.gather @!p0 [hbm4b:s28+s1], $0x100, $0x38;
	[tilespmem:$0x980] =	vst v63  }
0x62: {  	p0 =	sge.u32 s31, s16  }
0x63: {  	s0 =	simm.s32 @!p0 $0x2  }
0x64: {  	p1 =	seq.s32 @!p0 s31, $0x0;
	_ =	swait.ge @!p0 [sflag:s0], $0x100  }
0x65: {  	p1 =	por p1, p0;
	[sflag:s0] =	ssyncset.done @!p0 $0x0  }
0x66: {  	[sflag:s0] =	ssyncadd.s32 @!p0 $0xFFFFFF00;
	s0 =	simm.s32 @!p1 $0x6  }
0x67: {  	_ =	swait.ge @!p1 [sflag:s0], $0x80  }
0x68: {  	s1 =	simm.s32 @!p0 $0x180;
	[sflag:s0] =	ssyncset.done @!p1 $0x0  }
0x69: {  	s16 =	simm.s32 @!p0 $0x400;
	[sflag:s0] =	ssyncadd.s32 @!p1 $0xFFFFFF80;
	s0 =	simm.s32 @!p0 $0x80  }
0x6a: {  	[spmem:s2] =	stream.indirect.scatter.add.f32 @!p0 [tilespmem:s16], [sflag:$0x6], $0x1, s1, s0, $0xb8;
	[tilespmem:$0x980] =	vst v63  }
0x6b: {  	s0 =	sadd.s32 @!p0 $0x5, s31  }
0x6c: {  	p1 =	sge.u32 @!p0 s0, s4  }
0x6d: {  	p0 =	por p1, p0  }
0x6e: {  	s16 =	sadd.s32 $0x2, s31;
	s0 =	simm.s32 @!p0 $0x0;
	s1 =	simm.s32 @!p0 $0x100  }
0x6f: {  	[tilespmem:s1], [sflag:$0x2] =	stream.linear.gather @!p0 [hbm4b:s29+s0], $0x100, $0x38;
	[tilespmem:$0x980] =	vst v63  }
0x70: {  	p0 =	sge.u32 s16, s4  }
0x71: {  	s0 =	simm.s32 @!p0 $0x3  }
0x72: {  	p1 =	seq.s32 @!p0 s31, $0x0;
	_ =	swait.ge @!p0 [sflag:s0], $0x100  }
0x73: {  	p1 =	por p1, p0;
	[sflag:s0] =	ssyncset.done @!p0 $0x0  }
0x74: {  	[sflag:s0] =	ssyncadd.s32 @!p0 $0xFFFFFF00;
	s0 =	simm.s32 @!p1 $0x7  }
0x75: {  	_ =	swait.ge @!p1 [sflag:s0], $0x80  }
0x76: {  	s1 =	simm.s32 @!p0 $0x280;
	[sflag:s0] =	ssyncset.done @!p1 $0x0  }
0x77: {  	s16 =	simm.s32 @!p0 $0x400;
	[sflag:s0] =	ssyncadd.s32 @!p1 $0xFFFFFF80;
	s0 =	simm.s32 @!p0 $0x80  }
0x78: {  	[spmem:s2] =	stream.indirect.scatter.add.f32 @!p0 [tilespmem:s16], [sflag:$0x7], $0x1, s1, s0, $0xb8;
	[tilespmem:$0x980] =	vst v63  }
0x79: {  	s0 =	sadd.s32 @!p0 $0x6, s31  }
0x7a: {  	p1 =	sge.u32 @!p0 s0, s4  }
0x7b: {  	p0 =	por p1, p0  }
0x7c: {  	s0 =	rddreg [dreg:$0x5];
	s1 =	simm.s32 @!p0 $0x0;
	s16 =	simm.s32 @!p0 $0x200  }
0x7d: {  	[tilespmem:s16], [sflag:$0x3] =	stream.linear.gather @!p0 [hbm4b:s26+s1], $0x100, $0x38;
	[tilespmem:$0x980] =	vst v63  }
0x7e: {  	p0 =	sge.u32 s31, s0  }
0x7f: {  	s0 =	simm.s32 @!p0 $0x4  }
0x80: {  	p1 =	seq.s32 @!p0 s31, $0x0;
	_ =	swait.ge @!p0 [sflag:s0], $0x100  }
0x81: {  	p1 =	por p1, p0;
	[sflag:s0] =	ssyncset.done @!p0 $0x0  }
0x82: {  	[sflag:s0] =	ssyncadd.s32 @!p0 $0xFFFFFF00;
	s0 =	simm.s32 @!p1 $0x8  }
0x83: {  	_ =	swait.ge @!p1 [sflag:s0], $0x80  }
0x84: {  	s1 =	simm.s32 @!p0 $0x380;
	[sflag:s0] =	ssyncset.done @!p1 $0x0  }
0x85: {  	s16 =	simm.s32 @!p0 $0x400;
	[sflag:s0] =	ssyncadd.s32 @!p1 $0xFFFFFF80;
	s0 =	simm.s32 @!p0 $0x80  }
0x86: {  	[spmem:s2] =	stream.indirect.scatter.add.f32 @!p0 [tilespmem:s16], [sflag:$0x8], $0x1, s1, s0, $0xb8;
	[tilespmem:$0x980] =	vst v63  }
0x87: {  	s0 =	sadd.s32 @!p0 $0x7, s31  }
0x88: {  	p1 =	sge.u32 @!p0 s0, s4  }
0x89: {  	s16 =	rddreg [dreg:$0x6];
	p0 =	por p1, p0  }
0x8a: {  	s31 =	sadd.s32 $0x4, s31;
	s0 =	simm.s32 @!p0 $0x0;
	s1 =	simm.s32 @!p0 $0x300  }
0x8b: {  	[tilespmem:s1], [sflag:$0x4] =	stream.linear.gather @!p0 [hbm4b:s30+s0], $0x100, $0x38;
	[tilespmem:$0x980] =	vst v63  }
0x8c: {  	p0 =	sne.s32 s16, s31  }
.Ltmp0:
0x8d: {  	_ = 	snop;
	(pc) =	sbr.rel @p0 .LBB2_2-.Ltmp0, $3  }
0x8e: {  	_ =	sdelay $0x1  }
0x8f: {  	s28 =	sadd.s32 $0x80, s28  }
0x90: {  	s29 =	sadd.s32 $0x80, s29;
	s26 =	sadd.s32 $0x80, s26;
	s30 =	sadd.s32 $0x80, s30  }
0x91: {  	_ =	swait.ge [sflag:s21], $0x80  }
0x92: {  	[sflag:s21] =	ssyncset.done $0x0  }
0x93: {  	[sflag:s21] =	ssyncadd.s32 $0xFFFFFF80  }
0x94: {  	_ =	swait.ge [sflag:s22], $0x80  }
0x95: {  	[sflag:s22] =	ssyncset.done $0x0  }
0x96: {  	[sflag:s22] =	ssyncadd.s32 $0xFFFFFF80  }
0x97: {  	_ =	swait.ge [sflag:s23], $0x80  }
0x98: {  	[sflag:s23] =	ssyncset.done $0x0  }
0x99: {  	[sflag:s23] =	ssyncadd.s32 $0xFFFFFF80  }
0x9a: {  	s0 =	stileid.u32;
	_ =	swait.ge [sflag:s24], $0x80  }
0x9b: {  	s1 =	sshrl.u32 s5, $0x3;
	s25 =	sadd.s32 $0x1, s25;
	[sflag:s24] =	ssyncset.done $0x0  }
0x9c: {  	s0 =	sshll.u32 s0, $0x6;
	p0 =	sne.s32 s25, s11;
	[sflag:s24] =	ssyncadd.s32 $0xFFFFFF80  }
.Ltmp1:
0x9d: {  	s0 =	sor.u32 $0x1C09, s0;
	[bflag:$0x0] =	sbarrier.arrive $0xFFFF;
	(pc) =	sbr.rel @p0 .LBB2_1-.Ltmp1, $4  }
0x9e: {  	[hbm:s10], [sflag:s0] =	dma.local [spmem:s1], $0x50  }
0x9f: {  	_ =	swait.ge [sflag:s17], $0x50  }
0xa0: {  	[sflag:s17] =	ssyncset.done $0x0  }
0xa1: {  	[sflag:s17] =	ssyncadd.s32 $0xFFFFFFB0  }
0xa2: {  	_ =	sfence.sel $0x180000  }
0xa3: {  	[bflag:$0x0] =	sbarrier.arrive $0xFFFF  }
0xa4: {  	_ =	strace $0x90000047  }
0xa5: {  	s0 =	stileid.u32;
	[bflag:$0x2] =	sbarrier.arrive $0xFFFF  }
0xa6: {  	p0 =	sne.s32 s0, $0x0;
	s0 =	rddreg [dreg:$0x3]  }
0xa7: {  	s0 =	sadd.s32 @!p0 $0x100000, s0  }
0xa8: {  	[sflag:s0] =	ssyncadd.tile.s32 @!p0 $0x1;
	_ =	shalt  }
.Lfunc_end2:
_tile_overlayer_lowered:
.L_overlay_start_2:
0xa9: {  	(tag) =	ssettag $0x2  }
0xaa: {  	s0 =	rddreg [dreg:$0x0];
	s2 =	stileid.u32  }
0xab: {  	s1 =	rddreg [dreg:$0x1];
	p0 =	sne.s32 s2, $0x0  }
0xac: {  	s3 =	rddreg [dreg:$0x2];
	[bflag:$0x3] =	sbarrier.arrive $0xFFFF;
	s2 =	simm.s32 @!p0 $0x1C09  }
0xad: {  	[timem:s3], [sflag:s2] =	dma.local @!p0 [hbm:s0], s1  }
0xae: {  	s0 =	simm.s32 @!p0 $0x9  }
0xaf: {  	_ =	swait.ge @!p0 [sflag:s0], s1  }
0xb0: {  	s1 =	ssub.s32 @!p0 $0x0, s1;
	[sflag:s0] =	ssyncset.done @!p0 $0x0  }
0xb1: {  	[sflag:s0] =	ssyncadd.s32 @!p0 s1  }
0xb2: {  	[bflag:$0x3] =	sbarrier.arrive $0xFFFF  }
0xb3: {  	_ =	shalt  }

</sc_bundles>
